<compile_context>
chip_gen: v7x
topology: tpu7x:2x2x1
jax: 0.10.2.dev20260603
libtpu: 0.0.44.dev20260713+nightly
codegen_flags: <defaults>
</compile_context>

<pallas_src>
import jax
import jax.numpy as jnp
from jax import lax
from jax.experimental import pallas as pl
from jax.experimental.pallas import tpu as pltpu
from jax.experimental.pallas import tpu_sc as plsc

HIDDEN = 512
TDIM = 64
REL_DIM = 16
N_NBR = 8192
LANES = 16
NC = 2
NS = 16
NW = NC * NS
PER_W = N_NBR // NW
CHUNK_SIZES = (96, 96, 64)
CHUNK_OFFS = (0, 96, 192)
CHUNK = max(CHUNK_SIZES)
NCHUNK = len(CHUNK_SIZES)
VECS = HIDDEN // LANES


def _sc_body(v_hbm, nbr_hbm, t_hbm, se_hbm, out_hbm,
             idx0, idx1, idx2, t_v, rows0, rows1, acc, se_v, v0,
             sem0, sem1, sem2):
    cid = lax.axis_index("c")
    sid = lax.axis_index("s")
    wid = sid * NC + cid
    base = wid * PER_W

    idx_refs = [idx0, idx1, idx2]
    cps = [
        pltpu.make_async_copy(
            nbr_hbm.at[pl.ds(base + CHUNK_OFFS[c], CHUNK_SIZES[c])],
            idx_refs[c], sem2)
        for c in range(NCHUNK)
    ] + [
        pltpu.make_async_copy(t_hbm.at[pl.ds(base, PER_W)], t_v, sem2),
        pltpu.make_async_copy(se_hbm, se_v, sem2),
        pltpu.make_async_copy(v_hbm.at[pl.ds(0, 1)], v0, sem2),
    ]
    for cp in cps:
        cp.start()
    for cp in cps[:-1]:
        cp.wait()

    s_vec = se_v[0, :]
    e_vec = se_v[1, :]
    zero_i = jnp.zeros((LANES,), jnp.int32)
    zero = jnp.zeros((LANES,), jnp.float32)
    n_out_vecs = [jnp.zeros((LANES,), jnp.int32)]

    def adjust(c):
        for i in range(CHUNK_SIZES[c] // LANES):
            gi = CHUNK_OFFS[c] + i * LANES
            t = t_v[pl.ds(gi, LANES)]
            m = jnp.logical_and(t >= s_vec, t < e_vec)
            nb = idx_refs[c][pl.ds(i * LANES, LANES)]
            idx_refs[c][pl.ds(i * LANES, LANES)] = jnp.where(m, nb, zero_i)
            n_out_vecs[0] = n_out_vecs[0] + plsc.all_reduce_population_count(
                jnp.logical_not(m))

    rows = [rows0, rows1]
    sems = [sem0, sem1]
    copies = [
        pltpu.make_async_copy(
            v_hbm.at[idx_refs[c]],
            rows[c % 2].at[pl.ds(0, CHUNK_SIZES[c])], sems[c % 2])
        for c in range(NCHUNK)
    ]
    adjust(0)
    copies[0].start()
    ngrp, grp, runroll = 4, VECS // 4, 4
    accs = [tuple(zero for _ in range(grp)) for _ in range(ngrp)]
    for c in range(NCHUNK):
        if c + 1 < NCHUNK:
            adjust(c + 1)
            copies[c + 1].start()
        copies[c].wait()
        buf = rows[c % 2]

        for h in range(ngrp):
            def body(ri, carry, buf=buf, h=h):
                r = ri * runroll
                for u in range(runroll):
                    carry = tuple(
                        a + buf[r + u, pl.ds((h * grp + k) * LANES, LANES)]
                        for k, a in enumerate(carry))
                return carry

            accs[h] = lax.fori_loop(0, CHUNK_SIZES[c] // runroll, body, accs[h])

    cps[-1].wait()
    n_out = n_out_vecs[0].astype(jnp.float32)
    for k in range(VECS):
        acc[0, pl.ds(k * LANES, LANES)] = (
            accs[k // grp][k % grp]
            - n_out * v0[0, pl.ds(k * LANES, LANES)])

    pltpu.sync_copy(acc, out_hbm.at[pl.ds(wid, 1)])


def _sc_gather_sum(v_, nbr, t_flat, se16):
    mesh = plsc.VectorSubcoreMesh(
        core_axis_name="c", subcore_axis_name="s", num_cores=NC,
        num_subcores=NS)
    fn = pl.kernel(
        _sc_body,
        out_type=jax.ShapeDtypeStruct((NW, HIDDEN), jnp.float32),
        mesh=mesh,
        compiler_params=pltpu.CompilerParams(needs_layout_passes=False),
        scratch_types=[
            pltpu.VMEM((CHUNK_SIZES[0],), jnp.int32),
            pltpu.VMEM((CHUNK_SIZES[1],), jnp.int32),
            pltpu.VMEM((CHUNK_SIZES[2],), jnp.int32),
            pltpu.VMEM((PER_W,), jnp.float32),
            pltpu.VMEM((CHUNK, HIDDEN), jnp.float32),
            pltpu.VMEM((CHUNK, HIDDEN), jnp.float32),
            pltpu.VMEM((1, HIDDEN), jnp.float32),
            pltpu.VMEM((2, LANES), jnp.float32),
            pltpu.VMEM((1, HIDDEN), jnp.float32),
            pltpu.SemaphoreType.DMA,
            pltpu.SemaphoreType.DMA,
            pltpu.SemaphoreType.DMA,
        ],
    )
    return fn(v_, nbr, t_flat, se16)


def _tc_body(trow_ref, t64_ref, rels_ref, wb_ref, twv_ref, ewv_ref,
             tbv_ref, ebv_ref, params_ref, out_ref):
    s = params_ref[0, 0]
    e = params_ref[0, 1]
    w0 = params_ref[0, 2]
    b0 = params_ref[0, 3]
    trow = trow_ref[...]
    mrow = jnp.logical_and(trow >= s, trow < e).astype(jnp.float32)
    cnt = jnp.sum(mrow)
    s_time = jnp.sum(trow * mrow)
    t64 = t64_ref[...]
    m64 = jnp.logical_and(t64 >= s, t64 < e).astype(jnp.float32)
    rowids = lax.broadcasted_iota(jnp.int32, (TDIM, 128), 0)
    facc = jnp.zeros((TDIM, 128), jnp.float32)
    for j in range(1, TDIM):
        pj = m64 * jnp.sin(t64 * wb_ref[0, j] + wb_ref[1, j])
        pr = jnp.sum(pj, axis=0, keepdims=True)
        facc = jnp.where(rowids == j, pr, facc)
    lanesum = jnp.sum(facc, axis=1, keepdims=True)
    col_ids = lax.broadcasted_iota(jnp.int32, (TDIM, 1), 0)
    s_feat_col = jnp.where(col_ids == 0, w0 * s_time + b0 * cnt, lanesum)
    s_rel = lax.dot_general(
        mrow, rels_ref[...], (((1,), (1,)), ((), ())),
        preferred_element_type=jnp.float32)
    proj_t = lax.dot_general(
        s_feat_col, twv_ref[...], (((0,), (0,)), ((), ())),
        preferred_element_type=jnp.float32)
    out_ref[...] = (
        proj_t
        + jnp.dot(s_rel, ewv_ref[...], preferred_element_type=jnp.float32)
        + cnt * (tbv_ref[...] + ebv_ref[...]))


def kernel(nid, k_, q_, v_, start_t, end_t, neighbors, times, rels,
           t2v_w0, t2v_b0, t2v_W, t2v_B,
           tWk, tbk, tWq, tbq, tWv, tbv,
           eWk, ebk, eWq, ebq, eWv, ebv):
    del nid, k_, q_, tWk, tbk, tWq, tbq, eWk, ebk, eWq, ebq
    s_f = jnp.asarray(start_t, jnp.float32)
    e_f = jnp.asarray(end_t, jnp.float32)
    t_flat = jnp.reshape(times, (N_NBR,)).astype(jnp.float32)
    nbr = jnp.reshape(neighbors, (N_NBR,)).astype(jnp.int32)
    se16 = jnp.broadcast_to(
        jnp.stack([s_f, e_f])[:, None], (2, LANES))

    scpart = _sc_gather_sum(v_, nbr, t_flat, se16)

    wfull = jnp.concatenate(
        [jnp.zeros((1, 1), jnp.float32), t2v_W], axis=1)
    bfull = jnp.concatenate(
        [jnp.zeros((1,), jnp.float32), t2v_B], axis=0)[None, :]
    wb = jnp.concatenate([wfull, bfull], axis=0)
    params = jnp.stack(
        [s_f, e_f, t2v_w0[0, 0], t2v_b0[0]]).reshape(1, 4)

    tc_out = pl.pallas_call(
        _tc_body,
        out_shape=jax.ShapeDtypeStruct((1, HIDDEN), jnp.float32),
    )(jnp.reshape(times, (1, N_NBR)), jnp.reshape(times, (64, 128)),
      jnp.transpose(rels), wb, tWv, eWv, tbv[None, :], ebv[None, :], params)
    return jnp.sum(jnp.concatenate([scpart, tc_out], axis=0),
                   axis=0, keepdims=True)

# --- scband reference (transcript-rebuilt; emitter-appended) ---
"""Pipeline reference for scband-neighborhood-aggr-86560770883758 (READ-ONLY COPY).

The authoritative reference and input builder live on the scoring server;
editing this copy changes nothing except your own understanding.
"""

import math
import jax, jax.numpy as jnp
import numpy as np

HIDDEN = 512
HEADS = 8
HEAD_DIM = HIDDEN // HEADS
TDIM = 64
REL_DIM = 16
N_NODES = 50000
N_NBR = 8192


def setup_inputs(seed: int = 0) -> dict:
    key = jax.random.key(seed)
    ks = jax.random.split(key, 24)
    s = 0.02
    inp = {}
    inp['nid'] = 123
    inp['k_'] = jax.random.normal(ks[0], (N_NODES, HIDDEN), jnp.float32)
    inp['q_'] = jax.random.normal(ks[1], (N_NODES, HIDDEN), jnp.float32)
    inp['v_'] = jax.random.normal(ks[2], (N_NODES, HIDDEN), jnp.float32)
    inp['start_t'] = 0
    inp['end_t'] = 1
    inp['neighbors'] = jax.random.randint(ks[3], (N_NBR,), 0, N_NODES, dtype=jnp.int32).astype(jnp.int64) if jax.config.jax_enable_x64 else jax.random.randint(ks[3], (N_NBR,), 0, N_NODES)
    inp['times'] = jax.random.uniform(ks[4], (N_NBR, 1), jnp.float32)
    inp['rels'] = jax.random.normal(ks[5], (N_NBR, REL_DIM), jnp.float32)
    # Time2Vec (TKernel) params: t2v(t) = concat([t@w0+b0, sin(t@W+B)]), output dim TDIM
    inp['t2v_w0'] = jax.random.normal(ks[6], (1, 1), jnp.float32) * s
    inp['t2v_b0'] = jax.random.normal(ks[7], (1,), jnp.float32) * s
    inp['t2v_W'] = jax.random.normal(ks[8], (1, TDIM - 1), jnp.float32) * s
    inp['t2v_B'] = jax.random.normal(ks[9], (TDIM - 1,), jnp.float32) * s
    # time_params KQV: three Linear(TDIM -> HIDDEN), stored as [in, out]
    inp['tWk'] = jax.random.normal(ks[10], (TDIM, HIDDEN), jnp.float32) * s
    inp['tbk'] = jax.random.normal(ks[11], (HIDDEN,), jnp.float32) * s
    inp['tWq'] = jax.random.normal(ks[12], (TDIM, HIDDEN), jnp.float32) * s
    inp['tbq'] = jax.random.normal(ks[13], (HIDDEN,), jnp.float32) * s
    inp['tWv'] = jax.random.normal(ks[14], (TDIM, HIDDEN), jnp.float32) * s
    inp['tbv'] = jax.random.normal(ks[15], (HIDDEN,), jnp.float32) * s
    # edge_params KQV: three Linear(REL_DIM -> HIDDEN)
    inp['eWk'] = jax.random.normal(ks[16], (REL_DIM, HIDDEN), jnp.float32) * s
    inp['ebk'] = jax.random.normal(ks[17], (HIDDEN,), jnp.float32) * s
    inp['eWq'] = jax.random.normal(ks[18], (REL_DIM, HIDDEN), jnp.float32) * s
    inp['ebq'] = jax.random.normal(ks[19], (HIDDEN,), jnp.float32) * s
    inp['eWv'] = jax.random.normal(ks[20], (REL_DIM, HIDDEN), jnp.float32) * s
    inp['ebv'] = jax.random.normal(ks[21], (HIDDEN,), jnp.float32) * s
    return inp


def reference(nid, k_, q_, v_, start_t, end_t, neighbors, times, rels,
              t2v_w0, t2v_b0, t2v_W, t2v_B,
              tWk, tbk, tWq, tbq, tWv, tbv,
              eWk, ebk, eWq, ebq, eWv, ebv):
    norm = math.sqrt(1.0 / HEAD_DIM)
    q = q_[nid][None, :]                                   # [1, HIDDEN]
    mask = jnp.logical_and(times >= start_t, times < end_t).squeeze(-1)
    nbr = neighbors
    k = k_[nbr]                                            # [N_NBR, HIDDEN]
    v = v_[nbr]
    ts = jnp.concatenate([jnp.asarray(start_t).astype(jnp.float32).reshape(1, 1), times], axis=0)
    tfeat = jnp.concatenate([ts @ t2v_w0 + t2v_b0, jnp.sin(ts @ t2v_W + t2v_B)], axis=-1)
    t_k = tfeat @ tWk + tbk
    t_q = tfeat @ tWq + tbq
    t_v = tfeat @ tWv + tbv
    r = rels
    r_k = r @ eWk + ebk
    r_q = r @ eWq + ebq  # computed (KQV returns it) but unused, as in original
    r_v = r @ eWv + ebv
    k = k + r_k
    v = v + r_v
    q = q + t_q[0]
    k = k + t_k[1:]
    v = v + t_v[1:]
    M = k.shape[0]
    qh = jnp.transpose(q.reshape(1, HEADS, HEAD_DIM), (1, 0, 2))   # [H, 1, hd]
    kh = k.reshape(M, HEADS, HEAD_DIM)
    kh = jnp.transpose(kh, (0, 2, 1))                              # transpose(-1, 1)
    kh = jnp.transpose(kh, (2, 1, 0))                              # transpose(-1, 0) -> [H, hd, M]
    vh = jnp.transpose(v.reshape(M, HEADS, HEAD_DIM), (1, 0, 2))   # [H, M, hd]
    attn = jax.nn.softmax(qh @ kh * norm, axis=1)                  # softmax over dim=1, faithful to original
    attn = attn * mask.astype(attn.dtype)[None, None, :]
    out = (attn @ vh).reshape(1, HIDDEN)
    return out

if __name__ == "__main__":
    import jax
    _d = setup_inputs()
    print(jax.jit(kernel)(*tuple(_d.values())))

</pallas_src>

<mosaic_0001>
#map = affine_map<(d0, d1) -> (0, 0)>
#map1 = affine_map<(d0, d1) -> (0)>
module attributes {stable_mosaic.version = 14 : i64} {
  func.func @_sc_body(%arg0: i32, %arg1: i32, %arg2: memref<50000x512xf32, #tpu.memory_space<hbm>>, %arg3: memref<8192xi32, #tpu.memory_space<hbm>>, %arg4: memref<8192xf32, #tpu.memory_space<hbm>>, %arg5: memref<2x16xf32, #tpu.memory_space<hbm>>, %arg6: memref<32x512xf32, #tpu.memory_space<hbm>>, %arg7: memref<96xi32, #tpu.memory_space<vmem>>, %arg8: memref<96xi32, #tpu.memory_space<vmem>>, %arg9: memref<64xi32, #tpu.memory_space<vmem>>, %arg10: memref<256xf32, #tpu.memory_space<vmem>>, %arg11: memref<96x512xf32, #tpu.memory_space<vmem>>, %arg12: memref<96x512xf32, #tpu.memory_space<vmem>>, %arg13: memref<1x512xf32, #tpu.memory_space<vmem>>, %arg14: memref<2x16xf32, #tpu.memory_space<vmem>>, %arg15: memref<1x512xf32, #tpu.memory_space<vmem>>, %arg16: memref<!tpu.dma_semaphore, #tpu.memory_space<semaphore_mem>>, %arg17: memref<!tpu.dma_semaphore, #tpu.memory_space<semaphore_mem>>, %arg18: memref<!tpu.dma_semaphore, #tpu.memory_space<semaphore_mem>>) attributes {dimension_semantics = [#tpu.dimension_semantics<core_parallel>, #tpu.dimension_semantics<subcore_parallel>], iteration_bounds = array<i64: 2, 16>, scalar_prefetch = 0 : i64, scratch_operands = 12 : i64, tpu.core_type = #tpu.core_type<sc_vector_subcore>, window_params = [{transform_indices = #map}, {transform_indices = #map1}, {transform_indices = #map1}, {transform_indices = #map}, {transform_indices = #map}]} {
    %mul3A = arith.constant 2 : i32
    %mul3A_0 = arith.muli %arg1, %mul3A : i32
    %add3A = arith.addi %mul3A_0, %arg0 : i32
    %mul3A_1 = arith.constant 256 : i32
    %mul3A_2 = arith.muli %add3A, %mul3A_1 : i32
    %add3A_3 = arith.constant 0 : i32
    %add3A_4 = arith.addi %mul3A_2, %add3A_3 : i32
    %add3A_5 = arith.constant 96 : i32
    %add3A_6 = arith.addi %mul3A_2, %add3A_5 : i32
    %add3A_7 = arith.constant 192 : i32
    %add3A_8 = arith.addi %mul3A_2, %add3A_7 : i32
    %dma_start3A = tpu.memref_slice %arg3[%add3A_4] : memref<8192xi32, #tpu.memory_space<hbm>> -> memref<96xi32, #tpu.memory_space<hbm>>
    %dma_start3A_9 = tpu.memref_slice %arg3[%add3A_4] : memref<8192xi32, #tpu.memory_space<hbm>> -> memref<96xi32, #tpu.memory_space<hbm>>
    tpu.enqueue_dma source(%dma_start3A_9 : memref<96xi32, #tpu.memory_space<hbm>>) target(%arg7 : memref<96xi32, #tpu.memory_space<vmem>>) target_semaphore(%arg18 : memref<!tpu.dma_semaphore, #tpu.memory_space<semaphore_mem>>)
    %dma_start3A_10 = tpu.memref_slice %arg3[%add3A_6] : memref<8192xi32, #tpu.memory_space<hbm>> -> memref<96xi32, #tpu.memory_space<hbm>>
    %dma_start3A_11 = tpu.memref_slice %arg3[%add3A_6] : memref<8192xi32, #tpu.memory_space<hbm>> -> memref<96xi32, #tpu.memory_space<hbm>>
    tpu.enqueue_dma source(%dma_start3A_11 : memref<96xi32, #tpu.memory_space<hbm>>) target(%arg8 : memref<96xi32, #tpu.memory_space<vmem>>) target_semaphore(%arg18 : memref<!tpu.dma_semaphore, #tpu.memory_space<semaphore_mem>>)
    %dma_start3A_12 = tpu.memref_slice %arg3[%add3A_8] : memref<8192xi32, #tpu.memory_space<hbm>> -> memref<64xi32, #tpu.memory_space<hbm>>
    %dma_start3A_13 = tpu.memref_slice %arg3[%add3A_8] : memref<8192xi32, #tpu.memory_space<hbm>> -> memref<64xi32, #tpu.memory_space<hbm>>
    tpu.enqueue_dma source(%dma_start3A_13 : memref<64xi32, #tpu.memory_space<hbm>>) target(%arg9 : memref<64xi32, #tpu.memory_space<vmem>>) target_semaphore(%arg18 : memref<!tpu.dma_semaphore, #tpu.memory_space<semaphore_mem>>)
    %dma_start3A_14 = tpu.memref_slice %arg4[%mul3A_2] : memref<8192xf32, #tpu.memory_space<hbm>> -> memref<256xf32, #tpu.memory_space<hbm>>
    %dma_start3A_15 = tpu.memref_slice %arg4[%mul3A_2] : memref<8192xf32, #tpu.memory_space<hbm>> -> memref<256xf32, #tpu.memory_space<hbm>>
    tpu.enqueue_dma source(%dma_start3A_15 : memref<256xf32, #tpu.memory_space<hbm>>) target(%arg10 : memref<256xf32, #tpu.memory_space<vmem>>) target_semaphore(%arg18 : memref<!tpu.dma_semaphore, #tpu.memory_space<semaphore_mem>>)
    tpu.enqueue_dma source(%arg5 : memref<2x16xf32, #tpu.memory_space<hbm>>) target(%arg14 : memref<2x16xf32, #tpu.memory_space<vmem>>) target_semaphore(%arg18 : memref<!tpu.dma_semaphore, #tpu.memory_space<semaphore_mem>>)
    %dma_start3A_16 = arith.constant 0 : i32
    %dma_start3A_17 = arith.constant 0 : i32
    %dma_start3A_18 = tpu.memref_slice %arg2[%dma_start3A_16, %dma_start3A_17] : memref<50000x512xf32, #tpu.memory_space<hbm>> -> memref<1x512xf32, #tpu.memory_space<hbm>>
    %dma_start3A_19 = arith.constant 0 : i32
    %dma_start3A_20 = arith.constant 0 : i32
    %dma_start3A_21 = tpu.memref_slice %arg2[%dma_start3A_19, %dma_start3A_20] : memref<50000x512xf32, #tpu.memory_space<hbm>> -> memref<1x512xf32, #tpu.memory_space<hbm>>
    tpu.enqueue_dma source(%dma_start3A_21 : memref<1x512xf32, #tpu.memory_space<hbm>>) target(%arg15 : memref<1x512xf32, #tpu.memory_space<vmem>>) target_semaphore(%arg18 : memref<!tpu.dma_semaphore, #tpu.memory_space<semaphore_mem>>)
    %dma_wait3A = tpu.memref_slice %arg3[%add3A_4] : memref<8192xi32, #tpu.memory_space<hbm>> -> memref<96xi32, #tpu.memory_space<hbm>>
    %dma_wait3A_22 = tpu.memref_slice %arg3[%add3A_4] : memref<8192xi32, #tpu.memory_space<hbm>> -> memref<96xi32, #tpu.memory_space<hbm>>
    tpu.wait_dma2 semaphore(%arg18 : memref<!tpu.dma_semaphore, #tpu.memory_space<semaphore_mem>>) src(%dma_wait3A_22 : memref<96xi32, #tpu.memory_space<hbm>>) dst(%arg7 : memref<96xi32, #tpu.memory_space<vmem>>)
    %dma_wait3A_23 = tpu.memref_slice %arg3[%add3A_6] : memref<8192xi32, #tpu.memory_space<hbm>> -> memref<96xi32, #tpu.memory_space<hbm>>
    %dma_wait3A_24 = tpu.memref_slice %arg3[%add3A_6] : memref<8192xi32, #tpu.memory_space<hbm>> -> memref<96xi32, #tpu.memory_space<hbm>>
    tpu.wait_dma2 semaphore(%arg18 : memref<!tpu.dma_semaphore, #tpu.memory_space<semaphore_mem>>) src(%dma_wait3A_24 : memref<96xi32, #tpu.memory_space<hbm>>) dst(%arg8 : memref<96xi32, #tpu.memory_space<vmem>>)
    %dma_wait3A_25 = tpu.memref_slice %arg3[%add3A_8] : memref<8192xi32, #tpu.memory_space<hbm>> -> memref<64xi32, #tpu.memory_space<hbm>>
    %dma_wait3A_26 = tpu.memref_slice %arg3[%add3A_8] : memref<8192xi32, #tpu.memory_space<hbm>> -> memref<64xi32, #tpu.memory_space<hbm>>
    tpu.wait_dma2 semaphore(%arg18 : memref<!tpu.dma_semaphore, #tpu.memory_space<semaphore_mem>>) src(%dma_wait3A_26 : memref<64xi32, #tpu.memory_space<hbm>>) dst(%arg9 : memref<64xi32, #tpu.memory_space<vmem>>)
    %dma_wait3A_27 = tpu.memref_slice %arg4[%mul3A_2] : memref<8192xf32, #tpu.memory_space<hbm>> -> memref<256xf32, #tpu.memory_space<hbm>>
    %dma_wait3A_28 = tpu.memref_slice %arg4[%mul3A_2] : memref<8192xf32, #tpu.memory_space<hbm>> -> memref<256xf32, #tpu.memory_space<hbm>>
    tpu.wait_dma2 semaphore(%arg18 : memref<!tpu.dma_semaphore, #tpu.memory_space<semaphore_mem>>) src(%dma_wait3A_28 : memref<256xf32, #tpu.memory_space<hbm>>) dst(%arg10 : memref<256xf32, #tpu.memory_space<vmem>>)
    tpu.wait_dma2 semaphore(%arg18 : memref<!tpu.dma_semaphore, #tpu.memory_space<semaphore_mem>>) src(%arg5 : memref<2x16xf32, #tpu.memory_space<hbm>>) dst(%arg14 : memref<2x16xf32, #tpu.memory_space<vmem>>)
    %get3A = arith.constant 0 : i32
    %get3A_29 = arith.index_cast %get3A : i32 to index
    %get3A_30 = arith.constant 0 : index
    %get3A_31 = tpu.vector_load %arg14[%get3A_29, %get3A_30] {strides = array<i32>} : memref<2x16xf32, #tpu.memory_space<vmem>>, vector<16xf32>,
    %get3A_32 = arith.constant 1 : i32
    %get3A_33 = arith.index_cast %get3A_32 : i32 to index
    %get3A_34 = arith.constant 0 : index
    %get3A_35 = tpu.vector_load %arg14[%get3A_33, %get3A_34] {strides = array<i32>} : memref<2x16xf32, #tpu.memory_space<vmem>>, vector<16xf32>,
    %broadcast_in_dim3A = arith.constant 0 : i32
    %broadcast_in_dim3A_36 = vector.broadcast %broadcast_in_dim3A : i32 to vector<16xi32>
    %broadcast_in_dim3A_37 = arith.constant 0.000000e+00 : f32
    %broadcast_in_dim3A_38 = vector.broadcast %broadcast_in_dim3A_37 : f32 to vector<16xf32>
    %broadcast_in_dim3A_39 = arith.constant 0 : i32
    %broadcast_in_dim3A_40 = vector.broadcast %broadcast_in_dim3A_39 : i32 to vector<16xi32>
    %get3A_41 = arith.constant 0 : index
    %get3A_42 = tpu.vector_load %arg10[%get3A_41] {strides = array<i32>} : memref<256xf32, #tpu.memory_space<vmem>>, vector<16xf32>,
    %ge3A = arith.cmpf oge, %get3A_42, %get3A_31 : vector<16xf32>
    %lt3A = arith.cmpf olt, %get3A_42, %get3A_35 : vector<16xf32>
    %and3A = arith.andi %ge3A, %lt3A : vector<16xi1>
    %get3A_43 = arith.constant 0 : index
    %get3A_44 = tpu.vector_load %arg7[%get3A_43] {strides = array<i32>} : memref<96xi32, #tpu.memory_space<vmem>>, vector<16xi32>,
    %select_n3A = arith.select %and3A, %get3A_44, %broadcast_in_dim3A_36 : vector<16xi1>, vector<16xi32>
    %swap3A = arith.constant 0 : index
    %swap3A_45 = tpu.vector_load %arg7[%swap3A] {strides = array<i32>} : memref<96xi32, #tpu.memory_space<vmem>>, vector<16xi32>,
    tpu.vector_store %arg7[%swap3A], %select_n3A {strides = array<i32>} : memref<96xi32, #tpu.memory_space<vmem>>, vector<16xi32>,
    %not3A = arith.constant dense<true> : vector<16xi1>
    %not3A_46 = arith.xori %and3A, %not3A : vector<16xi1>
    %all_reduce_population_count3A = tpu.all_reduce %not3A_46 {dim = 0 : i64, kind = #tpu.reduction_kind<sum>} : vector<16xi1> -> vector<16xi32>
    %add3A_47 = arith.addi %broadcast_in_dim3A_40, %all_reduce_population_count3A : vector<16xi32>
    %get3A_48 = arith.constant 16 : index
    %get3A_49 = tpu.vector_load %arg10[%get3A_48] {strides = array<i32>} : memref<256xf32, #tpu.memory_space<vmem>>, vector<16xf32>,
    %ge3A_50 = arith.cmpf oge, %get3A_49, %get3A_31 : vector<16xf32>
    %lt3A_51 = arith.cmpf olt, %get3A_49, %get3A_35 : vector<16xf32>
    %and3A_52 = arith.andi %ge3A_50, %lt3A_51 : vector<16xi1>
    %get3A_53 = arith.constant 16 : index
    %get3A_54 = tpu.vector_load %arg7[%get3A_53] {strides = array<i32>} : memref<96xi32, #tpu.memory_space<vmem>>, vector<16xi32>,
    %select_n3A_55 = arith.select %and3A_52, %get3A_54, %broadcast_in_dim3A_36 : vector<16xi1>, vector<16xi32>
    %swap3A_56 = arith.constant 16 : index
    %swap3A_57 = tpu.vector_load %arg7[%swap3A_56] {strides = array<i32>} : memref<96xi32, #tpu.memory_space<vmem>>, vector<16xi32>,
    tpu.vector_store %arg7[%swap3A_56], %select_n3A_55 {strides = array<i32>} : memref<96xi32, #tpu.memory_space<vmem>>, vector<16xi32>,
    %not3A_58 = arith.constant dense<true> : vector<16xi1>
    %not3A_59 = arith.xori %and3A_52, %not3A_58 : vector<16xi1>
    %all_reduce_population_count3A_60 = tpu.all_reduce %not3A_59 {dim = 0 : i64, kind = #tpu.reduction_kind<sum>} : vector<16xi1> -> vector<16xi32>
    %add3A_61 = arith.addi %add3A_47, %all_reduce_population_count3A_60 : vector<16xi32>
    %get3A_62 = arith.constant 32 : index
    %get3A_63 = tpu.vector_load %arg10[%get3A_62] {strides = array<i32>} : memref<256xf32, #tpu.memory_space<vmem>>, vector<16xf32>,
    %ge3A_64 = arith.cmpf oge, %get3A_63, %get3A_31 : vector<16xf32>
    %lt3A_65 = arith.cmpf olt, %get3A_63, %get3A_35 : vector<16xf32>
    %and3A_66 = arith.andi %ge3A_64, %lt3A_65 : vector<16xi1>
    %get3A_67 = arith.constant 32 : index
    %get3A_68 = tpu.vector_load %arg7[%get3A_67] {strides = array<i32>} : memref<96xi32, #tpu.memory_space<vmem>>, vector<16xi32>,
    %select_n3A_69 = arith.select %and3A_66, %get3A_68, %broadcast_in_dim3A_36 : vector<16xi1>, vector<16xi32>
    %swap3A_70 = arith.constant 32 : index
    %swap3A_71 = tpu.vector_load %arg7[%swap3A_70] {strides = array<i32>} : memref<96xi32, #tpu.memory_space<vmem>>, vector<16xi32>,
    tpu.vector_store %arg7[%swap3A_70], %select_n3A_69 {strides = array<i32>} : memref<96xi32, #tpu.memory_space<vmem>>, vector<16xi32>,
    %not3A_72 = arith.constant dense<true> : vector<16xi1>
    %not3A_73 = arith.xori %and3A_66, %not3A_72 : vector<16xi1>
    %all_reduce_population_count3A_74 = tpu.all_reduce %not3A_73 {dim = 0 : i64, kind = #tpu.reduction_kind<sum>} : vector<16xi1> -> vector<16xi32>
    %add3A_75 = arith.addi %add3A_61, %all_reduce_population_count3A_74 : vector<16xi32>
    %get3A_76 = arith.constant 48 : index
    %get3A_77 = tpu.vector_load %arg10[%get3A_76] {strides = array<i32>} : memref<256xf32, #tpu.memory_space<vmem>>, vector<16xf32>,
    %ge3A_78 = arith.cmpf oge, %get3A_77, %get3A_31 : vector<16xf32>
    %lt3A_79 = arith.cmpf olt, %get3A_77, %get3A_35 : vector<16xf32>
    %and3A_80 = arith.andi %ge3A_78, %lt3A_79 : vector<16xi1>
    %get3A_81 = arith.constant 48 : index
    %get3A_82 = tpu.vector_load %arg7[%get3A_81] {strides = array<i32>} : memref<96xi32, #tpu.memory_space<vmem>>, vector<16xi32>,
    %select_n3A_83 = arith.select %and3A_80, %get3A_82, %broadcast_in_dim3A_36 : vector<16xi1>, vector<16xi32>
    %swap3A_84 = arith.constant 48 : index
    %swap3A_85 = tpu.vector_load %arg7[%swap3A_84] {strides = array<i32>} : memref<96xi32, #tpu.memory_space<vmem>>, vector<16xi32>,
    tpu.vector_store %arg7[%swap3A_84], %select_n3A_83 {strides = array<i32>} : memref<96xi32, #tpu.memory_space<vmem>>, vector<16xi32>,
    %not3A_86 = arith.constant dense<true> : vector<16xi1>
    %not3A_87 = arith.xori %and3A_80, %not3A_86 : vector<16xi1>
    %all_reduce_population_count3A_88 = tpu.all_reduce %not3A_87 {dim = 0 : i64, kind = #tpu.reduction_kind<sum>} : vector<16xi1> -> vector<16xi32>
    %add3A_89 = arith.addi %add3A_75, %all_reduce_population_count3A_88 : vector<16xi32>
    %get3A_90 = arith.constant 64 : index
    %get3A_91 = tpu.vector_load %arg10[%get3A_90] {strides = array<i32>} : memref<256xf32, #tpu.memory_space<vmem>>, vector<16xf32>,
    %ge3A_92 = arith.cmpf oge, %get3A_91, %get3A_31 : vector<16xf32>
    %lt3A_93 = arith.cmpf olt, %get3A_91, %get3A_35 : vector<16xf32>
    %and3A_94 = arith.andi %ge3A_92, %lt3A_93 : vector<16xi1>
    %get3A_95 = arith.constant 64 : index
    %get3A_96 = tpu.vector_load %arg7[%get3A_95] {strides = array<i32>} : memref<96xi32, #tpu.memory_space<vmem>>, vector<16xi32>,
    %select_n3A_97 = arith.select %and3A_94, %get3A_96, %broadcast_in_dim3A_36 : vector<16xi1>, vector<16xi32>
    %swap3A_98 = arith.constant 64 : index
    %swap3A_99 = tpu.vector_load %arg7[%swap3A_98] {strides = array<i32>} : memref<96xi32, #tpu.memory_space<vmem>>, vector<16xi32>,
    tpu.vector_store %arg7[%swap3A_98], %select_n3A_97 {strides = array<i32>} : memref<96xi32, #tpu.memory_space<vmem>>, vector<16xi32>,
    %not3A_100 = arith.constant dense<true> : vector<16xi1>
    %not3A_101 = arith.xori %and3A_94, %not3A_100 : vector<16xi1>
    %all_reduce_population_count3A_102 = tpu.all_reduce %not3A_101 {dim = 0 : i64, kind = #tpu.reduction_kind<sum>} : vector<16xi1> -> vector<16xi32>
    %add3A_103 = arith.addi %add3A_89, %all_reduce_population_count3A_102 : vector<16xi32>
    %get3A_104 = arith.constant 80 : index
    %get3A_105 = tpu.vector_load %arg10[%get3A_104] {strides = array<i32>} : memref<256xf32, #tpu.memory_space<vmem>>, vector<16xf32>,
    %ge3A_106 = arith.cmpf oge, %get3A_105, %get3A_31 : vector<16xf32>
    %lt3A_107 = arith.cmpf olt, %get3A_105, %get3A_35 : vector<16xf32>
    %and3A_108 = arith.andi %ge3A_106, %lt3A_107 : vector<16xi1>
    %get3A_109 = arith.constant 80 : index
    %get3A_110 = tpu.vector_load %arg7[%get3A_109] {strides = array<i32>} : memref<96xi32, #tpu.memory_space<vmem>>, vector<16xi32>,
    %select_n3A_111 = arith.select %and3A_108, %get3A_110, %broadcast_in_dim3A_36 : vector<16xi1>, vector<16xi32>
    %swap3A_112 = arith.constant 80 : index
    %swap3A_113 = tpu.vector_load %arg7[%swap3A_112] {strides = array<i32>} : memref<96xi32, #tpu.memory_space<vmem>>, vector<16xi32>,
    tpu.vector_store %arg7[%swap3A_112], %select_n3A_111 {strides = array<i32>} : memref<96xi32, #tpu.memory_space<vmem>>, vector<16xi32>,
    %not3A_114 = arith.constant dense<true> : vector<16xi1>
    %not3A_115 = arith.xori %and3A_108, %not3A_114 : vector<16xi1>
    %all_reduce_population_count3A_116 = tpu.all_reduce %not3A_115 {dim = 0 : i64, kind = #tpu.reduction_kind<sum>} : vector<16xi1> -> vector<16xi32>
    %add3A_117 = arith.addi %add3A_103, %all_reduce_population_count3A_116 : vector<16xi32>
    %dma_start3A_118 = arith.constant 0 : i32
    %dma_start3A_119 = arith.constant 0 : i32
    %dma_start3A_120 = tpu.memref_slice %arg11[%dma_start3A_118, %dma_start3A_119] : memref<96x512xf32, #tpu.memory_space<vmem>> -> memref<96x512xf32, #tpu.memory_space<vmem>>
    %dma_start3A_121 = arith.constant 0 : i32
    %dma_start3A_122 = arith.constant 0 : i32
    %dma_start3A_123 = tpu.memref_slice %arg2[%dma_start3A_121, %dma_start3A_122] : memref<50000x512xf32, #tpu.memory_space<hbm>> -> memref<50000x512xf32, #tpu.memory_space<hbm>>
    tpu.enqueue_indirect_dma source(%dma_start3A_123 : memref<50000x512xf32, #tpu.memory_space<hbm>>) target(%dma_start3A_120 : memref<96x512xf32, #tpu.memory_space<vmem>>) offsets(%arg7 : memref<96xi32, #tpu.memory_space<vmem>>) semaphore(%arg16 : memref<!tpu.dma_semaphore, #tpu.memory_space<semaphore_mem>>)
    %get3A_124 = arith.constant 96 : index
    %get3A_125 = tpu.vector_load %arg10[%get3A_124] {strides = array<i32>} : memref<256xf32, #tpu.memory_space<vmem>>, vector<16xf32>,
    %ge3A_126 = arith.cmpf oge, %get3A_125, %get3A_31 : vector<16xf32>
    %lt3A_127 = arith.cmpf olt, %get3A_125, %get3A_35 : vector<16xf32>
    %and3A_128 = arith.andi %ge3A_126, %lt3A_127 : vector<16xi1>
    %get3A_129 = arith.constant 0 : index
    %get3A_130 = tpu.vector_load %arg8[%get3A_129] {strides = array<i32>} : memref<96xi32, #tpu.memory_space<vmem>>, vector<16xi32>,
    %select_n3A_131 = arith.select %and3A_128, %get3A_130, %broadcast_in_dim3A_36 : vector<16xi1>, vector<16xi32>
    %swap3A_132 = arith.constant 0 : index
    %swap3A_133 = tpu.vector_load %arg8[%swap3A_132] {strides = array<i32>} : memref<96xi32, #tpu.memory_space<vmem>>, vector<16xi32>,
    tpu.vector_store %arg8[%swap3A_132], %select_n3A_131 {strides = array<i32>} : memref<96xi32, #tpu.memory_space<vmem>>, vector<16xi32>,
    %not3A_134 = arith.constant dense<true> : vector<16xi1>
    %not3A_135 = arith.xori %and3A_128, %not3A_134 : vector<16xi1>
    %all_reduce_population_count3A_136 = tpu.all_reduce %not3A_135 {dim = 0 : i64, kind = #tpu.reduction_kind<sum>} : vector<16xi1> -> vector<16xi32>
    %add3A_137 = arith.addi %add3A_117, %all_reduce_population_count3A_136 : vector<16xi32>
    %get3A_138 = arith.constant 112 : index
    %get3A_139 = tpu.vector_load %arg10[%get3A_138] {strides = array<i32>} : memref<256xf32, #tpu.memory_space<vmem>>, vector<16xf32>,
    %ge3A_140 = arith.cmpf oge, %get3A_139, %get3A_31 : vector<16xf32>
    %lt3A_141 = arith.cmpf olt, %get3A_139, %get3A_35 : vector<16xf32>
    %and3A_142 = arith.andi %ge3A_140, %lt3A_141 : vector<16xi1>
    %get3A_143 = arith.constant 16 : index
    %get3A_144 = tpu.vector_load %arg8[%get3A_143] {strides = array<i32>} : memref<96xi32, #tpu.memory_space<vmem>>, vector<16xi32>,
    %select_n3A_145 = arith.select %and3A_142, %get3A_144, %broadcast_in_dim3A_36 : vector<16xi1>, vector<16xi32>
    %swap3A_146 = arith.constant 16 : index
    %swap3A_147 = tpu.vector_load %arg8[%swap3A_146] {strides = array<i32>} : memref<96xi32, #tpu.memory_space<vmem>>, vector<16xi32>,
    tpu.vector_store %arg8[%swap3A_146], %select_n3A_145 {strides = array<i32>} : memref<96xi32, #tpu.memory_space<vmem>>, vector<16xi32>,
    %not3A_148 = arith.constant dense<true> : vector<16xi1>
    %not3A_149 = arith.xori %and3A_142, %not3A_148 : vector<16xi1>
    %all_reduce_population_count3A_150 = tpu.all_reduce %not3A_149 {dim = 0 : i64, kind = #tpu.reduction_kind<sum>} : vector<16xi1> -> vector<16xi32>
    %add3A_151 = arith.addi %add3A_137, %all_reduce_population_count3A_150 : vector<16xi32>
    %get3A_152 = arith.constant 128 : index
    %get3A_153 = tpu.vector_load %arg10[%get3A_152] {strides = array<i32>} : memref<256xf32, #tpu.memory_space<vmem>>, vector<16xf32>,
    %ge3A_154 = arith.cmpf oge, %get3A_153, %get3A_31 : vector<16xf32>
    %lt3A_155 = arith.cmpf olt, %get3A_153, %get3A_35 : vector<16xf32>
    %and3A_156 = arith.andi %ge3A_154, %lt3A_155 : vector<16xi1>
    %get3A_157 = arith.constant 32 : index
    %get3A_158 = tpu.vector_load %arg8[%get3A_157] {strides = array<i32>} : memref<96xi32, #tpu.memory_space<vmem>>, vector<16xi32>,
    %select_n3A_159 = arith.select %and3A_156, %get3A_158, %broadcast_in_dim3A_36 : vector<16xi1>, vector<16xi32>
    %swap3A_160 = arith.constant 32 : index
    %swap3A_161 = tpu.vector_load %arg8[%swap3A_160] {strides = array<i32>} : memref<96xi32, #tpu.memory_space<vmem>>, vector<16xi32>,
    tpu.vector_store %arg8[%swap3A_160], %select_n3A_159 {strides = array<i32>} : memref<96xi32, #tpu.memory_space<vmem>>, vector<16xi32>,
    %not3A_162 = arith.constant dense<true> : vector<16xi1>
    %not3A_163 = arith.xori %and3A_156, %not3A_162 : vector<16xi1>
    %all_reduce_population_count3A_164 = tpu.all_reduce %not3A_163 {dim = 0 : i64, kind = #tpu.reduction_kind<sum>} : vector<16xi1> -> vector<16xi32>
    %add3A_165 = arith.addi %add3A_151, %all_reduce_population_count3A_164 : vector<16xi32>
    %get3A_166 = arith.constant 144 : index
    %get3A_167 = tpu.vector_load %arg10[%get3A_166] {strides = array<i32>} : memref<256xf32, #tpu.memory_space<vmem>>, vector<16xf32>,
    %ge3A_168 = arith.cmpf oge, %get3A_167, %get3A_31 : vector<16xf32>
    %lt3A_169 = arith.cmpf olt, %get3A_167, %get3A_35 : vector<16xf32>
    %and3A_170 = arith.andi %ge3A_168, %lt3A_169 : vector<16xi1>
    %get3A_171 = arith.constant 48 : index
    %get3A_172 = tpu.vector_load %arg8[%get3A_171] {strides = array<i32>} : memref<96xi32, #tpu.memory_space<vmem>>, vector<16xi32>,
    %select_n3A_173 = arith.select %and3A_170, %get3A_172, %broadcast_in_dim3A_36 : vector<16xi1>, vector<16xi32>
    %swap3A_174 = arith.constant 48 : index
    %swap3A_175 = tpu.vector_load %arg8[%swap3A_174] {strides = array<i32>} : memref<96xi32, #tpu.memory_space<vmem>>, vector<16xi32>,
    tpu.vector_store %arg8[%swap3A_174], %select_n3A_173 {strides = array<i32>} : memref<96xi32, #tpu.memory_space<vmem>>, vector<16xi32>,
    %not3A_176 = arith.constant dense<true> : vector<16xi1>
    %not3A_177 = arith.xori %and3A_170, %not3A_176 : vector<16xi1>
    %all_reduce_population_count3A_178 = tpu.all_reduce %not3A_177 {dim = 0 : i64, kind = #tpu.reduction_kind<sum>} : vector<16xi1> -> vector<16xi32>
    %add3A_179 = arith.addi %add3A_165, %all_reduce_population_count3A_178 : vector<16xi32>
    %get3A_180 = arith.constant 160 : index
    %get3A_181 = tpu.vector_load %arg10[%get3A_180] {strides = array<i32>} : memref<256xf32, #tpu.memory_space<vmem>>, vector<16xf32>,
    %ge3A_182 = arith.cmpf oge, %get3A_181, %get3A_31 : vector<16xf32>
    %lt3A_183 = arith.cmpf olt, %get3A_181, %get3A_35 : vector<16xf32>
    %and3A_184 = arith.andi %ge3A_182, %lt3A_183 : vector<16xi1>
    %get3A_185 = arith.constant 64 : index
    %get3A_186 = tpu.vector_load %arg8[%get3A_185] {strides = array<i32>} : memref<96xi32, #tpu.memory_space<vmem>>, vector<16xi32>,
    %select_n3A_187 = arith.select %and3A_184, %get3A_186, %broadcast_in_dim3A_36 : vector<16xi1>, vector<16xi32>
    %swap3A_188 = arith.constant 64 : index
    %swap3A_189 = tpu.vector_load %arg8[%swap3A_188] {strides = array<i32>} : memref<96xi32, #tpu.memory_space<vmem>>, vector<16xi32>,
    tpu.vector_store %arg8[%swap3A_188], %select_n3A_187 {strides = array<i32>} : memref<96xi32, #tpu.memory_space<vmem>>, vector<16xi32>,
    %not3A_190 = arith.constant dense<true> : vector<16xi1>
    %not3A_191 = arith.xori %and3A_184, %not3A_190 : vector<16xi1>
    %all_reduce_population_count3A_192 = tpu.all_reduce %not3A_191 {dim = 0 : i64, kind = #tpu.reduction_kind<sum>} : vector<16xi1> -> vector<16xi32>
    %add3A_193 = arith.addi %add3A_179, %all_reduce_population_count3A_192 : vector<16xi32>
    %get3A_194 = arith.constant 176 : index
    %get3A_195 = tpu.vector_load %arg10[%get3A_194] {strides = array<i32>} : memref<256xf32, #tpu.memory_space<vmem>>, vector<16xf32>,
    %ge3A_196 = arith.cmpf oge, %get3A_195, %get3A_31 : vector<16xf32>
    %lt3A_197 = arith.cmpf olt, %get3A_195, %get3A_35 : vector<16xf32>
    %and3A_198 = arith.andi %ge3A_196, %lt3A_197 : vector<16xi1>
    %get3A_199 = arith.constant 80 : index
    %get3A_200 = tpu.vector_load %arg8[%get3A_199] {strides = array<i32>} : memref<96xi32, #tpu.memory_space<vmem>>, vector<16xi32>,
    %select_n3A_201 = arith.select %and3A_198, %get3A_200, %broadcast_in_dim3A_36 : vector<16xi1>, vector<16xi32>
    %swap3A_202 = arith.constant 80 : index
    %swap3A_203 = tpu.vector_load %arg8[%swap3A_202] {strides = array<i32>} : memref<96xi32, #tpu.memory_space<vmem>>, vector<16xi32>,
    tpu.vector_store %arg8[%swap3A_202], %select_n3A_201 {strides = array<i32>} : memref<96xi32, #tpu.memory_space<vmem>>, vector<16xi32>,
    %not3A_204 = arith.constant dense<true> : vector<16xi1>
    %not3A_205 = arith.xori %and3A_198, %not3A_204 : vector<16xi1>
    %all_reduce_population_count3A_206 = tpu.all_reduce %not3A_205 {dim = 0 : i64, kind = #tpu.reduction_kind<sum>} : vector<16xi1> -> vector<16xi32>
    %add3A_207 = arith.addi %add3A_193, %all_reduce_population_count3A_206 : vector<16xi32>
    %dma_start3A_208 = arith.constant 0 : i32
    %dma_start3A_209 = arith.constant 0 : i32
    %dma_start3A_210 = tpu.memref_slice %arg12[%dma_start3A_208, %dma_start3A_209] : memref<96x512xf32, #tpu.memory_space<vmem>> -> memref<96x512xf32, #tpu.memory_space<vmem>>
    %dma_start3A_211 = arith.constant 0 : i32
    %dma_start3A_212 = arith.constant 0 : i32
    %dma_start3A_213 = tpu.memref_slice %arg2[%dma_start3A_211, %dma_start3A_212] : memref<50000x512xf32, #tpu.memory_space<hbm>> -> memref<50000x512xf32, #tpu.memory_space<hbm>>
    tpu.enqueue_indirect_dma source(%dma_start3A_213 : memref<50000x512xf32, #tpu.memory_space<hbm>>) target(%dma_start3A_210 : memref<96x512xf32, #tpu.memory_space<vmem>>) offsets(%arg8 : memref<96xi32, #tpu.memory_space<vmem>>) semaphore(%arg17 : memref<!tpu.dma_semaphore, #tpu.memory_space<semaphore_mem>>)
    %dma_wait3A_214 = arith.constant 0 : i32
    %dma_wait3A_215 = arith.constant 0 : i32
    %dma_wait3A_216 = tpu.memref_slice %arg11[%dma_wait3A_214, %dma_wait3A_215] : memref<96x512xf32, #tpu.memory_space<vmem>> -> memref<96x512xf32, #tpu.memory_space<vmem>>
    %dma_wait3A_217 = arith.constant 0 : i32
    %dma_wait3A_218 = arith.constant 0 : i32
    %dma_wait3A_219 = tpu.memref_slice %arg2[%dma_wait3A_217, %dma_wait3A_218] : memref<50000x512xf32, #tpu.memory_space<hbm>> -> memref<50000x512xf32, #tpu.memory_space<hbm>>
    tpu.wait_indirect_dma semaphore(%arg16 : memref<!tpu.dma_semaphore, #tpu.memory_space<semaphore_mem>>) src(%dma_wait3A_219 : memref<50000x512xf32, #tpu.memory_space<hbm>>) dst(%dma_wait3A_216 : memref<96x512xf32, #tpu.memory_space<vmem>>)
    %scan3A = arith.constant 0 : i32
    %scan3A_220 = arith.constant 24 : i32
    %scan3A_221 = arith.addi %scan3A, %scan3A_220 : i32
    %scan3A_222 = arith.constant 1 : i32
    %scan3A_223:8 = scf.for %scan3A_690 = %scan3A to %scan3A_221 step %scan3A_222 iter_args(%scan3A_691 = %broadcast_in_dim3A_38, %scan3A_692 = %broadcast_in_dim3A_38, %scan3A_693 = %broadcast_in_dim3A_38, %scan3A_694 = %broadcast_in_dim3A_38, %scan3A_695 = %broadcast_in_dim3A_38, %scan3A_696 = %broadcast_in_dim3A_38, %scan3A_697 = %broadcast_in_dim3A_38, %scan3A_698 = %broadcast_in_dim3A_38) -> (vector<16xf32>, vector<16xf32>, vector<16xf32>, vector<16xf32>, vector<16xf32>, vector<16xf32>, vector<16xf32>, vector<16xf32>)  : i32 {
      %mul3A_699 = arith.constant 4 : i32
      %mul3A_700 = arith.muli %scan3A_690, %mul3A_699 : i32
      %add3A_701 = arith.constant 0 : i32
      %add3A_702 = arith.addi %mul3A_700, %add3A_701 : i32
      %get3A_703 = arith.index_cast %add3A_702 : i32 to index
      %get3A_704 = arith.constant 0 : index
      %get3A_705 = tpu.vector_load %arg11[%get3A_703, %get3A_704] {strides = array<i32>} : memref<96x512xf32, #tpu.memory_space<vmem>>, vector<16xf32>,
      %add3A_706 = arith.addf %scan3A_691, %get3A_705 : vector<16xf32>
      %add3A_707 = arith.constant 0 : i32
      %add3A_708 = arith.addi %mul3A_700, %add3A_707 : i32
      %get3A_709 = arith.index_cast %add3A_708 : i32 to index
      %get3A_710 = arith.constant 16 : index
      %get3A_711 = tpu.vector_load %arg11[%get3A_709, %get3A_710] {strides = array<i32>} : memref<96x512xf32, #tpu.memory_space<vmem>>, vector<16xf32>,
      %add3A_712 = arith.addf %scan3A_692, %get3A_711 : vector<16xf32>
      %add3A_713 = arith.constant 0 : i32
      %add3A_714 = arith.addi %mul3A_700, %add3A_713 : i32
      %get3A_715 = arith.index_cast %add3A_714 : i32 to index
      %get3A_716 = arith.constant 32 : index
      %get3A_717 = tpu.vector_load %arg11[%get3A_715, %get3A_716] {strides = array<i32>} : memref<96x512xf32, #tpu.memory_space<vmem>>, vector<16xf32>,
      %add3A_718 = arith.addf %scan3A_693, %get3A_717 : vector<16xf32>
      %add3A_719 = arith.constant 0 : i32
      %add3A_720 = arith.addi %mul3A_700, %add3A_719 : i32
      %get3A_721 = arith.index_cast %add3A_720 : i32 to index
      %get3A_722 = arith.constant 48 : index
      %get3A_723 = tpu.vector_load %arg11[%get3A_721, %get3A_722] {strides = array<i32>} : memref<96x512xf32, #tpu.memory_space<vmem>>, vector<16xf32>,
      %add3A_724 = arith.addf %scan3A_694, %get3A_723 : vector<16xf32>
      %add3A_725 = arith.constant 0 : i32
      %add3A_726 = arith.addi %mul3A_700, %add3A_725 : i32
      %get3A_727 = arith.index_cast %add3A_726 : i32 to index
      %get3A_728 = arith.constant 64 : index
      %get3A_729 = tpu.vector_load %arg11[%get3A_727, %get3A_728] {strides = array<i32>} : memref<96x512xf32, #tpu.memory_space<vmem>>, vector<16xf32>,
      %add3A_730 = arith.addf %scan3A_695, %get3A_729 : vector<16xf32>
      %add3A_731 = arith.constant 0 : i32
      %add3A_732 = arith.addi %mul3A_700, %add3A_731 : i32
      %get3A_733 = arith.index_cast %add3A_732 : i32 to index
      %get3A_734 = arith.constant 80 : index
      %get3A_735 = tpu.vector_load %arg11[%get3A_733, %get3A_734] {strides = array<i32>} : memref<96x512xf32, #tpu.memory_space<vmem>>, vector<16xf32>,
      %add3A_736 = arith.addf %scan3A_696, %get3A_735 : vector<16xf32>
      %add3A_737 = arith.constant 0 : i32
      %add3A_738 = arith.addi %mul3A_700, %add3A_737 : i32
      %get3A_739 = arith.index_cast %add3A_738 : i32 to index
      %get3A_740 = arith.constant 96 : index
      %get3A_741 = tpu.vector_load %arg11[%get3A_739, %get3A_740] {strides = array<i32>} : memref<96x512xf32, #tpu.memory_space<vmem>>, vector<16xf32>,
      %add3A_742 = arith.addf %scan3A_697, %get3A_741 : vector<16xf32>
      %add3A_743 = arith.constant 0 : i32
      %add3A_744 = arith.addi %mul3A_700, %add3A_743 : i32
      %get3A_745 = arith.index_cast %add3A_744 : i32 to index
      %get3A_746 = arith.constant 112 : index
      %get3A_747 = tpu.vector_load %arg11[%get3A_745, %get3A_746] {strides = array<i32>} : memref<96x512xf32, #tpu.memory_space<vmem>>, vector<16xf32>,
      %add3A_748 = arith.addf %scan3A_698, %get3A_747 : vector<16xf32>
      %add3A_749 = arith.constant 1 : i32
      %add3A_750 = arith.addi %mul3A_700, %add3A_749 : i32
      %get3A_751 = arith.index_cast %add3A_750 : i32 to index
      %get3A_752 = arith.constant 0 : index
      %get3A_753 = tpu.vector_load %arg11[%get3A_751, %get3A_752] {strides = array<i32>} : memref<96x512xf32, #tpu.memory_space<vmem>>, vector<16xf32>,
      %add3A_754 = arith.addf %add3A_706, %get3A_753 : vector<16xf32>
      %add3A_755 = arith.constant 1 : i32
      %add3A_756 = arith.addi %mul3A_700, %add3A_755 : i32
      %get3A_757 = arith.index_cast %add3A_756 : i32 to index
      %get3A_758 = arith.constant 16 : index
      %get3A_759 = tpu.vector_load %arg11[%get3A_757, %get3A_758] {strides = array<i32>} : memref<96x512xf32, #tpu.memory_space<vmem>>, vector<16xf32>,
      %add3A_760 = arith.addf %add3A_712, %get3A_759 : vector<16xf32>
      %add3A_761 = arith.constant 1 : i32
      %add3A_762 = arith.addi %mul3A_700, %add3A_761 : i32
      %get3A_763 = arith.index_cast %add3A_762 : i32 to index
      %get3A_764 = arith.constant 32 : index
      %get3A_765 = tpu.vector_load %arg11[%get3A_763, %get3A_764] {strides = array<i32>} : memref<96x512xf32, #tpu.memory_space<vmem>>, vector<16xf32>,
      %add3A_766 = arith.addf %add3A_718, %get3A_765 : vector<16xf32>
      %add3A_767 = arith.constant 1 : i32
      %add3A_768 = arith.addi %mul3A_700, %add3A_767 : i32
      %get3A_769 = arith.index_cast %add3A_768 : i32 to index
      %get3A_770 = arith.constant 48 : index
      %get3A_771 = tpu.vector_load %arg11[%get3A_769, %get3A_770] {strides = array<i32>} : memref<96x512xf32, #tpu.memory_space<vmem>>, vector<16xf32>,
      %add3A_772 = arith.addf %add3A_724, %get3A_771 : vector<16xf32>
      %add3A_773 = arith.constant 1 : i32
      %add3A_774 = arith.addi %mul3A_700, %add3A_773 : i32
      %get3A_775 = arith.index_cast %add3A_774 : i32 to index
      %get3A_776 = arith.constant 64 : index
      %get3A_777 = tpu.vector_load %arg11[%get3A_775, %get3A_776] {strides = array<i32>} : memref<96x512xf32, #tpu.memory_space<vmem>>, vector<16xf32>,
      %add3A_778 = arith.addf %add3A_730, %get3A_777 : vector<16xf32>
      %add3A_779 = arith.constant 1 : i32
      %add3A_780 = arith.addi %mul3A_700, %add3A_779 : i32
      %get3A_781 = arith.index_cast %add3A_780 : i32 to index
      %get3A_782 = arith.constant 80 : index
      %get3A_783 = tpu.vector_load %arg11[%get3A_781, %get3A_782] {strides = array<i32>} : memref<96x512xf32, #tpu.memory_space<vmem>>, vector<16xf32>,
      %add3A_784 = arith.addf %add3A_736, %get3A_783 : vector<16xf32>
      %add3A_785 = arith.constant 1 : i32
      %add3A_786 = arith.addi %mul3A_700, %add3A_785 : i32
      %get3A_787 = arith.index_cast %add3A_786 : i32 to index
      %get3A_788 = arith.constant 96 : index
      %get3A_789 = tpu.vector_load %arg11[%get3A_787, %get3A_788] {strides = array<i32>} : memref<96x512xf32, #tpu.memory_space<vmem>>, vector<16xf32>,
      %add3A_790 = arith.addf %add3A_742, %get3A_789 : vector<16xf32>
      %add3A_791 = arith.constant 1 : i32
      %add3A_792 = arith.addi %mul3A_700, %add3A_791 : i32
      %get3A_793 = arith.index_cast %add3A_792 : i32 to index
      %get3A_794 = arith.constant 112 : index
      %get3A_795 = tpu.vector_load %arg11[%get3A_793, %get3A_794] {strides = array<i32>} : memref<96x512xf32, #tpu.memory_space<vmem>>, vector<16xf32>,
      %add3A_796 = arith.addf %add3A_748, %get3A_795 : vector<16xf32>
      %add3A_797 = arith.constant 2 : i32
      %add3A_798 = arith.addi %mul3A_700, %add3A_797 : i32
      %get3A_799 = arith.index_cast %add3A_798 : i32 to index
      %get3A_800 = arith.constant 0 : index
      %get3A_801 = tpu.vector_load %arg11[%get3A_799, %get3A_800] {strides = array<i32>} : memref<96x512xf32, #tpu.memory_space<vmem>>, vector<16xf32>,
      %add3A_802 = arith.addf %add3A_754, %get3A_801 : vector<16xf32>
      %add3A_803 = arith.constant 2 : i32
      %add3A_804 = arith.addi %mul3A_700, %add3A_803 : i32
      %get3A_805 = arith.index_cast %add3A_804 : i32 to index
      %get3A_806 = arith.constant 16 : index
      %get3A_807 = tpu.vector_load %arg11[%get3A_805, %get3A_806] {strides = array<i32>} : memref<96x512xf32, #tpu.memory_space<vmem>>, vector<16xf32>,
      %add3A_808 = arith.addf %add3A_760, %get3A_807 : vector<16xf32>
      %add3A_809 = arith.constant 2 : i32
      %add3A_810 = arith.addi %mul3A_700, %add3A_809 : i32
      %get3A_811 = arith.index_cast %add3A_810 : i32 to index
      %get3A_812 = arith.constant 32 : index
      %get3A_813 = tpu.vector_load %arg11[%get3A_811, %get3A_812] {strides = array<i32>} : memref<96x512xf32, #tpu.memory_space<vmem>>, vector<16xf32>,
      %add3A_814 = arith.addf %add3A_766, %get3A_813 : vector<16xf32>
      %add3A_815 = arith.constant 2 : i32
      %add3A_816 = arith.addi %mul3A_700, %add3A_815 : i32
      %get3A_817 = arith.index_cast %add3A_816 : i32 to index
      %get3A_818 = arith.constant 48 : index
      %get3A_819 = tpu.vector_load %arg11[%get3A_817, %get3A_818] {strides = array<i32>} : memref<96x512xf32, #tpu.memory_space<vmem>>, vector<16xf32>,
      %add3A_820 = arith.addf %add3A_772, %get3A_819 : vector<16xf32>
      %add3A_821 = arith.constant 2 : i32
      %add3A_822 = arith.addi %mul3A_700, %add3A_821 : i32
      %get3A_823 = arith.index_cast %add3A_822 : i32 to index
      %get3A_824 = arith.constant 64 : index
      %get3A_825 = tpu.vector_load %arg11[%get3A_823, %get3A_824] {strides = array<i32>} : memref<96x512xf32, #tpu.memory_space<vmem>>, vector<16xf32>,
      %add3A_826 = arith.addf %add3A_778, %get3A_825 : vector<16xf32>
      %add3A_827 = arith.constant 2 : i32
      %add3A_828 = arith.addi %mul3A_700, %add3A_827 : i32
      %get3A_829 = arith.index_cast %add3A_828 : i32 to index
      %get3A_830 = arith.constant 80 : index
      %get3A_831 = tpu.vector_load %arg11[%get3A_829, %get3A_830] {strides = array<i32>} : memref<96x512xf32, #tpu.memory_space<vmem>>, vector<16xf32>,
      %add3A_832 = arith.addf %add3A_784, %get3A_831 : vector<16xf32>
      %add3A_833 = arith.constant 2 : i32
      %add3A_834 = arith.addi %mul3A_700, %add3A_833 : i32
      %get3A_835 = arith.index_cast %add3A_834 : i32 to index
      %get3A_836 = arith.constant 96 : index
      %get3A_837 = tpu.vector_load %arg11[%get3A_835, %get3A_836] {strides = array<i32>} : memref<96x512xf32, #tpu.memory_space<vmem>>, vector<16xf32>,
      %add3A_838 = arith.addf %add3A_790, %get3A_837 : vector<16xf32>
      %add3A_839 = arith.constant 2 : i32
      %add3A_840 = arith.addi %mul3A_700, %add3A_839 : i32
      %get3A_841 = arith.index_cast %add3A_840 : i32 to index
      %get3A_842 = arith.constant 112 : index
      %get3A_843 = tpu.vector_load %arg11[%get3A_841, %get3A_842] {strides = array<i32>} : memref<96x512xf32, #tpu.memory_space<vmem>>, vector<16xf32>,
      %add3A_844 = arith.addf %add3A_796, %get3A_843 : vector<16xf32>
      %add3A_845 = arith.constant 3 : i32
      %add3A_846 = arith.addi %mul3A_700, %add3A_845 : i32
      %get3A_847 = arith.index_cast %add3A_846 : i32 to index
      %get3A_848 = arith.constant 0 : index
      %get3A_849 = tpu.vector_load %arg11[%get3A_847, %get3A_848] {strides = array<i32>} : memref<96x512xf32, #tpu.memory_space<vmem>>, vector<16xf32>,
      %add3A_850 = arith.addf %add3A_802, %get3A_849 : vector<16xf32>
      %add3A_851 = arith.constant 3 : i32
      %add3A_852 = arith.addi %mul3A_700, %add3A_851 : i32
      %get3A_853 = arith.index_cast %add3A_852 : i32 to index
      %get3A_854 = arith.constant 16 : index
      %get3A_855 = tpu.vector_load %arg11[%get3A_853, %get3A_854] {strides = array<i32>} : memref<96x512xf32, #tpu.memory_space<vmem>>, vector<16xf32>,
      %add3A_856 = arith.addf %add3A_808, %get3A_855 : vector<16xf32>
      %add3A_857 = arith.constant 3 : i32
      %add3A_858 = arith.addi %mul3A_700, %add3A_857 : i32
      %get3A_859 = arith.index_cast %add3A_858 : i32 to index
      %get3A_860 = arith.constant 32 : index
      %get3A_861 = tpu.vector_load %arg11[%get3A_859, %get3A_860] {strides = array<i32>} : memref<96x512xf32, #tpu.memory_space<vmem>>, vector<16xf32>,
      %add3A_862 = arith.addf %add3A_814, %get3A_861 : vector<16xf32>
      %add3A_863 = arith.constant 3 : i32
      %add3A_864 = arith.addi %mul3A_700, %add3A_863 : i32
      %get3A_865 = arith.index_cast %add3A_864 : i32 to index
      %get3A_866 = arith.constant 48 : index
      %get3A_867 = tpu.vector_load %arg11[%get3A_865, %get3A_866] {strides = array<i32>} : memref<96x512xf32, #tpu.memory_space<vmem>>, vector<16xf32>,
      %add3A_868 = arith.addf %add3A_820, %get3A_867 : vector<16xf32>
      %add3A_869 = arith.constant 3 : i32
      %add3A_870 = arith.addi %mul3A_700, %add3A_869 : i32
      %get3A_871 = arith.index_cast %add3A_870 : i32 to index
      %get3A_872 = arith.constant 64 : index
      %get3A_873 = tpu.vector_load %arg11[%get3A_871, %get3A_872] {strides = array<i32>} : memref<96x512xf32, #tpu.memory_space<vmem>>, vector<16xf32>,
      %add3A_874 = arith.addf %add3A_826, %get3A_873 : vector<16xf32>
      %add3A_875 = arith.constant 3 : i32
      %add3A_876 = arith.addi %mul3A_700, %add3A_875 : i32
      %get3A_877 = arith.index_cast %add3A_876 : i32 to index
      %get3A_878 = arith.constant 80 : index
      %get3A_879 = tpu.vector_load %arg11[%get3A_877, %get3A_878] {strides = array<i32>} : memref<96x512xf32, #tpu.memory_space<vmem>>, vector<16xf32>,
      %add3A_880 = arith.addf %add3A_832, %get3A_879 : vector<16xf32>
      %add3A_881 = arith.constant 3 : i32
      %add3A_882 = arith.addi %mul3A_700, %add3A_881 : i32
      %get3A_883 = arith.index_cast %add3A_882 : i32 to index
      %get3A_884 = arith.constant 96 : index
      %get3A_885 = tpu.vector_load %arg11[%get3A_883, %get3A_884] {strides = array<i32>} : memref<96x512xf32, #tpu.memory_space<vmem>>, vector<16xf32>,
      %add3A_886 = arith.addf %add3A_838, %get3A_885 : vector<16xf32>
      %add3A_887 = arith.constant 3 : i32
      %add3A_888 = arith.addi %mul3A_700, %add3A_887 : i32
      %get3A_889 = arith.index_cast %add3A_888 : i32 to index
      %get3A_890 = arith.constant 112 : index
      %get3A_891 = tpu.vector_load %arg11[%get3A_889, %get3A_890] {strides = array<i32>} : memref<96x512xf32, #tpu.memory_space<vmem>>, vector<16xf32>,
      %add3A_892 = arith.addf %add3A_844, %get3A_891 : vector<16xf32>
      scf.yield %add3A_850, %add3A_856, %add3A_862, %add3A_868, %add3A_874, %add3A_880, %add3A_886, %add3A_892 : vector<16xf32>, vector<16xf32>, vector<16xf32>, vector<16xf32>, vector<16xf32>, vector<16xf32>, vector<16xf32>, vector<16xf32>
    }
    %scan3A_224 = arith.constant 24 : i32
    %scan3A_225 = arith.constant 0 : i32
    %scan3A_226 = arith.constant 24 : i32
    %scan3A_227 = arith.addi %scan3A_225, %scan3A_226 : i32
    %scan3A_228 = arith.constant 1 : i32
    %scan3A_229:8 = scf.for %scan3A_690 = %scan3A_225 to %scan3A_227 step %scan3A_228 iter_args(%scan3A_691 = %broadcast_in_dim3A_38, %scan3A_692 = %broadcast_in_dim3A_38, %scan3A_693 = %broadcast_in_dim3A_38, %scan3A_694 = %broadcast_in_dim3A_38, %scan3A_695 = %broadcast_in_dim3A_38, %scan3A_696 = %broadcast_in_dim3A_38, %scan3A_697 = %broadcast_in_dim3A_38, %scan3A_698 = %broadcast_in_dim3A_38) -> (vector<16xf32>, vector<16xf32>, vector<16xf32>, vector<16xf32>, vector<16xf32>, vector<16xf32>, vector<16xf32>, vector<16xf32>)  : i32 {
      %mul3A_699 = arith.constant 4 : i32
      %mul3A_700 = arith.muli %scan3A_690, %mul3A_699 : i32
      %add3A_701 = arith.constant 0 : i32
      %add3A_702 = arith.addi %mul3A_700, %add3A_701 : i32
      %get3A_703 = arith.index_cast %add3A_702 : i32 to index
      %get3A_704 = arith.constant 128 : index
      %get3A_705 = tpu.vector_load %arg11[%get3A_703, %get3A_704] {strides = array<i32>} : memref<96x512xf32, #tpu.memory_space<vmem>>, vector<16xf32>,
      %add3A_706 = arith.addf %scan3A_691, %get3A_705 : vector<16xf32>
      %add3A_707 = arith.constant 0 : i32
      %add3A_708 = arith.addi %mul3A_700, %add3A_707 : i32
      %get3A_709 = arith.index_cast %add3A_708 : i32 to index
      %get3A_710 = arith.constant 144 : index
      %get3A_711 = tpu.vector_load %arg11[%get3A_709, %get3A_710] {strides = array<i32>} : memref<96x512xf32, #tpu.memory_space<vmem>>, vector<16xf32>,
      %add3A_712 = arith.addf %scan3A_692, %get3A_711 : vector<16xf32>
      %add3A_713 = arith.constant 0 : i32
      %add3A_714 = arith.addi %mul3A_700, %add3A_713 : i32
      %get3A_715 = arith.index_cast %add3A_714 : i32 to index
      %get3A_716 = arith.constant 160 : index
      %get3A_717 = tpu.vector_load %arg11[%get3A_715, %get3A_716] {strides = array<i32>} : memref<96x512xf32, #tpu.memory_space<vmem>>, vector<16xf32>,
      %add3A_718 = arith.addf %scan3A_693, %get3A_717 : vector<16xf32>
      %add3A_719 = arith.constant 0 : i32
      %add3A_720 = arith.addi %mul3A_700, %add3A_719 : i32
      %get3A_721 = arith.index_cast %add3A_720 : i32 to index
      %get3A_722 = arith.constant 176 : index
      %get3A_723 = tpu.vector_load %arg11[%get3A_721, %get3A_722] {strides = array<i32>} : memref<96x512xf32, #tpu.memory_space<vmem>>, vector<16xf32>,
      %add3A_724 = arith.addf %scan3A_694, %get3A_723 : vector<16xf32>
      %add3A_725 = arith.constant 0 : i32
      %add3A_726 = arith.addi %mul3A_700, %add3A_725 : i32
      %get3A_727 = arith.index_cast %add3A_726 : i32 to index
      %get3A_728 = arith.constant 192 : index
      %get3A_729 = tpu.vector_load %arg11[%get3A_727, %get3A_728] {strides = array<i32>} : memref<96x512xf32, #tpu.memory_space<vmem>>, vector<16xf32>,
      %add3A_730 = arith.addf %scan3A_695, %get3A_729 : vector<16xf32>
      %add3A_731 = arith.constant 0 : i32
      %add3A_732 = arith.addi %mul3A_700, %add3A_731 : i32
      %get3A_733 = arith.index_cast %add3A_732 : i32 to index
      %get3A_734 = arith.constant 208 : index
      %get3A_735 = tpu.vector_load %arg11[%get3A_733, %get3A_734] {strides = array<i32>} : memref<96x512xf32, #tpu.memory_space<vmem>>, vector<16xf32>,
      %add3A_736 = arith.addf %scan3A_696, %get3A_735 : vector<16xf32>
      %add3A_737 = arith.constant 0 : i32
      %add3A_738 = arith.addi %mul3A_700, %add3A_737 : i32
      %get3A_739 = arith.index_cast %add3A_738 : i32 to index
      %get3A_740 = arith.constant 224 : index
      %get3A_741 = tpu.vector_load %arg11[%get3A_739, %get3A_740] {strides = array<i32>} : memref<96x512xf32, #tpu.memory_space<vmem>>, vector<16xf32>,
      %add3A_742 = arith.addf %scan3A_697, %get3A_741 : vector<16xf32>
      %add3A_743 = arith.constant 0 : i32
      %add3A_744 = arith.addi %mul3A_700, %add3A_743 : i32
      %get3A_745 = arith.index_cast %add3A_744 : i32 to index
      %get3A_746 = arith.constant 240 : index
      %get3A_747 = tpu.vector_load %arg11[%get3A_745, %get3A_746] {strides = array<i32>} : memref<96x512xf32, #tpu.memory_space<vmem>>, vector<16xf32>,
      %add3A_748 = arith.addf %scan3A_698, %get3A_747 : vector<16xf32>
      %add3A_749 = arith.constant 1 : i32
      %add3A_750 = arith.addi %mul3A_700, %add3A_749 : i32
      %get3A_751 = arith.index_cast %add3A_750 : i32 to index
      %get3A_752 = arith.constant 128 : index
      %get3A_753 = tpu.vector_load %arg11[%get3A_751, %get3A_752] {strides = array<i32>} : memref<96x512xf32, #tpu.memory_space<vmem>>, vector<16xf32>,
      %add3A_754 = arith.addf %add3A_706, %get3A_753 : vector<16xf32>
      %add3A_755 = arith.constant 1 : i32
      %add3A_756 = arith.addi %mul3A_700, %add3A_755 : i32
      %get3A_757 = arith.index_cast %add3A_756 : i32 to index
      %get3A_758 = arith.constant 144 : index
      %get3A_759 = tpu.vector_load %arg11[%get3A_757, %get3A_758] {strides = array<i32>} : memref<96x512xf32, #tpu.memory_space<vmem>>, vector<16xf32>,
      %add3A_760 = arith.addf %add3A_712, %get3A_759 : vector<16xf32>
      %add3A_761 = arith.constant 1 : i32
      %add3A_762 = arith.addi %mul3A_700, %add3A_761 : i32
      %get3A_763 = arith.index_cast %add3A_762 : i32 to index
      %get3A_764 = arith.constant 160 : index
      %get3A_765 = tpu.vector_load %arg11[%get3A_763, %get3A_764] {strides = array<i32>} : memref<96x512xf32, #tpu.memory_space<vmem>>, vector<16xf32>,
      %add3A_766 = arith.addf %add3A_718, %get3A_765 : vector<16xf32>
      %add3A_767 = arith.constant 1 : i32
      %add3A_768 = arith.addi %mul3A_700, %add3A_767 : i32
      %get3A_769 = arith.index_cast %add3A_768 : i32 to index
      %get3A_770 = arith.constant 176 : index
      %get3A_771 = tpu.vector_load %arg11[%get3A_769, %get3A_770] {strides = array<i32>} : memref<96x512xf32, #tpu.memory_space<vmem>>, vector<16xf32>,
      %add3A_772 = arith.addf %add3A_724, %get3A_771 : vector<16xf32>
      %add3A_773 = arith.constant 1 : i32
      %add3A_774 = arith.addi %mul3A_700, %add3A_773 : i32
      %get3A_775 = arith.index_cast %add3A_774 : i32 to index
      %get3A_776 = arith.constant 192 : index
      %get3A_777 = tpu.vector_load %arg11[%get3A_775, %get3A_776] {strides = array<i32>} : memref<96x512xf32, #tpu.memory_space<vmem>>, vector<16xf32>,
      %add3A_778 = arith.addf %add3A_730, %get3A_777 : vector<16xf32>
      %add3A_779 = arith.constant 1 : i32
      %add3A_780 = arith.addi %mul3A_700, %add3A_779 : i32
      %get3A_781 = arith.index_cast %add3A_780 : i32 to index
      %get3A_782 = arith.constant 208 : index
      %get3A_783 = tpu.vector_load %arg11[%get3A_781, %get3A_782] {strides = array<i32>} : memref<96x512xf32, #tpu.memory_space<vmem>>, vector<16xf32>,
      %add3A_784 = arith.addf %add3A_736, %get3A_783 : vector<16xf32>
      %add3A_785 = arith.constant 1 : i32
      %add3A_786 = arith.addi %mul3A_700, %add3A_785 : i32
      %get3A_787 = arith.index_cast %add3A_786 : i32 to index
      %get3A_788 = arith.constant 224 : index
      %get3A_789 = tpu.vector_load %arg11[%get3A_787, %get3A_788] {strides = array<i32>} : memref<96x512xf32, #tpu.memory_space<vmem>>, vector<16xf32>,
      %add3A_790 = arith.addf %add3A_742, %get3A_789 : vector<16xf32>
      %add3A_791 = arith.constant 1 : i32
      %add3A_792 = arith.addi %mul3A_700, %add3A_791 : i32
      %get3A_793 = arith.index_cast %add3A_792 : i32 to index
      %get3A_794 = arith.constant 240 : index
      %get3A_795 = tpu.vector_load %arg11[%get3A_793, %get3A_794] {strides = array<i32>} : memref<96x512xf32, #tpu.memory_space<vmem>>, vector<16xf32>,
      %add3A_796 = arith.addf %add3A_748, %get3A_795 : vector<16xf32>
      %add3A_797 = arith.constant 2 : i32
      %add3A_798 = arith.addi %mul3A_700, %add3A_797 : i32
      %get3A_799 = arith.index_cast %add3A_798 : i32 to index
      %get3A_800 = arith.constant 128 : index
      %get3A_801 = tpu.vector_load %arg11[%get3A_799, %get3A_800] {strides = array<i32>} : memref<96x512xf32, #tpu.memory_space<vmem>>, vector<16xf32>,
      %add3A_802 = arith.addf %add3A_754, %get3A_801 : vector<16xf32>
      %add3A_803 = arith.constant 2 : i32
      %add3A_804 = arith.addi %mul3A_700, %add3A_803 : i32
      %get3A_805 = arith.index_cast %add3A_804 : i32 to index
      %get3A_806 = arith.constant 144 : index
      %get3A_807 = tpu.vector_load %arg11[%get3A_805, %get3A_806] {strides = array<i32>} : memref<96x512xf32, #tpu.memory_space<vmem>>, vector<16xf32>,
      %add3A_808 = arith.addf %add3A_760, %get3A_807 : vector<16xf32>
      %add3A_809 = arith.constant 2 : i32
      %add3A_810 = arith.addi %mul3A_700, %add3A_809 : i32
      %get3A_811 = arith.index_cast %add3A_810 : i32 to index
      %get3A_812 = arith.constant 160 : index
      %get3A_813 = tpu.vector_load %arg11[%get3A_811, %get3A_812] {strides = array<i32>} : memref<96x512xf32, #tpu.memory_space<vmem>>, vector<16xf32>,
      %add3A_814 = arith.addf %add3A_766, %get3A_813 : vector<16xf32>
      %add3A_815 = arith.constant 2 : i32
      %add3A_816 = arith.addi %mul3A_700, %add3A_815 : i32
      %get3A_817 = arith.index_cast %add3A_816 : i32 to index
      %get3A_818 = arith.constant 176 : index
      %get3A_819 = tpu.vector_load %arg11[%get3A_817, %get3A_818] {strides = array<i32>} : memref<96x512xf32, #tpu.memory_space<vmem>>, vector<16xf32>,
      %add3A_820 = arith.addf %add3A_772, %get3A_819 : vector<16xf32>
      %add3A_821 = arith.constant 2 : i32
      %add3A_822 = arith.addi %mul3A_700, %add3A_821 : i32
      %get3A_823 = arith.index_cast %add3A_822 : i32 to index
      %get3A_824 = arith.constant 192 : index
      %get3A_825 = tpu.vector_load %arg11[%get3A_823, %get3A_824] {strides = array<i32>} : memref<96x512xf32, #tpu.memory_space<vmem>>, vector<16xf32>,
      %add3A_826 = arith.addf %add3A_778, %get3A_825 : vector<16xf32>
      %add3A_827 = arith.constant 2 : i32
      %add3A_828 = arith.addi %mul3A_700, %add3A_827 : i32
      %get3A_829 = arith.index_cast %add3A_828 : i32 to index
      %get3A_830 = arith.constant 208 : index
      %get3A_831 = tpu.vector_load %arg11[%get3A_829, %get3A_830] {strides = array<i32>} : memref<96x512xf32, #tpu.memory_space<vmem>>, vector<16xf32>,
      %add3A_832 = arith.addf %add3A_784, %get3A_831 : vector<16xf32>
      %add3A_833 = arith.constant 2 : i32
      %add3A_834 = arith.addi %mul3A_700, %add3A_833 : i32
      %get3A_835 = arith.index_cast %add3A_834 : i32 to index
      %get3A_836 = arith.constant 224 : index
      %get3A_837 = tpu.vector_load %arg11[%get3A_835, %get3A_836] {strides = array<i32>} : memref<96x512xf32, #tpu.memory_space<vmem>>, vector<16xf32>,
      %add3A_838 = arith.addf %add3A_790, %get3A_837 : vector<16xf32>
      %add3A_839 = arith.constant 2 : i32
      %add3A_840 = arith.addi %mul3A_700, %add3A_839 : i32
      %get3A_841 = arith.index_cast %add3A_840 : i32 to index
      %get3A_842 = arith.constant 240 : index
      %get3A_843 = tpu.vector_load %arg11[%get3A_841, %get3A_842] {strides = array<i32>} : memref<96x512xf32, #tpu.memory_space<vmem>>, vector<16xf32>,
      %add3A_844 = arith.addf %add3A_796, %get3A_843 : vector<16xf32>
      %add3A_845 = arith.constant 3 : i32
      %add3A_846 = arith.addi %mul3A_700, %add3A_845 : i32
      %get3A_847 = arith.index_cast %add3A_846 : i32 to index
      %get3A_848 = arith.constant 128 : index
      %get3A_849 = tpu.vector_load %arg11[%get3A_847, %get3A_848] {strides = array<i32>} : memref<96x512xf32, #tpu.memory_space<vmem>>, vector<16xf32>,
      %add3A_850 = arith.addf %add3A_802, %get3A_849 : vector<16xf32>
      %add3A_851 = arith.constant 3 : i32
      %add3A_852 = arith.addi %mul3A_700, %add3A_851 : i32
      %get3A_853 = arith.index_cast %add3A_852 : i32 to index
      %get3A_854 = arith.constant 144 : index
      %get3A_855 = tpu.vector_load %arg11[%get3A_853, %get3A_854] {strides = array<i32>} : memref<96x512xf32, #tpu.memory_space<vmem>>, vector<16xf32>,
      %add3A_856 = arith.addf %add3A_808, %get3A_855 : vector<16xf32>
      %add3A_857 = arith.constant 3 : i32
      %add3A_858 = arith.addi %mul3A_700, %add3A_857 : i32
      %get3A_859 = arith.index_cast %add3A_858 : i32 to index
      %get3A_860 = arith.constant 160 : index
      %get3A_861 = tpu.vector_load %arg11[%get3A_859, %get3A_860] {strides = array<i32>} : memref<96x512xf32, #tpu.memory_space<vmem>>, vector<16xf32>,
      %add3A_862 = arith.addf %add3A_814, %get3A_861 : vector<16xf32>
      %add3A_863 = arith.constant 3 : i32
      %add3A_864 = arith.addi %mul3A_700, %add3A_863 : i32
      %get3A_865 = arith.index_cast %add3A_864 : i32 to index
      %get3A_866 = arith.constant 176 : index
      %get3A_867 = tpu.vector_load %arg11[%get3A_865, %get3A_866] {strides = array<i32>} : memref<96x512xf32, #tpu.memory_space<vmem>>, vector<16xf32>,
      %add3A_868 = arith.addf %add3A_820, %get3A_867 : vector<16xf32>
      %add3A_869 = arith.constant 3 : i32
      %add3A_870 = arith.addi %mul3A_700, %add3A_869 : i32
      %get3A_871 = arith.index_cast %add3A_870 : i32 to index
      %get3A_872 = arith.constant 192 : index
      %get3A_873 = tpu.vector_load %arg11[%get3A_871, %get3A_872] {strides = array<i32>} : memref<96x512xf32, #tpu.memory_space<vmem>>, vector<16xf32>,
      %add3A_874 = arith.addf %add3A_826, %get3A_873 : vector<16xf32>
      %add3A_875 = arith.constant 3 : i32
      %add3A_876 = arith.addi %mul3A_700, %add3A_875 : i32
      %get3A_877 = arith.index_cast %add3A_876 : i32 to index
      %get3A_878 = arith.constant 208 : index
      %get3A_879 = tpu.vector_load %arg11[%get3A_877, %get3A_878] {strides = array<i32>} : memref<96x512xf32, #tpu.memory_space<vmem>>, vector<16xf32>,
      %add3A_880 = arith.addf %add3A_832, %get3A_879 : vector<16xf32>
      %add3A_881 = arith.constant 3 : i32
      %add3A_882 = arith.addi %mul3A_700, %add3A_881 : i32
      %get3A_883 = arith.index_cast %add3A_882 : i32 to index
      %get3A_884 = arith.constant 224 : index
      %get3A_885 = tpu.vector_load %arg11[%get3A_883, %get3A_884] {strides = array<i32>} : memref<96x512xf32, #tpu.memory_space<vmem>>, vector<16xf32>,
      %add3A_886 = arith.addf %add3A_838, %get3A_885 : vector<16xf32>
      %add3A_887 = arith.constant 3 : i32
      %add3A_888 = arith.addi %mul3A_700, %add3A_887 : i32
      %get3A_889 = arith.index_cast %add3A_888 : i32 to index
      %get3A_890 = arith.constant 240 : index
      %get3A_891 = tpu.vector_load %arg11[%get3A_889, %get3A_890] {strides = array<i32>} : memref<96x512xf32, #tpu.memory_space<vmem>>, vector<16xf32>,
      %add3A_892 = arith.addf %add3A_844, %get3A_891 : vector<16xf32>
      scf.yield %add3A_850, %add3A_856, %add3A_862, %add3A_868, %add3A_874, %add3A_880, %add3A_886, %add3A_892 : vector<16xf32>, vector<16xf32>, vector<16xf32>, vector<16xf32>, vector<16xf32>, vector<16xf32>, vector<16xf32>, vector<16xf32>
    }
    %scan3A_230 = arith.constant 24 : i32
    %scan3A_231 = arith.constant 0 : i32
    %scan3A_232 = arith.constant 24 : i32
    %scan3A_233 = arith.addi %scan3A_231, %scan3A_232 : i32
    %scan3A_234 = arith.constant 1 : i32
    %scan3A_235:8 = scf.for %scan3A_690 = %scan3A_231 to %scan3A_233 step %scan3A_234 iter_args(%scan3A_691 = %broadcast_in_dim3A_38, %scan3A_692 = %broadcast_in_dim3A_38, %scan3A_693 = %broadcast_in_dim3A_38, %scan3A_694 = %broadcast_in_dim3A_38, %scan3A_695 = %broadcast_in_dim3A_38, %scan3A_696 = %broadcast_in_dim3A_38, %scan3A_697 = %broadcast_in_dim3A_38, %scan3A_698 = %broadcast_in_dim3A_38) -> (vector<16xf32>, vector<16xf32>, vector<16xf32>, vector<16xf32>, vector<16xf32>, vector<16xf32>, vector<16xf32>, vector<16xf32>)  : i32 {
      %mul3A_699 = arith.constant 4 : i32
      %mul3A_700 = arith.muli %scan3A_690, %mul3A_699 : i32
      %add3A_701 = arith.constant 0 : i32
      %add3A_702 = arith.addi %mul3A_700, %add3A_701 : i32
      %get3A_703 = arith.index_cast %add3A_702 : i32 to index
      %get3A_704 = arith.constant 256 : index
      %get3A_705 = tpu.vector_load %arg11[%get3A_703, %get3A_704] {strides = array<i32>} : memref<96x512xf32, #tpu.memory_space<vmem>>, vector<16xf32>,
      %add3A_706 = arith.addf %scan3A_691, %get3A_705 : vector<16xf32>
      %add3A_707 = arith.constant 0 : i32
      %add3A_708 = arith.addi %mul3A_700, %add3A_707 : i32
      %get3A_709 = arith.index_cast %add3A_708 : i32 to index
      %get3A_710 = arith.constant 272 : index
      %get3A_711 = tpu.vector_load %arg11[%get3A_709, %get3A_710] {strides = array<i32>} : memref<96x512xf32, #tpu.memory_space<vmem>>, vector<16xf32>,
      %add3A_712 = arith.addf %scan3A_692, %get3A_711 : vector<16xf32>
      %add3A_713 = arith.constant 0 : i32
      %add3A_714 = arith.addi %mul3A_700, %add3A_713 : i32
      %get3A_715 = arith.index_cast %add3A_714 : i32 to index
      %get3A_716 = arith.constant 288 : index
      %get3A_717 = tpu.vector_load %arg11[%get3A_715, %get3A_716] {strides = array<i32>} : memref<96x512xf32, #tpu.memory_space<vmem>>, vector<16xf32>,
      %add3A_718 = arith.addf %scan3A_693, %get3A_717 : vector<16xf32>
      %add3A_719 = arith.constant 0 : i32
      %add3A_720 = arith.addi %mul3A_700, %add3A_719 : i32
      %get3A_721 = arith.index_cast %add3A_720 : i32 to index
      %get3A_722 = arith.constant 304 : index
      %get3A_723 = tpu.vector_load %arg11[%get3A_721, %get3A_722] {strides = array<i32>} : memref<96x512xf32, #tpu.memory_space<vmem>>, vector<16xf32>,
      %add3A_724 = arith.addf %scan3A_694, %get3A_723 : vector<16xf32>
      %add3A_725 = arith.constant 0 : i32
      %add3A_726 = arith.addi %mul3A_700, %add3A_725 : i32
      %get3A_727 = arith.index_cast %add3A_726 : i32 to index
      %get3A_728 = arith.constant 320 : index
      %get3A_729 = tpu.vector_load %arg11[%get3A_727, %get3A_728] {strides = array<i32>} : memref<96x512xf32, #tpu.memory_space<vmem>>, vector<16xf32>,
      %add3A_730 = arith.addf %scan3A_695, %get3A_729 : vector<16xf32>
      %add3A_731 = arith.constant 0 : i32
      %add3A_732 = arith.addi %mul3A_700, %add3A_731 : i32
      %get3A_733 = arith.index_cast %add3A_732 : i32 to index
      %get3A_734 = arith.constant 336 : index
      %get3A_735 = tpu.vector_load %arg11[%get3A_733, %get3A_734] {strides = array<i32>} : memref<96x512xf32, #tpu.memory_space<vmem>>, vector<16xf32>,
      %add3A_736 = arith.addf %scan3A_696, %get3A_735 : vector<16xf32>
      %add3A_737 = arith.constant 0 : i32
      %add3A_738 = arith.addi %mul3A_700, %add3A_737 : i32
      %get3A_739 = arith.index_cast %add3A_738 : i32 to index
      %get3A_740 = arith.constant 352 : index
      %get3A_741 = tpu.vector_load %arg11[%get3A_739, %get3A_740] {strides = array<i32>} : memref<96x512xf32, #tpu.memory_space<vmem>>, vector<16xf32>,
      %add3A_742 = arith.addf %scan3A_697, %get3A_741 : vector<16xf32>
      %add3A_743 = arith.constant 0 : i32
      %add3A_744 = arith.addi %mul3A_700, %add3A_743 : i32
      %get3A_745 = arith.index_cast %add3A_744 : i32 to index
      %get3A_746 = arith.constant 368 : index
      %get3A_747 = tpu.vector_load %arg11[%get3A_745, %get3A_746] {strides = array<i32>} : memref<96x512xf32, #tpu.memory_space<vmem>>, vector<16xf32>,
      %add3A_748 = arith.addf %scan3A_698, %get3A_747 : vector<16xf32>
      %add3A_749 = arith.constant 1 : i32
      %add3A_750 = arith.addi %mul3A_700, %add3A_749 : i32
      %get3A_751 = arith.index_cast %add3A_750 : i32 to index
      %get3A_752 = arith.constant 256 : index
      %get3A_753 = tpu.vector_load %arg11[%get3A_751, %get3A_752] {strides = array<i32>} : memref<96x512xf32, #tpu.memory_space<vmem>>, vector<16xf32>,
      %add3A_754 = arith.addf %add3A_706, %get3A_753 : vector<16xf32>
      %add3A_755 = arith.constant 1 : i32
      %add3A_756 = arith.addi %mul3A_700, %add3A_755 : i32
      %get3A_757 = arith.index_cast %add3A_756 : i32 to index
      %get3A_758 = arith.constant 272 : index
      %get3A_759 = tpu.vector_load %arg11[%get3A_757, %get3A_758] {strides = array<i32>} : memref<96x512xf32, #tpu.memory_space<vmem>>, vector<16xf32>,
      %add3A_760 = arith.addf %add3A_712, %get3A_759 : vector<16xf32>
      %add3A_761 = arith.constant 1 : i32
      %add3A_762 = arith.addi %mul3A_700, %add3A_761 : i32
      %get3A_763 = arith.index_cast %add3A_762 : i32 to index
      %get3A_764 = arith.constant 288 : index
      %get3A_765 = tpu.vector_load %arg11[%get3A_763, %get3A_764] {strides = array<i32>} : memref<96x512xf32, #tpu.memory_space<vmem>>, vector<16xf32>,
      %add3A_766 = arith.addf %add3A_718, %get3A_765 : vector<16xf32>
      %add3A_767 = arith.constant 1 : i32
      %add3A_768 = arith.addi %mul3A_700, %add3A_767 : i32
      %get3A_769 = arith.index_cast %add3A_768 : i32 to index
      %get3A_770 = arith.constant 304 : index
      %get3A_771 = tpu.vector_load %arg11[%get3A_769, %get3A_770] {strides = array<i32>} : memref<96x512xf32, #tpu.memory_space<vmem>>, vector<16xf32>,
      %add3A_772 = arith.addf %add3A_724, %get3A_771 : vector<16xf32>
      %add3A_773 = arith.constant 1 : i32
      %add3A_774 = arith.addi %mul3A_700, %add3A_773 : i32
      %get3A_775 = arith.index_cast %add3A_774 : i32 to index
      %get3A_776 = arith.constant 320 : index
      %get3A_777 = tpu.vector_load %arg11[%get3A_775, %get3A_776] {strides = array<i32>} : memref<96x512xf32, #tpu.memory_space<vmem>>, vector<16xf32>,
      %add3A_778 = arith.addf %add3A_730, %get3A_777 : vector<16xf32>
      %add3A_779 = arith.constant 1 : i32
      %add3A_780 = arith.addi %mul3A_700, %add3A_779 : i32
      %get3A_781 = arith.index_cast %add3A_780 : i32 to index
      %get3A_782 = arith.constant 336 : index
      %get3A_783 = tpu.vector_load %arg11[%get3A_781, %get3A_782] {strides = array<i32>} : memref<96x512xf32, #tpu.memory_space<vmem>>, vector<16xf32>,
      %add3A_784 = arith.addf %add3A_736, %get3A_783 : vector<16xf32>
      %add3A_785 = arith.constant 1 : i32
      %add3A_786 = arith.addi %mul3A_700, %add3A_785 : i32
      %get3A_787 = arith.index_cast %add3A_786 : i32 to index
      %get3A_788 = arith.constant 352 : index
      %get3A_789 = tpu.vector_load %arg11[%get3A_787, %get3A_788] {strides = array<i32>} : memref<96x512xf32, #tpu.memory_space<vmem>>, vector<16xf32>,
      %add3A_790 = arith.addf %add3A_742, %get3A_789 : vector<16xf32>
      %add3A_791 = arith.constant 1 : i32
      %add3A_792 = arith.addi %mul3A_700, %add3A_791 : i32
      %get3A_793 = arith.index_cast %add3A_792 : i32 to index
      %get3A_794 = arith.constant 368 : index
      %get3A_795 = tpu.vector_load %arg11[%get3A_793, %get3A_794] {strides = array<i32>} : memref<96x512xf32, #tpu.memory_space<vmem>>, vector<16xf32>,
      %add3A_796 = arith.addf %add3A_748, %get3A_795 : vector<16xf32>
      %add3A_797 = arith.constant 2 : i32
      %add3A_798 = arith.addi %mul3A_700, %add3A_797 : i32
      %get3A_799 = arith.index_cast %add3A_798 : i32 to index
      %get3A_800 = arith.constant 256 : index
      %get3A_801 = tpu.vector_load %arg11[%get3A_799, %get3A_800] {strides = array<i32>} : memref<96x512xf32, #tpu.memory_space<vmem>>, vector<16xf32>,
      %add3A_802 = arith.addf %add3A_754, %get3A_801 : vector<16xf32>
      %add3A_803 = arith.constant 2 : i32
      %add3A_804 = arith.addi %mul3A_700, %add3A_803 : i32
      %get3A_805 = arith.index_cast %add3A_804 : i32 to index
      %get3A_806 = arith.constant 272 : index
      %get3A_807 = tpu.vector_load %arg11[%get3A_805, %get3A_806] {strides = array<i32>} : memref<96x512xf32, #tpu.memory_space<vmem>>, vector<16xf32>,
      %add3A_808 = arith.addf %add3A_760, %get3A_807 : vector<16xf32>
      %add3A_809 = arith.constant 2 : i32
      %add3A_810 = arith.addi %mul3A_700, %add3A_809 : i32
      %get3A_811 = arith.index_cast %add3A_810 : i32 to index
      %get3A_812 = arith.constant 288 : index
      %get3A_813 = tpu.vector_load %arg11[%get3A_811, %get3A_812] {strides = array<i32>} : memref<96x512xf32, #tpu.memory_space<vmem>>, vector<16xf32>,
      %add3A_814 = arith.addf %add3A_766, %get3A_813 : vector<16xf32>
      %add3A_815 = arith.constant 2 : i32
      %add3A_816 = arith.addi %mul3A_700, %add3A_815 : i32
      %get3A_817 = arith.index_cast %add3A_816 : i32 to index
      %get3A_818 = arith.constant 304 : index
      %get3A_819 = tpu.vector_load %arg11[%get3A_817, %get3A_818] {strides = array<i32>} : memref<96x512xf32, #tpu.memory_space<vmem>>, vector<16xf32>,
      %add3A_820 = arith.addf %add3A_772, %get3A_819 : vector<16xf32>
      %add3A_821 = arith.constant 2 : i32
      %add3A_822 = arith.addi %mul3A_700, %add3A_821 : i32
      %get3A_823 = arith.index_cast %add3A_822 : i32 to index
      %get3A_824 = arith.constant 320 : index
      %get3A_825 = tpu.vector_load %arg11[%get3A_823, %get3A_824] {strides = array<i32>} : memref<96x512xf32, #tpu.memory_space<vmem>>, vector<16xf32>,
      %add3A_826 = arith.addf %add3A_778, %get3A_825 : vector<16xf32>
      %add3A_827 = arith.constant 2 : i32
      %add3A_828 = arith.addi %mul3A_700, %add3A_827 : i32
      %get3A_829 = arith.index_cast %add3A_828 : i32 to index
      %get3A_830 = arith.constant 336 : index
      %get3A_831 = tpu.vector_load %arg11[%get3A_829, %get3A_830] {strides = array<i32>} : memref<96x512xf32, #tpu.memory_space<vmem>>, vector<16xf32>,
      %add3A_832 = arith.addf %add3A_784, %get3A_831 : vector<16xf32>
      %add3A_833 = arith.constant 2 : i32
      %add3A_834 = arith.addi %mul3A_700, %add3A_833 : i32
      %get3A_835 = arith.index_cast %add3A_834 : i32 to index
      %get3A_836 = arith.constant 352 : index
      %get3A_837 = tpu.vector_load %arg11[%get3A_835, %get3A_836] {strides = array<i32>} : memref<96x512xf32, #tpu.memory_space<vmem>>, vector<16xf32>,
      %add3A_838 = arith.addf %add3A_790, %get3A_837 : vector<16xf32>
      %add3A_839 = arith.constant 2 : i32
      %add3A_840 = arith.addi %mul3A_700, %add3A_839 : i32
      %get3A_841 = arith.index_cast %add3A_840 : i32 to index
      %get3A_842 = arith.constant 368 : index
      %get3A_843 = tpu.vector_load %arg11[%get3A_841, %get3A_842] {strides = array<i32>} : memref<96x512xf32, #tpu.memory_space<vmem>>, vector<16xf32>,
      %add3A_844 = arith.addf %add3A_796, %get3A_843 : vector<16xf32>
      %add3A_845 = arith.constant 3 : i32
      %add3A_846 = arith.addi %mul3A_700, %add3A_845 : i32
      %get3A_847 = arith.index_cast %add3A_846 : i32 to index
      %get3A_848 = arith.constant 256 : index
      %get3A_849 = tpu.vector_load %arg11[%get3A_847, %get3A_848] {strides = array<i32>} : memref<96x512xf32, #tpu.memory_space<vmem>>, vector<16xf32>,
      %add3A_850 = arith.addf %add3A_802, %get3A_849 : vector<16xf32>
      %add3A_851 = arith.constant 3 : i32
      %add3A_852 = arith.addi %mul3A_700, %add3A_851 : i32
      %get3A_853 = arith.index_cast %add3A_852 : i32 to index
      %get3A_854 = arith.constant 272 : index
      %get3A_855 = tpu.vector_load %arg11[%get3A_853, %get3A_854] {strides = array<i32>} : memref<96x512xf32, #tpu.memory_space<vmem>>, vector<16xf32>,
      %add3A_856 = arith.addf %add3A_808, %get3A_855 : vector<16xf32>
      %add3A_857 = arith.constant 3 : i32
      %add3A_858 = arith.addi %mul3A_700, %add3A_857 : i32
      %get3A_859 = arith.index_cast %add3A_858 : i32 to index
      %get3A_860 = arith.constant 288 : index
      %get3A_861 = tpu.vector_load %arg11[%get3A_859, %get3A_860] {strides = array<i32>} : memref<96x512xf32, #tpu.memory_space<vmem>>, vector<16xf32>,
      %add3A_862 = arith.addf %add3A_814, %get3A_861 : vector<16xf32>
      %add3A_863 = arith.constant 3 : i32
      %add3A_864 = arith.addi %mul3A_700, %add3A_863 : i32
      %get3A_865 = arith.index_cast %add3A_864 : i32 to index
      %get3A_866 = arith.constant 304 : index
      %get3A_867 = tpu.vector_load %arg11[%get3A_865, %get3A_866] {strides = array<i32>} : memref<96x512xf32, #tpu.memory_space<vmem>>, vector<16xf32>,
      %add3A_868 = arith.addf %add3A_820, %get3A_867 : vector<16xf32>
      %add3A_869 = arith.constant 3 : i32
      %add3A_870 = arith.addi %mul3A_700, %add3A_869 : i32
      %get3A_871 = arith.index_cast %add3A_870 : i32 to index
      %get3A_872 = arith.constant 320 : index
      %get3A_873 = tpu.vector_load %arg11[%get3A_871, %get3A_872] {strides = array<i32>} : memref<96x512xf32, #tpu.memory_space<vmem>>, vector<16xf32>,
      %add3A_874 = arith.addf %add3A_826, %get3A_873 : vector<16xf32>
      %add3A_875 = arith.constant 3 : i32
      %add3A_876 = arith.addi %mul3A_700, %add3A_875 : i32
      %get3A_877 = arith.index_cast %add3A_876 : i32 to index
      %get3A_878 = arith.constant 336 : index
      %get3A_879 = tpu.vector_load %arg11[%get3A_877, %get3A_878] {strides = array<i32>} : memref<96x512xf32, #tpu.memory_space<vmem>>, vector<16xf32>,
      %add3A_880 = arith.addf %add3A_832, %get3A_879 : vector<16xf32>
      %add3A_881 = arith.constant 3 : i32
      %add3A_882 = arith.addi %mul3A_700, %add3A_881 : i32
      %get3A_883 = arith.index_cast %add3A_882 : i32 to index
      %get3A_884 = arith.constant 352 : index
      %get3A_885 = tpu.vector_load %arg11[%get3A_883, %get3A_884] {strides = array<i32>} : memref<96x512xf32, #tpu.memory_space<vmem>>, vector<16xf32>,
      %add3A_886 = arith.addf %add3A_838, %get3A_885 : vector<16xf32>
      %add3A_887 = arith.constant 3 : i32
      %add3A_888 = arith.addi %mul3A_700, %add3A_887 : i32
      %get3A_889 = arith.index_cast %add3A_888 : i32 to index
      %get3A_890 = arith.constant 368 : index
      %get3A_891 = tpu.vector_load %arg11[%get3A_889, %get3A_890] {strides = array<i32>} : memref<96x512xf32, #tpu.memory_space<vmem>>, vector<16xf32>,
      %add3A_892 = arith.addf %add3A_844, %get3A_891 : vector<16xf32>
      scf.yield %add3A_850, %add3A_856, %add3A_862, %add3A_868, %add3A_874, %add3A_880, %add3A_886, %add3A_892 : vector<16xf32>, vector<16xf32>, vector<16xf32>, vector<16xf32>, vector<16xf32>, vector<16xf32>, vector<16xf32>, vector<16xf32>
    }
    %scan3A_236 = arith.constant 24 : i32
    %scan3A_237 = arith.constant 0 : i32
    %scan3A_238 = arith.constant 24 : i32
    %scan3A_239 = arith.addi %scan3A_237, %scan3A_238 : i32
    %scan3A_240 = arith.constant 1 : i32
    %scan3A_241:8 = scf.for %scan3A_690 = %scan3A_237 to %scan3A_239 step %scan3A_240 iter_args(%scan3A_691 = %broadcast_in_dim3A_38, %scan3A_692 = %broadcast_in_dim3A_38, %scan3A_693 = %broadcast_in_dim3A_38, %scan3A_694 = %broadcast_in_dim3A_38, %scan3A_695 = %broadcast_in_dim3A_38, %scan3A_696 = %broadcast_in_dim3A_38, %scan3A_697 = %broadcast_in_dim3A_38, %scan3A_698 = %broadcast_in_dim3A_38) -> (vector<16xf32>, vector<16xf32>, vector<16xf32>, vector<16xf32>, vector<16xf32>, vector<16xf32>, vector<16xf32>, vector<16xf32>)  : i32 {
      %mul3A_699 = arith.constant 4 : i32
      %mul3A_700 = arith.muli %scan3A_690, %mul3A_699 : i32
      %add3A_701 = arith.constant 0 : i32
      %add3A_702 = arith.addi %mul3A_700, %add3A_701 : i32
      %get3A_703 = arith.index_cast %add3A_702 : i32 to index
      %get3A_704 = arith.constant 384 : index
      %get3A_705 = tpu.vector_load %arg11[%get3A_703, %get3A_704] {strides = array<i32>} : memref<96x512xf32, #tpu.memory_space<vmem>>, vector<16xf32>,
      %add3A_706 = arith.addf %scan3A_691, %get3A_705 : vector<16xf32>
      %add3A_707 = arith.constant 0 : i32
      %add3A_708 = arith.addi %mul3A_700, %add3A_707 : i32
      %get3A_709 = arith.index_cast %add3A_708 : i32 to index
      %get3A_710 = arith.constant 400 : index
      %get3A_711 = tpu.vector_load %arg11[%get3A_709, %get3A_710] {strides = array<i32>} : memref<96x512xf32, #tpu.memory_space<vmem>>, vector<16xf32>,
      %add3A_712 = arith.addf %scan3A_692, %get3A_711 : vector<16xf32>
      %add3A_713 = arith.constant 0 : i32
      %add3A_714 = arith.addi %mul3A_700, %add3A_713 : i32
      %get3A_715 = arith.index_cast %add3A_714 : i32 to index
      %get3A_716 = arith.constant 416 : index
      %get3A_717 = tpu.vector_load %arg11[%get3A_715, %get3A_716] {strides = array<i32>} : memref<96x512xf32, #tpu.memory_space<vmem>>, vector<16xf32>,
      %add3A_718 = arith.addf %scan3A_693, %get3A_717 : vector<16xf32>
      %add3A_719 = arith.constant 0 : i32
      %add3A_720 = arith.addi %mul3A_700, %add3A_719 : i32
      %get3A_721 = arith.index_cast %add3A_720 : i32 to index
      %get3A_722 = arith.constant 432 : index
      %get3A_723 = tpu.vector_load %arg11[%get3A_721, %get3A_722] {strides = array<i32>} : memref<96x512xf32, #tpu.memory_space<vmem>>, vector<16xf32>,
      %add3A_724 = arith.addf %scan3A_694, %get3A_723 : vector<16xf32>
      %add3A_725 = arith.constant 0 : i32
      %add3A_726 = arith.addi %mul3A_700, %add3A_725 : i32
      %get3A_727 = arith.index_cast %add3A_726 : i32 to index
      %get3A_728 = arith.constant 448 : index
      %get3A_729 = tpu.vector_load %arg11[%get3A_727, %get3A_728] {strides = array<i32>} : memref<96x512xf32, #tpu.memory_space<vmem>>, vector<16xf32>,
      %add3A_730 = arith.addf %scan3A_695, %get3A_729 : vector<16xf32>
      %add3A_731 = arith.constant 0 : i32
      %add3A_732 = arith.addi %mul3A_700, %add3A_731 : i32
      %get3A_733 = arith.index_cast %add3A_732 : i32 to index
      %get3A_734 = arith.constant 464 : index
      %get3A_735 = tpu.vector_load %arg11[%get3A_733, %get3A_734] {strides = array<i32>} : memref<96x512xf32, #tpu.memory_space<vmem>>, vector<16xf32>,
      %add3A_736 = arith.addf %scan3A_696, %get3A_735 : vector<16xf32>
      %add3A_737 = arith.constant 0 : i32
      %add3A_738 = arith.addi %mul3A_700, %add3A_737 : i32
      %get3A_739 = arith.index_cast %add3A_738 : i32 to index
      %get3A_740 = arith.constant 480 : index
      %get3A_741 = tpu.vector_load %arg11[%get3A_739, %get3A_740] {strides = array<i32>} : memref<96x512xf32, #tpu.memory_space<vmem>>, vector<16xf32>,
      %add3A_742 = arith.addf %scan3A_697, %get3A_741 : vector<16xf32>
      %add3A_743 = arith.constant 0 : i32
      %add3A_744 = arith.addi %mul3A_700, %add3A_743 : i32
      %get3A_745 = arith.index_cast %add3A_744 : i32 to index
      %get3A_746 = arith.constant 496 : index
      %get3A_747 = tpu.vector_load %arg11[%get3A_745, %get3A_746] {strides = array<i32>} : memref<96x512xf32, #tpu.memory_space<vmem>>, vector<16xf32>,
      %add3A_748 = arith.addf %scan3A_698, %get3A_747 : vector<16xf32>
      %add3A_749 = arith.constant 1 : i32
      %add3A_750 = arith.addi %mul3A_700, %add3A_749 : i32
      %get3A_751 = arith.index_cast %add3A_750 : i32 to index
      %get3A_752 = arith.constant 384 : index
      %get3A_753 = tpu.vector_load %arg11[%get3A_751, %get3A_752] {strides = array<i32>} : memref<96x512xf32, #tpu.memory_space<vmem>>, vector<16xf32>,
      %add3A_754 = arith.addf %add3A_706, %get3A_753 : vector<16xf32>
      %add3A_755 = arith.constant 1 : i32
      %add3A_756 = arith.addi %mul3A_700, %add3A_755 : i32
      %get3A_757 = arith.index_cast %add3A_756 : i32 to index
      %get3A_758 = arith.constant 400 : index
      %get3A_759 = tpu.vector_load %arg11[%get3A_757, %get3A_758] {strides = array<i32>} : memref<96x512xf32, #tpu.memory_space<vmem>>, vector<16xf32>,
      %add3A_760 = arith.addf %add3A_712, %get3A_759 : vector<16xf32>
      %add3A_761 = arith.constant 1 : i32
      %add3A_762 = arith.addi %mul3A_700, %add3A_761 : i32
      %get3A_763 = arith.index_cast %add3A_762 : i32 to index
      %get3A_764 = arith.constant 416 : index
      %get3A_765 = tpu.vector_load %arg11[%get3A_763, %get3A_764] {strides = array<i32>} : memref<96x512xf32, #tpu.memory_space<vmem>>, vector<16xf32>,
      %add3A_766 = arith.addf %add3A_718, %get3A_765 : vector<16xf32>
      %add3A_767 = arith.constant 1 : i32
      %add3A_768 = arith.addi %mul3A_700, %add3A_767 : i32
      %get3A_769 = arith.index_cast %add3A_768 : i32 to index
      %get3A_770 = arith.constant 432 : index
      %get3A_771 = tpu.vector_load %arg11[%get3A_769, %get3A_770] {strides = array<i32>} : memref<96x512xf32, #tpu.memory_space<vmem>>, vector<16xf32>,
      %add3A_772 = arith.addf %add3A_724, %get3A_771 : vector<16xf32>
      %add3A_773 = arith.constant 1 : i32
      %add3A_774 = arith.addi %mul3A_700, %add3A_773 : i32
      %get3A_775 = arith.index_cast %add3A_774 : i32 to index
      %get3A_776 = arith.constant 448 : index
      %get3A_777 = tpu.vector_load %arg11[%get3A_775, %get3A_776] {strides = array<i32>} : memref<96x512xf32, #tpu.memory_space<vmem>>, vector<16xf32>,
      %add3A_778 = arith.addf %add3A_730, %get3A_777 : vector<16xf32>
      %add3A_779 = arith.constant 1 : i32
      %add3A_780 = arith.addi %mul3A_700, %add3A_779 : i32
      %get3A_781 = arith.index_cast %add3A_780 : i32 to index
      %get3A_782 = arith.constant 464 : index
      %get3A_783 = tpu.vector_load %arg11[%get3A_781, %get3A_782] {strides = array<i32>} : memref<96x512xf32, #tpu.memory_space<vmem>>, vector<16xf32>,
      %add3A_784 = arith.addf %add3A_736, %get3A_783 : vector<16xf32>
      %add3A_785 = arith.constant 1 : i32
      %add3A_786 = arith.addi %mul3A_700, %add3A_785 : i32
      %get3A_787 = arith.index_cast %add3A_786 : i32 to index
      %get3A_788 = arith.constant 480 : index
      %get3A_789 = tpu.vector_load %arg11[%get3A_787, %get3A_788] {strides = array<i32>} : memref<96x512xf32, #tpu.memory_space<vmem>>, vector<16xf32>,
      %add3A_790 = arith.addf %add3A_742, %get3A_789 : vector<16xf32>
      %add3A_791 = arith.constant 1 : i32
      %add3A_792 = arith.addi %mul3A_700, %add3A_791 : i32
      %get3A_793 = arith.index_cast %add3A_792 : i32 to index
      %get3A_794 = arith.constant 496 : index
      %get3A_795 = tpu.vector_load %arg11[%get3A_793, %get3A_794] {strides = array<i32>} : memref<96x512xf32, #tpu.memory_space<vmem>>, vector<16xf32>,
      %add3A_796 = arith.addf %add3A_748, %get3A_795 : vector<16xf32>
      %add3A_797 = arith.constant 2 : i32
      %add3A_798 = arith.addi %mul3A_700, %add3A_797 : i32
      %get3A_799 = arith.index_cast %add3A_798 : i32 to index
      %get3A_800 = arith.constant 384 : index
      %get3A_801 = tpu.vector_load %arg11[%get3A_799, %get3A_800] {strides = array<i32>} : memref<96x512xf32, #tpu.memory_space<vmem>>, vector<16xf32>,
      %add3A_802 = arith.addf %add3A_754, %get3A_801 : vector<16xf32>
      %add3A_803 = arith.constant 2 : i32
      %add3A_804 = arith.addi %mul3A_700, %add3A_803 : i32
      %get3A_805 = arith.index_cast %add3A_804 : i32 to index
      %get3A_806 = arith.constant 400 : index
      %get3A_807 = tpu.vector_load %arg11[%get3A_805, %get3A_806] {strides = array<i32>} : memref<96x512xf32, #tpu.memory_space<vmem>>, vector<16xf32>,
      %add3A_808 = arith.addf %add3A_760, %get3A_807 : vector<16xf32>
      %add3A_809 = arith.constant 2 : i32
      %add3A_810 = arith.addi %mul3A_700, %add3A_809 : i32
      %get3A_811 = arith.index_cast %add3A_810 : i32 to index
      %get3A_812 = arith.constant 416 : index
      %get3A_813 = tpu.vector_load %arg11[%get3A_811, %get3A_812] {strides = array<i32>} : memref<96x512xf32, #tpu.memory_space<vmem>>, vector<16xf32>,
      %add3A_814 = arith.addf %add3A_766, %get3A_813 : vector<16xf32>
      %add3A_815 = arith.constant 2 : i32
      %add3A_816 = arith.addi %mul3A_700, %add3A_815 : i32
      %get3A_817 = arith.index_cast %add3A_816 : i32 to index
      %get3A_818 = arith.constant 432 : index
      %get3A_819 = tpu.vector_load %arg11[%get3A_817, %get3A_818] {strides = array<i32>} : memref<96x512xf32, #tpu.memory_space<vmem>>, vector<16xf32>,
      %add3A_820 = arith.addf %add3A_772, %get3A_819 : vector<16xf32>
      %add3A_821 = arith.constant 2 : i32
      %add3A_822 = arith.addi %mul3A_700, %add3A_821 : i32
      %get3A_823 = arith.index_cast %add3A_822 : i32 to index
      %get3A_824 = arith.constant 448 : index
      %get3A_825 = tpu.vector_load %arg11[%get3A_823, %get3A_824] {strides = array<i32>} : memref<96x512xf32, #tpu.memory_space<vmem>>, vector<16xf32>,
      %add3A_826 = arith.addf %add3A_778, %get3A_825 : vector<16xf32>
      %add3A_827 = arith.constant 2 : i32
      %add3A_828 = arith.addi %mul3A_700, %add3A_827 : i32
      %get3A_829 = arith.index_cast %add3A_828 : i32 to index
      %get3A_830 = arith.constant 464 : index
      %get3A_831 = tpu.vector_load %arg11[%get3A_829, %get3A_830] {strides = array<i32>} : memref<96x512xf32, #tpu.memory_space<vmem>>, vector<16xf32>,
      %add3A_832 = arith.addf %add3A_784, %get3A_831 : vector<16xf32>
      %add3A_833 = arith.constant 2 : i32
      %add3A_834 = arith.addi %mul3A_700, %add3A_833 : i32
      %get3A_835 = arith.index_cast %add3A_834 : i32 to index
      %get3A_836 = arith.constant 480 : index
      %get3A_837 = tpu.vector_load %arg11[%get3A_835, %get3A_836] {strides = array<i32>} : memref<96x512xf32, #tpu.memory_space<vmem>>, vector<16xf32>,
      %add3A_838 = arith.addf %add3A_790, %get3A_837 : vector<16xf32>
      %add3A_839 = arith.constant 2 : i32
      %add3A_840 = arith.addi %mul3A_700, %add3A_839 : i32
      %get3A_841 = arith.index_cast %add3A_840 : i32 to index
      %get3A_842 = arith.constant 496 : index
      %get3A_843 = tpu.vector_load %arg11[%get3A_841, %get3A_842] {strides = array<i32>} : memref<96x512xf32, #tpu.memory_space<vmem>>, vector<16xf32>,
      %add3A_844 = arith.addf %add3A_796, %get3A_843 : vector<16xf32>
      %add3A_845 = arith.constant 3 : i32
      %add3A_846 = arith.addi %mul3A_700, %add3A_845 : i32
      %get3A_847 = arith.index_cast %add3A_846 : i32 to index
      %get3A_848 = arith.constant 384 : index
      %get3A_849 = tpu.vector_load %arg11[%get3A_847, %get3A_848] {strides = array<i32>} : memref<96x512xf32, #tpu.memory_space<vmem>>, vector<16xf32>,
      %add3A_850 = arith.addf %add3A_802, %get3A_849 : vector<16xf32>
      %add3A_851 = arith.constant 3 : i32
      %add3A_852 = arith.addi %mul3A_700, %add3A_851 : i32
      %get3A_853 = arith.index_cast %add3A_852 : i32 to index
      %get3A_854 = arith.constant 400 : index
      %get3A_855 = tpu.vector_load %arg11[%get3A_853, %get3A_854] {strides = array<i32>} : memref<96x512xf32, #tpu.memory_space<vmem>>, vector<16xf32>,
      %add3A_856 = arith.addf %add3A_808, %get3A_855 : vector<16xf32>
      %add3A_857 = arith.constant 3 : i32
      %add3A_858 = arith.addi %mul3A_700, %add3A_857 : i32
      %get3A_859 = arith.index_cast %add3A_858 : i32 to index
      %get3A_860 = arith.constant 416 : index
      %get3A_861 = tpu.vector_load %arg11[%get3A_859, %get3A_860] {strides = array<i32>} : memref<96x512xf32, #tpu.memory_space<vmem>>, vector<16xf32>,
      %add3A_862 = arith.addf %add3A_814, %get3A_861 : vector<16xf32>
      %add3A_863 = arith.constant 3 : i32
      %add3A_864 = arith.addi %mul3A_700, %add3A_863 : i32
      %get3A_865 = arith.index_cast %add3A_864 : i32 to index
      %get3A_866 = arith.constant 432 : index
      %get3A_867 = tpu.vector_load %arg11[%get3A_865, %get3A_866] {strides = array<i32>} : memref<96x512xf32, #tpu.memory_space<vmem>>, vector<16xf32>,
      %add3A_868 = arith.addf %add3A_820, %get3A_867 : vector<16xf32>
      %add3A_869 = arith.constant 3 : i32
      %add3A_870 = arith.addi %mul3A_700, %add3A_869 : i32
      %get3A_871 = arith.index_cast %add3A_870 : i32 to index
      %get3A_872 = arith.constant 448 : index
      %get3A_873 = tpu.vector_load %arg11[%get3A_871, %get3A_872] {strides = array<i32>} : memref<96x512xf32, #tpu.memory_space<vmem>>, vector<16xf32>,
      %add3A_874 = arith.addf %add3A_826, %get3A_873 : vector<16xf32>
      %add3A_875 = arith.constant 3 : i32
      %add3A_876 = arith.addi %mul3A_700, %add3A_875 : i32
      %get3A_877 = arith.index_cast %add3A_876 : i32 to index
      %get3A_878 = arith.constant 464 : index
      %get3A_879 = tpu.vector_load %arg11[%get3A_877, %get3A_878] {strides = array<i32>} : memref<96x512xf32, #tpu.memory_space<vmem>>, vector<16xf32>,
      %add3A_880 = arith.addf %add3A_832, %get3A_879 : vector<16xf32>
      %add3A_881 = arith.constant 3 : i32
      %add3A_882 = arith.addi %mul3A_700, %add3A_881 : i32
      %get3A_883 = arith.index_cast %add3A_882 : i32 to index
      %get3A_884 = arith.constant 480 : index
      %get3A_885 = tpu.vector_load %arg11[%get3A_883, %get3A_884] {strides = array<i32>} : memref<96x512xf32, #tpu.memory_space<vmem>>, vector<16xf32>,
      %add3A_886 = arith.addf %add3A_838, %get3A_885 : vector<16xf32>
      %add3A_887 = arith.constant 3 : i32
      %add3A_888 = arith.addi %mul3A_700, %add3A_887 : i32
      %get3A_889 = arith.index_cast %add3A_888 : i32 to index
      %get3A_890 = arith.constant 496 : index
      %get3A_891 = tpu.vector_load %arg11[%get3A_889, %get3A_890] {strides = array<i32>} : memref<96x512xf32, #tpu.memory_space<vmem>>, vector<16xf32>,
      %add3A_892 = arith.addf %add3A_844, %get3A_891 : vector<16xf32>
      scf.yield %add3A_850, %add3A_856, %add3A_862, %add3A_868, %add3A_874, %add3A_880, %add3A_886, %add3A_892 : vector<16xf32>, vector<16xf32>, vector<16xf32>, vector<16xf32>, vector<16xf32>, vector<16xf32>, vector<16xf32>, vector<16xf32>
    }
    %scan3A_242 = arith.constant 24 : i32
    %get3A_243 = arith.constant 192 : index
    %get3A_244 = tpu.vector_load %arg10[%get3A_243] {strides = array<i32>} : memref<256xf32, #tpu.memory_space<vmem>>, vector<16xf32>,
    %ge3A_245 = arith.cmpf oge, %get3A_244, %get3A_31 : vector<16xf32>
    %lt3A_246 = arith.cmpf olt, %get3A_244, %get3A_35 : vector<16xf32>
    %and3A_247 = arith.andi %ge3A_245, %lt3A_246 : vector<16xi1>
    %get3A_248 = arith.constant 0 : index
    %get3A_249 = tpu.vector_load %arg9[%get3A_248] {strides = array<i32>} : memref<64xi32, #tpu.memory_space<vmem>>, vector<16xi32>,
    %select_n3A_250 = arith.select %and3A_247, %get3A_249, %broadcast_in_dim3A_36 : vector<16xi1>, vector<16xi32>
    %swap3A_251 = arith.constant 0 : index
    %swap3A_252 = tpu.vector_load %arg9[%swap3A_251] {strides = array<i32>} : memref<64xi32, #tpu.memory_space<vmem>>, vector<16xi32>,
    tpu.vector_store %arg9[%swap3A_251], %select_n3A_250 {strides = array<i32>} : memref<64xi32, #tpu.memory_space<vmem>>, vector<16xi32>,
    %not3A_253 = arith.constant dense<true> : vector<16xi1>
    %not3A_254 = arith.xori %and3A_247, %not3A_253 : vector<16xi1>
    %all_reduce_population_count3A_255 = tpu.all_reduce %not3A_254 {dim = 0 : i64, kind = #tpu.reduction_kind<sum>} : vector<16xi1> -> vector<16xi32>
    %add3A_256 = arith.addi %add3A_207, %all_reduce_population_count3A_255 : vector<16xi32>
    %get3A_257 = arith.constant 208 : index
    %get3A_258 = tpu.vector_load %arg10[%get3A_257] {strides = array<i32>} : memref<256xf32, #tpu.memory_space<vmem>>, vector<16xf32>,
    %ge3A_259 = arith.cmpf oge, %get3A_258, %get3A_31 : vector<16xf32>
    %lt3A_260 = arith.cmpf olt, %get3A_258, %get3A_35 : vector<16xf32>
    %and3A_261 = arith.andi %ge3A_259, %lt3A_260 : vector<16xi1>
    %get3A_262 = arith.constant 16 : index
    %get3A_263 = tpu.vector_load %arg9[%get3A_262] {strides = array<i32>} : memref<64xi32, #tpu.memory_space<vmem>>, vector<16xi32>,
    %select_n3A_264 = arith.select %and3A_261, %get3A_263, %broadcast_in_dim3A_36 : vector<16xi1>, vector<16xi32>
    %swap3A_265 = arith.constant 16 : index
    %swap3A_266 = tpu.vector_load %arg9[%swap3A_265] {strides = array<i32>} : memref<64xi32, #tpu.memory_space<vmem>>, vector<16xi32>,
    tpu.vector_store %arg9[%swap3A_265], %select_n3A_264 {strides = array<i32>} : memref<64xi32, #tpu.memory_space<vmem>>, vector<16xi32>,
    %not3A_267 = arith.constant dense<true> : vector<16xi1>
    %not3A_268 = arith.xori %and3A_261, %not3A_267 : vector<16xi1>
    %all_reduce_population_count3A_269 = tpu.all_reduce %not3A_268 {dim = 0 : i64, kind = #tpu.reduction_kind<sum>} : vector<16xi1> -> vector<16xi32>
    %add3A_270 = arith.addi %add3A_256, %all_reduce_population_count3A_269 : vector<16xi32>
    %get3A_271 = arith.constant 224 : index
    %get3A_272 = tpu.vector_load %arg10[%get3A_271] {strides = array<i32>} : memref<256xf32, #tpu.memory_space<vmem>>, vector<16xf32>,
    %ge3A_273 = arith.cmpf oge, %get3A_272, %get3A_31 : vector<16xf32>
    %lt3A_274 = arith.cmpf olt, %get3A_272, %get3A_35 : vector<16xf32>
    %and3A_275 = arith.andi %ge3A_273, %lt3A_274 : vector<16xi1>
    %get3A_276 = arith.constant 32 : index
    %get3A_277 = tpu.vector_load %arg9[%get3A_276] {strides = array<i32>} : memref<64xi32, #tpu.memory_space<vmem>>, vector<16xi32>,
    %select_n3A_278 = arith.select %and3A_275, %get3A_277, %broadcast_in_dim3A_36 : vector<16xi1>, vector<16xi32>
    %swap3A_279 = arith.constant 32 : index
    %swap3A_280 = tpu.vector_load %arg9[%swap3A_279] {strides = array<i32>} : memref<64xi32, #tpu.memory_space<vmem>>, vector<16xi32>,
    tpu.vector_store %arg9[%swap3A_279], %select_n3A_278 {strides = array<i32>} : memref<64xi32, #tpu.memory_space<vmem>>, vector<16xi32>,
    %not3A_281 = arith.constant dense<true> : vector<16xi1>
    %not3A_282 = arith.xori %and3A_275, %not3A_281 : vector<16xi1>
    %all_reduce_population_count3A_283 = tpu.all_reduce %not3A_282 {dim = 0 : i64, kind = #tpu.reduction_kind<sum>} : vector<16xi1> -> vector<16xi32>
    %add3A_284 = arith.addi %add3A_270, %all_reduce_population_count3A_283 : vector<16xi32>
    %get3A_285 = arith.constant 240 : index
    %get3A_286 = tpu.vector_load %arg10[%get3A_285] {strides = array<i32>} : memref<256xf32, #tpu.memory_space<vmem>>, vector<16xf32>,
    %ge3A_287 = arith.cmpf oge, %get3A_286, %get3A_31 : vector<16xf32>
    %lt3A_288 = arith.cmpf olt, %get3A_286, %get3A_35 : vector<16xf32>
    %and3A_289 = arith.andi %ge3A_287, %lt3A_288 : vector<16xi1>
    %get3A_290 = arith.constant 48 : index
    %get3A_291 = tpu.vector_load %arg9[%get3A_290] {strides = array<i32>} : memref<64xi32, #tpu.memory_space<vmem>>, vector<16xi32>,
    %select_n3A_292 = arith.select %and3A_289, %get3A_291, %broadcast_in_dim3A_36 : vector<16xi1>, vector<16xi32>
    %swap3A_293 = arith.constant 48 : index
    %swap3A_294 = tpu.vector_load %arg9[%swap3A_293] {strides = array<i32>} : memref<64xi32, #tpu.memory_space<vmem>>, vector<16xi32>,
    tpu.vector_store %arg9[%swap3A_293], %select_n3A_292 {strides = array<i32>} : memref<64xi32, #tpu.memory_space<vmem>>, vector<16xi32>,
    %not3A_295 = arith.constant dense<true> : vector<16xi1>
    %not3A_296 = arith.xori %and3A_289, %not3A_295 : vector<16xi1>
    %all_reduce_population_count3A_297 = tpu.all_reduce %not3A_296 {dim = 0 : i64, kind = #tpu.reduction_kind<sum>} : vector<16xi1> -> vector<16xi32>
    %add3A_298 = arith.addi %add3A_284, %all_reduce_population_count3A_297 : vector<16xi32>
    %dma_start3A_299 = arith.constant 0 : i32
    %dma_start3A_300 = arith.constant 0 : i32
    %dma_start3A_301 = tpu.memref_slice %arg11[%dma_start3A_299, %dma_start3A_300] : memref<96x512xf32, #tpu.memory_space<vmem>> -> memref<64x512xf32, #tpu.memory_space<vmem>>
    %dma_start3A_302 = arith.constant 0 : i32
    %dma_start3A_303 = arith.constant 0 : i32
    %dma_start3A_304 = tpu.memref_slice %arg2[%dma_start3A_302, %dma_start3A_303] : memref<50000x512xf32, #tpu.memory_space<hbm>> -> memref<50000x512xf32, #tpu.memory_space<hbm>>
    tpu.enqueue_indirect_dma source(%dma_start3A_304 : memref<50000x512xf32, #tpu.memory_space<hbm>>) target(%dma_start3A_301 : memref<64x512xf32, #tpu.memory_space<vmem>>) offsets(%arg9 : memref<64xi32, #tpu.memory_space<vmem>>) semaphore(%arg16 : memref<!tpu.dma_semaphore, #tpu.memory_space<semaphore_mem>>)
    %dma_wait3A_305 = arith.constant 0 : i32
    %dma_wait3A_306 = arith.constant 0 : i32
    %dma_wait3A_307 = tpu.memref_slice %arg12[%dma_wait3A_305, %dma_wait3A_306] : memref<96x512xf32, #tpu.memory_space<vmem>> -> memref<96x512xf32, #tpu.memory_space<vmem>>
    %dma_wait3A_308 = arith.constant 0 : i32
    %dma_wait3A_309 = arith.constant 0 : i32
    %dma_wait3A_310 = tpu.memref_slice %arg2[%dma_wait3A_308, %dma_wait3A_309] : memref<50000x512xf32, #tpu.memory_space<hbm>> -> memref<50000x512xf32, #tpu.memory_space<hbm>>
    tpu.wait_indirect_dma semaphore(%arg17 : memref<!tpu.dma_semaphore, #tpu.memory_space<semaphore_mem>>) src(%dma_wait3A_310 : memref<50000x512xf32, #tpu.memory_space<hbm>>) dst(%dma_wait3A_307 : memref<96x512xf32, #tpu.memory_space<vmem>>)
    %scan3A_311 = arith.constant 0 : i32
    %scan3A_312 = arith.constant 24 : i32
    %scan3A_313 = arith.addi %scan3A_311, %scan3A_312 : i32
    %scan3A_314 = arith.constant 1 : i32
    %scan3A_315:8 = scf.for %scan3A_690 = %scan3A_311 to %scan3A_313 step %scan3A_314 iter_args(%scan3A_691 = %scan3A_223#0, %scan3A_692 = %scan3A_223#1, %scan3A_693 = %scan3A_223#2, %scan3A_694 = %scan3A_223#3, %scan3A_695 = %scan3A_223#4, %scan3A_696 = %scan3A_223#5, %scan3A_697 = %scan3A_223#6, %scan3A_698 = %scan3A_223#7) -> (vector<16xf32>, vector<16xf32>, vector<16xf32>, vector<16xf32>, vector<16xf32>, vector<16xf32>, vector<16xf32>, vector<16xf32>)  : i32 {
      %mul3A_699 = arith.constant 4 : i32
      %mul3A_700 = arith.muli %scan3A_690, %mul3A_699 : i32
      %add3A_701 = arith.constant 0 : i32
      %add3A_702 = arith.addi %mul3A_700, %add3A_701 : i32
      %get3A_703 = arith.index_cast %add3A_702 : i32 to index
      %get3A_704 = arith.constant 0 : index
      %get3A_705 = tpu.vector_load %arg12[%get3A_703, %get3A_704] {strides = array<i32>} : memref<96x512xf32, #tpu.memory_space<vmem>>, vector<16xf32>,
      %add3A_706 = arith.addf %scan3A_691, %get3A_705 : vector<16xf32>
      %add3A_707 = arith.constant 0 : i32
      %add3A_708 = arith.addi %mul3A_700, %add3A_707 : i32
      %get3A_709 = arith.index_cast %add3A_708 : i32 to index
      %get3A_710 = arith.constant 16 : index
      %get3A_711 = tpu.vector_load %arg12[%get3A_709, %get3A_710] {strides = array<i32>} : memref<96x512xf32, #tpu.memory_space<vmem>>, vector<16xf32>,
      %add3A_712 = arith.addf %scan3A_692, %get3A_711 : vector<16xf32>
      %add3A_713 = arith.constant 0 : i32
      %add3A_714 = arith.addi %mul3A_700, %add3A_713 : i32
      %get3A_715 = arith.index_cast %add3A_714 : i32 to index
      %get3A_716 = arith.constant 32 : index
      %get3A_717 = tpu.vector_load %arg12[%get3A_715, %get3A_716] {strides = array<i32>} : memref<96x512xf32, #tpu.memory_space<vmem>>, vector<16xf32>,
      %add3A_718 = arith.addf %scan3A_693, %get3A_717 : vector<16xf32>
      %add3A_719 = arith.constant 0 : i32
      %add3A_720 = arith.addi %mul3A_700, %add3A_719 : i32
      %get3A_721 = arith.index_cast %add3A_720 : i32 to index
      %get3A_722 = arith.constant 48 : index
      %get3A_723 = tpu.vector_load %arg12[%get3A_721, %get3A_722] {strides = array<i32>} : memref<96x512xf32, #tpu.memory_space<vmem>>, vector<16xf32>,
      %add3A_724 = arith.addf %scan3A_694, %get3A_723 : vector<16xf32>
      %add3A_725 = arith.constant 0 : i32
      %add3A_726 = arith.addi %mul3A_700, %add3A_725 : i32
      %get3A_727 = arith.index_cast %add3A_726 : i32 to index
      %get3A_728 = arith.constant 64 : index
      %get3A_729 = tpu.vector_load %arg12[%get3A_727, %get3A_728] {strides = array<i32>} : memref<96x512xf32, #tpu.memory_space<vmem>>, vector<16xf32>,
      %add3A_730 = arith.addf %scan3A_695, %get3A_729 : vector<16xf32>
      %add3A_731 = arith.constant 0 : i32
      %add3A_732 = arith.addi %mul3A_700, %add3A_731 : i32
      %get3A_733 = arith.index_cast %add3A_732 : i32 to index
      %get3A_734 = arith.constant 80 : index
      %get3A_735 = tpu.vector_load %arg12[%get3A_733, %get3A_734] {strides = array<i32>} : memref<96x512xf32, #tpu.memory_space<vmem>>, vector<16xf32>,
      %add3A_736 = arith.addf %scan3A_696, %get3A_735 : vector<16xf32>
      %add3A_737 = arith.constant 0 : i32
      %add3A_738 = arith.addi %mul3A_700, %add3A_737 : i32
      %get3A_739 = arith.index_cast %add3A_738 : i32 to index
      %get3A_740 = arith.constant 96 : index
      %get3A_741 = tpu.vector_load %arg12[%get3A_739, %get3A_740] {strides = array<i32>} : memref<96x512xf32, #tpu.memory_space<vmem>>, vector<16xf32>,
      %add3A_742 = arith.addf %scan3A_697, %get3A_741 : vector<16xf32>
      %add3A_743 = arith.constant 0 : i32
      %add3A_744 = arith.addi %mul3A_700, %add3A_743 : i32
      %get3A_745 = arith.index_cast %add3A_744 : i32 to index
      %get3A_746 = arith.constant 112 : index
      %get3A_747 = tpu.vector_load %arg12[%get3A_745, %get3A_746] {strides = array<i32>} : memref<96x512xf32, #tpu.memory_space<vmem>>, vector<16xf32>,
      %add3A_748 = arith.addf %scan3A_698, %get3A_747 : vector<16xf32>
      %add3A_749 = arith.constant 1 : i32
      %add3A_750 = arith.addi %mul3A_700, %add3A_749 : i32
      %get3A_751 = arith.index_cast %add3A_750 : i32 to index
      %get3A_752 = arith.constant 0 : index
      %get3A_753 = tpu.vector_load %arg12[%get3A_751, %get3A_752] {strides = array<i32>} : memref<96x512xf32, #tpu.memory_space<vmem>>, vector<16xf32>,
      %add3A_754 = arith.addf %add3A_706, %get3A_753 : vector<16xf32>
      %add3A_755 = arith.constant 1 : i32
      %add3A_756 = arith.addi %mul3A_700, %add3A_755 : i32
      %get3A_757 = arith.index_cast %add3A_756 : i32 to index
      %get3A_758 = arith.constant 16 : index
      %get3A_759 = tpu.vector_load %arg12[%get3A_757, %get3A_758] {strides = array<i32>} : memref<96x512xf32, #tpu.memory_space<vmem>>, vector<16xf32>,
      %add3A_760 = arith.addf %add3A_712, %get3A_759 : vector<16xf32>
      %add3A_761 = arith.constant 1 : i32
      %add3A_762 = arith.addi %mul3A_700, %add3A_761 : i32
      %get3A_763 = arith.index_cast %add3A_762 : i32 to index
      %get3A_764 = arith.constant 32 : index
      %get3A_765 = tpu.vector_load %arg12[%get3A_763, %get3A_764] {strides = array<i32>} : memref<96x512xf32, #tpu.memory_space<vmem>>, vector<16xf32>,
      %add3A_766 = arith.addf %add3A_718, %get3A_765 : vector<16xf32>
      %add3A_767 = arith.constant 1 : i32
      %add3A_768 = arith.addi %mul3A_700, %add3A_767 : i32
      %get3A_769 = arith.index_cast %add3A_768 : i32 to index
      %get3A_770 = arith.constant 48 : index
      %get3A_771 = tpu.vector_load %arg12[%get3A_769, %get3A_770] {strides = array<i32>} : memref<96x512xf32, #tpu.memory_space<vmem>>, vector<16xf32>,
      %add3A_772 = arith.addf %add3A_724, %get3A_771 : vector<16xf32>
      %add3A_773 = arith.constant 1 : i32
      %add3A_774 = arith.addi %mul3A_700, %add3A_773 : i32
      %get3A_775 = arith.index_cast %add3A_774 : i32 to index
      %get3A_776 = arith.constant 64 : index
      %get3A_777 = tpu.vector_load %arg12[%get3A_775, %get3A_776] {strides = array<i32>} : memref<96x512xf32, #tpu.memory_space<vmem>>, vector<16xf32>,
      %add3A_778 = arith.addf %add3A_730, %get3A_777 : vector<16xf32>
      %add3A_779 = arith.constant 1 : i32
      %add3A_780 = arith.addi %mul3A_700, %add3A_779 : i32
      %get3A_781 = arith.index_cast %add3A_780 : i32 to index
      %get3A_782 = arith.constant 80 : index
      %get3A_783 = tpu.vector_load %arg12[%get3A_781, %get3A_782] {strides = array<i32>} : memref<96x512xf32, #tpu.memory_space<vmem>>, vector<16xf32>,
      %add3A_784 = arith.addf %add3A_736, %get3A_783 : vector<16xf32>
      %add3A_785 = arith.constant 1 : i32
      %add3A_786 = arith.addi %mul3A_700, %add3A_785 : i32
      %get3A_787 = arith.index_cast %add3A_786 : i32 to index
      %get3A_788 = arith.constant 96 : index
      %get3A_789 = tpu.vector_load %arg12[%get3A_787, %get3A_788] {strides = array<i32>} : memref<96x512xf32, #tpu.memory_space<vmem>>, vector<16xf32>,
      %add3A_790 = arith.addf %add3A_742, %get3A_789 : vector<16xf32>
      %add3A_791 = arith.constant 1 : i32
      %add3A_792 = arith.addi %mul3A_700, %add3A_791 : i32
      %get3A_793 = arith.index_cast %add3A_792 : i32 to index
      %get3A_794 = arith.constant 112 : index
      %get3A_795 = tpu.vector_load %arg12[%get3A_793, %get3A_794] {strides = array<i32>} : memref<96x512xf32, #tpu.memory_space<vmem>>, vector<16xf32>,
      %add3A_796 = arith.addf %add3A_748, %get3A_795 : vector<16xf32>
      %add3A_797 = arith.constant 2 : i32
      %add3A_798 = arith.addi %mul3A_700, %add3A_797 : i32
      %get3A_799 = arith.index_cast %add3A_798 : i32 to index
      %get3A_800 = arith.constant 0 : index
      %get3A_801 = tpu.vector_load %arg12[%get3A_799, %get3A_800] {strides = array<i32>} : memref<96x512xf32, #tpu.memory_space<vmem>>, vector<16xf32>,
      %add3A_802 = arith.addf %add3A_754, %get3A_801 : vector<16xf32>
      %add3A_803 = arith.constant 2 : i32
      %add3A_804 = arith.addi %mul3A_700, %add3A_803 : i32
      %get3A_805 = arith.index_cast %add3A_804 : i32 to index
      %get3A_806 = arith.constant 16 : index
      %get3A_807 = tpu.vector_load %arg12[%get3A_805, %get3A_806] {strides = array<i32>} : memref<96x512xf32, #tpu.memory_space<vmem>>, vector<16xf32>,
      %add3A_808 = arith.addf %add3A_760, %get3A_807 : vector<16xf32>
      %add3A_809 = arith.constant 2 : i32
      %add3A_810 = arith.addi %mul3A_700, %add3A_809 : i32
      %get3A_811 = arith.index_cast %add3A_810 : i32 to index
      %get3A_812 = arith.constant 32 : index
      %get3A_813 = tpu.vector_load %arg12[%get3A_811, %get3A_812] {strides = array<i32>} : memref<96x512xf32, #tpu.memory_space<vmem>>, vector<16xf32>,
      %add3A_814 = arith.addf %add3A_766, %get3A_813 : vector<16xf32>
      %add3A_815 = arith.constant 2 : i32
      %add3A_816 = arith.addi %mul3A_700, %add3A_815 : i32
      %get3A_817 = arith.index_cast %add3A_816 : i32 to index
      %get3A_818 = arith.constant 48 : index
      %get3A_819 = tpu.vector_load %arg12[%get3A_817, %get3A_818] {strides = array<i32>} : memref<96x512xf32, #tpu.memory_space<vmem>>, vector<16xf32>,
      %add3A_820 = arith.addf %add3A_772, %get3A_819 : vector<16xf32>
      %add3A_821 = arith.constant 2 : i32
      %add3A_822 = arith.addi %mul3A_700, %add3A_821 : i32
      %get3A_823 = arith.index_cast %add3A_822 : i32 to index
      %get3A_824 = arith.constant 64 : index
      %get3A_825 = tpu.vector_load %arg12[%get3A_823, %get3A_824] {strides = array<i32>} : memref<96x512xf32, #tpu.memory_space<vmem>>, vector<16xf32>,
      %add3A_826 = arith.addf %add3A_778, %get3A_825 : vector<16xf32>
      %add3A_827 = arith.constant 2 : i32
      %add3A_828 = arith.addi %mul3A_700, %add3A_827 : i32
      %get3A_829 = arith.index_cast %add3A_828 : i32 to index
      %get3A_830 = arith.constant 80 : index
      %get3A_831 = tpu.vector_load %arg12[%get3A_829, %get3A_830] {strides = array<i32>} : memref<96x512xf32, #tpu.memory_space<vmem>>, vector<16xf32>,
      %add3A_832 = arith.addf %add3A_784, %get3A_831 : vector<16xf32>
      %add3A_833 = arith.constant 2 : i32
      %add3A_834 = arith.addi %mul3A_700, %add3A_833 : i32
      %get3A_835 = arith.index_cast %add3A_834 : i32 to index
      %get3A_836 = arith.constant 96 : index
      %get3A_837 = tpu.vector_load %arg12[%get3A_835, %get3A_836] {strides = array<i32>} : memref<96x512xf32, #tpu.memory_space<vmem>>, vector<16xf32>,
      %add3A_838 = arith.addf %add3A_790, %get3A_837 : vector<16xf32>
      %add3A_839 = arith.constant 2 : i32
      %add3A_840 = arith.addi %mul3A_700, %add3A_839 : i32
      %get3A_841 = arith.index_cast %add3A_840 : i32 to index
      %get3A_842 = arith.constant 112 : index
      %get3A_843 = tpu.vector_load %arg12[%get3A_841, %get3A_842] {strides = array<i32>} : memref<96x512xf32, #tpu.memory_space<vmem>>, vector<16xf32>,
      %add3A_844 = arith.addf %add3A_796, %get3A_843 : vector<16xf32>
      %add3A_845 = arith.constant 3 : i32
      %add3A_846 = arith.addi %mul3A_700, %add3A_845 : i32
      %get3A_847 = arith.index_cast %add3A_846 : i32 to index
      %get3A_848 = arith.constant 0 : index
      %get3A_849 = tpu.vector_load %arg12[%get3A_847, %get3A_848] {strides = array<i32>} : memref<96x512xf32, #tpu.memory_space<vmem>>, vector<16xf32>,
      %add3A_850 = arith.addf %add3A_802, %get3A_849 : vector<16xf32>
      %add3A_851 = arith.constant 3 : i32
      %add3A_852 = arith.addi %mul3A_700, %add3A_851 : i32
      %get3A_853 = arith.index_cast %add3A_852 : i32 to index
      %get3A_854 = arith.constant 16 : index
      %get3A_855 = tpu.vector_load %arg12[%get3A_853, %get3A_854] {strides = array<i32>} : memref<96x512xf32, #tpu.memory_space<vmem>>, vector<16xf32>,
      %add3A_856 = arith.addf %add3A_808, %get3A_855 : vector<16xf32>
      %add3A_857 = arith.constant 3 : i32
      %add3A_858 = arith.addi %mul3A_700, %add3A_857 : i32
      %get3A_859 = arith.index_cast %add3A_858 : i32 to index
      %get3A_860 = arith.constant 32 : index
      %get3A_861 = tpu.vector_load %arg12[%get3A_859, %get3A_860] {strides = array<i32>} : memref<96x512xf32, #tpu.memory_space<vmem>>, vector<16xf32>,
      %add3A_862 = arith.addf %add3A_814, %get3A_861 : vector<16xf32>
      %add3A_863 = arith.constant 3 : i32
      %add3A_864 = arith.addi %mul3A_700, %add3A_863 : i32
      %get3A_865 = arith.index_cast %add3A_864 : i32 to index
      %get3A_866 = arith.constant 48 : index
      %get3A_867 = tpu.vector_load %arg12[%get3A_865, %get3A_866] {strides = array<i32>} : memref<96x512xf32, #tpu.memory_space<vmem>>, vector<16xf32>,
      %add3A_868 = arith.addf %add3A_820, %get3A_867 : vector<16xf32>
      %add3A_869 = arith.constant 3 : i32
      %add3A_870 = arith.addi %mul3A_700, %add3A_869 : i32
      %get3A_871 = arith.index_cast %add3A_870 : i32 to index
      %get3A_872 = arith.constant 64 : index
      %get3A_873 = tpu.vector_load %arg12[%get3A_871, %get3A_872] {strides = array<i32>} : memref<96x512xf32, #tpu.memory_space<vmem>>, vector<16xf32>,
      %add3A_874 = arith.addf %add3A_826, %get3A_873 : vector<16xf32>
      %add3A_875 = arith.constant 3 : i32
      %add3A_876 = arith.addi %mul3A_700, %add3A_875 : i32
      %get3A_877 = arith.index_cast %add3A_876 : i32 to index
      %get3A_878 = arith.constant 80 : index
      %get3A_879 = tpu.vector_load %arg12[%get3A_877, %get3A_878] {strides = array<i32>} : memref<96x512xf32, #tpu.memory_space<vmem>>, vector<16xf32>,
      %add3A_880 = arith.addf %add3A_832, %get3A_879 : vector<16xf32>
      %add3A_881 = arith.constant 3 : i32
      %add3A_882 = arith.addi %mul3A_700, %add3A_881 : i32
      %get3A_883 = arith.index_cast %add3A_882 : i32 to index
      %get3A_884 = arith.constant 96 : index
      %get3A_885 = tpu.vector_load %arg12[%get3A_883, %get3A_884] {strides = array<i32>} : memref<96x512xf32, #tpu.memory_space<vmem>>, vector<16xf32>,
      %add3A_886 = arith.addf %add3A_838, %get3A_885 : vector<16xf32>
      %add3A_887 = arith.constant 3 : i32
      %add3A_888 = arith.addi %mul3A_700, %add3A_887 : i32
      %get3A_889 = arith.index_cast %add3A_888 : i32 to index
      %get3A_890 = arith.constant 112 : index
      %get3A_891 = tpu.vector_load %arg12[%get3A_889, %get3A_890] {strides = array<i32>} : memref<96x512xf32, #tpu.memory_space<vmem>>, vector<16xf32>,
      %add3A_892 = arith.addf %add3A_844, %get3A_891 : vector<16xf32>
      scf.yield %add3A_850, %add3A_856, %add3A_862, %add3A_868, %add3A_874, %add3A_880, %add3A_886, %add3A_892 : vector<16xf32>, vector<16xf32>, vector<16xf32>, vector<16xf32>, vector<16xf32>, vector<16xf32>, vector<16xf32>, vector<16xf32>
    }
    %scan3A_316 = arith.constant 24 : i32
    %scan3A_317 = arith.constant 0 : i32
    %scan3A_318 = arith.constant 24 : i32
    %scan3A_319 = arith.addi %scan3A_317, %scan3A_318 : i32
    %scan3A_320 = arith.constant 1 : i32
    %scan3A_321:8 = scf.for %scan3A_690 = %scan3A_317 to %scan3A_319 step %scan3A_320 iter_args(%scan3A_691 = %scan3A_229#0, %scan3A_692 = %scan3A_229#1, %scan3A_693 = %scan3A_229#2, %scan3A_694 = %scan3A_229#3, %scan3A_695 = %scan3A_229#4, %scan3A_696 = %scan3A_229#5, %scan3A_697 = %scan3A_229#6, %scan3A_698 = %scan3A_229#7) -> (vector<16xf32>, vector<16xf32>, vector<16xf32>, vector<16xf32>, vector<16xf32>, vector<16xf32>, vector<16xf32>, vector<16xf32>)  : i32 {
      %mul3A_699 = arith.constant 4 : i32
      %mul3A_700 = arith.muli %scan3A_690, %mul3A_699 : i32
      %add3A_701 = arith.constant 0 : i32
      %add3A_702 = arith.addi %mul3A_700, %add3A_701 : i32
      %get3A_703 = arith.index_cast %add3A_702 : i32 to index
      %get3A_704 = arith.constant 128 : index
      %get3A_705 = tpu.vector_load %arg12[%get3A_703, %get3A_704] {strides = array<i32>} : memref<96x512xf32, #tpu.memory_space<vmem>>, vector<16xf32>,
      %add3A_706 = arith.addf %scan3A_691, %get3A_705 : vector<16xf32>
      %add3A_707 = arith.constant 0 : i32
      %add3A_708 = arith.addi %mul3A_700, %add3A_707 : i32
      %get3A_709 = arith.index_cast %add3A_708 : i32 to index
      %get3A_710 = arith.constant 144 : index
      %get3A_711 = tpu.vector_load %arg12[%get3A_709, %get3A_710] {strides = array<i32>} : memref<96x512xf32, #tpu.memory_space<vmem>>, vector<16xf32>,
      %add3A_712 = arith.addf %scan3A_692, %get3A_711 : vector<16xf32>
      %add3A_713 = arith.constant 0 : i32
      %add3A_714 = arith.addi %mul3A_700, %add3A_713 : i32
      %get3A_715 = arith.index_cast %add3A_714 : i32 to index
      %get3A_716 = arith.constant 160 : index
      %get3A_717 = tpu.vector_load %arg12[%get3A_715, %get3A_716] {strides = array<i32>} : memref<96x512xf32, #tpu.memory_space<vmem>>, vector<16xf32>,
      %add3A_718 = arith.addf %scan3A_693, %get3A_717 : vector<16xf32>
      %add3A_719 = arith.constant 0 : i32
      %add3A_720 = arith.addi %mul3A_700, %add3A_719 : i32
      %get3A_721 = arith.index_cast %add3A_720 : i32 to index
      %get3A_722 = arith.constant 176 : index
      %get3A_723 = tpu.vector_load %arg12[%get3A_721, %get3A_722] {strides = array<i32>} : memref<96x512xf32, #tpu.memory_space<vmem>>, vector<16xf32>,
      %add3A_724 = arith.addf %scan3A_694, %get3A_723 : vector<16xf32>
      %add3A_725 = arith.constant 0 : i32
      %add3A_726 = arith.addi %mul3A_700, %add3A_725 : i32
      %get3A_727 = arith.index_cast %add3A_726 : i32 to index
      %get3A_728 = arith.constant 192 : index
      %get3A_729 = tpu.vector_load %arg12[%get3A_727, %get3A_728] {strides = array<i32>} : memref<96x512xf32, #tpu.memory_space<vmem>>, vector<16xf32>,
      %add3A_730 = arith.addf %scan3A_695, %get3A_729 : vector<16xf32>
      %add3A_731 = arith.constant 0 : i32
      %add3A_732 = arith.addi %mul3A_700, %add3A_731 : i32
      %get3A_733 = arith.index_cast %add3A_732 : i32 to index
      %get3A_734 = arith.constant 208 : index
      %get3A_735 = tpu.vector_load %arg12[%get3A_733, %get3A_734] {strides = array<i32>} : memref<96x512xf32, #tpu.memory_space<vmem>>, vector<16xf32>,
      %add3A_736 = arith.addf %scan3A_696, %get3A_735 : vector<16xf32>
      %add3A_737 = arith.constant 0 : i32
      %add3A_738 = arith.addi %mul3A_700, %add3A_737 : i32
      %get3A_739 = arith.index_cast %add3A_738 : i32 to index
      %get3A_740 = arith.constant 224 : index
      %get3A_741 = tpu.vector_load %arg12[%get3A_739, %get3A_740] {strides = array<i32>} : memref<96x512xf32, #tpu.memory_space<vmem>>, vector<16xf32>,
      %add3A_742 = arith.addf %scan3A_697, %get3A_741 : vector<16xf32>
      %add3A_743 = arith.constant 0 : i32
      %add3A_744 = arith.addi %mul3A_700, %add3A_743 : i32
      %get3A_745 = arith.index_cast %add3A_744 : i32 to index
      %get3A_746 = arith.constant 240 : index
      %get3A_747 = tpu.vector_load %arg12[%get3A_745, %get3A_746] {strides = array<i32>} : memref<96x512xf32, #tpu.memory_space<vmem>>, vector<16xf32>,
      %add3A_748 = arith.addf %scan3A_698, %get3A_747 : vector<16xf32>
      %add3A_749 = arith.constant 1 : i32
      %add3A_750 = arith.addi %mul3A_700, %add3A_749 : i32
      %get3A_751 = arith.index_cast %add3A_750 : i32 to index
      %get3A_752 = arith.constant 128 : index
      %get3A_753 = tpu.vector_load %arg12[%get3A_751, %get3A_752] {strides = array<i32>} : memref<96x512xf32, #tpu.memory_space<vmem>>, vector<16xf32>,
      %add3A_754 = arith.addf %add3A_706, %get3A_753 : vector<16xf32>
      %add3A_755 = arith.constant 1 : i32
      %add3A_756 = arith.addi %mul3A_700, %add3A_755 : i32
      %get3A_757 = arith.index_cast %add3A_756 : i32 to index
      %get3A_758 = arith.constant 144 : index
      %get3A_759 = tpu.vector_load %arg12[%get3A_757, %get3A_758] {strides = array<i32>} : memref<96x512xf32, #tpu.memory_space<vmem>>, vector<16xf32>,
      %add3A_760 = arith.addf %add3A_712, %get3A_759 : vector<16xf32>
      %add3A_761 = arith.constant 1 : i32
      %add3A_762 = arith.addi %mul3A_700, %add3A_761 : i32
      %get3A_763 = arith.index_cast %add3A_762 : i32 to index
      %get3A_764 = arith.constant 160 : index
      %get3A_765 = tpu.vector_load %arg12[%get3A_763, %get3A_764] {strides = array<i32>} : memref<96x512xf32, #tpu.memory_space<vmem>>, vector<16xf32>,
      %add3A_766 = arith.addf %add3A_718, %get3A_765 : vector<16xf32>
      %add3A_767 = arith.constant 1 : i32
      %add3A_768 = arith.addi %mul3A_700, %add3A_767 : i32
      %get3A_769 = arith.index_cast %add3A_768 : i32 to index
      %get3A_770 = arith.constant 176 : index
      %get3A_771 = tpu.vector_load %arg12[%get3A_769, %get3A_770] {strides = array<i32>} : memref<96x512xf32, #tpu.memory_space<vmem>>, vector<16xf32>,
      %add3A_772 = arith.addf %add3A_724, %get3A_771 : vector<16xf32>
      %add3A_773 = arith.constant 1 : i32
      %add3A_774 = arith.addi %mul3A_700, %add3A_773 : i32
      %get3A_775 = arith.index_cast %add3A_774 : i32 to index
      %get3A_776 = arith.constant 192 : index
      %get3A_777 = tpu.vector_load %arg12[%get3A_775, %get3A_776] {strides = array<i32>} : memref<96x512xf32, #tpu.memory_space<vmem>>, vector<16xf32>,
      %add3A_778 = arith.addf %add3A_730, %get3A_777 : vector<16xf32>
      %add3A_779 = arith.constant 1 : i32
      %add3A_780 = arith.addi %mul3A_700, %add3A_779 : i32
      %get3A_781 = arith.index_cast %add3A_780 : i32 to index
      %get3A_782 = arith.constant 208 : index
      %get3A_783 = tpu.vector_load %arg12[%get3A_781, %get3A_782] {strides = array<i32>} : memref<96x512xf32, #tpu.memory_space<vmem>>, vector<16xf32>,
      %add3A_784 = arith.addf %add3A_736, %get3A_783 : vector<16xf32>
      %add3A_785 = arith.constant 1 : i32
      %add3A_786 = arith.addi %mul3A_700, %add3A_785 : i32
      %get3A_787 = arith.index_cast %add3A_786 : i32 to index
      %get3A_788 = arith.constant 224 : index
      %get3A_789 = tpu.vector_load %arg12[%get3A_787, %get3A_788] {strides = array<i32>} : memref<96x512xf32, #tpu.memory_space<vmem>>, vector<16xf32>,
      %add3A_790 = arith.addf %add3A_742, %get3A_789 : vector<16xf32>
      %add3A_791 = arith.constant 1 : i32
      %add3A_792 = arith.addi %mul3A_700, %add3A_791 : i32
      %get3A_793 = arith.index_cast %add3A_792 : i32 to index
      %get3A_794 = arith.constant 240 : index
      %get3A_795 = tpu.vector_load %arg12[%get3A_793, %get3A_794] {strides = array<i32>} : memref<96x512xf32, #tpu.memory_space<vmem>>, vector<16xf32>,
      %add3A_796 = arith.addf %add3A_748, %get3A_795 : vector<16xf32>
      %add3A_797 = arith.constant 2 : i32
      %add3A_798 = arith.addi %mul3A_700, %add3A_797 : i32
      %get3A_799 = arith.index_cast %add3A_798 : i32 to index
      %get3A_800 = arith.constant 128 : index
      %get3A_801 = tpu.vector_load %arg12[%get3A_799, %get3A_800] {strides = array<i32>} : memref<96x512xf32, #tpu.memory_space<vmem>>, vector<16xf32>,
      %add3A_802 = arith.addf %add3A_754, %get3A_801 : vector<16xf32>
      %add3A_803 = arith.constant 2 : i32
      %add3A_804 = arith.addi %mul3A_700, %add3A_803 : i32
      %get3A_805 = arith.index_cast %add3A_804 : i32 to index
      %get3A_806 = arith.constant 144 : index
      %get3A_807 = tpu.vector_load %arg12[%get3A_805, %get3A_806] {strides = array<i32>} : memref<96x512xf32, #tpu.memory_space<vmem>>, vector<16xf32>,
      %add3A_808 = arith.addf %add3A_760, %get3A_807 : vector<16xf32>
      %add3A_809 = arith.constant 2 : i32
      %add3A_810 = arith.addi %mul3A_700, %add3A_809 : i32
      %get3A_811 = arith.index_cast %add3A_810 : i32 to index
      %get3A_812 = arith.constant 160 : index
      %get3A_813 = tpu.vector_load %arg12[%get3A_811, %get3A_812] {strides = array<i32>} : memref<96x512xf32, #tpu.memory_space<vmem>>, vector<16xf32>,
      %add3A_814 = arith.addf %add3A_766, %get3A_813 : vector<16xf32>
      %add3A_815 = arith.constant 2 : i32
      %add3A_816 = arith.addi %mul3A_700, %add3A_815 : i32
      %get3A_817 = arith.index_cast %add3A_816 : i32 to index
      %get3A_818 = arith.constant 176 : index
      %get3A_819 = tpu.vector_load %arg12[%get3A_817, %get3A_818] {strides = array<i32>} : memref<96x512xf32, #tpu.memory_space<vmem>>, vector<16xf32>,
      %add3A_820 = arith.addf %add3A_772, %get3A_819 : vector<16xf32>
      %add3A_821 = arith.constant 2 : i32
      %add3A_822 = arith.addi %mul3A_700, %add3A_821 : i32
      %get3A_823 = arith.index_cast %add3A_822 : i32 to index
      %get3A_824 = arith.constant 192 : index
      %get3A_825 = tpu.vector_load %arg12[%get3A_823, %get3A_824] {strides = array<i32>} : memref<96x512xf32, #tpu.memory_space<vmem>>, vector<16xf32>,
      %add3A_826 = arith.addf %add3A_778, %get3A_825 : vector<16xf32>
      %add3A_827 = arith.constant 2 : i32
      %add3A_828 = arith.addi %mul3A_700, %add3A_827 : i32
      %get3A_829 = arith.index_cast %add3A_828 : i32 to index
      %get3A_830 = arith.constant 208 : index
      %get3A_831 = tpu.vector_load %arg12[%get3A_829, %get3A_830] {strides = array<i32>} : memref<96x512xf32, #tpu.memory_space<vmem>>, vector<16xf32>,
      %add3A_832 = arith.addf %add3A_784, %get3A_831 : vector<16xf32>
      %add3A_833 = arith.constant 2 : i32
      %add3A_834 = arith.addi %mul3A_700, %add3A_833 : i32
      %get3A_835 = arith.index_cast %add3A_834 : i32 to index
      %get3A_836 = arith.constant 224 : index
      %get3A_837 = tpu.vector_load %arg12[%get3A_835, %get3A_836] {strides = array<i32>} : memref<96x512xf32, #tpu.memory_space<vmem>>, vector<16xf32>,
      %add3A_838 = arith.addf %add3A_790, %get3A_837 : vector<16xf32>
      %add3A_839 = arith.constant 2 : i32
      %add3A_840 = arith.addi %mul3A_700, %add3A_839 : i32
      %get3A_841 = arith.index_cast %add3A_840 : i32 to index
      %get3A_842 = arith.constant 240 : index
      %get3A_843 = tpu.vector_load %arg12[%get3A_841, %get3A_842] {strides = array<i32>} : memref<96x512xf32, #tpu.memory_space<vmem>>, vector<16xf32>,
      %add3A_844 = arith.addf %add3A_796, %get3A_843 : vector<16xf32>
      %add3A_845 = arith.constant 3 : i32
      %add3A_846 = arith.addi %mul3A_700, %add3A_845 : i32
      %get3A_847 = arith.index_cast %add3A_846 : i32 to index
      %get3A_848 = arith.constant 128 : index
      %get3A_849 = tpu.vector_load %arg12[%get3A_847, %get3A_848] {strides = array<i32>} : memref<96x512xf32, #tpu.memory_space<vmem>>, vector<16xf32>,
      %add3A_850 = arith.addf %add3A_802, %get3A_849 : vector<16xf32>
      %add3A_851 = arith.constant 3 : i32
      %add3A_852 = arith.addi %mul3A_700, %add3A_851 : i32
      %get3A_853 = arith.index_cast %add3A_852 : i32 to index
      %get3A_854 = arith.constant 144 : index
      %get3A_855 = tpu.vector_load %arg12[%get3A_853, %get3A_854] {strides = array<i32>} : memref<96x512xf32, #tpu.memory_space<vmem>>, vector<16xf32>,
      %add3A_856 = arith.addf %add3A_808, %get3A_855 : vector<16xf32>
      %add3A_857 = arith.constant 3 : i32
      %add3A_858 = arith.addi %mul3A_700, %add3A_857 : i32
      %get3A_859 = arith.index_cast %add3A_858 : i32 to index
      %get3A_860 = arith.constant 160 : index
      %get3A_861 = tpu.vector_load %arg12[%get3A_859, %get3A_860] {strides = array<i32>} : memref<96x512xf32, #tpu.memory_space<vmem>>, vector<16xf32>,
      %add3A_862 = arith.addf %add3A_814, %get3A_861 : vector<16xf32>
      %add3A_863 = arith.constant 3 : i32
      %add3A_864 = arith.addi %mul3A_700, %add3A_863 : i32
      %get3A_865 = arith.index_cast %add3A_864 : i32 to index
      %get3A_866 = arith.constant 176 : index
      %get3A_867 = tpu.vector_load %arg12[%get3A_865, %get3A_866] {strides = array<i32>} : memref<96x512xf32, #tpu.memory_space<vmem>>, vector<16xf32>,
      %add3A_868 = arith.addf %add3A_820, %get3A_867 : vector<16xf32>
      %add3A_869 = arith.constant 3 : i32
      %add3A_870 = arith.addi %mul3A_700, %add3A_869 : i32
      %get3A_871 = arith.index_cast %add3A_870 : i32 to index
      %get3A_872 = arith.constant 192 : index
      %get3A_873 = tpu.vector_load %arg12[%get3A_871, %get3A_872] {strides = array<i32>} : memref<96x512xf32, #tpu.memory_space<vmem>>, vector<16xf32>,
      %add3A_874 = arith.addf %add3A_826, %get3A_873 : vector<16xf32>
      %add3A_875 = arith.constant 3 : i32
      %add3A_876 = arith.addi %mul3A_700, %add3A_875 : i32
      %get3A_877 = arith.index_cast %add3A_876 : i32 to index
      %get3A_878 = arith.constant 208 : index
      %get3A_879 = tpu.vector_load %arg12[%get3A_877, %get3A_878] {strides = array<i32>} : memref<96x512xf32, #tpu.memory_space<vmem>>, vector<16xf32>,
      %add3A_880 = arith.addf %add3A_832, %get3A_879 : vector<16xf32>
      %add3A_881 = arith.constant 3 : i32
      %add3A_882 = arith.addi %mul3A_700, %add3A_881 : i32
      %get3A_883 = arith.index_cast %add3A_882 : i32 to index
      %get3A_884 = arith.constant 224 : index
      %get3A_885 = tpu.vector_load %arg12[%get3A_883, %get3A_884] {strides = array<i32>} : memref<96x512xf32, #tpu.memory_space<vmem>>, vector<16xf32>,
      %add3A_886 = arith.addf %add3A_838, %get3A_885 : vector<16xf32>
      %add3A_887 = arith.constant 3 : i32
      %add3A_888 = arith.addi %mul3A_700, %add3A_887 : i32
      %get3A_889 = arith.index_cast %add3A_888 : i32 to index
      %get3A_890 = arith.constant 240 : index
      %get3A_891 = tpu.vector_load %arg12[%get3A_889, %get3A_890] {strides = array<i32>} : memref<96x512xf32, #tpu.memory_space<vmem>>, vector<16xf32>,
      %add3A_892 = arith.addf %add3A_844, %get3A_891 : vector<16xf32>
      scf.yield %add3A_850, %add3A_856, %add3A_862, %add3A_868, %add3A_874, %add3A_880, %add3A_886, %add3A_892 : vector<16xf32>, vector<16xf32>, vector<16xf32>, vector<16xf32>, vector<16xf32>, vector<16xf32>, vector<16xf32>, vector<16xf32>
    }
    %scan3A_322 = arith.constant 24 : i32
    %scan3A_323 = arith.constant 0 : i32
    %scan3A_324 = arith.constant 24 : i32
    %scan3A_325 = arith.addi %scan3A_323, %scan3A_324 : i32
    %scan3A_326 = arith.constant 1 : i32
    %scan3A_327:8 = scf.for %scan3A_690 = %scan3A_323 to %scan3A_325 step %scan3A_326 iter_args(%scan3A_691 = %scan3A_235#0, %scan3A_692 = %scan3A_235#1, %scan3A_693 = %scan3A_235#2, %scan3A_694 = %scan3A_235#3, %scan3A_695 = %scan3A_235#4, %scan3A_696 = %scan3A_235#5, %scan3A_697 = %scan3A_235#6, %scan3A_698 = %scan3A_235#7) -> (vector<16xf32>, vector<16xf32>, vector<16xf32>, vector<16xf32>, vector<16xf32>, vector<16xf32>, vector<16xf32>, vector<16xf32>)  : i32 {
      %mul3A_699 = arith.constant 4 : i32
      %mul3A_700 = arith.muli %scan3A_690, %mul3A_699 : i32
      %add3A_701 = arith.constant 0 : i32
      %add3A_702 = arith.addi %mul3A_700, %add3A_701 : i32
      %get3A_703 = arith.index_cast %add3A_702 : i32 to index
      %get3A_704 = arith.constant 256 : index
      %get3A_705 = tpu.vector_load %arg12[%get3A_703, %get3A_704] {strides = array<i32>} : memref<96x512xf32, #tpu.memory_space<vmem>>, vector<16xf32>,
      %add3A_706 = arith.addf %scan3A_691, %get3A_705 : vector<16xf32>
      %add3A_707 = arith.constant 0 : i32
      %add3A_708 = arith.addi %mul3A_700, %add3A_707 : i32
      %get3A_709 = arith.index_cast %add3A_708 : i32 to index
      %get3A_710 = arith.constant 272 : index
      %get3A_711 = tpu.vector_load %arg12[%get3A_709, %get3A_710] {strides = array<i32>} : memref<96x512xf32, #tpu.memory_space<vmem>>, vector<16xf32>,
      %add3A_712 = arith.addf %scan3A_692, %get3A_711 : vector<16xf32>
      %add3A_713 = arith.constant 0 : i32
      %add3A_714 = arith.addi %mul3A_700, %add3A_713 : i32
      %get3A_715 = arith.index_cast %add3A_714 : i32 to index
      %get3A_716 = arith.constant 288 : index
      %get3A_717 = tpu.vector_load %arg12[%get3A_715, %get3A_716] {strides = array<i32>} : memref<96x512xf32, #tpu.memory_space<vmem>>, vector<16xf32>,
      %add3A_718 = arith.addf %scan3A_693, %get3A_717 : vector<16xf32>
      %add3A_719 = arith.constant 0 : i32
      %add3A_720 = arith.addi %mul3A_700, %add3A_719 : i32
      %get3A_721 = arith.index_cast %add3A_720 : i32 to index
      %get3A_722 = arith.constant 304 : index
      %get3A_723 = tpu.vector_load %arg12[%get3A_721, %get3A_722] {strides = array<i32>} : memref<96x512xf32, #tpu.memory_space<vmem>>, vector<16xf32>,
      %add3A_724 = arith.addf %scan3A_694, %get3A_723 : vector<16xf32>
      %add3A_725 = arith.constant 0 : i32
      %add3A_726 = arith.addi %mul3A_700, %add3A_725 : i32
      %get3A_727 = arith.index_cast %add3A_726 : i32 to index
      %get3A_728 = arith.constant 320 : index
      %get3A_729 = tpu.vector_load %arg12[%get3A_727, %get3A_728] {strides = array<i32>} : memref<96x512xf32, #tpu.memory_space<vmem>>, vector<16xf32>,
      %add3A_730 = arith.addf %scan3A_695, %get3A_729 : vector<16xf32>
      %add3A_731 = arith.constant 0 : i32
      %add3A_732 = arith.addi %mul3A_700, %add3A_731 : i32
      %get3A_733 = arith.index_cast %add3A_732 : i32 to index
      %get3A_734 = arith.constant 336 : index
      %get3A_735 = tpu.vector_load %arg12[%get3A_733, %get3A_734] {strides = array<i32>} : memref<96x512xf32, #tpu.memory_space<vmem>>, vector<16xf32>,
      %add3A_736 = arith.addf %scan3A_696, %get3A_735 : vector<16xf32>
      %add3A_737 = arith.constant 0 : i32
      %add3A_738 = arith.addi %mul3A_700, %add3A_737 : i32
      %get3A_739 = arith.index_cast %add3A_738 : i32 to index
      %get3A_740 = arith.constant 352 : index
      %get3A_741 = tpu.vector_load %arg12[%get3A_739, %get3A_740] {strides = array<i32>} : memref<96x512xf32, #tpu.memory_space<vmem>>, vector<16xf32>,
      %add3A_742 = arith.addf %scan3A_697, %get3A_741 : vector<16xf32>
      %add3A_743 = arith.constant 0 : i32
      %add3A_744 = arith.addi %mul3A_700, %add3A_743 : i32
      %get3A_745 = arith.index_cast %add3A_744 : i32 to index
      %get3A_746 = arith.constant 368 : index
      %get3A_747 = tpu.vector_load %arg12[%get3A_745, %get3A_746] {strides = array<i32>} : memref<96x512xf32, #tpu.memory_space<vmem>>, vector<16xf32>,
      %add3A_748 = arith.addf %scan3A_698, %get3A_747 : vector<16xf32>
      %add3A_749 = arith.constant 1 : i32
      %add3A_750 = arith.addi %mul3A_700, %add3A_749 : i32
      %get3A_751 = arith.index_cast %add3A_750 : i32 to index
      %get3A_752 = arith.constant 256 : index
      %get3A_753 = tpu.vector_load %arg12[%get3A_751, %get3A_752] {strides = array<i32>} : memref<96x512xf32, #tpu.memory_space<vmem>>, vector<16xf32>,
      %add3A_754 = arith.addf %add3A_706, %get3A_753 : vector<16xf32>
      %add3A_755 = arith.constant 1 : i32
      %add3A_756 = arith.addi %mul3A_700, %add3A_755 : i32
      %get3A_757 = arith.index_cast %add3A_756 : i32 to index
      %get3A_758 = arith.constant 272 : index
      %get3A_759 = tpu.vector_load %arg12[%get3A_757, %get3A_758] {strides = array<i32>} : memref<96x512xf32, #tpu.memory_space<vmem>>, vector<16xf32>,
      %add3A_760 = arith.addf %add3A_712, %get3A_759 : vector<16xf32>
      %add3A_761 = arith.constant 1 : i32
      %add3A_762 = arith.addi %mul3A_700, %add3A_761 : i32
      %get3A_763 = arith.index_cast %add3A_762 : i32 to index
      %get3A_764 = arith.constant 288 : index
      %get3A_765 = tpu.vector_load %arg12[%get3A_763, %get3A_764] {strides = array<i32>} : memref<96x512xf32, #tpu.memory_space<vmem>>, vector<16xf32>,
      %add3A_766 = arith.addf %add3A_718, %get3A_765 : vector<16xf32>
      %add3A_767 = arith.constant 1 : i32
      %add3A_768 = arith.addi %mul3A_700, %add3A_767 : i32
      %get3A_769 = arith.index_cast %add3A_768 : i32 to index
      %get3A_770 = arith.constant 304 : index
      %get3A_771 = tpu.vector_load %arg12[%get3A_769, %get3A_770] {strides = array<i32>} : memref<96x512xf32, #tpu.memory_space<vmem>>, vector<16xf32>,
      %add3A_772 = arith.addf %add3A_724, %get3A_771 : vector<16xf32>
      %add3A_773 = arith.constant 1 : i32
      %add3A_774 = arith.addi %mul3A_700, %add3A_773 : i32
      %get3A_775 = arith.index_cast %add3A_774 : i32 to index
      %get3A_776 = arith.constant 320 : index
      %get3A_777 = tpu.vector_load %arg12[%get3A_775, %get3A_776] {strides = array<i32>} : memref<96x512xf32, #tpu.memory_space<vmem>>, vector<16xf32>,
      %add3A_778 = arith.addf %add3A_730, %get3A_777 : vector<16xf32>
      %add3A_779 = arith.constant 1 : i32
      %add3A_780 = arith.addi %mul3A_700, %add3A_779 : i32
      %get3A_781 = arith.index_cast %add3A_780 : i32 to index
      %get3A_782 = arith.constant 336 : index
      %get3A_783 = tpu.vector_load %arg12[%get3A_781, %get3A_782] {strides = array<i32>} : memref<96x512xf32, #tpu.memory_space<vmem>>, vector<16xf32>,
      %add3A_784 = arith.addf %add3A_736, %get3A_783 : vector<16xf32>
      %add3A_785 = arith.constant 1 : i32
      %add3A_786 = arith.addi %mul3A_700, %add3A_785 : i32
      %get3A_787 = arith.index_cast %add3A_786 : i32 to index
      %get3A_788 = arith.constant 352 : index
      %get3A_789 = tpu.vector_load %arg12[%get3A_787, %get3A_788] {strides = array<i32>} : memref<96x512xf32, #tpu.memory_space<vmem>>, vector<16xf32>,
      %add3A_790 = arith.addf %add3A_742, %get3A_789 : vector<16xf32>
      %add3A_791 = arith.constant 1 : i32
      %add3A_792 = arith.addi %mul3A_700, %add3A_791 : i32
      %get3A_793 = arith.index_cast %add3A_792 : i32 to index
      %get3A_794 = arith.constant 368 : index
      %get3A_795 = tpu.vector_load %arg12[%get3A_793, %get3A_794] {strides = array<i32>} : memref<96x512xf32, #tpu.memory_space<vmem>>, vector<16xf32>,
      %add3A_796 = arith.addf %add3A_748, %get3A_795 : vector<16xf32>
      %add3A_797 = arith.constant 2 : i32
      %add3A_798 = arith.addi %mul3A_700, %add3A_797 : i32
      %get3A_799 = arith.index_cast %add3A_798 : i32 to index
      %get3A_800 = arith.constant 256 : index
      %get3A_801 = tpu.vector_load %arg12[%get3A_799, %get3A_800] {strides = array<i32>} : memref<96x512xf32, #tpu.memory_space<vmem>>, vector<16xf32>,
      %add3A_802 = arith.addf %add3A_754, %get3A_801 : vector<16xf32>
      %add3A_803 = arith.constant 2 : i32
      %add3A_804 = arith.addi %mul3A_700, %add3A_803 : i32
      %get3A_805 = arith.index_cast %add3A_804 : i32 to index
      %get3A_806 = arith.constant 272 : index
      %get3A_807 = tpu.vector_load %arg12[%get3A_805, %get3A_806] {strides = array<i32>} : memref<96x512xf32, #tpu.memory_space<vmem>>, vector<16xf32>,
      %add3A_808 = arith.addf %add3A_760, %get3A_807 : vector<16xf32>
      %add3A_809 = arith.constant 2 : i32
      %add3A_810 = arith.addi %mul3A_700, %add3A_809 : i32
      %get3A_811 = arith.index_cast %add3A_810 : i32 to index
      %get3A_812 = arith.constant 288 : index
      %get3A_813 = tpu.vector_load %arg12[%get3A_811, %get3A_812] {strides = array<i32>} : memref<96x512xf32, #tpu.memory_space<vmem>>, vector<16xf32>,
      %add3A_814 = arith.addf %add3A_766, %get3A_813 : vector<16xf32>
      %add3A_815 = arith.constant 2 : i32
      %add3A_816 = arith.addi %mul3A_700, %add3A_815 : i32
      %get3A_817 = arith.index_cast %add3A_816 : i32 to index
      %get3A_818 = arith.constant 304 : index
      %get3A_819 = tpu.vector_load %arg12[%get3A_817, %get3A_818] {strides = array<i32>} : memref<96x512xf32, #tpu.memory_space<vmem>>, vector<16xf32>,
      %add3A_820 = arith.addf %add3A_772, %get3A_819 : vector<16xf32>
      %add3A_821 = arith.constant 2 : i32
      %add3A_822 = arith.addi %mul3A_700, %add3A_821 : i32
      %get3A_823 = arith.index_cast %add3A_822 : i32 to index
      %get3A_824 = arith.constant 320 : index
      %get3A_825 = tpu.vector_load %arg12[%get3A_823, %get3A_824] {strides = array<i32>} : memref<96x512xf32, #tpu.memory_space<vmem>>, vector<16xf32>,
      %add3A_826 = arith.addf %add3A_778, %get3A_825 : vector<16xf32>
      %add3A_827 = arith.constant 2 : i32
      %add3A_828 = arith.addi %mul3A_700, %add3A_827 : i32
      %get3A_829 = arith.index_cast %add3A_828 : i32 to index
      %get3A_830 = arith.constant 336 : index
      %get3A_831 = tpu.vector_load %arg12[%get3A_829, %get3A_830] {strides = array<i32>} : memref<96x512xf32, #tpu.memory_space<vmem>>, vector<16xf32>,
      %add3A_832 = arith.addf %add3A_784, %get3A_831 : vector<16xf32>
      %add3A_833 = arith.constant 2 : i32
      %add3A_834 = arith.addi %mul3A_700, %add3A_833 : i32
      %get3A_835 = arith.index_cast %add3A_834 : i32 to index
      %get3A_836 = arith.constant 352 : index
      %get3A_837 = tpu.vector_load %arg12[%get3A_835, %get3A_836] {strides = array<i32>} : memref<96x512xf32, #tpu.memory_space<vmem>>, vector<16xf32>,
      %add3A_838 = arith.addf %add3A_790, %get3A_837 : vector<16xf32>
      %add3A_839 = arith.constant 2 : i32
      %add3A_840 = arith.addi %mul3A_700, %add3A_839 : i32
      %get3A_841 = arith.index_cast %add3A_840 : i32 to index
      %get3A_842 = arith.constant 368 : index
      %get3A_843 = tpu.vector_load %arg12[%get3A_841, %get3A_842] {strides = array<i32>} : memref<96x512xf32, #tpu.memory_space<vmem>>, vector<16xf32>,
      %add3A_844 = arith.addf %add3A_796, %get3A_843 : vector<16xf32>
      %add3A_845 = arith.constant 3 : i32
      %add3A_846 = arith.addi %mul3A_700, %add3A_845 : i32
      %get3A_847 = arith.index_cast %add3A_846 : i32 to index
      %get3A_848 = arith.constant 256 : index
      %get3A_849 = tpu.vector_load %arg12[%get3A_847, %get3A_848] {strides = array<i32>} : memref<96x512xf32, #tpu.memory_space<vmem>>, vector<16xf32>,
      %add3A_850 = arith.addf %add3A_802, %get3A_849 : vector<16xf32>
      %add3A_851 = arith.constant 3 : i32
      %add3A_852 = arith.addi %mul3A_700, %add3A_851 : i32
      %get3A_853 = arith.index_cast %add3A_852 : i32 to index
      %get3A_854 = arith.constant 272 : index
      %get3A_855 = tpu.vector_load %arg12[%get3A_853, %get3A_854] {strides = array<i32>} : memref<96x512xf32, #tpu.memory_space<vmem>>, vector<16xf32>,
      %add3A_856 = arith.addf %add3A_808, %get3A_855 : vector<16xf32>
      %add3A_857 = arith.constant 3 : i32
      %add3A_858 = arith.addi %mul3A_700, %add3A_857 : i32
      %get3A_859 = arith.index_cast %add3A_858 : i32 to index
      %get3A_860 = arith.constant 288 : index
      %get3A_861 = tpu.vector_load %arg12[%get3A_859, %get3A_860] {strides = array<i32>} : memref<96x512xf32, #tpu.memory_space<vmem>>, vector<16xf32>,
      %add3A_862 = arith.addf %add3A_814, %get3A_861 : vector<16xf32>
      %add3A_863 = arith.constant 3 : i32
      %add3A_864 = arith.addi %mul3A_700, %add3A_863 : i32
      %get3A_865 = arith.index_cast %add3A_864 : i32 to index
      %get3A_866 = arith.constant 304 : index
      %get3A_867 = tpu.vector_load %arg12[%get3A_865, %get3A_866] {strides = array<i32>} : memref<96x512xf32, #tpu.memory_space<vmem>>, vector<16xf32>,
      %add3A_868 = arith.addf %add3A_820, %get3A_867 : vector<16xf32>
      %add3A_869 = arith.constant 3 : i32
      %add3A_870 = arith.addi %mul3A_700, %add3A_869 : i32
      %get3A_871 = arith.index_cast %add3A_870 : i32 to index
      %get3A_872 = arith.constant 320 : index
      %get3A_873 = tpu.vector_load %arg12[%get3A_871, %get3A_872] {strides = array<i32>} : memref<96x512xf32, #tpu.memory_space<vmem>>, vector<16xf32>,
      %add3A_874 = arith.addf %add3A_826, %get3A_873 : vector<16xf32>
      %add3A_875 = arith.constant 3 : i32
      %add3A_876 = arith.addi %mul3A_700, %add3A_875 : i32
      %get3A_877 = arith.index_cast %add3A_876 : i32 to index
      %get3A_878 = arith.constant 336 : index
      %get3A_879 = tpu.vector_load %arg12[%get3A_877, %get3A_878] {strides = array<i32>} : memref<96x512xf32, #tpu.memory_space<vmem>>, vector<16xf32>,
      %add3A_880 = arith.addf %add3A_832, %get3A_879 : vector<16xf32>
      %add3A_881 = arith.constant 3 : i32
      %add3A_882 = arith.addi %mul3A_700, %add3A_881 : i32
      %get3A_883 = arith.index_cast %add3A_882 : i32 to index
      %get3A_884 = arith.constant 352 : index
      %get3A_885 = tpu.vector_load %arg12[%get3A_883, %get3A_884] {strides = array<i32>} : memref<96x512xf32, #tpu.memory_space<vmem>>, vector<16xf32>,
      %add3A_886 = arith.addf %add3A_838, %get3A_885 : vector<16xf32>
      %add3A_887 = arith.constant 3 : i32
      %add3A_888 = arith.addi %mul3A_700, %add3A_887 : i32
      %get3A_889 = arith.index_cast %add3A_888 : i32 to index
      %get3A_890 = arith.constant 368 : index
      %get3A_891 = tpu.vector_load %arg12[%get3A_889, %get3A_890] {strides = array<i32>} : memref<96x512xf32, #tpu.memory_space<vmem>>, vector<16xf32>,
      %add3A_892 = arith.addf %add3A_844, %get3A_891 : vector<16xf32>
      scf.yield %add3A_850, %add3A_856, %add3A_862, %add3A_868, %add3A_874, %add3A_880, %add3A_886, %add3A_892 : vector<16xf32>, vector<16xf32>, vector<16xf32>, vector<16xf32>, vector<16xf32>, vector<16xf32>, vector<16xf32>, vector<16xf32>
    }
    %scan3A_328 = arith.constant 24 : i32
    %scan3A_329 = arith.constant 0 : i32
    %scan3A_330 = arith.constant 24 : i32
    %scan3A_331 = arith.addi %scan3A_329, %scan3A_330 : i32
    %scan3A_332 = arith.constant 1 : i32
    %scan3A_333:8 = scf.for %scan3A_690 = %scan3A_329 to %scan3A_331 step %scan3A_332 iter_args(%scan3A_691 = %scan3A_241#0, %scan3A_692 = %scan3A_241#1, %scan3A_693 = %scan3A_241#2, %scan3A_694 = %scan3A_241#3, %scan3A_695 = %scan3A_241#4, %scan3A_696 = %scan3A_241#5, %scan3A_697 = %scan3A_241#6, %scan3A_698 = %scan3A_241#7) -> (vector<16xf32>, vector<16xf32>, vector<16xf32>, vector<16xf32>, vector<16xf32>, vector<16xf32>, vector<16xf32>, vector<16xf32>)  : i32 {
      %mul3A_699 = arith.constant 4 : i32
      %mul3A_700 = arith.muli %scan3A_690, %mul3A_699 : i32
      %add3A_701 = arith.constant 0 : i32
      %add3A_702 = arith.addi %mul3A_700, %add3A_701 : i32
      %get3A_703 = arith.index_cast %add3A_702 : i32 to index
      %get3A_704 = arith.constant 384 : index
      %get3A_705 = tpu.vector_load %arg12[%get3A_703, %get3A_704] {strides = array<i32>} : memref<96x512xf32, #tpu.memory_space<vmem>>, vector<16xf32>,
      %add3A_706 = arith.addf %scan3A_691, %get3A_705 : vector<16xf32>
      %add3A_707 = arith.constant 0 : i32
      %add3A_708 = arith.addi %mul3A_700, %add3A_707 : i32
      %get3A_709 = arith.index_cast %add3A_708 : i32 to index
      %get3A_710 = arith.constant 400 : index
      %get3A_711 = tpu.vector_load %arg12[%get3A_709, %get3A_710] {strides = array<i32>} : memref<96x512xf32, #tpu.memory_space<vmem>>, vector<16xf32>,
      %add3A_712 = arith.addf %scan3A_692, %get3A_711 : vector<16xf32>
      %add3A_713 = arith.constant 0 : i32
      %add3A_714 = arith.addi %mul3A_700, %add3A_713 : i32
      %get3A_715 = arith.index_cast %add3A_714 : i32 to index
      %get3A_716 = arith.constant 416 : index
      %get3A_717 = tpu.vector_load %arg12[%get3A_715, %get3A_716] {strides = array<i32>} : memref<96x512xf32, #tpu.memory_space<vmem>>, vector<16xf32>,
      %add3A_718 = arith.addf %scan3A_693, %get3A_717 : vector<16xf32>
      %add3A_719 = arith.constant 0 : i32
      %add3A_720 = arith.addi %mul3A_700, %add3A_719 : i32
      %get3A_721 = arith.index_cast %add3A_720 : i32 to index
      %get3A_722 = arith.constant 432 : index
      %get3A_723 = tpu.vector_load %arg12[%get3A_721, %get3A_722] {strides = array<i32>} : memref<96x512xf32, #tpu.memory_space<vmem>>, vector<16xf32>,
      %add3A_724 = arith.addf %scan3A_694, %get3A_723 : vector<16xf32>
      %add3A_725 = arith.constant 0 : i32
      %add3A_726 = arith.addi %mul3A_700, %add3A_725 : i32
      %get3A_727 = arith.index_cast %add3A_726 : i32 to index
      %get3A_728 = arith.constant 448 : index
      %get3A_729 = tpu.vector_load %arg12[%get3A_727, %get3A_728] {strides = array<i32>} : memref<96x512xf32, #tpu.memory_space<vmem>>, vector<16xf32>,
      %add3A_730 = arith.addf %scan3A_695, %get3A_729 : vector<16xf32>
      %add3A_731 = arith.constant 0 : i32
      %add3A_732 = arith.addi %mul3A_700, %add3A_731 : i32
      %get3A_733 = arith.index_cast %add3A_732 : i32 to index
      %get3A_734 = arith.constant 464 : index
      %get3A_735 = tpu.vector_load %arg12[%get3A_733, %get3A_734] {strides = array<i32>} : memref<96x512xf32, #tpu.memory_space<vmem>>, vector<16xf32>,
      %add3A_736 = arith.addf %scan3A_696, %get3A_735 : vector<16xf32>
      %add3A_737 = arith.constant 0 : i32
      %add3A_738 = arith.addi %mul3A_700, %add3A_737 : i32
      %get3A_739 = arith.index_cast %add3A_738 : i32 to index
      %get3A_740 = arith.constant 480 : index
      %get3A_741 = tpu.vector_load %arg12[%get3A_739, %get3A_740] {strides = array<i32>} : memref<96x512xf32, #tpu.memory_space<vmem>>, vector<16xf32>,
      %add3A_742 = arith.addf %scan3A_697, %get3A_741 : vector<16xf32>
      %add3A_743 = arith.constant 0 : i32
      %add3A_744 = arith.addi %mul3A_700, %add3A_743 : i32
      %get3A_745 = arith.index_cast %add3A_744 : i32 to index
      %get3A_746 = arith.constant 496 : index
      %get3A_747 = tpu.vector_load %arg12[%get3A_745, %get3A_746] {strides = array<i32>} : memref<96x512xf32, #tpu.memory_space<vmem>>, vector<16xf32>,
      %add3A_748 = arith.addf %scan3A_698, %get3A_747 : vector<16xf32>
      %add3A_749 = arith.constant 1 : i32
      %add3A_750 = arith.addi %mul3A_700, %add3A_749 : i32
      %get3A_751 = arith.index_cast %add3A_750 : i32 to index
      %get3A_752 = arith.constant 384 : index
      %get3A_753 = tpu.vector_load %arg12[%get3A_751, %get3A_752] {strides = array<i32>} : memref<96x512xf32, #tpu.memory_space<vmem>>, vector<16xf32>,
      %add3A_754 = arith.addf %add3A_706, %get3A_753 : vector<16xf32>
      %add3A_755 = arith.constant 1 : i32
      %add3A_756 = arith.addi %mul3A_700, %add3A_755 : i32
      %get3A_757 = arith.index_cast %add3A_756 : i32 to index
      %get3A_758 = arith.constant 400 : index
      %get3A_759 = tpu.vector_load %arg12[%get3A_757, %get3A_758] {strides = array<i32>} : memref<96x512xf32, #tpu.memory_space<vmem>>, vector<16xf32>,
      %add3A_760 = arith.addf %add3A_712, %get3A_759 : vector<16xf32>
      %add3A_761 = arith.constant 1 : i32
      %add3A_762 = arith.addi %mul3A_700, %add3A_761 : i32
      %get3A_763 = arith.index_cast %add3A_762 : i32 to index
      %get3A_764 = arith.constant 416 : index
      %get3A_765 = tpu.vector_load %arg12[%get3A_763, %get3A_764] {strides = array<i32>} : memref<96x512xf32, #tpu.memory_space<vmem>>, vector<16xf32>,
      %add3A_766 = arith.addf %add3A_718, %get3A_765 : vector<16xf32>
      %add3A_767 = arith.constant 1 : i32
      %add3A_768 = arith.addi %mul3A_700, %add3A_767 : i32
      %get3A_769 = arith.index_cast %add3A_768 : i32 to index
      %get3A_770 = arith.constant 432 : index
      %get3A_771 = tpu.vector_load %arg12[%get3A_769, %get3A_770] {strides = array<i32>} : memref<96x512xf32, #tpu.memory_space<vmem>>, vector<16xf32>,
      %add3A_772 = arith.addf %add3A_724, %get3A_771 : vector<16xf32>
      %add3A_773 = arith.constant 1 : i32
      %add3A_774 = arith.addi %mul3A_700, %add3A_773 : i32
      %get3A_775 = arith.index_cast %add3A_774 : i32 to index
      %get3A_776 = arith.constant 448 : index
      %get3A_777 = tpu.vector_load %arg12[%get3A_775, %get3A_776] {strides = array<i32>} : memref<96x512xf32, #tpu.memory_space<vmem>>, vector<16xf32>,
      %add3A_778 = arith.addf %add3A_730, %get3A_777 : vector<16xf32>
      %add3A_779 = arith.constant 1 : i32
      %add3A_780 = arith.addi %mul3A_700, %add3A_779 : i32
      %get3A_781 = arith.index_cast %add3A_780 : i32 to index
      %get3A_782 = arith.constant 464 : index
      %get3A_783 = tpu.vector_load %arg12[%get3A_781, %get3A_782] {strides = array<i32>} : memref<96x512xf32, #tpu.memory_space<vmem>>, vector<16xf32>,
      %add3A_784 = arith.addf %add3A_736, %get3A_783 : vector<16xf32>
      %add3A_785 = arith.constant 1 : i32
      %add3A_786 = arith.addi %mul3A_700, %add3A_785 : i32
      %get3A_787 = arith.index_cast %add3A_786 : i32 to index
      %get3A_788 = arith.constant 480 : index
      %get3A_789 = tpu.vector_load %arg12[%get3A_787, %get3A_788] {strides = array<i32>} : memref<96x512xf32, #tpu.memory_space<vmem>>, vector<16xf32>,
      %add3A_790 = arith.addf %add3A_742, %get3A_789 : vector<16xf32>
      %add3A_791 = arith.constant 1 : i32
      %add3A_792 = arith.addi %mul3A_700, %add3A_791 : i32
      %get3A_793 = arith.index_cast %add3A_792 : i32 to index
      %get3A_794 = arith.constant 496 : index
      %get3A_795 = tpu.vector_load %arg12[%get3A_793, %get3A_794] {strides = array<i32>} : memref<96x512xf32, #tpu.memory_space<vmem>>, vector<16xf32>,
      %add3A_796 = arith.addf %add3A_748, %get3A_795 : vector<16xf32>
      %add3A_797 = arith.constant 2 : i32
      %add3A_798 = arith.addi %mul3A_700, %add3A_797 : i32
      %get3A_799 = arith.index_cast %add3A_798 : i32 to index
      %get3A_800 = arith.constant 384 : index
      %get3A_801 = tpu.vector_load %arg12[%get3A_799, %get3A_800] {strides = array<i32>} : memref<96x512xf32, #tpu.memory_space<vmem>>, vector<16xf32>,
      %add3A_802 = arith.addf %add3A_754, %get3A_801 : vector<16xf32>
      %add3A_803 = arith.constant 2 : i32
      %add3A_804 = arith.addi %mul3A_700, %add3A_803 : i32
      %get3A_805 = arith.index_cast %add3A_804 : i32 to index
      %get3A_806 = arith.constant 400 : index
      %get3A_807 = tpu.vector_load %arg12[%get3A_805, %get3A_806] {strides = array<i32>} : memref<96x512xf32, #tpu.memory_space<vmem>>, vector<16xf32>,
      %add3A_808 = arith.addf %add3A_760, %get3A_807 : vector<16xf32>
      %add3A_809 = arith.constant 2 : i32
      %add3A_810 = arith.addi %mul3A_700, %add3A_809 : i32
      %get3A_811 = arith.index_cast %add3A_810 : i32 to index
      %get3A_812 = arith.constant 416 : index
      %get3A_813 = tpu.vector_load %arg12[%get3A_811, %get3A_812] {strides = array<i32>} : memref<96x512xf32, #tpu.memory_space<vmem>>, vector<16xf32>,
      %add3A_814 = arith.addf %add3A_766, %get3A_813 : vector<16xf32>
      %add3A_815 = arith.constant 2 : i32
      %add3A_816 = arith.addi %mul3A_700, %add3A_815 : i32
      %get3A_817 = arith.index_cast %add3A_816 : i32 to index
      %get3A_818 = arith.constant 432 : index
      %get3A_819 = tpu.vector_load %arg12[%get3A_817, %get3A_818] {strides = array<i32>} : memref<96x512xf32, #tpu.memory_space<vmem>>, vector<16xf32>,
      %add3A_820 = arith.addf %add3A_772, %get3A_819 : vector<16xf32>
      %add3A_821 = arith.constant 2 : i32
      %add3A_822 = arith.addi %mul3A_700, %add3A_821 : i32
      %get3A_823 = arith.index_cast %add3A_822 : i32 to index
      %get3A_824 = arith.constant 448 : index
      %get3A_825 = tpu.vector_load %arg12[%get3A_823, %get3A_824] {strides = array<i32>} : memref<96x512xf32, #tpu.memory_space<vmem>>, vector<16xf32>,
      %add3A_826 = arith.addf %add3A_778, %get3A_825 : vector<16xf32>
      %add3A_827 = arith.constant 2 : i32
      %add3A_828 = arith.addi %mul3A_700, %add3A_827 : i32
      %get3A_829 = arith.index_cast %add3A_828 : i32 to index
      %get3A_830 = arith.constant 464 : index
      %get3A_831 = tpu.vector_load %arg12[%get3A_829, %get3A_830] {strides = array<i32>} : memref<96x512xf32, #tpu.memory_space<vmem>>, vector<16xf32>,
      %add3A_832 = arith.addf %add3A_784, %get3A_831 : vector<16xf32>
      %add3A_833 = arith.constant 2 : i32
      %add3A_834 = arith.addi %mul3A_700, %add3A_833 : i32
      %get3A_835 = arith.index_cast %add3A_834 : i32 to index
      %get3A_836 = arith.constant 480 : index
      %get3A_837 = tpu.vector_load %arg12[%get3A_835, %get3A_836] {strides = array<i32>} : memref<96x512xf32, #tpu.memory_space<vmem>>, vector<16xf32>,
      %add3A_838 = arith.addf %add3A_790, %get3A_837 : vector<16xf32>
      %add3A_839 = arith.constant 2 : i32
      %add3A_840 = arith.addi %mul3A_700, %add3A_839 : i32
      %get3A_841 = arith.index_cast %add3A_840 : i32 to index
      %get3A_842 = arith.constant 496 : index
      %get3A_843 = tpu.vector_load %arg12[%get3A_841, %get3A_842] {strides = array<i32>} : memref<96x512xf32, #tpu.memory_space<vmem>>, vector<16xf32>,
      %add3A_844 = arith.addf %add3A_796, %get3A_843 : vector<16xf32>
      %add3A_845 = arith.constant 3 : i32
      %add3A_846 = arith.addi %mul3A_700, %add3A_845 : i32
      %get3A_847 = arith.index_cast %add3A_846 : i32 to index
      %get3A_848 = arith.constant 384 : index
      %get3A_849 = tpu.vector_load %arg12[%get3A_847, %get3A_848] {strides = array<i32>} : memref<96x512xf32, #tpu.memory_space<vmem>>, vector<16xf32>,
      %add3A_850 = arith.addf %add3A_802, %get3A_849 : vector<16xf32>
      %add3A_851 = arith.constant 3 : i32
      %add3A_852 = arith.addi %mul3A_700, %add3A_851 : i32
      %get3A_853 = arith.index_cast %add3A_852 : i32 to index
      %get3A_854 = arith.constant 400 : index
      %get3A_855 = tpu.vector_load %arg12[%get3A_853, %get3A_854] {strides = array<i32>} : memref<96x512xf32, #tpu.memory_space<vmem>>, vector<16xf32>,
      %add3A_856 = arith.addf %add3A_808, %get3A_855 : vector<16xf32>
      %add3A_857 = arith.constant 3 : i32
      %add3A_858 = arith.addi %mul3A_700, %add3A_857 : i32
      %get3A_859 = arith.index_cast %add3A_858 : i32 to index
      %get3A_860 = arith.constant 416 : index
      %get3A_861 = tpu.vector_load %arg12[%get3A_859, %get3A_860] {strides = array<i32>} : memref<96x512xf32, #tpu.memory_space<vmem>>, vector<16xf32>,
      %add3A_862 = arith.addf %add3A_814, %get3A_861 : vector<16xf32>
      %add3A_863 = arith.constant 3 : i32
      %add3A_864 = arith.addi %mul3A_700, %add3A_863 : i32
      %get3A_865 = arith.index_cast %add3A_864 : i32 to index
      %get3A_866 = arith.constant 432 : index
      %get3A_867 = tpu.vector_load %arg12[%get3A_865, %get3A_866] {strides = array<i32>} : memref<96x512xf32, #tpu.memory_space<vmem>>, vector<16xf32>,
      %add3A_868 = arith.addf %add3A_820, %get3A_867 : vector<16xf32>
      %add3A_869 = arith.constant 3 : i32
      %add3A_870 = arith.addi %mul3A_700, %add3A_869 : i32
      %get3A_871 = arith.index_cast %add3A_870 : i32 to index
      %get3A_872 = arith.constant 448 : index
      %get3A_873 = tpu.vector_load %arg12[%get3A_871, %get3A_872] {strides = array<i32>} : memref<96x512xf32, #tpu.memory_space<vmem>>, vector<16xf32>,
      %add3A_874 = arith.addf %add3A_826, %get3A_873 : vector<16xf32>
      %add3A_875 = arith.constant 3 : i32
      %add3A_876 = arith.addi %mul3A_700, %add3A_875 : i32
      %get3A_877 = arith.index_cast %add3A_876 : i32 to index
      %get3A_878 = arith.constant 464 : index
      %get3A_879 = tpu.vector_load %arg12[%get3A_877, %get3A_878] {strides = array<i32>} : memref<96x512xf32, #tpu.memory_space<vmem>>, vector<16xf32>,
      %add3A_880 = arith.addf %add3A_832, %get3A_879 : vector<16xf32>
      %add3A_881 = arith.constant 3 : i32
      %add3A_882 = arith.addi %mul3A_700, %add3A_881 : i32
      %get3A_883 = arith.index_cast %add3A_882 : i32 to index
      %get3A_884 = arith.constant 480 : index
      %get3A_885 = tpu.vector_load %arg12[%get3A_883, %get3A_884] {strides = array<i32>} : memref<96x512xf32, #tpu.memory_space<vmem>>, vector<16xf32>,
      %add3A_886 = arith.addf %add3A_838, %get3A_885 : vector<16xf32>
      %add3A_887 = arith.constant 3 : i32
      %add3A_888 = arith.addi %mul3A_700, %add3A_887 : i32
      %get3A_889 = arith.index_cast %add3A_888 : i32 to index
      %get3A_890 = arith.constant 496 : index
      %get3A_891 = tpu.vector_load %arg12[%get3A_889, %get3A_890] {strides = array<i32>} : memref<96x512xf32, #tpu.memory_space<vmem>>, vector<16xf32>,
      %add3A_892 = arith.addf %add3A_844, %get3A_891 : vector<16xf32>
      scf.yield %add3A_850, %add3A_856, %add3A_862, %add3A_868, %add3A_874, %add3A_880, %add3A_886, %add3A_892 : vector<16xf32>, vector<16xf32>, vector<16xf32>, vector<16xf32>, vector<16xf32>, vector<16xf32>, vector<16xf32>, vector<16xf32>
    }
    %scan3A_334 = arith.constant 24 : i32
    %dma_wait3A_335 = arith.constant 0 : i32
    %dma_wait3A_336 = arith.constant 0 : i32
    %dma_wait3A_337 = tpu.memref_slice %arg11[%dma_wait3A_335, %dma_wait3A_336] : memref<96x512xf32, #tpu.memory_space<vmem>> -> memref<64x512xf32, #tpu.memory_space<vmem>>
    %dma_wait3A_338 = arith.constant 0 : i32
    %dma_wait3A_339 = arith.constant 0 : i32
    %dma_wait3A_340 = tpu.memref_slice %arg2[%dma_wait3A_338, %dma_wait3A_339] : memref<50000x512xf32, #tpu.memory_space<hbm>> -> memref<50000x512xf32, #tpu.memory_space<hbm>>
    tpu.wait_indirect_dma semaphore(%arg16 : memref<!tpu.dma_semaphore, #tpu.memory_space<semaphore_mem>>) src(%dma_wait3A_340 : memref<50000x512xf32, #tpu.memory_space<hbm>>) dst(%dma_wait3A_337 : memref<64x512xf32, #tpu.memory_space<vmem>>)
    %scan3A_341 = arith.constant 0 : i32
    %scan3A_342 = arith.constant 16 : i32
    %scan3A_343 = arith.addi %scan3A_341, %scan3A_342 : i32
    %scan3A_344 = arith.constant 1 : i32
    %scan3A_345:8 = scf.for %scan3A_690 = %scan3A_341 to %scan3A_343 step %scan3A_344 iter_args(%scan3A_691 = %scan3A_315#0, %scan3A_692 = %scan3A_315#1, %scan3A_693 = %scan3A_315#2, %scan3A_694 = %scan3A_315#3, %scan3A_695 = %scan3A_315#4, %scan3A_696 = %scan3A_315#5, %scan3A_697 = %scan3A_315#6, %scan3A_698 = %scan3A_315#7) -> (vector<16xf32>, vector<16xf32>, vector<16xf32>, vector<16xf32>, vector<16xf32>, vector<16xf32>, vector<16xf32>, vector<16xf32>)  : i32 {
      %mul3A_699 = arith.constant 4 : i32
      %mul3A_700 = arith.muli %scan3A_690, %mul3A_699 : i32
      %add3A_701 = arith.constant 0 : i32
      %add3A_702 = arith.addi %mul3A_700, %add3A_701 : i32
      %get3A_703 = arith.index_cast %add3A_702 : i32 to index
      %get3A_704 = arith.constant 0 : index
      %get3A_705 = tpu.vector_load %arg11[%get3A_703, %get3A_704] {strides = array<i32>} : memref<96x512xf32, #tpu.memory_space<vmem>>, vector<16xf32>,
      %add3A_706 = arith.addf %scan3A_691, %get3A_705 : vector<16xf32>
      %add3A_707 = arith.constant 0 : i32
      %add3A_708 = arith.addi %mul3A_700, %add3A_707 : i32
      %get3A_709 = arith.index_cast %add3A_708 : i32 to index
      %get3A_710 = arith.constant 16 : index
      %get3A_711 = tpu.vector_load %arg11[%get3A_709, %get3A_710] {strides = array<i32>} : memref<96x512xf32, #tpu.memory_space<vmem>>, vector<16xf32>,
      %add3A_712 = arith.addf %scan3A_692, %get3A_711 : vector<16xf32>
      %add3A_713 = arith.constant 0 : i32
      %add3A_714 = arith.addi %mul3A_700, %add3A_713 : i32
      %get3A_715 = arith.index_cast %add3A_714 : i32 to index
      %get3A_716 = arith.constant 32 : index
      %get3A_717 = tpu.vector_load %arg11[%get3A_715, %get3A_716] {strides = array<i32>} : memref<96x512xf32, #tpu.memory_space<vmem>>, vector<16xf32>,
      %add3A_718 = arith.addf %scan3A_693, %get3A_717 : vector<16xf32>
      %add3A_719 = arith.constant 0 : i32
      %add3A_720 = arith.addi %mul3A_700, %add3A_719 : i32
      %get3A_721 = arith.index_cast %add3A_720 : i32 to index
      %get3A_722 = arith.constant 48 : index
      %get3A_723 = tpu.vector_load %arg11[%get3A_721, %get3A_722] {strides = array<i32>} : memref<96x512xf32, #tpu.memory_space<vmem>>, vector<16xf32>,
      %add3A_724 = arith.addf %scan3A_694, %get3A_723 : vector<16xf32>
      %add3A_725 = arith.constant 0 : i32
      %add3A_726 = arith.addi %mul3A_700, %add3A_725 : i32
      %get3A_727 = arith.index_cast %add3A_726 : i32 to index
      %get3A_728 = arith.constant 64 : index
      %get3A_729 = tpu.vector_load %arg11[%get3A_727, %get3A_728] {strides = array<i32>} : memref<96x512xf32, #tpu.memory_space<vmem>>, vector<16xf32>,
      %add3A_730 = arith.addf %scan3A_695, %get3A_729 : vector<16xf32>
      %add3A_731 = arith.constant 0 : i32
      %add3A_732 = arith.addi %mul3A_700, %add3A_731 : i32
      %get3A_733 = arith.index_cast %add3A_732 : i32 to index
      %get3A_734 = arith.constant 80 : index
      %get3A_735 = tpu.vector_load %arg11[%get3A_733, %get3A_734] {strides = array<i32>} : memref<96x512xf32, #tpu.memory_space<vmem>>, vector<16xf32>,
      %add3A_736 = arith.addf %scan3A_696, %get3A_735 : vector<16xf32>
      %add3A_737 = arith.constant 0 : i32
      %add3A_738 = arith.addi %mul3A_700, %add3A_737 : i32
      %get3A_739 = arith.index_cast %add3A_738 : i32 to index
      %get3A_740 = arith.constant 96 : index
      %get3A_741 = tpu.vector_load %arg11[%get3A_739, %get3A_740] {strides = array<i32>} : memref<96x512xf32, #tpu.memory_space<vmem>>, vector<16xf32>,
      %add3A_742 = arith.addf %scan3A_697, %get3A_741 : vector<16xf32>
      %add3A_743 = arith.constant 0 : i32
      %add3A_744 = arith.addi %mul3A_700, %add3A_743 : i32
      %get3A_745 = arith.index_cast %add3A_744 : i32 to index
      %get3A_746 = arith.constant 112 : index
      %get3A_747 = tpu.vector_load %arg11[%get3A_745, %get3A_746] {strides = array<i32>} : memref<96x512xf32, #tpu.memory_space<vmem>>, vector<16xf32>,
      %add3A_748 = arith.addf %scan3A_698, %get3A_747 : vector<16xf32>
      %add3A_749 = arith.constant 1 : i32
      %add3A_750 = arith.addi %mul3A_700, %add3A_749 : i32
      %get3A_751 = arith.index_cast %add3A_750 : i32 to index
      %get3A_752 = arith.constant 0 : index
      %get3A_753 = tpu.vector_load %arg11[%get3A_751, %get3A_752] {strides = array<i32>} : memref<96x512xf32, #tpu.memory_space<vmem>>, vector<16xf32>,
      %add3A_754 = arith.addf %add3A_706, %get3A_753 : vector<16xf32>
      %add3A_755 = arith.constant 1 : i32
      %add3A_756 = arith.addi %mul3A_700, %add3A_755 : i32
      %get3A_757 = arith.index_cast %add3A_756 : i32 to index
      %get3A_758 = arith.constant 16 : index
      %get3A_759 = tpu.vector_load %arg11[%get3A_757, %get3A_758] {strides = array<i32>} : memref<96x512xf32, #tpu.memory_space<vmem>>, vector<16xf32>,
      %add3A_760 = arith.addf %add3A_712, %get3A_759 : vector<16xf32>
      %add3A_761 = arith.constant 1 : i32
      %add3A_762 = arith.addi %mul3A_700, %add3A_761 : i32
      %get3A_763 = arith.index_cast %add3A_762 : i32 to index
      %get3A_764 = arith.constant 32 : index
      %get3A_765 = tpu.vector_load %arg11[%get3A_763, %get3A_764] {strides = array<i32>} : memref<96x512xf32, #tpu.memory_space<vmem>>, vector<16xf32>,
      %add3A_766 = arith.addf %add3A_718, %get3A_765 : vector<16xf32>
      %add3A_767 = arith.constant 1 : i32
      %add3A_768 = arith.addi %mul3A_700, %add3A_767 : i32
      %get3A_769 = arith.index_cast %add3A_768 : i32 to index
      %get3A_770 = arith.constant 48 : index
      %get3A_771 = tpu.vector_load %arg11[%get3A_769, %get3A_770] {strides = array<i32>} : memref<96x512xf32, #tpu.memory_space<vmem>>, vector<16xf32>,
      %add3A_772 = arith.addf %add3A_724, %get3A_771 : vector<16xf32>
      %add3A_773 = arith.constant 1 : i32
      %add3A_774 = arith.addi %mul3A_700, %add3A_773 : i32
      %get3A_775 = arith.index_cast %add3A_774 : i32 to index
      %get3A_776 = arith.constant 64 : index
      %get3A_777 = tpu.vector_load %arg11[%get3A_775, %get3A_776] {strides = array<i32>} : memref<96x512xf32, #tpu.memory_space<vmem>>, vector<16xf32>,
      %add3A_778 = arith.addf %add3A_730, %get3A_777 : vector<16xf32>
      %add3A_779 = arith.constant 1 : i32
      %add3A_780 = arith.addi %mul3A_700, %add3A_779 : i32
      %get3A_781 = arith.index_cast %add3A_780 : i32 to index
      %get3A_782 = arith.constant 80 : index
      %get3A_783 = tpu.vector_load %arg11[%get3A_781, %get3A_782] {strides = array<i32>} : memref<96x512xf32, #tpu.memory_space<vmem>>, vector<16xf32>,
      %add3A_784 = arith.addf %add3A_736, %get3A_783 : vector<16xf32>
      %add3A_785 = arith.constant 1 : i32
      %add3A_786 = arith.addi %mul3A_700, %add3A_785 : i32
      %get3A_787 = arith.index_cast %add3A_786 : i32 to index
      %get3A_788 = arith.constant 96 : index
      %get3A_789 = tpu.vector_load %arg11[%get3A_787, %get3A_788] {strides = array<i32>} : memref<96x512xf32, #tpu.memory_space<vmem>>, vector<16xf32>,
      %add3A_790 = arith.addf %add3A_742, %get3A_789 : vector<16xf32>
      %add3A_791 = arith.constant 1 : i32
      %add3A_792 = arith.addi %mul3A_700, %add3A_791 : i32
      %get3A_793 = arith.index_cast %add3A_792 : i32 to index
      %get3A_794 = arith.constant 112 : index
      %get3A_795 = tpu.vector_load %arg11[%get3A_793, %get3A_794] {strides = array<i32>} : memref<96x512xf32, #tpu.memory_space<vmem>>, vector<16xf32>,
      %add3A_796 = arith.addf %add3A_748, %get3A_795 : vector<16xf32>
      %add3A_797 = arith.constant 2 : i32
      %add3A_798 = arith.addi %mul3A_700, %add3A_797 : i32
      %get3A_799 = arith.index_cast %add3A_798 : i32 to index
      %get3A_800 = arith.constant 0 : index
      %get3A_801 = tpu.vector_load %arg11[%get3A_799, %get3A_800] {strides = array<i32>} : memref<96x512xf32, #tpu.memory_space<vmem>>, vector<16xf32>,
      %add3A_802 = arith.addf %add3A_754, %get3A_801 : vector<16xf32>
      %add3A_803 = arith.constant 2 : i32
      %add3A_804 = arith.addi %mul3A_700, %add3A_803 : i32
      %get3A_805 = arith.index_cast %add3A_804 : i32 to index
      %get3A_806 = arith.constant 16 : index
      %get3A_807 = tpu.vector_load %arg11[%get3A_805, %get3A_806] {strides = array<i32>} : memref<96x512xf32, #tpu.memory_space<vmem>>, vector<16xf32>,
      %add3A_808 = arith.addf %add3A_760, %get3A_807 : vector<16xf32>
      %add3A_809 = arith.constant 2 : i32
      %add3A_810 = arith.addi %mul3A_700, %add3A_809 : i32
      %get3A_811 = arith.index_cast %add3A_810 : i32 to index
      %get3A_812 = arith.constant 32 : index
      %get3A_813 = tpu.vector_load %arg11[%get3A_811, %get3A_812] {strides = array<i32>} : memref<96x512xf32, #tpu.memory_space<vmem>>, vector<16xf32>,
      %add3A_814 = arith.addf %add3A_766, %get3A_813 : vector<16xf32>
      %add3A_815 = arith.constant 2 : i32
      %add3A_816 = arith.addi %mul3A_700, %add3A_815 : i32
      %get3A_817 = arith.index_cast %add3A_816 : i32 to index
      %get3A_818 = arith.constant 48 : index
      %get3A_819 = tpu.vector_load %arg11[%get3A_817, %get3A_818] {strides = array<i32>} : memref<96x512xf32, #tpu.memory_space<vmem>>, vector<16xf32>,
      %add3A_820 = arith.addf %add3A_772, %get3A_819 : vector<16xf32>
      %add3A_821 = arith.constant 2 : i32
      %add3A_822 = arith.addi %mul3A_700, %add3A_821 : i32
      %get3A_823 = arith.index_cast %add3A_822 : i32 to index
      %get3A_824 = arith.constant 64 : index
      %get3A_825 = tpu.vector_load %arg11[%get3A_823, %get3A_824] {strides = array<i32>} : memref<96x512xf32, #tpu.memory_space<vmem>>, vector<16xf32>,
      %add3A_826 = arith.addf %add3A_778, %get3A_825 : vector<16xf32>
      %add3A_827 = arith.constant 2 : i32
      %add3A_828 = arith.addi %mul3A_700, %add3A_827 : i32
      %get3A_829 = arith.index_cast %add3A_828 : i32 to index
      %get3A_830 = arith.constant 80 : index
      %get3A_831 = tpu.vector_load %arg11[%get3A_829, %get3A_830] {strides = array<i32>} : memref<96x512xf32, #tpu.memory_space<vmem>>, vector<16xf32>,
      %add3A_832 = arith.addf %add3A_784, %get3A_831 : vector<16xf32>
      %add3A_833 = arith.constant 2 : i32
      %add3A_834 = arith.addi %mul3A_700, %add3A_833 : i32
      %get3A_835 = arith.index_cast %add3A_834 : i32 to index
      %get3A_836 = arith.constant 96 : index
      %get3A_837 = tpu.vector_load %arg11[%get3A_835, %get3A_836] {strides = array<i32>} : memref<96x512xf32, #tpu.memory_space<vmem>>, vector<16xf32>,
      %add3A_838 = arith.addf %add3A_790, %get3A_837 : vector<16xf32>
      %add3A_839 = arith.constant 2 : i32
      %add3A_840 = arith.addi %mul3A_700, %add3A_839 : i32
      %get3A_841 = arith.index_cast %add3A_840 : i32 to index
      %get3A_842 = arith.constant 112 : index
      %get3A_843 = tpu.vector_load %arg11[%get3A_841, %get3A_842] {strides = array<i32>} : memref<96x512xf32, #tpu.memory_space<vmem>>, vector<16xf32>,
      %add3A_844 = arith.addf %add3A_796, %get3A_843 : vector<16xf32>
      %add3A_845 = arith.constant 3 : i32
      %add3A_846 = arith.addi %mul3A_700, %add3A_845 : i32
      %get3A_847 = arith.index_cast %add3A_846 : i32 to index
      %get3A_848 = arith.constant 0 : index
      %get3A_849 = tpu.vector_load %arg11[%get3A_847, %get3A_848] {strides = array<i32>} : memref<96x512xf32, #tpu.memory_space<vmem>>, vector<16xf32>,
      %add3A_850 = arith.addf %add3A_802, %get3A_849 : vector<16xf32>
      %add3A_851 = arith.constant 3 : i32
      %add3A_852 = arith.addi %mul3A_700, %add3A_851 : i32
      %get3A_853 = arith.index_cast %add3A_852 : i32 to index
      %get3A_854 = arith.constant 16 : index
      %get3A_855 = tpu.vector_load %arg11[%get3A_853, %get3A_854] {strides = array<i32>} : memref<96x512xf32, #tpu.memory_space<vmem>>, vector<16xf32>,
      %add3A_856 = arith.addf %add3A_808, %get3A_855 : vector<16xf32>
      %add3A_857 = arith.constant 3 : i32
      %add3A_858 = arith.addi %mul3A_700, %add3A_857 : i32
      %get3A_859 = arith.index_cast %add3A_858 : i32 to index
      %get3A_860 = arith.constant 32 : index
      %get3A_861 = tpu.vector_load %arg11[%get3A_859, %get3A_860] {strides = array<i32>} : memref<96x512xf32, #tpu.memory_space<vmem>>, vector<16xf32>,
      %add3A_862 = arith.addf %add3A_814, %get3A_861 : vector<16xf32>
      %add3A_863 = arith.constant 3 : i32
      %add3A_864 = arith.addi %mul3A_700, %add3A_863 : i32
      %get3A_865 = arith.index_cast %add3A_864 : i32 to index
      %get3A_866 = arith.constant 48 : index
      %get3A_867 = tpu.vector_load %arg11[%get3A_865, %get3A_866] {strides = array<i32>} : memref<96x512xf32, #tpu.memory_space<vmem>>, vector<16xf32>,
      %add3A_868 = arith.addf %add3A_820, %get3A_867 : vector<16xf32>
      %add3A_869 = arith.constant 3 : i32
      %add3A_870 = arith.addi %mul3A_700, %add3A_869 : i32
      %get3A_871 = arith.index_cast %add3A_870 : i32 to index
      %get3A_872 = arith.constant 64 : index
      %get3A_873 = tpu.vector_load %arg11[%get3A_871, %get3A_872] {strides = array<i32>} : memref<96x512xf32, #tpu.memory_space<vmem>>, vector<16xf32>,
      %add3A_874 = arith.addf %add3A_826, %get3A_873 : vector<16xf32>
      %add3A_875 = arith.constant 3 : i32
      %add3A_876 = arith.addi %mul3A_700, %add3A_875 : i32
      %get3A_877 = arith.index_cast %add3A_876 : i32 to index
      %get3A_878 = arith.constant 80 : index
      %get3A_879 = tpu.vector_load %arg11[%get3A_877, %get3A_878] {strides = array<i32>} : memref<96x512xf32, #tpu.memory_space<vmem>>, vector<16xf32>,
      %add3A_880 = arith.addf %add3A_832, %get3A_879 : vector<16xf32>
      %add3A_881 = arith.constant 3 : i32
      %add3A_882 = arith.addi %mul3A_700, %add3A_881 : i32
      %get3A_883 = arith.index_cast %add3A_882 : i32 to index
      %get3A_884 = arith.constant 96 : index
      %get3A_885 = tpu.vector_load %arg11[%get3A_883, %get3A_884] {strides = array<i32>} : memref<96x512xf32, #tpu.memory_space<vmem>>, vector<16xf32>,
      %add3A_886 = arith.addf %add3A_838, %get3A_885 : vector<16xf32>
      %add3A_887 = arith.constant 3 : i32
      %add3A_888 = arith.addi %mul3A_700, %add3A_887 : i32
      %get3A_889 = arith.index_cast %add3A_888 : i32 to index
      %get3A_890 = arith.constant 112 : index
      %get3A_891 = tpu.vector_load %arg11[%get3A_889, %get3A_890] {strides = array<i32>} : memref<96x512xf32, #tpu.memory_space<vmem>>, vector<16xf32>,
      %add3A_892 = arith.addf %add3A_844, %get3A_891 : vector<16xf32>
      scf.yield %add3A_850, %add3A_856, %add3A_862, %add3A_868, %add3A_874, %add3A_880, %add3A_886, %add3A_892 : vector<16xf32>, vector<16xf32>, vector<16xf32>, vector<16xf32>, vector<16xf32>, vector<16xf32>, vector<16xf32>, vector<16xf32>
    }
    %scan3A_346 = arith.constant 16 : i32
    %scan3A_347 = arith.constant 0 : i32
    %scan3A_348 = arith.constant 16 : i32
    %scan3A_349 = arith.addi %scan3A_347, %scan3A_348 : i32
    %scan3A_350 = arith.constant 1 : i32
    %scan3A_351:8 = scf.for %scan3A_690 = %scan3A_347 to %scan3A_349 step %scan3A_350 iter_args(%scan3A_691 = %scan3A_321#0, %scan3A_692 = %scan3A_321#1, %scan3A_693 = %scan3A_321#2, %scan3A_694 = %scan3A_321#3, %scan3A_695 = %scan3A_321#4, %scan3A_696 = %scan3A_321#5, %scan3A_697 = %scan3A_321#6, %scan3A_698 = %scan3A_321#7) -> (vector<16xf32>, vector<16xf32>, vector<16xf32>, vector<16xf32>, vector<16xf32>, vector<16xf32>, vector<16xf32>, vector<16xf32>)  : i32 {
      %mul3A_699 = arith.constant 4 : i32
      %mul3A_700 = arith.muli %scan3A_690, %mul3A_699 : i32
      %add3A_701 = arith.constant 0 : i32
      %add3A_702 = arith.addi %mul3A_700, %add3A_701 : i32
      %get3A_703 = arith.index_cast %add3A_702 : i32 to index
      %get3A_704 = arith.constant 128 : index
      %get3A_705 = tpu.vector_load %arg11[%get3A_703, %get3A_704] {strides = array<i32>} : memref<96x512xf32, #tpu.memory_space<vmem>>, vector<16xf32>,
      %add3A_706 = arith.addf %scan3A_691, %get3A_705 : vector<16xf32>
      %add3A_707 = arith.constant 0 : i32
      %add3A_708 = arith.addi %mul3A_700, %add3A_707 : i32
      %get3A_709 = arith.index_cast %add3A_708 : i32 to index
      %get3A_710 = arith.constant 144 : index
      %get3A_711 = tpu.vector_load %arg11[%get3A_709, %get3A_710] {strides = array<i32>} : memref<96x512xf32, #tpu.memory_space<vmem>>, vector<16xf32>,
      %add3A_712 = arith.addf %scan3A_692, %get3A_711 : vector<16xf32>
      %add3A_713 = arith.constant 0 : i32
      %add3A_714 = arith.addi %mul3A_700, %add3A_713 : i32
      %get3A_715 = arith.index_cast %add3A_714 : i32 to index
      %get3A_716 = arith.constant 160 : index
      %get3A_717 = tpu.vector_load %arg11[%get3A_715, %get3A_716] {strides = array<i32>} : memref<96x512xf32, #tpu.memory_space<vmem>>, vector<16xf32>,
      %add3A_718 = arith.addf %scan3A_693, %get3A_717 : vector<16xf32>
      %add3A_719 = arith.constant 0 : i32
      %add3A_720 = arith.addi %mul3A_700, %add3A_719 : i32
      %get3A_721 = arith.index_cast %add3A_720 : i32 to index
      %get3A_722 = arith.constant 176 : index
      %get3A_723 = tpu.vector_load %arg11[%get3A_721, %get3A_722] {strides = array<i32>} : memref<96x512xf32, #tpu.memory_space<vmem>>, vector<16xf32>,
      %add3A_724 = arith.addf %scan3A_694, %get3A_723 : vector<16xf32>
      %add3A_725 = arith.constant 0 : i32
      %add3A_726 = arith.addi %mul3A_700, %add3A_725 : i32
      %get3A_727 = arith.index_cast %add3A_726 : i32 to index
      %get3A_728 = arith.constant 192 : index
      %get3A_729 = tpu.vector_load %arg11[%get3A_727, %get3A_728] {strides = array<i32>} : memref<96x512xf32, #tpu.memory_space<vmem>>, vector<16xf32>,
      %add3A_730 = arith.addf %scan3A_695, %get3A_729 : vector<16xf32>
      %add3A_731 = arith.constant 0 : i32
      %add3A_732 = arith.addi %mul3A_700, %add3A_731 : i32
      %get3A_733 = arith.index_cast %add3A_732 : i32 to index
      %get3A_734 = arith.constant 208 : index
      %get3A_735 = tpu.vector_load %arg11[%get3A_733, %get3A_734] {strides = array<i32>} : memref<96x512xf32, #tpu.memory_space<vmem>>, vector<16xf32>,
      %add3A_736 = arith.addf %scan3A_696, %get3A_735 : vector<16xf32>
      %add3A_737 = arith.constant 0 : i32
      %add3A_738 = arith.addi %mul3A_700, %add3A_737 : i32
      %get3A_739 = arith.index_cast %add3A_738 : i32 to index
      %get3A_740 = arith.constant 224 : index
      %get3A_741 = tpu.vector_load %arg11[%get3A_739, %get3A_740] {strides = array<i32>} : memref<96x512xf32, #tpu.memory_space<vmem>>, vector<16xf32>,
      %add3A_742 = arith.addf %scan3A_697, %get3A_741 : vector<16xf32>
      %add3A_743 = arith.constant 0 : i32
      %add3A_744 = arith.addi %mul3A_700, %add3A_743 : i32
      %get3A_745 = arith.index_cast %add3A_744 : i32 to index
      %get3A_746 = arith.constant 240 : index
      %get3A_747 = tpu.vector_load %arg11[%get3A_745, %get3A_746] {strides = array<i32>} : memref<96x512xf32, #tpu.memory_space<vmem>>, vector<16xf32>,
      %add3A_748 = arith.addf %scan3A_698, %get3A_747 : vector<16xf32>
      %add3A_749 = arith.constant 1 : i32
      %add3A_750 = arith.addi %mul3A_700, %add3A_749 : i32
      %get3A_751 = arith.index_cast %add3A_750 : i32 to index
      %get3A_752 = arith.constant 128 : index
      %get3A_753 = tpu.vector_load %arg11[%get3A_751, %get3A_752] {strides = array<i32>} : memref<96x512xf32, #tpu.memory_space<vmem>>, vector<16xf32>,
      %add3A_754 = arith.addf %add3A_706, %get3A_753 : vector<16xf32>
      %add3A_755 = arith.constant 1 : i32
      %add3A_756 = arith.addi %mul3A_700, %add3A_755 : i32
      %get3A_757 = arith.index_cast %add3A_756 : i32 to index
      %get3A_758 = arith.constant 144 : index
      %get3A_759 = tpu.vector_load %arg11[%get3A_757, %get3A_758] {strides = array<i32>} : memref<96x512xf32, #tpu.memory_space<vmem>>, vector<16xf32>,
      %add3A_760 = arith.addf %add3A_712, %get3A_759 : vector<16xf32>
      %add3A_761 = arith.constant 1 : i32
      %add3A_762 = arith.addi %mul3A_700, %add3A_761 : i32
      %get3A_763 = arith.index_cast %add3A_762 : i32 to index
      %get3A_764 = arith.constant 160 : index
      %get3A_765 = tpu.vector_load %arg11[%get3A_763, %get3A_764] {strides = array<i32>} : memref<96x512xf32, #tpu.memory_space<vmem>>, vector<16xf32>,
      %add3A_766 = arith.addf %add3A_718, %get3A_765 : vector<16xf32>
      %add3A_767 = arith.constant 1 : i32
      %add3A_768 = arith.addi %mul3A_700, %add3A_767 : i32
      %get3A_769 = arith.index_cast %add3A_768 : i32 to index
      %get3A_770 = arith.constant 176 : index
      %get3A_771 = tpu.vector_load %arg11[%get3A_769, %get3A_770] {strides = array<i32>} : memref<96x512xf32, #tpu.memory_space<vmem>>, vector<16xf32>,
      %add3A_772 = arith.addf %add3A_724, %get3A_771 : vector<16xf32>
      %add3A_773 = arith.constant 1 : i32
      %add3A_774 = arith.addi %mul3A_700, %add3A_773 : i32
      %get3A_775 = arith.index_cast %add3A_774 : i32 to index
      %get3A_776 = arith.constant 192 : index
      %get3A_777 = tpu.vector_load %arg11[%get3A_775, %get3A_776] {strides = array<i32>} : memref<96x512xf32, #tpu.memory_space<vmem>>, vector<16xf32>,
      %add3A_778 = arith.addf %add3A_730, %get3A_777 : vector<16xf32>
      %add3A_779 = arith.constant 1 : i32
      %add3A_780 = arith.addi %mul3A_700, %add3A_779 : i32
      %get3A_781 = arith.index_cast %add3A_780 : i32 to index
      %get3A_782 = arith.constant 208 : index
      %get3A_783 = tpu.vector_load %arg11[%get3A_781, %get3A_782] {strides = array<i32>} : memref<96x512xf32, #tpu.memory_space<vmem>>, vector<16xf32>,
      %add3A_784 = arith.addf %add3A_736, %get3A_783 : vector<16xf32>
      %add3A_785 = arith.constant 1 : i32
      %add3A_786 = arith.addi %mul3A_700, %add3A_785 : i32
      %get3A_787 = arith.index_cast %add3A_786 : i32 to index
      %get3A_788 = arith.constant 224 : index
      %get3A_789 = tpu.vector_load %arg11[%get3A_787, %get3A_788] {strides = array<i32>} : memref<96x512xf32, #tpu.memory_space<vmem>>, vector<16xf32>,
      %add3A_790 = arith.addf %add3A_742, %get3A_789 : vector<16xf32>
      %add3A_791 = arith.constant 1 : i32
      %add3A_792 = arith.addi %mul3A_700, %add3A_791 : i32
      %get3A_793 = arith.index_cast %add3A_792 : i32 to index
      %get3A_794 = arith.constant 240 : index
      %get3A_795 = tpu.vector_load %arg11[%get3A_793, %get3A_794] {strides = array<i32>} : memref<96x512xf32, #tpu.memory_space<vmem>>, vector<16xf32>,
      %add3A_796 = arith.addf %add3A_748, %get3A_795 : vector<16xf32>
      %add3A_797 = arith.constant 2 : i32
      %add3A_798 = arith.addi %mul3A_700, %add3A_797 : i32
      %get3A_799 = arith.index_cast %add3A_798 : i32 to index
      %get3A_800 = arith.constant 128 : index
      %get3A_801 = tpu.vector_load %arg11[%get3A_799, %get3A_800] {strides = array<i32>} : memref<96x512xf32, #tpu.memory_space<vmem>>, vector<16xf32>,
      %add3A_802 = arith.addf %add3A_754, %get3A_801 : vector<16xf32>
      %add3A_803 = arith.constant 2 : i32
      %add3A_804 = arith.addi %mul3A_700, %add3A_803 : i32
      %get3A_805 = arith.index_cast %add3A_804 : i32 to index
      %get3A_806 = arith.constant 144 : index
      %get3A_807 = tpu.vector_load %arg11[%get3A_805, %get3A_806] {strides = array<i32>} : memref<96x512xf32, #tpu.memory_space<vmem>>, vector<16xf32>,
      %add3A_808 = arith.addf %add3A_760, %get3A_807 : vector<16xf32>
      %add3A_809 = arith.constant 2 : i32
      %add3A_810 = arith.addi %mul3A_700, %add3A_809 : i32
      %get3A_811 = arith.index_cast %add3A_810 : i32 to index
      %get3A_812 = arith.constant 160 : index
      %get3A_813 = tpu.vector_load %arg11[%get3A_811, %get3A_812] {strides = array<i32>} : memref<96x512xf32, #tpu.memory_space<vmem>>, vector<16xf32>,
      %add3A_814 = arith.addf %add3A_766, %get3A_813 : vector<16xf32>
      %add3A_815 = arith.constant 2 : i32
      %add3A_816 = arith.addi %mul3A_700, %add3A_815 : i32
      %get3A_817 = arith.index_cast %add3A_816 : i32 to index
      %get3A_818 = arith.constant 176 : index
      %get3A_819 = tpu.vector_load %arg11[%get3A_817, %get3A_818] {strides = array<i32>} : memref<96x512xf32, #tpu.memory_space<vmem>>, vector<16xf32>,
      %add3A_820 = arith.addf %add3A_772, %get3A_819 : vector<16xf32>
      %add3A_821 = arith.constant 2 : i32
      %add3A_822 = arith.addi %mul3A_700, %add3A_821 : i32
      %get3A_823 = arith.index_cast %add3A_822 : i32 to index
      %get3A_824 = arith.constant 192 : index
      %get3A_825 = tpu.vector_load %arg11[%get3A_823, %get3A_824] {strides = array<i32>} : memref<96x512xf32, #tpu.memory_space<vmem>>, vector<16xf32>,
      %add3A_826 = arith.addf %add3A_778, %get3A_825 : vector<16xf32>
      %add3A_827 = arith.constant 2 : i32
      %add3A_828 = arith.addi %mul3A_700, %add3A_827 : i32
      %get3A_829 = arith.index_cast %add3A_828 : i32 to index
      %get3A_830 = arith.constant 208 : index
      %get3A_831 = tpu.vector_load %arg11[%get3A_829, %get3A_830] {strides = array<i32>} : memref<96x512xf32, #tpu.memory_space<vmem>>, vector<16xf32>,
      %add3A_832 = arith.addf %add3A_784, %get3A_831 : vector<16xf32>
      %add3A_833 = arith.constant 2 : i32
      %add3A_834 = arith.addi %mul3A_700, %add3A_833 : i32
      %get3A_835 = arith.index_cast %add3A_834 : i32 to index
      %get3A_836 = arith.constant 224 : index
      %get3A_837 = tpu.vector_load %arg11[%get3A_835, %get3A_836] {strides = array<i32>} : memref<96x512xf32, #tpu.memory_space<vmem>>, vector<16xf32>,
      %add3A_838 = arith.addf %add3A_790, %get3A_837 : vector<16xf32>
      %add3A_839 = arith.constant 2 : i32
      %add3A_840 = arith.addi %mul3A_700, %add3A_839 : i32
      %get3A_841 = arith.index_cast %add3A_840 : i32 to index
      %get3A_842 = arith.constant 240 : index
      %get3A_843 = tpu.vector_load %arg11[%get3A_841, %get3A_842] {strides = array<i32>} : memref<96x512xf32, #tpu.memory_space<vmem>>, vector<16xf32>,
      %add3A_844 = arith.addf %add3A_796, %get3A_843 : vector<16xf32>
      %add3A_845 = arith.constant 3 : i32
      %add3A_846 = arith.addi %mul3A_700, %add3A_845 : i32
      %get3A_847 = arith.index_cast %add3A_846 : i32 to index
      %get3A_848 = arith.constant 128 : index
      %get3A_849 = tpu.vector_load %arg11[%get3A_847, %get3A_848] {strides = array<i32>} : memref<96x512xf32, #tpu.memory_space<vmem>>, vector<16xf32>,
      %add3A_850 = arith.addf %add3A_802, %get3A_849 : vector<16xf32>
      %add3A_851 = arith.constant 3 : i32
      %add3A_852 = arith.addi %mul3A_700, %add3A_851 : i32
      %get3A_853 = arith.index_cast %add3A_852 : i32 to index
      %get3A_854 = arith.constant 144 : index
      %get3A_855 = tpu.vector_load %arg11[%get3A_853, %get3A_854] {strides = array<i32>} : memref<96x512xf32, #tpu.memory_space<vmem>>, vector<16xf32>,
      %add3A_856 = arith.addf %add3A_808, %get3A_855 : vector<16xf32>
      %add3A_857 = arith.constant 3 : i32
      %add3A_858 = arith.addi %mul3A_700, %add3A_857 : i32
      %get3A_859 = arith.index_cast %add3A_858 : i32 to index
      %get3A_860 = arith.constant 160 : index
      %get3A_861 = tpu.vector_load %arg11[%get3A_859, %get3A_860] {strides = array<i32>} : memref<96x512xf32, #tpu.memory_space<vmem>>, vector<16xf32>,
      %add3A_862 = arith.addf %add3A_814, %get3A_861 : vector<16xf32>
      %add3A_863 = arith.constant 3 : i32
      %add3A_864 = arith.addi %mul3A_700, %add3A_863 : i32
      %get3A_865 = arith.index_cast %add3A_864 : i32 to index
      %get3A_866 = arith.constant 176 : index
      %get3A_867 = tpu.vector_load %arg11[%get3A_865, %get3A_866] {strides = array<i32>} : memref<96x512xf32, #tpu.memory_space<vmem>>, vector<16xf32>,
      %add3A_868 = arith.addf %add3A_820, %get3A_867 : vector<16xf32>
      %add3A_869 = arith.constant 3 : i32
      %add3A_870 = arith.addi %mul3A_700, %add3A_869 : i32
      %get3A_871 = arith.index_cast %add3A_870 : i32 to index
      %get3A_872 = arith.constant 192 : index
      %get3A_873 = tpu.vector_load %arg11[%get3A_871, %get3A_872] {strides = array<i32>} : memref<96x512xf32, #tpu.memory_space<vmem>>, vector<16xf32>,
      %add3A_874 = arith.addf %add3A_826, %get3A_873 : vector<16xf32>
      %add3A_875 = arith.constant 3 : i32
      %add3A_876 = arith.addi %mul3A_700, %add3A_875 : i32
      %get3A_877 = arith.index_cast %add3A_876 : i32 to index
      %get3A_878 = arith.constant 208 : index
      %get3A_879 = tpu.vector_load %arg11[%get3A_877, %get3A_878] {strides = array<i32>} : memref<96x512xf32, #tpu.memory_space<vmem>>, vector<16xf32>,
      %add3A_880 = arith.addf %add3A_832, %get3A_879 : vector<16xf32>
      %add3A_881 = arith.constant 3 : i32
      %add3A_882 = arith.addi %mul3A_700, %add3A_881 : i32
      %get3A_883 = arith.index_cast %add3A_882 : i32 to index
      %get3A_884 = arith.constant 224 : index
      %get3A_885 = tpu.vector_load %arg11[%get3A_883, %get3A_884] {strides = array<i32>} : memref<96x512xf32, #tpu.memory_space<vmem>>, vector<16xf32>,
      %add3A_886 = arith.addf %add3A_838, %get3A_885 : vector<16xf32>
      %add3A_887 = arith.constant 3 : i32
      %add3A_888 = arith.addi %mul3A_700, %add3A_887 : i32
      %get3A_889 = arith.index_cast %add3A_888 : i32 to index
      %get3A_890 = arith.constant 240 : index
      %get3A_891 = tpu.vector_load %arg11[%get3A_889, %get3A_890] {strides = array<i32>} : memref<96x512xf32, #tpu.memory_space<vmem>>, vector<16xf32>,
      %add3A_892 = arith.addf %add3A_844, %get3A_891 : vector<16xf32>
      scf.yield %add3A_850, %add3A_856, %add3A_862, %add3A_868, %add3A_874, %add3A_880, %add3A_886, %add3A_892 : vector<16xf32>, vector<16xf32>, vector<16xf32>, vector<16xf32>, vector<16xf32>, vector<16xf32>, vector<16xf32>, vector<16xf32>
    }
    %scan3A_352 = arith.constant 16 : i32
    %scan3A_353 = arith.constant 0 : i32
    %scan3A_354 = arith.constant 16 : i32
    %scan3A_355 = arith.addi %scan3A_353, %scan3A_354 : i32
    %scan3A_356 = arith.constant 1 : i32
    %scan3A_357:8 = scf.for %scan3A_690 = %scan3A_353 to %scan3A_355 step %scan3A_356 iter_args(%scan3A_691 = %scan3A_327#0, %scan3A_692 = %scan3A_327#1, %scan3A_693 = %scan3A_327#2, %scan3A_694 = %scan3A_327#3, %scan3A_695 = %scan3A_327#4, %scan3A_696 = %scan3A_327#5, %scan3A_697 = %scan3A_327#6, %scan3A_698 = %scan3A_327#7) -> (vector<16xf32>, vector<16xf32>, vector<16xf32>, vector<16xf32>, vector<16xf32>, vector<16xf32>, vector<16xf32>, vector<16xf32>)  : i32 {
      %mul3A_699 = arith.constant 4 : i32
      %mul3A_700 = arith.muli %scan3A_690, %mul3A_699 : i32
      %add3A_701 = arith.constant 0 : i32
      %add3A_702 = arith.addi %mul3A_700, %add3A_701 : i32
      %get3A_703 = arith.index_cast %add3A_702 : i32 to index
      %get3A_704 = arith.constant 256 : index
      %get3A_705 = tpu.vector_load %arg11[%get3A_703, %get3A_704] {strides = array<i32>} : memref<96x512xf32, #tpu.memory_space<vmem>>, vector<16xf32>,
      %add3A_706 = arith.addf %scan3A_691, %get3A_705 : vector<16xf32>
      %add3A_707 = arith.constant 0 : i32
      %add3A_708 = arith.addi %mul3A_700, %add3A_707 : i32
      %get3A_709 = arith.index_cast %add3A_708 : i32 to index
      %get3A_710 = arith.constant 272 : index
      %get3A_711 = tpu.vector_load %arg11[%get3A_709, %get3A_710] {strides = array<i32>} : memref<96x512xf32, #tpu.memory_space<vmem>>, vector<16xf32>,
      %add3A_712 = arith.addf %scan3A_692, %get3A_711 : vector<16xf32>
      %add3A_713 = arith.constant 0 : i32
      %add3A_714 = arith.addi %mul3A_700, %add3A_713 : i32
      %get3A_715 = arith.index_cast %add3A_714 : i32 to index
      %get3A_716 = arith.constant 288 : index
      %get3A_717 = tpu.vector_load %arg11[%get3A_715, %get3A_716] {strides = array<i32>} : memref<96x512xf32, #tpu.memory_space<vmem>>, vector<16xf32>,
      %add3A_718 = arith.addf %scan3A_693, %get3A_717 : vector<16xf32>
      %add3A_719 = arith.constant 0 : i32
      %add3A_720 = arith.addi %mul3A_700, %add3A_719 : i32
      %get3A_721 = arith.index_cast %add3A_720 : i32 to index
      %get3A_722 = arith.constant 304 : index
      %get3A_723 = tpu.vector_load %arg11[%get3A_721, %get3A_722] {strides = array<i32>} : memref<96x512xf32, #tpu.memory_space<vmem>>, vector<16xf32>,
      %add3A_724 = arith.addf %scan3A_694, %get3A_723 : vector<16xf32>
      %add3A_725 = arith.constant 0 : i32
      %add3A_726 = arith.addi %mul3A_700, %add3A_725 : i32
      %get3A_727 = arith.index_cast %add3A_726 : i32 to index
      %get3A_728 = arith.constant 320 : index
      %get3A_729 = tpu.vector_load %arg11[%get3A_727, %get3A_728] {strides = array<i32>} : memref<96x512xf32, #tpu.memory_space<vmem>>, vector<16xf32>,
      %add3A_730 = arith.addf %scan3A_695, %get3A_729 : vector<16xf32>
      %add3A_731 = arith.constant 0 : i32
      %add3A_732 = arith.addi %mul3A_700, %add3A_731 : i32
      %get3A_733 = arith.index_cast %add3A_732 : i32 to index
      %get3A_734 = arith.constant 336 : index
      %get3A_735 = tpu.vector_load %arg11[%get3A_733, %get3A_734] {strides = array<i32>} : memref<96x512xf32, #tpu.memory_space<vmem>>, vector<16xf32>,
      %add3A_736 = arith.addf %scan3A_696, %get3A_735 : vector<16xf32>
      %add3A_737 = arith.constant 0 : i32
      %add3A_738 = arith.addi %mul3A_700, %add3A_737 : i32
      %get3A_739 = arith.index_cast %add3A_738 : i32 to index
      %get3A_740 = arith.constant 352 : index
      %get3A_741 = tpu.vector_load %arg11[%get3A_739, %get3A_740] {strides = array<i32>} : memref<96x512xf32, #tpu.memory_space<vmem>>, vector<16xf32>,
      %add3A_742 = arith.addf %scan3A_697, %get3A_741 : vector<16xf32>
      %add3A_743 = arith.constant 0 : i32
      %add3A_744 = arith.addi %mul3A_700, %add3A_743 : i32
      %get3A_745 = arith.index_cast %add3A_744 : i32 to index
      %get3A_746 = arith.constant 368 : index
      %get3A_747 = tpu.vector_load %arg11[%get3A_745, %get3A_746] {strides = array<i32>} : memref<96x512xf32, #tpu.memory_space<vmem>>, vector<16xf32>,
      %add3A_748 = arith.addf %scan3A_698, %get3A_747 : vector<16xf32>
      %add3A_749 = arith.constant 1 : i32
      %add3A_750 = arith.addi %mul3A_700, %add3A_749 : i32
      %get3A_751 = arith.index_cast %add3A_750 : i32 to index
      %get3A_752 = arith.constant 256 : index
      %get3A_753 = tpu.vector_load %arg11[%get3A_751, %get3A_752] {strides = array<i32>} : memref<96x512xf32, #tpu.memory_space<vmem>>, vector<16xf32>,
      %add3A_754 = arith.addf %add3A_706, %get3A_753 : vector<16xf32>
      %add3A_755 = arith.constant 1 : i32
      %add3A_756 = arith.addi %mul3A_700, %add3A_755 : i32
      %get3A_757 = arith.index_cast %add3A_756 : i32 to index
      %get3A_758 = arith.constant 272 : index
      %get3A_759 = tpu.vector_load %arg11[%get3A_757, %get3A_758] {strides = array<i32>} : memref<96x512xf32, #tpu.memory_space<vmem>>, vector<16xf32>,
      %add3A_760 = arith.addf %add3A_712, %get3A_759 : vector<16xf32>
      %add3A_761 = arith.constant 1 : i32
      %add3A_762 = arith.addi %mul3A_700, %add3A_761 : i32
      %get3A_763 = arith.index_cast %add3A_762 : i32 to index
      %get3A_764 = arith.constant 288 : index
      %get3A_765 = tpu.vector_load %arg11[%get3A_763, %get3A_764] {strides = array<i32>} : memref<96x512xf32, #tpu.memory_space<vmem>>, vector<16xf32>,
      %add3A_766 = arith.addf %add3A_718, %get3A_765 : vector<16xf32>
      %add3A_767 = arith.constant 1 : i32
      %add3A_768 = arith.addi %mul3A_700, %add3A_767 : i32
      %get3A_769 = arith.index_cast %add3A_768 : i32 to index
      %get3A_770 = arith.constant 304 : index
      %get3A_771 = tpu.vector_load %arg11[%get3A_769, %get3A_770] {strides = array<i32>} : memref<96x512xf32, #tpu.memory_space<vmem>>, vector<16xf32>,
      %add3A_772 = arith.addf %add3A_724, %get3A_771 : vector<16xf32>
      %add3A_773 = arith.constant 1 : i32
      %add3A_774 = arith.addi %mul3A_700, %add3A_773 : i32
      %get3A_775 = arith.index_cast %add3A_774 : i32 to index
      %get3A_776 = arith.constant 320 : index
      %get3A_777 = tpu.vector_load %arg11[%get3A_775, %get3A_776] {strides = array<i32>} : memref<96x512xf32, #tpu.memory_space<vmem>>, vector<16xf32>,
      %add3A_778 = arith.addf %add3A_730, %get3A_777 : vector<16xf32>
      %add3A_779 = arith.constant 1 : i32
      %add3A_780 = arith.addi %mul3A_700, %add3A_779 : i32
      %get3A_781 = arith.index_cast %add3A_780 : i32 to index
      %get3A_782 = arith.constant 336 : index
      %get3A_783 = tpu.vector_load %arg11[%get3A_781, %get3A_782] {strides = array<i32>} : memref<96x512xf32, #tpu.memory_space<vmem>>, vector<16xf32>,
      %add3A_784 = arith.addf %add3A_736, %get3A_783 : vector<16xf32>
      %add3A_785 = arith.constant 1 : i32
      %add3A_786 = arith.addi %mul3A_700, %add3A_785 : i32
      %get3A_787 = arith.index_cast %add3A_786 : i32 to index
      %get3A_788 = arith.constant 352 : index
      %get3A_789 = tpu.vector_load %arg11[%get3A_787, %get3A_788] {strides = array<i32>} : memref<96x512xf32, #tpu.memory_space<vmem>>, vector<16xf32>,
      %add3A_790 = arith.addf %add3A_742, %get3A_789 : vector<16xf32>
      %add3A_791 = arith.constant 1 : i32
      %add3A_792 = arith.addi %mul3A_700, %add3A_791 : i32
      %get3A_793 = arith.index_cast %add3A_792 : i32 to index
      %get3A_794 = arith.constant 368 : index
      %get3A_795 = tpu.vector_load %arg11[%get3A_793, %get3A_794] {strides = array<i32>} : memref<96x512xf32, #tpu.memory_space<vmem>>, vector<16xf32>,
      %add3A_796 = arith.addf %add3A_748, %get3A_795 : vector<16xf32>
      %add3A_797 = arith.constant 2 : i32
      %add3A_798 = arith.addi %mul3A_700, %add3A_797 : i32
      %get3A_799 = arith.index_cast %add3A_798 : i32 to index
      %get3A_800 = arith.constant 256 : index
      %get3A_801 = tpu.vector_load %arg11[%get3A_799, %get3A_800] {strides = array<i32>} : memref<96x512xf32, #tpu.memory_space<vmem>>, vector<16xf32>,
      %add3A_802 = arith.addf %add3A_754, %get3A_801 : vector<16xf32>
      %add3A_803 = arith.constant 2 : i32
      %add3A_804 = arith.addi %mul3A_700, %add3A_803 : i32
      %get3A_805 = arith.index_cast %add3A_804 : i32 to index
      %get3A_806 = arith.constant 272 : index
      %get3A_807 = tpu.vector_load %arg11[%get3A_805, %get3A_806] {strides = array<i32>} : memref<96x512xf32, #tpu.memory_space<vmem>>, vector<16xf32>,
      %add3A_808 = arith.addf %add3A_760, %get3A_807 : vector<16xf32>
      %add3A_809 = arith.constant 2 : i32
      %add3A_810 = arith.addi %mul3A_700, %add3A_809 : i32
      %get3A_811 = arith.index_cast %add3A_810 : i32 to index
      %get3A_812 = arith.constant 288 : index
      %get3A_813 = tpu.vector_load %arg11[%get3A_811, %get3A_812] {strides = array<i32>} : memref<96x512xf32, #tpu.memory_space<vmem>>, vector<16xf32>,
      %add3A_814 = arith.addf %add3A_766, %get3A_813 : vector<16xf32>
      %add3A_815 = arith.constant 2 : i32
      %add3A_816 = arith.addi %mul3A_700, %add3A_815 : i32
      %get3A_817 = arith.index_cast %add3A_816 : i32 to index
      %get3A_818 = arith.constant 304 : index
      %get3A_819 = tpu.vector_load %arg11[%get3A_817, %get3A_818] {strides = array<i32>} : memref<96x512xf32, #tpu.memory_space<vmem>>, vector<16xf32>,
      %add3A_820 = arith.addf %add3A_772, %get3A_819 : vector<16xf32>
      %add3A_821 = arith.constant 2 : i32
      %add3A_822 = arith.addi %mul3A_700, %add3A_821 : i32
      %get3A_823 = arith.index_cast %add3A_822 : i32 to index
      %get3A_824 = arith.constant 320 : index
      %get3A_825 = tpu.vector_load %arg11[%get3A_823, %get3A_824] {strides = array<i32>} : memref<96x512xf32, #tpu.memory_space<vmem>>, vector<16xf32>,
      %add3A_826 = arith.addf %add3A_778, %get3A_825 : vector<16xf32>
      %add3A_827 = arith.constant 2 : i32
      %add3A_828 = arith.addi %mul3A_700, %add3A_827 : i32
      %get3A_829 = arith.index_cast %add3A_828 : i32 to index
      %get3A_830 = arith.constant 336 : index
      %get3A_831 = tpu.vector_load %arg11[%get3A_829, %get3A_830] {strides = array<i32>} : memref<96x512xf32, #tpu.memory_space<vmem>>, vector<16xf32>,
      %add3A_832 = arith.addf %add3A_784, %get3A_831 : vector<16xf32>
      %add3A_833 = arith.constant 2 : i32
      %add3A_834 = arith.addi %mul3A_700, %add3A_833 : i32
      %get3A_835 = arith.index_cast %add3A_834 : i32 to index
      %get3A_836 = arith.constant 352 : index
      %get3A_837 = tpu.vector_load %arg11[%get3A_835, %get3A_836] {strides = array<i32>} : memref<96x512xf32, #tpu.memory_space<vmem>>, vector<16xf32>,
      %add3A_838 = arith.addf %add3A_790, %get3A_837 : vector<16xf32>
      %add3A_839 = arith.constant 2 : i32
      %add3A_840 = arith.addi %mul3A_700, %add3A_839 : i32
      %get3A_841 = arith.index_cast %add3A_840 : i32 to index
      %get3A_842 = arith.constant 368 : index
      %get3A_843 = tpu.vector_load %arg11[%get3A_841, %get3A_842] {strides = array<i32>} : memref<96x512xf32, #tpu.memory_space<vmem>>, vector<16xf32>,
      %add3A_844 = arith.addf %add3A_796, %get3A_843 : vector<16xf32>
      %add3A_845 = arith.constant 3 : i32
      %add3A_846 = arith.addi %mul3A_700, %add3A_845 : i32
      %get3A_847 = arith.index_cast %add3A_846 : i32 to index
      %get3A_848 = arith.constant 256 : index
      %get3A_849 = tpu.vector_load %arg11[%get3A_847, %get3A_848] {strides = array<i32>} : memref<96x512xf32, #tpu.memory_space<vmem>>, vector<16xf32>,
      %add3A_850 = arith.addf %add3A_802, %get3A_849 : vector<16xf32>
      %add3A_851 = arith.constant 3 : i32
      %add3A_852 = arith.addi %mul3A_700, %add3A_851 : i32
      %get3A_853 = arith.index_cast %add3A_852 : i32 to index
      %get3A_854 = arith.constant 272 : index
      %get3A_855 = tpu.vector_load %arg11[%get3A_853, %get3A_854] {strides = array<i32>} : memref<96x512xf32, #tpu.memory_space<vmem>>, vector<16xf32>,
      %add3A_856 = arith.addf %add3A_808, %get3A_855 : vector<16xf32>
      %add3A_857 = arith.constant 3 : i32
      %add3A_858 = arith.addi %mul3A_700, %add3A_857 : i32
      %get3A_859 = arith.index_cast %add3A_858 : i32 to index
      %get3A_860 = arith.constant 288 : index
      %get3A_861 = tpu.vector_load %arg11[%get3A_859, %get3A_860] {strides = array<i32>} : memref<96x512xf32, #tpu.memory_space<vmem>>, vector<16xf32>,
      %add3A_862 = arith.addf %add3A_814, %get3A_861 : vector<16xf32>
      %add3A_863 = arith.constant 3 : i32
      %add3A_864 = arith.addi %mul3A_700, %add3A_863 : i32
      %get3A_865 = arith.index_cast %add3A_864 : i32 to index
      %get3A_866 = arith.constant 304 : index
      %get3A_867 = tpu.vector_load %arg11[%get3A_865, %get3A_866] {strides = array<i32>} : memref<96x512xf32, #tpu.memory_space<vmem>>, vector<16xf32>,
      %add3A_868 = arith.addf %add3A_820, %get3A_867 : vector<16xf32>
      %add3A_869 = arith.constant 3 : i32
      %add3A_870 = arith.addi %mul3A_700, %add3A_869 : i32
      %get3A_871 = arith.index_cast %add3A_870 : i32 to index
      %get3A_872 = arith.constant 320 : index
      %get3A_873 = tpu.vector_load %arg11[%get3A_871, %get3A_872] {strides = array<i32>} : memref<96x512xf32, #tpu.memory_space<vmem>>, vector<16xf32>,
      %add3A_874 = arith.addf %add3A_826, %get3A_873 : vector<16xf32>
      %add3A_875 = arith.constant 3 : i32
      %add3A_876 = arith.addi %mul3A_700, %add3A_875 : i32
      %get3A_877 = arith.index_cast %add3A_876 : i32 to index
      %get3A_878 = arith.constant 336 : index
      %get3A_879 = tpu.vector_load %arg11[%get3A_877, %get3A_878] {strides = array<i32>} : memref<96x512xf32, #tpu.memory_space<vmem>>, vector<16xf32>,
      %add3A_880 = arith.addf %add3A_832, %get3A_879 : vector<16xf32>
      %add3A_881 = arith.constant 3 : i32
      %add3A_882 = arith.addi %mul3A_700, %add3A_881 : i32
      %get3A_883 = arith.index_cast %add3A_882 : i32 to index
      %get3A_884 = arith.constant 352 : index
      %get3A_885 = tpu.vector_load %arg11[%get3A_883, %get3A_884] {strides = array<i32>} : memref<96x512xf32, #tpu.memory_space<vmem>>, vector<16xf32>,
      %add3A_886 = arith.addf %add3A_838, %get3A_885 : vector<16xf32>
      %add3A_887 = arith.constant 3 : i32
      %add3A_888 = arith.addi %mul3A_700, %add3A_887 : i32
      %get3A_889 = arith.index_cast %add3A_888 : i32 to index
      %get3A_890 = arith.constant 368 : index
      %get3A_891 = tpu.vector_load %arg11[%get3A_889, %get3A_890] {strides = array<i32>} : memref<96x512xf32, #tpu.memory_space<vmem>>, vector<16xf32>,
      %add3A_892 = arith.addf %add3A_844, %get3A_891 : vector<16xf32>
      scf.yield %add3A_850, %add3A_856, %add3A_862, %add3A_868, %add3A_874, %add3A_880, %add3A_886, %add3A_892 : vector<16xf32>, vector<16xf32>, vector<16xf32>, vector<16xf32>, vector<16xf32>, vector<16xf32>, vector<16xf32>, vector<16xf32>
    }
    %scan3A_358 = arith.constant 16 : i32
    %scan3A_359 = arith.constant 0 : i32
    %scan3A_360 = arith.constant 16 : i32
    %scan3A_361 = arith.addi %scan3A_359, %scan3A_360 : i32
    %scan3A_362 = arith.constant 1 : i32
    %scan3A_363:8 = scf.for %scan3A_690 = %scan3A_359 to %scan3A_361 step %scan3A_362 iter_args(%scan3A_691 = %scan3A_333#0, %scan3A_692 = %scan3A_333#1, %scan3A_693 = %scan3A_333#2, %scan3A_694 = %scan3A_333#3, %scan3A_695 = %scan3A_333#4, %scan3A_696 = %scan3A_333#5, %scan3A_697 = %scan3A_333#6, %scan3A_698 = %scan3A_333#7) -> (vector<16xf32>, vector<16xf32>, vector<16xf32>, vector<16xf32>, vector<16xf32>, vector<16xf32>, vector<16xf32>, vector<16xf32>)  : i32 {
      %mul3A_699 = arith.constant 4 : i32
      %mul3A_700 = arith.muli %scan3A_690, %mul3A_699 : i32
      %add3A_701 = arith.constant 0 : i32
      %add3A_702 = arith.addi %mul3A_700, %add3A_701 : i32
      %get3A_703 = arith.index_cast %add3A_702 : i32 to index
      %get3A_704 = arith.constant 384 : index
      %get3A_705 = tpu.vector_load %arg11[%get3A_703, %get3A_704] {strides = array<i32>} : memref<96x512xf32, #tpu.memory_space<vmem>>, vector<16xf32>,
      %add3A_706 = arith.addf %scan3A_691, %get3A_705 : vector<16xf32>
      %add3A_707 = arith.constant 0 : i32
      %add3A_708 = arith.addi %mul3A_700, %add3A_707 : i32
      %get3A_709 = arith.index_cast %add3A_708 : i32 to index
      %get3A_710 = arith.constant 400 : index
      %get3A_711 = tpu.vector_load %arg11[%get3A_709, %get3A_710] {strides = array<i32>} : memref<96x512xf32, #tpu.memory_space<vmem>>, vector<16xf32>,
      %add3A_712 = arith.addf %scan3A_692, %get3A_711 : vector<16xf32>
      %add3A_713 = arith.constant 0 : i32
      %add3A_714 = arith.addi %mul3A_700, %add3A_713 : i32
      %get3A_715 = arith.index_cast %add3A_714 : i32 to index
      %get3A_716 = arith.constant 416 : index
      %get3A_717 = tpu.vector_load %arg11[%get3A_715, %get3A_716] {strides = array<i32>} : memref<96x512xf32, #tpu.memory_space<vmem>>, vector<16xf32>,
      %add3A_718 = arith.addf %scan3A_693, %get3A_717 : vector<16xf32>
      %add3A_719 = arith.constant 0 : i32
      %add3A_720 = arith.addi %mul3A_700, %add3A_719 : i32
      %get3A_721 = arith.index_cast %add3A_720 : i32 to index
      %get3A_722 = arith.constant 432 : index
      %get3A_723 = tpu.vector_load %arg11[%get3A_721, %get3A_722] {strides = array<i32>} : memref<96x512xf32, #tpu.memory_space<vmem>>, vector<16xf32>,
      %add3A_724 = arith.addf %scan3A_694, %get3A_723 : vector<16xf32>
      %add3A_725 = arith.constant 0 : i32
      %add3A_726 = arith.addi %mul3A_700, %add3A_725 : i32
      %get3A_727 = arith.index_cast %add3A_726 : i32 to index
      %get3A_728 = arith.constant 448 : index
      %get3A_729 = tpu.vector_load %arg11[%get3A_727, %get3A_728] {strides = array<i32>} : memref<96x512xf32, #tpu.memory_space<vmem>>, vector<16xf32>,
      %add3A_730 = arith.addf %scan3A_695, %get3A_729 : vector<16xf32>
      %add3A_731 = arith.constant 0 : i32
      %add3A_732 = arith.addi %mul3A_700, %add3A_731 : i32
      %get3A_733 = arith.index_cast %add3A_732 : i32 to index
      %get3A_734 = arith.constant 464 : index
      %get3A_735 = tpu.vector_load %arg11[%get3A_733, %get3A_734] {strides = array<i32>} : memref<96x512xf32, #tpu.memory_space<vmem>>, vector<16xf32>,
      %add3A_736 = arith.addf %scan3A_696, %get3A_735 : vector<16xf32>
      %add3A_737 = arith.constant 0 : i32
      %add3A_738 = arith.addi %mul3A_700, %add3A_737 : i32
      %get3A_739 = arith.index_cast %add3A_738 : i32 to index
      %get3A_740 = arith.constant 480 : index
      %get3A_741 = tpu.vector_load %arg11[%get3A_739, %get3A_740] {strides = array<i32>} : memref<96x512xf32, #tpu.memory_space<vmem>>, vector<16xf32>,
      %add3A_742 = arith.addf %scan3A_697, %get3A_741 : vector<16xf32>
      %add3A_743 = arith.constant 0 : i32
      %add3A_744 = arith.addi %mul3A_700, %add3A_743 : i32
      %get3A_745 = arith.index_cast %add3A_744 : i32 to index
      %get3A_746 = arith.constant 496 : index
      %get3A_747 = tpu.vector_load %arg11[%get3A_745, %get3A_746] {strides = array<i32>} : memref<96x512xf32, #tpu.memory_space<vmem>>, vector<16xf32>,
      %add3A_748 = arith.addf %scan3A_698, %get3A_747 : vector<16xf32>
      %add3A_749 = arith.constant 1 : i32
      %add3A_750 = arith.addi %mul3A_700, %add3A_749 : i32
      %get3A_751 = arith.index_cast %add3A_750 : i32 to index
      %get3A_752 = arith.constant 384 : index
      %get3A_753 = tpu.vector_load %arg11[%get3A_751, %get3A_752] {strides = array<i32>} : memref<96x512xf32, #tpu.memory_space<vmem>>, vector<16xf32>,
      %add3A_754 = arith.addf %add3A_706, %get3A_753 : vector<16xf32>
      %add3A_755 = arith.constant 1 : i32
      %add3A_756 = arith.addi %mul3A_700, %add3A_755 : i32
      %get3A_757 = arith.index_cast %add3A_756 : i32 to index
      %get3A_758 = arith.constant 400 : index
      %get3A_759 = tpu.vector_load %arg11[%get3A_757, %get3A_758] {strides = array<i32>} : memref<96x512xf32, #tpu.memory_space<vmem>>, vector<16xf32>,
      %add3A_760 = arith.addf %add3A_712, %get3A_759 : vector<16xf32>
      %add3A_761 = arith.constant 1 : i32
      %add3A_762 = arith.addi %mul3A_700, %add3A_761 : i32
      %get3A_763 = arith.index_cast %add3A_762 : i32 to index
      %get3A_764 = arith.constant 416 : index
      %get3A_765 = tpu.vector_load %arg11[%get3A_763, %get3A_764] {strides = array<i32>} : memref<96x512xf32, #tpu.memory_space<vmem>>, vector<16xf32>,
      %add3A_766 = arith.addf %add3A_718, %get3A_765 : vector<16xf32>
      %add3A_767 = arith.constant 1 : i32
      %add3A_768 = arith.addi %mul3A_700, %add3A_767 : i32
      %get3A_769 = arith.index_cast %add3A_768 : i32 to index
      %get3A_770 = arith.constant 432 : index
      %get3A_771 = tpu.vector_load %arg11[%get3A_769, %get3A_770] {strides = array<i32>} : memref<96x512xf32, #tpu.memory_space<vmem>>, vector<16xf32>,
      %add3A_772 = arith.addf %add3A_724, %get3A_771 : vector<16xf32>
      %add3A_773 = arith.constant 1 : i32
      %add3A_774 = arith.addi %mul3A_700, %add3A_773 : i32
      %get3A_775 = arith.index_cast %add3A_774 : i32 to index
      %get3A_776 = arith.constant 448 : index
      %get3A_777 = tpu.vector_load %arg11[%get3A_775, %get3A_776] {strides = array<i32>} : memref<96x512xf32, #tpu.memory_space<vmem>>, vector<16xf32>,
      %add3A_778 = arith.addf %add3A_730, %get3A_777 : vector<16xf32>
      %add3A_779 = arith.constant 1 : i32
      %add3A_780 = arith.addi %mul3A_700, %add3A_779 : i32
      %get3A_781 = arith.index_cast %add3A_780 : i32 to index
      %get3A_782 = arith.constant 464 : index
      %get3A_783 = tpu.vector_load %arg11[%get3A_781, %get3A_782] {strides = array<i32>} : memref<96x512xf32, #tpu.memory_space<vmem>>, vector<16xf32>,
      %add3A_784 = arith.addf %add3A_736, %get3A_783 : vector<16xf32>
      %add3A_785 = arith.constant 1 : i32
      %add3A_786 = arith.addi %mul3A_700, %add3A_785 : i32
      %get3A_787 = arith.index_cast %add3A_786 : i32 to index
      %get3A_788 = arith.constant 480 : index
      %get3A_789 = tpu.vector_load %arg11[%get3A_787, %get3A_788] {strides = array<i32>} : memref<96x512xf32, #tpu.memory_space<vmem>>, vector<16xf32>,
      %add3A_790 = arith.addf %add3A_742, %get3A_789 : vector<16xf32>
      %add3A_791 = arith.constant 1 : i32
      %add3A_792 = arith.addi %mul3A_700, %add3A_791 : i32
      %get3A_793 = arith.index_cast %add3A_792 : i32 to index
      %get3A_794 = arith.constant 496 : index
      %get3A_795 = tpu.vector_load %arg11[%get3A_793, %get3A_794] {strides = array<i32>} : memref<96x512xf32, #tpu.memory_space<vmem>>, vector<16xf32>,
      %add3A_796 = arith.addf %add3A_748, %get3A_795 : vector<16xf32>
      %add3A_797 = arith.constant 2 : i32
      %add3A_798 = arith.addi %mul3A_700, %add3A_797 : i32
      %get3A_799 = arith.index_cast %add3A_798 : i32 to index
      %get3A_800 = arith.constant 384 : index
      %get3A_801 = tpu.vector_load %arg11[%get3A_799, %get3A_800] {strides = array<i32>} : memref<96x512xf32, #tpu.memory_space<vmem>>, vector<16xf32>,
      %add3A_802 = arith.addf %add3A_754, %get3A_801 : vector<16xf32>
      %add3A_803 = arith.constant 2 : i32
      %add3A_804 = arith.addi %mul3A_700, %add3A_803 : i32
      %get3A_805 = arith.index_cast %add3A_804 : i32 to index
      %get3A_806 = arith.constant 400 : index
      %get3A_807 = tpu.vector_load %arg11[%get3A_805, %get3A_806] {strides = array<i32>} : memref<96x512xf32, #tpu.memory_space<vmem>>, vector<16xf32>,
      %add3A_808 = arith.addf %add3A_760, %get3A_807 : vector<16xf32>
      %add3A_809 = arith.constant 2 : i32
      %add3A_810 = arith.addi %mul3A_700, %add3A_809 : i32
      %get3A_811 = arith.index_cast %add3A_810 : i32 to index
      %get3A_812 = arith.constant 416 : index
      %get3A_813 = tpu.vector_load %arg11[%get3A_811, %get3A_812] {strides = array<i32>} : memref<96x512xf32, #tpu.memory_space<vmem>>, vector<16xf32>,
      %add3A_814 = arith.addf %add3A_766, %get3A_813 : vector<16xf32>
      %add3A_815 = arith.constant 2 : i32
      %add3A_816 = arith.addi %mul3A_700, %add3A_815 : i32
      %get3A_817 = arith.index_cast %add3A_816 : i32 to index
      %get3A_818 = arith.constant 432 : index
      %get3A_819 = tpu.vector_load %arg11[%get3A_817, %get3A_818] {strides = array<i32>} : memref<96x512xf32, #tpu.memory_space<vmem>>, vector<16xf32>,
      %add3A_820 = arith.addf %add3A_772, %get3A_819 : vector<16xf32>
      %add3A_821 = arith.constant 2 : i32
      %add3A_822 = arith.addi %mul3A_700, %add3A_821 : i32
      %get3A_823 = arith.index_cast %add3A_822 : i32 to index
      %get3A_824 = arith.constant 448 : index
      %get3A_825 = tpu.vector_load %arg11[%get3A_823, %get3A_824] {strides = array<i32>} : memref<96x512xf32, #tpu.memory_space<vmem>>, vector<16xf32>,
      %add3A_826 = arith.addf %add3A_778, %get3A_825 : vector<16xf32>
      %add3A_827 = arith.constant 2 : i32
      %add3A_828 = arith.addi %mul3A_700, %add3A_827 : i32
      %get3A_829 = arith.index_cast %add3A_828 : i32 to index
      %get3A_830 = arith.constant 464 : index
      %get3A_831 = tpu.vector_load %arg11[%get3A_829, %get3A_830] {strides = array<i32>} : memref<96x512xf32, #tpu.memory_space<vmem>>, vector<16xf32>,
      %add3A_832 = arith.addf %add3A_784, %get3A_831 : vector<16xf32>
      %add3A_833 = arith.constant 2 : i32
      %add3A_834 = arith.addi %mul3A_700, %add3A_833 : i32
      %get3A_835 = arith.index_cast %add3A_834 : i32 to index
      %get3A_836 = arith.constant 480 : index
      %get3A_837 = tpu.vector_load %arg11[%get3A_835, %get3A_836] {strides = array<i32>} : memref<96x512xf32, #tpu.memory_space<vmem>>, vector<16xf32>,
      %add3A_838 = arith.addf %add3A_790, %get3A_837 : vector<16xf32>
      %add3A_839 = arith.constant 2 : i32
      %add3A_840 = arith.addi %mul3A_700, %add3A_839 : i32
      %get3A_841 = arith.index_cast %add3A_840 : i32 to index
      %get3A_842 = arith.constant 496 : index
      %get3A_843 = tpu.vector_load %arg11[%get3A_841, %get3A_842] {strides = array<i32>} : memref<96x512xf32, #tpu.memory_space<vmem>>, vector<16xf32>,
      %add3A_844 = arith.addf %add3A_796, %get3A_843 : vector<16xf32>
      %add3A_845 = arith.constant 3 : i32
      %add3A_846 = arith.addi %mul3A_700, %add3A_845 : i32
      %get3A_847 = arith.index_cast %add3A_846 : i32 to index
      %get3A_848 = arith.constant 384 : index
      %get3A_849 = tpu.vector_load %arg11[%get3A_847, %get3A_848] {strides = array<i32>} : memref<96x512xf32, #tpu.memory_space<vmem>>, vector<16xf32>,
      %add3A_850 = arith.addf %add3A_802, %get3A_849 : vector<16xf32>
      %add3A_851 = arith.constant 3 : i32
      %add3A_852 = arith.addi %mul3A_700, %add3A_851 : i32
      %get3A_853 = arith.index_cast %add3A_852 : i32 to index
      %get3A_854 = arith.constant 400 : index
      %get3A_855 = tpu.vector_load %arg11[%get3A_853, %get3A_854] {strides = array<i32>} : memref<96x512xf32, #tpu.memory_space<vmem>>, vector<16xf32>,
      %add3A_856 = arith.addf %add3A_808, %get3A_855 : vector<16xf32>
      %add3A_857 = arith.constant 3 : i32
      %add3A_858 = arith.addi %mul3A_700, %add3A_857 : i32
      %get3A_859 = arith.index_cast %add3A_858 : i32 to index
      %get3A_860 = arith.constant 416 : index
      %get3A_861 = tpu.vector_load %arg11[%get3A_859, %get3A_860] {strides = array<i32>} : memref<96x512xf32, #tpu.memory_space<vmem>>, vector<16xf32>,
      %add3A_862 = arith.addf %add3A_814, %get3A_861 : vector<16xf32>
      %add3A_863 = arith.constant 3 : i32
      %add3A_864 = arith.addi %mul3A_700, %add3A_863 : i32
      %get3A_865 = arith.index_cast %add3A_864 : i32 to index
      %get3A_866 = arith.constant 432 : index
      %get3A_867 = tpu.vector_load %arg11[%get3A_865, %get3A_866] {strides = array<i32>} : memref<96x512xf32, #tpu.memory_space<vmem>>, vector<16xf32>,
      %add3A_868 = arith.addf %add3A_820, %get3A_867 : vector<16xf32>
      %add3A_869 = arith.constant 3 : i32
      %add3A_870 = arith.addi %mul3A_700, %add3A_869 : i32
      %get3A_871 = arith.index_cast %add3A_870 : i32 to index
      %get3A_872 = arith.constant 448 : index
      %get3A_873 = tpu.vector_load %arg11[%get3A_871, %get3A_872] {strides = array<i32>} : memref<96x512xf32, #tpu.memory_space<vmem>>, vector<16xf32>,
      %add3A_874 = arith.addf %add3A_826, %get3A_873 : vector<16xf32>
      %add3A_875 = arith.constant 3 : i32
      %add3A_876 = arith.addi %mul3A_700, %add3A_875 : i32
      %get3A_877 = arith.index_cast %add3A_876 : i32 to index
      %get3A_878 = arith.constant 464 : index
      %get3A_879 = tpu.vector_load %arg11[%get3A_877, %get3A_878] {strides = array<i32>} : memref<96x512xf32, #tpu.memory_space<vmem>>, vector<16xf32>,
      %add3A_880 = arith.addf %add3A_832, %get3A_879 : vector<16xf32>
      %add3A_881 = arith.constant 3 : i32
      %add3A_882 = arith.addi %mul3A_700, %add3A_881 : i32
      %get3A_883 = arith.index_cast %add3A_882 : i32 to index
      %get3A_884 = arith.constant 480 : index
      %get3A_885 = tpu.vector_load %arg11[%get3A_883, %get3A_884] {strides = array<i32>} : memref<96x512xf32, #tpu.memory_space<vmem>>, vector<16xf32>,
      %add3A_886 = arith.addf %add3A_838, %get3A_885 : vector<16xf32>
      %add3A_887 = arith.constant 3 : i32
      %add3A_888 = arith.addi %mul3A_700, %add3A_887 : i32
      %get3A_889 = arith.index_cast %add3A_888 : i32 to index
      %get3A_890 = arith.constant 496 : index
      %get3A_891 = tpu.vector_load %arg11[%get3A_889, %get3A_890] {strides = array<i32>} : memref<96x512xf32, #tpu.memory_space<vmem>>, vector<16xf32>,
      %add3A_892 = arith.addf %add3A_844, %get3A_891 : vector<16xf32>
      scf.yield %add3A_850, %add3A_856, %add3A_862, %add3A_868, %add3A_874, %add3A_880, %add3A_886, %add3A_892 : vector<16xf32>, vector<16xf32>, vector<16xf32>, vector<16xf32>, vector<16xf32>, vector<16xf32>, vector<16xf32>, vector<16xf32>
    }
    %scan3A_364 = arith.constant 16 : i32
    %dma_wait3A_365 = arith.constant 0 : i32
    %dma_wait3A_366 = arith.constant 0 : i32
    %dma_wait3A_367 = tpu.memref_slice %arg2[%dma_wait3A_365, %dma_wait3A_366] : memref<50000x512xf32, #tpu.memory_space<hbm>> -> memref<1x512xf32, #tpu.memory_space<hbm>>
    %dma_wait3A_368 = arith.constant 0 : i32
    %dma_wait3A_369 = arith.constant 0 : i32
    %dma_wait3A_370 = tpu.memref_slice %arg2[%dma_wait3A_368, %dma_wait3A_369] : memref<50000x512xf32, #tpu.memory_space<hbm>> -> memref<1x512xf32, #tpu.memory_space<hbm>>
    tpu.wait_dma2 semaphore(%arg18 : memref<!tpu.dma_semaphore, #tpu.memory_space<semaphore_mem>>) src(%dma_wait3A_370 : memref<1x512xf32, #tpu.memory_space<hbm>>) dst(%arg15 : memref<1x512xf32, #tpu.memory_space<vmem>>)
    %convert_element_type3A = arith.sitofp %add3A_298 : vector<16xi32> to vector<16xf32>
    %get3A_371 = arith.constant 0 : i32
    %get3A_372 = arith.index_cast %get3A_371 : i32 to index
    %get3A_373 = arith.constant 0 : index
    %get3A_374 = tpu.vector_load %arg15[%get3A_372, %get3A_373] {strides = array<i32>} : memref<1x512xf32, #tpu.memory_space<vmem>>, vector<16xf32>,
    %mul3A_375 = arith.mulf %convert_element_type3A, %get3A_374 : vector<16xf32>
    %sub3A = arith.subf %scan3A_345#0, %mul3A_375 : vector<16xf32>
    %swap3A_376 = arith.constant 0 : i32
    %swap3A_377 = arith.index_cast %swap3A_376 : i32 to index
    %swap3A_378 = arith.constant 0 : index
    %swap3A_379 = tpu.vector_load %arg13[%swap3A_377, %swap3A_378] {strides = array<i32>} : memref<1x512xf32, #tpu.memory_space<vmem>>, vector<16xf32>,
    tpu.vector_store %arg13[%swap3A_377, %swap3A_378], %sub3A {strides = array<i32>} : memref<1x512xf32, #tpu.memory_space<vmem>>, vector<16xf32>,
    %get3A_380 = arith.constant 0 : i32
    %get3A_381 = arith.index_cast %get3A_380 : i32 to index
    %get3A_382 = arith.constant 16 : index
    %get3A_383 = tpu.vector_load %arg15[%get3A_381, %get3A_382] {strides = array<i32>} : memref<1x512xf32, #tpu.memory_space<vmem>>, vector<16xf32>,
    %mul3A_384 = arith.mulf %convert_element_type3A, %get3A_383 : vector<16xf32>
    %sub3A_385 = arith.subf %scan3A_345#1, %mul3A_384 : vector<16xf32>
    %swap3A_386 = arith.constant 0 : i32
    %swap3A_387 = arith.index_cast %swap3A_386 : i32 to index
    %swap3A_388 = arith.constant 16 : index
    %swap3A_389 = tpu.vector_load %arg13[%swap3A_387, %swap3A_388] {strides = array<i32>} : memref<1x512xf32, #tpu.memory_space<vmem>>, vector<16xf32>,
    tpu.vector_store %arg13[%swap3A_387, %swap3A_388], %sub3A_385 {strides = array<i32>} : memref<1x512xf32, #tpu.memory_space<vmem>>, vector<16xf32>,
    %get3A_390 = arith.constant 0 : i32
    %get3A_391 = arith.index_cast %get3A_390 : i32 to index
    %get3A_392 = arith.constant 32 : index
    %get3A_393 = tpu.vector_load %arg15[%get3A_391, %get3A_392] {strides = array<i32>} : memref<1x512xf32, #tpu.memory_space<vmem>>, vector<16xf32>,
    %mul3A_394 = arith.mulf %convert_element_type3A, %get3A_393 : vector<16xf32>
    %sub3A_395 = arith.subf %scan3A_345#2, %mul3A_394 : vector<16xf32>
    %swap3A_396 = arith.constant 0 : i32
    %swap3A_397 = arith.index_cast %swap3A_396 : i32 to index
    %swap3A_398 = arith.constant 32 : index
    %swap3A_399 = tpu.vector_load %arg13[%swap3A_397, %swap3A_398] {strides = array<i32>} : memref<1x512xf32, #tpu.memory_space<vmem>>, vector<16xf32>,
    tpu.vector_store %arg13[%swap3A_397, %swap3A_398], %sub3A_395 {strides = array<i32>} : memref<1x512xf32, #tpu.memory_space<vmem>>, vector<16xf32>,
    %get3A_400 = arith.constant 0 : i32
    %get3A_401 = arith.index_cast %get3A_400 : i32 to index
    %get3A_402 = arith.constant 48 : index
    %get3A_403 = tpu.vector_load %arg15[%get3A_401, %get3A_402] {strides = array<i32>} : memref<1x512xf32, #tpu.memory_space<vmem>>, vector<16xf32>,
    %mul3A_404 = arith.mulf %convert_element_type3A, %get3A_403 : vector<16xf32>
    %sub3A_405 = arith.subf %scan3A_345#3, %mul3A_404 : vector<16xf32>
    %swap3A_406 = arith.constant 0 : i32
    %swap3A_407 = arith.index_cast %swap3A_406 : i32 to index
    %swap3A_408 = arith.constant 48 : index
    %swap3A_409 = tpu.vector_load %arg13[%swap3A_407, %swap3A_408] {strides = array<i32>} : memref<1x512xf32, #tpu.memory_space<vmem>>, vector<16xf32>,
    tpu.vector_store %arg13[%swap3A_407, %swap3A_408], %sub3A_405 {strides = array<i32>} : memref<1x512xf32, #tpu.memory_space<vmem>>, vector<16xf32>,
    %get3A_410 = arith.constant 0 : i32
    %get3A_411 = arith.index_cast %get3A_410 : i32 to index
    %get3A_412 = arith.constant 64 : index
    %get3A_413 = tpu.vector_load %arg15[%get3A_411, %get3A_412] {strides = array<i32>} : memref<1x512xf32, #tpu.memory_space<vmem>>, vector<16xf32>,
    %mul3A_414 = arith.mulf %convert_element_type3A, %get3A_413 : vector<16xf32>
    %sub3A_415 = arith.subf %scan3A_345#4, %mul3A_414 : vector<16xf32>
    %swap3A_416 = arith.constant 0 : i32
    %swap3A_417 = arith.index_cast %swap3A_416 : i32 to index
    %swap3A_418 = arith.constant 64 : index
    %swap3A_419 = tpu.vector_load %arg13[%swap3A_417, %swap3A_418] {strides = array<i32>} : memref<1x512xf32, #tpu.memory_space<vmem>>, vector<16xf32>,
    tpu.vector_store %arg13[%swap3A_417, %swap3A_418], %sub3A_415 {strides = array<i32>} : memref<1x512xf32, #tpu.memory_space<vmem>>, vector<16xf32>,
    %get3A_420 = arith.constant 0 : i32
    %get3A_421 = arith.index_cast %get3A_420 : i32 to index
    %get3A_422 = arith.constant 80 : index
    %get3A_423 = tpu.vector_load %arg15[%get3A_421, %get3A_422] {strides = array<i32>} : memref<1x512xf32, #tpu.memory_space<vmem>>, vector<16xf32>,
    %mul3A_424 = arith.mulf %convert_element_type3A, %get3A_423 : vector<16xf32>
    %sub3A_425 = arith.subf %scan3A_345#5, %mul3A_424 : vector<16xf32>
    %swap3A_426 = arith.constant 0 : i32
    %swap3A_427 = arith.index_cast %swap3A_426 : i32 to index
    %swap3A_428 = arith.constant 80 : index
    %swap3A_429 = tpu.vector_load %arg13[%swap3A_427, %swap3A_428] {strides = array<i32>} : memref<1x512xf32, #tpu.memory_space<vmem>>, vector<16xf32>,
    tpu.vector_store %arg13[%swap3A_427, %swap3A_428], %sub3A_425 {strides = array<i32>} : memref<1x512xf32, #tpu.memory_space<vmem>>, vector<16xf32>,
    %get3A_430 = arith.constant 0 : i32
    %get3A_431 = arith.index_cast %get3A_430 : i32 to index
    %get3A_432 = arith.constant 96 : index
    %get3A_433 = tpu.vector_load %arg15[%get3A_431, %get3A_432] {strides = array<i32>} : memref<1x512xf32, #tpu.memory_space<vmem>>, vector<16xf32>,
    %mul3A_434 = arith.mulf %convert_element_type3A, %get3A_433 : vector<16xf32>
    %sub3A_435 = arith.subf %scan3A_345#6, %mul3A_434 : vector<16xf32>
    %swap3A_436 = arith.constant 0 : i32
    %swap3A_437 = arith.index_cast %swap3A_436 : i32 to index
    %swap3A_438 = arith.constant 96 : index
    %swap3A_439 = tpu.vector_load %arg13[%swap3A_437, %swap3A_438] {strides = array<i32>} : memref<1x512xf32, #tpu.memory_space<vmem>>, vector<16xf32>,
    tpu.vector_store %arg13[%swap3A_437, %swap3A_438], %sub3A_435 {strides = array<i32>} : memref<1x512xf32, #tpu.memory_space<vmem>>, vector<16xf32>,
    %get3A_440 = arith.constant 0 : i32
    %get3A_441 = arith.index_cast %get3A_440 : i32 to index
    %get3A_442 = arith.constant 112 : index
    %get3A_443 = tpu.vector_load %arg15[%get3A_441, %get3A_442] {strides = array<i32>} : memref<1x512xf32, #tpu.memory_space<vmem>>, vector<16xf32>,
    %mul3A_444 = arith.mulf %convert_element_type3A, %get3A_443 : vector<16xf32>
    %sub3A_445 = arith.subf %scan3A_345#7, %mul3A_444 : vector<16xf32>
    %swap3A_446 = arith.constant 0 : i32
    %swap3A_447 = arith.index_cast %swap3A_446 : i32 to index
    %swap3A_448 = arith.constant 112 : index
    %swap3A_449 = tpu.vector_load %arg13[%swap3A_447, %swap3A_448] {strides = array<i32>} : memref<1x512xf32, #tpu.memory_space<vmem>>, vector<16xf32>,
    tpu.vector_store %arg13[%swap3A_447, %swap3A_448], %sub3A_445 {strides = array<i32>} : memref<1x512xf32, #tpu.memory_space<vmem>>, vector<16xf32>,
    %get3A_450 = arith.constant 0 : i32
    %get3A_451 = arith.index_cast %get3A_450 : i32 to index
    %get3A_452 = arith.constant 128 : index
    %get3A_453 = tpu.vector_load %arg15[%get3A_451, %get3A_452] {strides = array<i32>} : memref<1x512xf32, #tpu.memory_space<vmem>>, vector<16xf32>,
    %mul3A_454 = arith.mulf %convert_element_type3A, %get3A_453 : vector<16xf32>
    %sub3A_455 = arith.subf %scan3A_351#0, %mul3A_454 : vector<16xf32>
    %swap3A_456 = arith.constant 0 : i32
    %swap3A_457 = arith.index_cast %swap3A_456 : i32 to index
    %swap3A_458 = arith.constant 128 : index
    %swap3A_459 = tpu.vector_load %arg13[%swap3A_457, %swap3A_458] {strides = array<i32>} : memref<1x512xf32, #tpu.memory_space<vmem>>, vector<16xf32>,
    tpu.vector_store %arg13[%swap3A_457, %swap3A_458], %sub3A_455 {strides = array<i32>} : memref<1x512xf32, #tpu.memory_space<vmem>>, vector<16xf32>,
    %get3A_460 = arith.constant 0 : i32
    %get3A_461 = arith.index_cast %get3A_460 : i32 to index
    %get3A_462 = arith.constant 144 : index
    %get3A_463 = tpu.vector_load %arg15[%get3A_461, %get3A_462] {strides = array<i32>} : memref<1x512xf32, #tpu.memory_space<vmem>>, vector<16xf32>,
    %mul3A_464 = arith.mulf %convert_element_type3A, %get3A_463 : vector<16xf32>
    %sub3A_465 = arith.subf %scan3A_351#1, %mul3A_464 : vector<16xf32>
    %swap3A_466 = arith.constant 0 : i32
    %swap3A_467 = arith.index_cast %swap3A_466 : i32 to index
    %swap3A_468 = arith.constant 144 : index
    %swap3A_469 = tpu.vector_load %arg13[%swap3A_467, %swap3A_468] {strides = array<i32>} : memref<1x512xf32, #tpu.memory_space<vmem>>, vector<16xf32>,
    tpu.vector_store %arg13[%swap3A_467, %swap3A_468], %sub3A_465 {strides = array<i32>} : memref<1x512xf32, #tpu.memory_space<vmem>>, vector<16xf32>,
    %get3A_470 = arith.constant 0 : i32
    %get3A_471 = arith.index_cast %get3A_470 : i32 to index
    %get3A_472 = arith.constant 160 : index
    %get3A_473 = tpu.vector_load %arg15[%get3A_471, %get3A_472] {strides = array<i32>} : memref<1x512xf32, #tpu.memory_space<vmem>>, vector<16xf32>,
    %mul3A_474 = arith.mulf %convert_element_type3A, %get3A_473 : vector<16xf32>
    %sub3A_475 = arith.subf %scan3A_351#2, %mul3A_474 : vector<16xf32>
    %swap3A_476 = arith.constant 0 : i32
    %swap3A_477 = arith.index_cast %swap3A_476 : i32 to index
    %swap3A_478 = arith.constant 160 : index
    %swap3A_479 = tpu.vector_load %arg13[%swap3A_477, %swap3A_478] {strides = array<i32>} : memref<1x512xf32, #tpu.memory_space<vmem>>, vector<16xf32>,
    tpu.vector_store %arg13[%swap3A_477, %swap3A_478], %sub3A_475 {strides = array<i32>} : memref<1x512xf32, #tpu.memory_space<vmem>>, vector<16xf32>,
    %get3A_480 = arith.constant 0 : i32
    %get3A_481 = arith.index_cast %get3A_480 : i32 to index
    %get3A_482 = arith.constant 176 : index
    %get3A_483 = tpu.vector_load %arg15[%get3A_481, %get3A_482] {strides = array<i32>} : memref<1x512xf32, #tpu.memory_space<vmem>>, vector<16xf32>,
    %mul3A_484 = arith.mulf %convert_element_type3A, %get3A_483 : vector<16xf32>
    %sub3A_485 = arith.subf %scan3A_351#3, %mul3A_484 : vector<16xf32>
    %swap3A_486 = arith.constant 0 : i32
    %swap3A_487 = arith.index_cast %swap3A_486 : i32 to index
    %swap3A_488 = arith.constant 176 : index
    %swap3A_489 = tpu.vector_load %arg13[%swap3A_487, %swap3A_488] {strides = array<i32>} : memref<1x512xf32, #tpu.memory_space<vmem>>, vector<16xf32>,
    tpu.vector_store %arg13[%swap3A_487, %swap3A_488], %sub3A_485 {strides = array<i32>} : memref<1x512xf32, #tpu.memory_space<vmem>>, vector<16xf32>,
    %get3A_490 = arith.constant 0 : i32
    %get3A_491 = arith.index_cast %get3A_490 : i32 to index
    %get3A_492 = arith.constant 192 : index
    %get3A_493 = tpu.vector_load %arg15[%get3A_491, %get3A_492] {strides = array<i32>} : memref<1x512xf32, #tpu.memory_space<vmem>>, vector<16xf32>,
    %mul3A_494 = arith.mulf %convert_element_type3A, %get3A_493 : vector<16xf32>
    %sub3A_495 = arith.subf %scan3A_351#4, %mul3A_494 : vector<16xf32>
    %swap3A_496 = arith.constant 0 : i32
    %swap3A_497 = arith.index_cast %swap3A_496 : i32 to index
    %swap3A_498 = arith.constant 192 : index
    %swap3A_499 = tpu.vector_load %arg13[%swap3A_497, %swap3A_498] {strides = array<i32>} : memref<1x512xf32, #tpu.memory_space<vmem>>, vector<16xf32>,
    tpu.vector_store %arg13[%swap3A_497, %swap3A_498], %sub3A_495 {strides = array<i32>} : memref<1x512xf32, #tpu.memory_space<vmem>>, vector<16xf32>,
    %get3A_500 = arith.constant 0 : i32
    %get3A_501 = arith.index_cast %get3A_500 : i32 to index
    %get3A_502 = arith.constant 208 : index
    %get3A_503 = tpu.vector_load %arg15[%get3A_501, %get3A_502] {strides = array<i32>} : memref<1x512xf32, #tpu.memory_space<vmem>>, vector<16xf32>,
    %mul3A_504 = arith.mulf %convert_element_type3A, %get3A_503 : vector<16xf32>
    %sub3A_505 = arith.subf %scan3A_351#5, %mul3A_504 : vector<16xf32>
    %swap3A_506 = arith.constant 0 : i32
    %swap3A_507 = arith.index_cast %swap3A_506 : i32 to index
    %swap3A_508 = arith.constant 208 : index
    %swap3A_509 = tpu.vector_load %arg13[%swap3A_507, %swap3A_508] {strides = array<i32>} : memref<1x512xf32, #tpu.memory_space<vmem>>, vector<16xf32>,
    tpu.vector_store %arg13[%swap3A_507, %swap3A_508], %sub3A_505 {strides = array<i32>} : memref<1x512xf32, #tpu.memory_space<vmem>>, vector<16xf32>,
    %get3A_510 = arith.constant 0 : i32
    %get3A_511 = arith.index_cast %get3A_510 : i32 to index
    %get3A_512 = arith.constant 224 : index
    %get3A_513 = tpu.vector_load %arg15[%get3A_511, %get3A_512] {strides = array<i32>} : memref<1x512xf32, #tpu.memory_space<vmem>>, vector<16xf32>,
    %mul3A_514 = arith.mulf %convert_element_type3A, %get3A_513 : vector<16xf32>
    %sub3A_515 = arith.subf %scan3A_351#6, %mul3A_514 : vector<16xf32>
    %swap3A_516 = arith.constant 0 : i32
    %swap3A_517 = arith.index_cast %swap3A_516 : i32 to index
    %swap3A_518 = arith.constant 224 : index
    %swap3A_519 = tpu.vector_load %arg13[%swap3A_517, %swap3A_518] {strides = array<i32>} : memref<1x512xf32, #tpu.memory_space<vmem>>, vector<16xf32>,
    tpu.vector_store %arg13[%swap3A_517, %swap3A_518], %sub3A_515 {strides = array<i32>} : memref<1x512xf32, #tpu.memory_space<vmem>>, vector<16xf32>,
    %get3A_520 = arith.constant 0 : i32
    %get3A_521 = arith.index_cast %get3A_520 : i32 to index
    %get3A_522 = arith.constant 240 : index
    %get3A_523 = tpu.vector_load %arg15[%get3A_521, %get3A_522] {strides = array<i32>} : memref<1x512xf32, #tpu.memory_space<vmem>>, vector<16xf32>,
    %mul3A_524 = arith.mulf %convert_element_type3A, %get3A_523 : vector<16xf32>
    %sub3A_525 = arith.subf %scan3A_351#7, %mul3A_524 : vector<16xf32>
    %swap3A_526 = arith.constant 0 : i32
    %swap3A_527 = arith.index_cast %swap3A_526 : i32 to index
    %swap3A_528 = arith.constant 240 : index
    %swap3A_529 = tpu.vector_load %arg13[%swap3A_527, %swap3A_528] {strides = array<i32>} : memref<1x512xf32, #tpu.memory_space<vmem>>, vector<16xf32>,
    tpu.vector_store %arg13[%swap3A_527, %swap3A_528], %sub3A_525 {strides = array<i32>} : memref<1x512xf32, #tpu.memory_space<vmem>>, vector<16xf32>,
    %get3A_530 = arith.constant 0 : i32
    %get3A_531 = arith.index_cast %get3A_530 : i32 to index
    %get3A_532 = arith.constant 256 : index
    %get3A_533 = tpu.vector_load %arg15[%get3A_531, %get3A_532] {strides = array<i32>} : memref<1x512xf32, #tpu.memory_space<vmem>>, vector<16xf32>,
    %mul3A_534 = arith.mulf %convert_element_type3A, %get3A_533 : vector<16xf32>
    %sub3A_535 = arith.subf %scan3A_357#0, %mul3A_534 : vector<16xf32>
    %swap3A_536 = arith.constant 0 : i32
    %swap3A_537 = arith.index_cast %swap3A_536 : i32 to index
    %swap3A_538 = arith.constant 256 : index
    %swap3A_539 = tpu.vector_load %arg13[%swap3A_537, %swap3A_538] {strides = array<i32>} : memref<1x512xf32, #tpu.memory_space<vmem>>, vector<16xf32>,
    tpu.vector_store %arg13[%swap3A_537, %swap3A_538], %sub3A_535 {strides = array<i32>} : memref<1x512xf32, #tpu.memory_space<vmem>>, vector<16xf32>,
    %get3A_540 = arith.constant 0 : i32
    %get3A_541 = arith.index_cast %get3A_540 : i32 to index
    %get3A_542 = arith.constant 272 : index
    %get3A_543 = tpu.vector_load %arg15[%get3A_541, %get3A_542] {strides = array<i32>} : memref<1x512xf32, #tpu.memory_space<vmem>>, vector<16xf32>,
    %mul3A_544 = arith.mulf %convert_element_type3A, %get3A_543 : vector<16xf32>
    %sub3A_545 = arith.subf %scan3A_357#1, %mul3A_544 : vector<16xf32>
    %swap3A_546 = arith.constant 0 : i32
    %swap3A_547 = arith.index_cast %swap3A_546 : i32 to index
    %swap3A_548 = arith.constant 272 : index
    %swap3A_549 = tpu.vector_load %arg13[%swap3A_547, %swap3A_548] {strides = array<i32>} : memref<1x512xf32, #tpu.memory_space<vmem>>, vector<16xf32>,
    tpu.vector_store %arg13[%swap3A_547, %swap3A_548], %sub3A_545 {strides = array<i32>} : memref<1x512xf32, #tpu.memory_space<vmem>>, vector<16xf32>,
    %get3A_550 = arith.constant 0 : i32
    %get3A_551 = arith.index_cast %get3A_550 : i32 to index
    %get3A_552 = arith.constant 288 : index
    %get3A_553 = tpu.vector_load %arg15[%get3A_551, %get3A_552] {strides = array<i32>} : memref<1x512xf32, #tpu.memory_space<vmem>>, vector<16xf32>,
    %mul3A_554 = arith.mulf %convert_element_type3A, %get3A_553 : vector<16xf32>
    %sub3A_555 = arith.subf %scan3A_357#2, %mul3A_554 : vector<16xf32>
    %swap3A_556 = arith.constant 0 : i32
    %swap3A_557 = arith.index_cast %swap3A_556 : i32 to index
    %swap3A_558 = arith.constant 288 : index
    %swap3A_559 = tpu.vector_load %arg13[%swap3A_557, %swap3A_558] {strides = array<i32>} : memref<1x512xf32, #tpu.memory_space<vmem>>, vector<16xf32>,
    tpu.vector_store %arg13[%swap3A_557, %swap3A_558], %sub3A_555 {strides = array<i32>} : memref<1x512xf32, #tpu.memory_space<vmem>>, vector<16xf32>,
    %get3A_560 = arith.constant 0 : i32
    %get3A_561 = arith.index_cast %get3A_560 : i32 to index
    %get3A_562 = arith.constant 304 : index
    %get3A_563 = tpu.vector_load %arg15[%get3A_561, %get3A_562] {strides = array<i32>} : memref<1x512xf32, #tpu.memory_space<vmem>>, vector<16xf32>,
    %mul3A_564 = arith.mulf %convert_element_type3A, %get3A_563 : vector<16xf32>
    %sub3A_565 = arith.subf %scan3A_357#3, %mul3A_564 : vector<16xf32>
    %swap3A_566 = arith.constant 0 : i32
    %swap3A_567 = arith.index_cast %swap3A_566 : i32 to index
    %swap3A_568 = arith.constant 304 : index
    %swap3A_569 = tpu.vector_load %arg13[%swap3A_567, %swap3A_568] {strides = array<i32>} : memref<1x512xf32, #tpu.memory_space<vmem>>, vector<16xf32>,
    tpu.vector_store %arg13[%swap3A_567, %swap3A_568], %sub3A_565 {strides = array<i32>} : memref<1x512xf32, #tpu.memory_space<vmem>>, vector<16xf32>,
    %get3A_570 = arith.constant 0 : i32
    %get3A_571 = arith.index_cast %get3A_570 : i32 to index
    %get3A_572 = arith.constant 320 : index
    %get3A_573 = tpu.vector_load %arg15[%get3A_571, %get3A_572] {strides = array<i32>} : memref<1x512xf32, #tpu.memory_space<vmem>>, vector<16xf32>,
    %mul3A_574 = arith.mulf %convert_element_type3A, %get3A_573 : vector<16xf32>
    %sub3A_575 = arith.subf %scan3A_357#4, %mul3A_574 : vector<16xf32>
    %swap3A_576 = arith.constant 0 : i32
    %swap3A_577 = arith.index_cast %swap3A_576 : i32 to index
    %swap3A_578 = arith.constant 320 : index
    %swap3A_579 = tpu.vector_load %arg13[%swap3A_577, %swap3A_578] {strides = array<i32>} : memref<1x512xf32, #tpu.memory_space<vmem>>, vector<16xf32>,
    tpu.vector_store %arg13[%swap3A_577, %swap3A_578], %sub3A_575 {strides = array<i32>} : memref<1x512xf32, #tpu.memory_space<vmem>>, vector<16xf32>,
    %get3A_580 = arith.constant 0 : i32
    %get3A_581 = arith.index_cast %get3A_580 : i32 to index
    %get3A_582 = arith.constant 336 : index
    %get3A_583 = tpu.vector_load %arg15[%get3A_581, %get3A_582] {strides = array<i32>} : memref<1x512xf32, #tpu.memory_space<vmem>>, vector<16xf32>,
    %mul3A_584 = arith.mulf %convert_element_type3A, %get3A_583 : vector<16xf32>
    %sub3A_585 = arith.subf %scan3A_357#5, %mul3A_584 : vector<16xf32>
    %swap3A_586 = arith.constant 0 : i32
    %swap3A_587 = arith.index_cast %swap3A_586 : i32 to index
    %swap3A_588 = arith.constant 336 : index
    %swap3A_589 = tpu.vector_load %arg13[%swap3A_587, %swap3A_588] {strides = array<i32>} : memref<1x512xf32, #tpu.memory_space<vmem>>, vector<16xf32>,
    tpu.vector_store %arg13[%swap3A_587, %swap3A_588], %sub3A_585 {strides = array<i32>} : memref<1x512xf32, #tpu.memory_space<vmem>>, vector<16xf32>,
    %get3A_590 = arith.constant 0 : i32
    %get3A_591 = arith.index_cast %get3A_590 : i32 to index
    %get3A_592 = arith.constant 352 : index
    %get3A_593 = tpu.vector_load %arg15[%get3A_591, %get3A_592] {strides = array<i32>} : memref<1x512xf32, #tpu.memory_space<vmem>>, vector<16xf32>,
    %mul3A_594 = arith.mulf %convert_element_type3A, %get3A_593 : vector<16xf32>
    %sub3A_595 = arith.subf %scan3A_357#6, %mul3A_594 : vector<16xf32>
    %swap3A_596 = arith.constant 0 : i32
    %swap3A_597 = arith.index_cast %swap3A_596 : i32 to index
    %swap3A_598 = arith.constant 352 : index
    %swap3A_599 = tpu.vector_load %arg13[%swap3A_597, %swap3A_598] {strides = array<i32>} : memref<1x512xf32, #tpu.memory_space<vmem>>, vector<16xf32>,
    tpu.vector_store %arg13[%swap3A_597, %swap3A_598], %sub3A_595 {strides = array<i32>} : memref<1x512xf32, #tpu.memory_space<vmem>>, vector<16xf32>,
    %get3A_600 = arith.constant 0 : i32
    %get3A_601 = arith.index_cast %get3A_600 : i32 to index
    %get3A_602 = arith.constant 368 : index
    %get3A_603 = tpu.vector_load %arg15[%get3A_601, %get3A_602] {strides = array<i32>} : memref<1x512xf32, #tpu.memory_space<vmem>>, vector<16xf32>,
    %mul3A_604 = arith.mulf %convert_element_type3A, %get3A_603 : vector<16xf32>
    %sub3A_605 = arith.subf %scan3A_357#7, %mul3A_604 : vector<16xf32>
    %swap3A_606 = arith.constant 0 : i32
    %swap3A_607 = arith.index_cast %swap3A_606 : i32 to index
    %swap3A_608 = arith.constant 368 : index
    %swap3A_609 = tpu.vector_load %arg13[%swap3A_607, %swap3A_608] {strides = array<i32>} : memref<1x512xf32, #tpu.memory_space<vmem>>, vector<16xf32>,
    tpu.vector_store %arg13[%swap3A_607, %swap3A_608], %sub3A_605 {strides = array<i32>} : memref<1x512xf32, #tpu.memory_space<vmem>>, vector<16xf32>,
    %get3A_610 = arith.constant 0 : i32
    %get3A_611 = arith.index_cast %get3A_610 : i32 to index
    %get3A_612 = arith.constant 384 : index
    %get3A_613 = tpu.vector_load %arg15[%get3A_611, %get3A_612] {strides = array<i32>} : memref<1x512xf32, #tpu.memory_space<vmem>>, vector<16xf32>,
    %mul3A_614 = arith.mulf %convert_element_type3A, %get3A_613 : vector<16xf32>
    %sub3A_615 = arith.subf %scan3A_363#0, %mul3A_614 : vector<16xf32>
    %swap3A_616 = arith.constant 0 : i32
    %swap3A_617 = arith.index_cast %swap3A_616 : i32 to index
    %swap3A_618 = arith.constant 384 : index
    %swap3A_619 = tpu.vector_load %arg13[%swap3A_617, %swap3A_618] {strides = array<i32>} : memref<1x512xf32, #tpu.memory_space<vmem>>, vector<16xf32>,
    tpu.vector_store %arg13[%swap3A_617, %swap3A_618], %sub3A_615 {strides = array<i32>} : memref<1x512xf32, #tpu.memory_space<vmem>>, vector<16xf32>,
    %get3A_620 = arith.constant 0 : i32
    %get3A_621 = arith.index_cast %get3A_620 : i32 to index
    %get3A_622 = arith.constant 400 : index
    %get3A_623 = tpu.vector_load %arg15[%get3A_621, %get3A_622] {strides = array<i32>} : memref<1x512xf32, #tpu.memory_space<vmem>>, vector<16xf32>,
    %mul3A_624 = arith.mulf %convert_element_type3A, %get3A_623 : vector<16xf32>
    %sub3A_625 = arith.subf %scan3A_363#1, %mul3A_624 : vector<16xf32>
    %swap3A_626 = arith.constant 0 : i32
    %swap3A_627 = arith.index_cast %swap3A_626 : i32 to index
    %swap3A_628 = arith.constant 400 : index
    %swap3A_629 = tpu.vector_load %arg13[%swap3A_627, %swap3A_628] {strides = array<i32>} : memref<1x512xf32, #tpu.memory_space<vmem>>, vector<16xf32>,
    tpu.vector_store %arg13[%swap3A_627, %swap3A_628], %sub3A_625 {strides = array<i32>} : memref<1x512xf32, #tpu.memory_space<vmem>>, vector<16xf32>,
    %get3A_630 = arith.constant 0 : i32
    %get3A_631 = arith.index_cast %get3A_630 : i32 to index
    %get3A_632 = arith.constant 416 : index
    %get3A_633 = tpu.vector_load %arg15[%get3A_631, %get3A_632] {strides = array<i32>} : memref<1x512xf32, #tpu.memory_space<vmem>>, vector<16xf32>,
    %mul3A_634 = arith.mulf %convert_element_type3A, %get3A_633 : vector<16xf32>
    %sub3A_635 = arith.subf %scan3A_363#2, %mul3A_634 : vector<16xf32>
    %swap3A_636 = arith.constant 0 : i32
    %swap3A_637 = arith.index_cast %swap3A_636 : i32 to index
    %swap3A_638 = arith.constant 416 : index
    %swap3A_639 = tpu.vector_load %arg13[%swap3A_637, %swap3A_638] {strides = array<i32>} : memref<1x512xf32, #tpu.memory_space<vmem>>, vector<16xf32>,
    tpu.vector_store %arg13[%swap3A_637, %swap3A_638], %sub3A_635 {strides = array<i32>} : memref<1x512xf32, #tpu.memory_space<vmem>>, vector<16xf32>,
    %get3A_640 = arith.constant 0 : i32
    %get3A_641 = arith.index_cast %get3A_640 : i32 to index
    %get3A_642 = arith.constant 432 : index
    %get3A_643 = tpu.vector_load %arg15[%get3A_641, %get3A_642] {strides = array<i32>} : memref<1x512xf32, #tpu.memory_space<vmem>>, vector<16xf32>,
    %mul3A_644 = arith.mulf %convert_element_type3A, %get3A_643 : vector<16xf32>
    %sub3A_645 = arith.subf %scan3A_363#3, %mul3A_644 : vector<16xf32>
    %swap3A_646 = arith.constant 0 : i32
    %swap3A_647 = arith.index_cast %swap3A_646 : i32 to index
    %swap3A_648 = arith.constant 432 : index
    %swap3A_649 = tpu.vector_load %arg13[%swap3A_647, %swap3A_648] {strides = array<i32>} : memref<1x512xf32, #tpu.memory_space<vmem>>, vector<16xf32>,
    tpu.vector_store %arg13[%swap3A_647, %swap3A_648], %sub3A_645 {strides = array<i32>} : memref<1x512xf32, #tpu.memory_space<vmem>>, vector<16xf32>,
    %get3A_650 = arith.constant 0 : i32
    %get3A_651 = arith.index_cast %get3A_650 : i32 to index
    %get3A_652 = arith.constant 448 : index
    %get3A_653 = tpu.vector_load %arg15[%get3A_651, %get3A_652] {strides = array<i32>} : memref<1x512xf32, #tpu.memory_space<vmem>>, vector<16xf32>,
    %mul3A_654 = arith.mulf %convert_element_type3A, %get3A_653 : vector<16xf32>
    %sub3A_655 = arith.subf %scan3A_363#4, %mul3A_654 : vector<16xf32>
    %swap3A_656 = arith.constant 0 : i32
    %swap3A_657 = arith.index_cast %swap3A_656 : i32 to index
    %swap3A_658 = arith.constant 448 : index
    %swap3A_659 = tpu.vector_load %arg13[%swap3A_657, %swap3A_658] {strides = array<i32>} : memref<1x512xf32, #tpu.memory_space<vmem>>, vector<16xf32>,
    tpu.vector_store %arg13[%swap3A_657, %swap3A_658], %sub3A_655 {strides = array<i32>} : memref<1x512xf32, #tpu.memory_space<vmem>>, vector<16xf32>,
    %get3A_660 = arith.constant 0 : i32
    %get3A_661 = arith.index_cast %get3A_660 : i32 to index
    %get3A_662 = arith.constant 464 : index
    %get3A_663 = tpu.vector_load %arg15[%get3A_661, %get3A_662] {strides = array<i32>} : memref<1x512xf32, #tpu.memory_space<vmem>>, vector<16xf32>,
    %mul3A_664 = arith.mulf %convert_element_type3A, %get3A_663 : vector<16xf32>
    %sub3A_665 = arith.subf %scan3A_363#5, %mul3A_664 : vector<16xf32>
    %swap3A_666 = arith.constant 0 : i32
    %swap3A_667 = arith.index_cast %swap3A_666 : i32 to index
    %swap3A_668 = arith.constant 464 : index
    %swap3A_669 = tpu.vector_load %arg13[%swap3A_667, %swap3A_668] {strides = array<i32>} : memref<1x512xf32, #tpu.memory_space<vmem>>, vector<16xf32>,
    tpu.vector_store %arg13[%swap3A_667, %swap3A_668], %sub3A_665 {strides = array<i32>} : memref<1x512xf32, #tpu.memory_space<vmem>>, vector<16xf32>,
    %get3A_670 = arith.constant 0 : i32
    %get3A_671 = arith.index_cast %get3A_670 : i32 to index
    %get3A_672 = arith.constant 480 : index
    %get3A_673 = tpu.vector_load %arg15[%get3A_671, %get3A_672] {strides = array<i32>} : memref<1x512xf32, #tpu.memory_space<vmem>>, vector<16xf32>,
    %mul3A_674 = arith.mulf %convert_element_type3A, %get3A_673 : vector<16xf32>
    %sub3A_675 = arith.subf %scan3A_363#6, %mul3A_674 : vector<16xf32>
    %swap3A_676 = arith.constant 0 : i32
    %swap3A_677 = arith.index_cast %swap3A_676 : i32 to index
    %swap3A_678 = arith.constant 480 : index
    %swap3A_679 = tpu.vector_load %arg13[%swap3A_677, %swap3A_678] {strides = array<i32>} : memref<1x512xf32, #tpu.memory_space<vmem>>, vector<16xf32>,
    tpu.vector_store %arg13[%swap3A_677, %swap3A_678], %sub3A_675 {strides = array<i32>} : memref<1x512xf32, #tpu.memory_space<vmem>>, vector<16xf32>,
    %get3A_680 = arith.constant 0 : i32
    %get3A_681 = arith.index_cast %get3A_680 : i32 to index
    %get3A_682 = arith.constant 496 : index
    %get3A_683 = tpu.vector_load %arg15[%get3A_681, %get3A_682] {strides = array<i32>} : memref<1x512xf32, #tpu.memory_space<vmem>>, vector<16xf32>,
    %mul3A_684 = arith.mulf %convert_element_type3A, %get3A_683 : vector<16xf32>
    %sub3A_685 = arith.subf %scan3A_363#7, %mul3A_684 : vector<16xf32>
    %swap3A_686 = arith.constant 0 : i32
    %swap3A_687 = arith.index_cast %swap3A_686 : i32 to index
    %swap3A_688 = arith.constant 496 : index
    %swap3A_689 = tpu.vector_load %arg13[%swap3A_687, %swap3A_688] {strides = array<i32>} : memref<1x512xf32, #tpu.memory_space<vmem>>, vector<16xf32>,
    tpu.vector_store %arg13[%swap3A_687, %swap3A_688], %sub3A_685 {strides = array<i32>} : memref<1x512xf32, #tpu.memory_space<vmem>>, vector<16xf32>,
    "tpu.region"() ({
      %run_scoped3A = tpu.sem_alloc : memref<!tpu.dma_semaphore, #tpu.memory_space<semaphore_mem>>
      %dma_start3A_690 = arith.constant 0 : i32
      %dma_start3A_691 = tpu.memref_slice %arg6[%add3A, %dma_start3A_690] : memref<32x512xf32, #tpu.memory_space<hbm>> -> memref<1x512xf32, #tpu.memory_space<hbm>>
      %dma_start3A_692 = arith.constant 0 : i32
      %dma_start3A_693 = tpu.memref_slice %arg6[%add3A, %dma_start3A_692] : memref<32x512xf32, #tpu.memory_space<hbm>> -> memref<1x512xf32, #tpu.memory_space<hbm>>
      tpu.enqueue_dma source(%arg13 : memref<1x512xf32, #tpu.memory_space<vmem>>) target(%dma_start3A_693 : memref<1x512xf32, #tpu.memory_space<hbm>>) target_semaphore(%run_scoped3A : memref<!tpu.dma_semaphore, #tpu.memory_space<semaphore_mem>>)
      %dma_wait3A_694 = arith.constant 0 : i32
      %dma_wait3A_695 = tpu.memref_slice %arg6[%add3A, %dma_wait3A_694] : memref<32x512xf32, #tpu.memory_space<hbm>> -> memref<1x512xf32, #tpu.memory_space<hbm>>
      %dma_wait3A_696 = arith.constant 0 : i32
      %dma_wait3A_697 = tpu.memref_slice %arg6[%add3A, %dma_wait3A_696] : memref<32x512xf32, #tpu.memory_space<hbm>> -> memref<1x512xf32, #tpu.memory_space<hbm>>
      tpu.wait_dma2 semaphore(%run_scoped3A : memref<!tpu.dma_semaphore, #tpu.memory_space<semaphore_mem>>) src(%arg13 : memref<1x512xf32, #tpu.memory_space<vmem>>) dst(%dma_wait3A_697 : memref<1x512xf32, #tpu.memory_space<hbm>>)
      tpu.yield
    }) : () -> ()
    return
  }
}

module attributes {stable_mosaic.version = 14 : i64} {
  func.func @_tc_body(%arg0: memref<1x8192xf32, #tpu.memory_space<vmem>>, %arg1: memref<64x128xf32, #tpu.memory_space<vmem>>, %arg2: memref<16x8192xf32, #tpu.memory_space<vmem>>, %arg3: memref<2x64xf32, #tpu.memory_space<vmem>>, %arg4: memref<64x512xf32, #tpu.memory_space<vmem>>, %arg5: memref<16x512xf32, #tpu.memory_space<vmem>>, %arg6: memref<1x512xf32, #tpu.memory_space<vmem>>, %arg7: memref<1x512xf32, #tpu.memory_space<vmem>>, %arg8: memref<1x4xf32, #tpu.memory_space<vmem>>, %arg9: memref<1x512xf32, #tpu.memory_space<vmem>>) attributes {dimension_semantics = [], scalar_prefetch = 0 : i64, scratch_operands = 0 : i64, tpu.core_type = #tpu.core_type<tc>} {
    %get3A = arith.constant 0 : index
    %get3A_0 = arith.constant 0 : index
    %get3A_1 = vector.load %arg8[%get3A, %get3A_0] : memref<1x4xf32, #tpu.memory_space<vmem>>, vector<1x1xf32>
    %get3A_2 = vector.extract %get3A_1[0, 0] : f32 from vector<1x1xf32>
    %get3A_3 = arith.constant 0 : index
    %get3A_4 = arith.constant 1 : index
    %get3A_5 = vector.load %arg8[%get3A_3, %get3A_4] : memref<1x4xf32, #tpu.memory_space<vmem>>, vector<1x1xf32>
    %get3A_6 = vector.extract %get3A_5[0, 0] : f32 from vector<1x1xf32>
    %get3A_7 = arith.constant 0 : index
    %get3A_8 = arith.constant 2 : index
    %get3A_9 = vector.load %arg8[%get3A_7, %get3A_8] : memref<1x4xf32, #tpu.memory_space<vmem>>, vector<1x1xf32>
    %get3A_10 = vector.extract %get3A_9[0, 0] : f32 from vector<1x1xf32>
    %get3A_11 = arith.constant 0 : index
    %get3A_12 = arith.constant 3 : index
    %get3A_13 = vector.load %arg8[%get3A_11, %get3A_12] : memref<1x4xf32, #tpu.memory_space<vmem>>, vector<1x1xf32>
    %get3A_14 = vector.extract %get3A_13[0, 0] : f32 from vector<1x1xf32>
    %get3A_15 = arith.constant 0 : index
    %get3A_16 = arith.constant 0 : index
    %get3A_17 = vector.load %arg0[%get3A_15, %get3A_16] : memref<1x8192xf32, #tpu.memory_space<vmem>>, vector<1x8192xf32>
    %ge3A = vector.broadcast %get3A_2 : f32 to vector<1x8192xf32>
    %ge3A_18 = arith.cmpf oge, %get3A_17, %ge3A : vector<1x8192xf32>
    %lt3A = vector.broadcast %get3A_6 : f32 to vector<1x8192xf32>
    %lt3A_19 = arith.cmpf olt, %get3A_17, %lt3A : vector<1x8192xf32>
    %and3A = arith.andi %ge3A_18, %lt3A_19 : vector<1x8192xi1>
    %convert_element_type3A = arith.extui %and3A : vector<1x8192xi1> to vector<1x8192xi32>
    %convert_element_type3A_20 = arith.sitofp %convert_element_type3A : vector<1x8192xi32> to vector<1x8192xf32>
    %reduce_sum3A = vector.shape_cast %convert_element_type3A_20 : vector<1x8192xf32> to vector<1x1x8192xf32>
    %reduce_sum3A_21 = arith.constant dense<0.000000e+00> : vector<1xf32>
    %reduce_sum3A_22 = vector.multi_reduction <add>, %reduce_sum3A, %reduce_sum3A_21 [1, 2] : vector<1x1x8192xf32> to vector<1xf32>
    %reduce_sum3A_23 = vector.shape_cast %reduce_sum3A_22 : vector<1xf32> to vector<1x1x1xf32>
    %reduce_sum3A_24 = vector.extract %reduce_sum3A_23[0, 0, 0] : f32 from vector<1x1x1xf32>
    %mul3A = arith.mulf %get3A_17, %convert_element_type3A_20 : vector<1x8192xf32>
    %reduce_sum3A_25 = vector.shape_cast %mul3A : vector<1x8192xf32> to vector<1x1x8192xf32>
    %reduce_sum3A_26 = arith.constant dense<0.000000e+00> : vector<1xf32>
    %reduce_sum3A_27 = vector.multi_reduction <add>, %reduce_sum3A_25, %reduce_sum3A_26 [1, 2] : vector<1x1x8192xf32> to vector<1xf32>
    %reduce_sum3A_28 = vector.shape_cast %reduce_sum3A_27 : vector<1xf32> to vector<1x1x1xf32>
    %reduce_sum3A_29 = vector.extract %reduce_sum3A_28[0, 0, 0] : f32 from vector<1x1x1xf32>
    %get3A_30 = arith.constant 0 : index
    %get3A_31 = arith.constant 0 : index
    %get3A_32 = vector.load %arg1[%get3A_30, %get3A_31] : memref<64x128xf32, #tpu.memory_space<vmem>>, vector<64x128xf32>
    %ge3A_33 = vector.broadcast %get3A_2 : f32 to vector<64x128xf32>
    %ge3A_34 = arith.cmpf oge, %get3A_32, %ge3A_33 : vector<64x128xf32>
    %lt3A_35 = vector.broadcast %get3A_6 : f32 to vector<64x128xf32>
    %lt3A_36 = arith.cmpf olt, %get3A_32, %lt3A_35 : vector<64x128xf32>
    %and3A_37 = arith.andi %ge3A_34, %lt3A_36 : vector<64x128xi1>
    %convert_element_type3A_38 = arith.extui %and3A_37 : vector<64x128xi1> to vector<64x128xi32>
    %convert_element_type3A_39 = arith.sitofp %convert_element_type3A_38 : vector<64x128xi32> to vector<64x128xf32>
    %iota3A = tpu.iota {dimensions = array<i32: 0>} : vector<64x128xi32>
    %broadcast_in_dim3A = arith.constant 0.000000e+00 : f32
    %broadcast_in_dim3A_40 = vector.broadcast %broadcast_in_dim3A : f32 to vector<64x128xf32>
    %get3A_41 = arith.constant 0 : index
    %get3A_42 = arith.constant 1 : index
    %get3A_43 = vector.load %arg3[%get3A_41, %get3A_42] : memref<2x64xf32, #tpu.memory_space<vmem>>, vector<1x1xf32>
    %get3A_44 = vector.extract %get3A_43[0, 0] : f32 from vector<1x1xf32>
    %mul3A_45 = vector.broadcast %get3A_44 : f32 to vector<64x128xf32>
    %mul3A_46 = arith.mulf %get3A_32, %mul3A_45 : vector<64x128xf32>
    %get3A_47 = arith.constant 1 : index
    %get3A_48 = arith.constant 1 : index
    %get3A_49 = vector.load %arg3[%get3A_47, %get3A_48] : memref<2x64xf32, #tpu.memory_space<vmem>>, vector<1x1xf32>
    %get3A_50 = vector.extract %get3A_49[0, 0] : f32 from vector<1x1xf32>
    %add3A = vector.broadcast %get3A_50 : f32 to vector<64x128xf32>
    %add3A_51 = arith.addf %mul3A_46, %add3A : vector<64x128xf32>
    %sin3A = math.sin %add3A_51 : vector<64x128xf32>
    %mul3A_52 = arith.mulf %convert_element_type3A_39, %sin3A : vector<64x128xf32>
    %reduce_sum3A_53 = arith.constant dense<0.000000e+00> : vector<128xf32>
    %reduce_sum3A_54 = vector.multi_reduction <add>, %mul3A_52, %reduce_sum3A_53 [0] : vector<64x128xf32> to vector<128xf32>
    %broadcast_in_dim3A_55 = vector.shape_cast %reduce_sum3A_54 : vector<128xf32> to vector<1x128xf32>
    %eq3A = arith.constant 1 : i32
    %eq3A_56 = vector.broadcast %eq3A : i32 to vector<64x128xi32>
    %eq3A_57 = arith.cmpi eq, %iota3A, %eq3A_56 : vector<64x128xi32>
    %broadcast_in_dim3A_58 = vector.shape_cast %broadcast_in_dim3A_55 : vector<1x128xf32> to vector<1x128xf32>
    %broadcast_in_dim3A_59 = vector.broadcast %broadcast_in_dim3A_58 : vector<1x128xf32> to vector<64x128xf32>
    %select_n3A = arith.select %eq3A_57, %broadcast_in_dim3A_59, %broadcast_in_dim3A_40 : vector<64x128xi1>, vector<64x128xf32>
    %get3A_60 = arith.constant 0 : index
    %get3A_61 = arith.constant 2 : index
    %get3A_62 = vector.load %arg3[%get3A_60, %get3A_61] : memref<2x64xf32, #tpu.memory_space<vmem>>, vector<1x1xf32>
    %get3A_63 = vector.extract %get3A_62[0, 0] : f32 from vector<1x1xf32>
    %mul3A_64 = vector.broadcast %get3A_63 : f32 to vector<64x128xf32>
    %mul3A_65 = arith.mulf %get3A_32, %mul3A_64 : vector<64x128xf32>
    %get3A_66 = arith.constant 1 : index
    %get3A_67 = arith.constant 2 : index
    %get3A_68 = vector.load %arg3[%get3A_66, %get3A_67] : memref<2x64xf32, #tpu.memory_space<vmem>>, vector<1x1xf32>
    %get3A_69 = vector.extract %get3A_68[0, 0] : f32 from vector<1x1xf32>
    %add3A_70 = vector.broadcast %get3A_69 : f32 to vector<64x128xf32>
    %add3A_71 = arith.addf %mul3A_65, %add3A_70 : vector<64x128xf32>
    %sin3A_72 = math.sin %add3A_71 : vector<64x128xf32>
    %mul3A_73 = arith.mulf %convert_element_type3A_39, %sin3A_72 : vector<64x128xf32>
    %reduce_sum3A_74 = arith.constant dense<0.000000e+00> : vector<128xf32>
    %reduce_sum3A_75 = vector.multi_reduction <add>, %mul3A_73, %reduce_sum3A_74 [0] : vector<64x128xf32> to vector<128xf32>
    %broadcast_in_dim3A_76 = vector.shape_cast %reduce_sum3A_75 : vector<128xf32> to vector<1x128xf32>
    %eq3A_77 = arith.constant 2 : i32
    %eq3A_78 = vector.broadcast %eq3A_77 : i32 to vector<64x128xi32>
    %eq3A_79 = arith.cmpi eq, %iota3A, %eq3A_78 : vector<64x128xi32>
    %broadcast_in_dim3A_80 = vector.shape_cast %broadcast_in_dim3A_76 : vector<1x128xf32> to vector<1x128xf32>
    %broadcast_in_dim3A_81 = vector.broadcast %broadcast_in_dim3A_80 : vector<1x128xf32> to vector<64x128xf32>
    %select_n3A_82 = arith.select %eq3A_79, %broadcast_in_dim3A_81, %select_n3A : vector<64x128xi1>, vector<64x128xf32>
    %get3A_83 = arith.constant 0 : index
    %get3A_84 = arith.constant 3 : index
    %get3A_85 = vector.load %arg3[%get3A_83, %get3A_84] : memref<2x64xf32, #tpu.memory_space<vmem>>, vector<1x1xf32>
    %get3A_86 = vector.extract %get3A_85[0, 0] : f32 from vector<1x1xf32>
    %mul3A_87 = vector.broadcast %get3A_86 : f32 to vector<64x128xf32>
    %mul3A_88 = arith.mulf %get3A_32, %mul3A_87 : vector<64x128xf32>
    %get3A_89 = arith.constant 1 : index
    %get3A_90 = arith.constant 3 : index
    %get3A_91 = vector.load %arg3[%get3A_89, %get3A_90] : memref<2x64xf32, #tpu.memory_space<vmem>>, vector<1x1xf32>
    %get3A_92 = vector.extract %get3A_91[0, 0] : f32 from vector<1x1xf32>
    %add3A_93 = vector.broadcast %get3A_92 : f32 to vector<64x128xf32>
    %add3A_94 = arith.addf %mul3A_88, %add3A_93 : vector<64x128xf32>
    %sin3A_95 = math.sin %add3A_94 : vector<64x128xf32>
    %mul3A_96 = arith.mulf %convert_element_type3A_39, %sin3A_95 : vector<64x128xf32>
    %reduce_sum3A_97 = arith.constant dense<0.000000e+00> : vector<128xf32>
    %reduce_sum3A_98 = vector.multi_reduction <add>, %mul3A_96, %reduce_sum3A_97 [0] : vector<64x128xf32> to vector<128xf32>
    %broadcast_in_dim3A_99 = vector.shape_cast %reduce_sum3A_98 : vector<128xf32> to vector<1x128xf32>
    %eq3A_100 = arith.constant 3 : i32
    %eq3A_101 = vector.broadcast %eq3A_100 : i32 to vector<64x128xi32>
    %eq3A_102 = arith.cmpi eq, %iota3A, %eq3A_101 : vector<64x128xi32>
    %broadcast_in_dim3A_103 = vector.shape_cast %broadcast_in_dim3A_99 : vector<1x128xf32> to vector<1x128xf32>
    %broadcast_in_dim3A_104 = vector.broadcast %broadcast_in_dim3A_103 : vector<1x128xf32> to vector<64x128xf32>
    %select_n3A_105 = arith.select %eq3A_102, %broadcast_in_dim3A_104, %select_n3A_82 : vector<64x128xi1>, vector<64x128xf32>
    %get3A_106 = arith.constant 0 : index
    %get3A_107 = arith.constant 4 : index
    %get3A_108 = vector.load %arg3[%get3A_106, %get3A_107] : memref<2x64xf32, #tpu.memory_space<vmem>>, vector<1x1xf32>
    %get3A_109 = vector.extract %get3A_108[0, 0] : f32 from vector<1x1xf32>
    %mul3A_110 = vector.broadcast %get3A_109 : f32 to vector<64x128xf32>
    %mul3A_111 = arith.mulf %get3A_32, %mul3A_110 : vector<64x128xf32>
    %get3A_112 = arith.constant 1 : index
    %get3A_113 = arith.constant 4 : index
    %get3A_114 = vector.load %arg3[%get3A_112, %get3A_113] : memref<2x64xf32, #tpu.memory_space<vmem>>, vector<1x1xf32>
    %get3A_115 = vector.extract %get3A_114[0, 0] : f32 from vector<1x1xf32>
    %add3A_116 = vector.broadcast %get3A_115 : f32 to vector<64x128xf32>
    %add3A_117 = arith.addf %mul3A_111, %add3A_116 : vector<64x128xf32>
    %sin3A_118 = math.sin %add3A_117 : vector<64x128xf32>
    %mul3A_119 = arith.mulf %convert_element_type3A_39, %sin3A_118 : vector<64x128xf32>
    %reduce_sum3A_120 = arith.constant dense<0.000000e+00> : vector<128xf32>
    %reduce_sum3A_121 = vector.multi_reduction <add>, %mul3A_119, %reduce_sum3A_120 [0] : vector<64x128xf32> to vector<128xf32>
    %broadcast_in_dim3A_122 = vector.shape_cast %reduce_sum3A_121 : vector<128xf32> to vector<1x128xf32>
    %eq3A_123 = arith.constant 4 : i32
    %eq3A_124 = vector.broadcast %eq3A_123 : i32 to vector<64x128xi32>
    %eq3A_125 = arith.cmpi eq, %iota3A, %eq3A_124 : vector<64x128xi32>
    %broadcast_in_dim3A_126 = vector.shape_cast %broadcast_in_dim3A_122 : vector<1x128xf32> to vector<1x128xf32>
    %broadcast_in_dim3A_127 = vector.broadcast %broadcast_in_dim3A_126 : vector<1x128xf32> to vector<64x128xf32>
    %select_n3A_128 = arith.select %eq3A_125, %broadcast_in_dim3A_127, %select_n3A_105 : vector<64x128xi1>, vector<64x128xf32>
    %get3A_129 = arith.constant 0 : index
    %get3A_130 = arith.constant 5 : index
    %get3A_131 = vector.load %arg3[%get3A_129, %get3A_130] : memref<2x64xf32, #tpu.memory_space<vmem>>, vector<1x1xf32>
    %get3A_132 = vector.extract %get3A_131[0, 0] : f32 from vector<1x1xf32>
    %mul3A_133 = vector.broadcast %get3A_132 : f32 to vector<64x128xf32>
    %mul3A_134 = arith.mulf %get3A_32, %mul3A_133 : vector<64x128xf32>
    %get3A_135 = arith.constant 1 : index
    %get3A_136 = arith.constant 5 : index
    %get3A_137 = vector.load %arg3[%get3A_135, %get3A_136] : memref<2x64xf32, #tpu.memory_space<vmem>>, vector<1x1xf32>
    %get3A_138 = vector.extract %get3A_137[0, 0] : f32 from vector<1x1xf32>
    %add3A_139 = vector.broadcast %get3A_138 : f32 to vector<64x128xf32>
    %add3A_140 = arith.addf %mul3A_134, %add3A_139 : vector<64x128xf32>
    %sin3A_141 = math.sin %add3A_140 : vector<64x128xf32>
    %mul3A_142 = arith.mulf %convert_element_type3A_39, %sin3A_141 : vector<64x128xf32>
    %reduce_sum3A_143 = arith.constant dense<0.000000e+00> : vector<128xf32>
    %reduce_sum3A_144 = vector.multi_reduction <add>, %mul3A_142, %reduce_sum3A_143 [0] : vector<64x128xf32> to vector<128xf32>
    %broadcast_in_dim3A_145 = vector.shape_cast %reduce_sum3A_144 : vector<128xf32> to vector<1x128xf32>
    %eq3A_146 = arith.constant 5 : i32
    %eq3A_147 = vector.broadcast %eq3A_146 : i32 to vector<64x128xi32>
    %eq3A_148 = arith.cmpi eq, %iota3A, %eq3A_147 : vector<64x128xi32>
    %broadcast_in_dim3A_149 = vector.shape_cast %broadcast_in_dim3A_145 : vector<1x128xf32> to vector<1x128xf32>
    %broadcast_in_dim3A_150 = vector.broadcast %broadcast_in_dim3A_149 : vector<1x128xf32> to vector<64x128xf32>
    %select_n3A_151 = arith.select %eq3A_148, %broadcast_in_dim3A_150, %select_n3A_128 : vector<64x128xi1>, vector<64x128xf32>
    %get3A_152 = arith.constant 0 : index
    %get3A_153 = arith.constant 6 : index
    %get3A_154 = vector.load %arg3[%get3A_152, %get3A_153] : memref<2x64xf32, #tpu.memory_space<vmem>>, vector<1x1xf32>
    %get3A_155 = vector.extract %get3A_154[0, 0] : f32 from vector<1x1xf32>
    %mul3A_156 = vector.broadcast %get3A_155 : f32 to vector<64x128xf32>
    %mul3A_157 = arith.mulf %get3A_32, %mul3A_156 : vector<64x128xf32>
    %get3A_158 = arith.constant 1 : index
    %get3A_159 = arith.constant 6 : index
    %get3A_160 = vector.load %arg3[%get3A_158, %get3A_159] : memref<2x64xf32, #tpu.memory_space<vmem>>, vector<1x1xf32>
    %get3A_161 = vector.extract %get3A_160[0, 0] : f32 from vector<1x1xf32>
    %add3A_162 = vector.broadcast %get3A_161 : f32 to vector<64x128xf32>
    %add3A_163 = arith.addf %mul3A_157, %add3A_162 : vector<64x128xf32>
    %sin3A_164 = math.sin %add3A_163 : vector<64x128xf32>
    %mul3A_165 = arith.mulf %convert_element_type3A_39, %sin3A_164 : vector<64x128xf32>
    %reduce_sum3A_166 = arith.constant dense<0.000000e+00> : vector<128xf32>
    %reduce_sum3A_167 = vector.multi_reduction <add>, %mul3A_165, %reduce_sum3A_166 [0] : vector<64x128xf32> to vector<128xf32>
    %broadcast_in_dim3A_168 = vector.shape_cast %reduce_sum3A_167 : vector<128xf32> to vector<1x128xf32>
    %eq3A_169 = arith.constant 6 : i32
    %eq3A_170 = vector.broadcast %eq3A_169 : i32 to vector<64x128xi32>
    %eq3A_171 = arith.cmpi eq, %iota3A, %eq3A_170 : vector<64x128xi32>
    %broadcast_in_dim3A_172 = vector.shape_cast %broadcast_in_dim3A_168 : vector<1x128xf32> to vector<1x128xf32>
    %broadcast_in_dim3A_173 = vector.broadcast %broadcast_in_dim3A_172 : vector<1x128xf32> to vector<64x128xf32>
    %select_n3A_174 = arith.select %eq3A_171, %broadcast_in_dim3A_173, %select_n3A_151 : vector<64x128xi1>, vector<64x128xf32>
    %get3A_175 = arith.constant 0 : index
    %get3A_176 = arith.constant 7 : index
    %get3A_177 = vector.load %arg3[%get3A_175, %get3A_176] : memref<2x64xf32, #tpu.memory_space<vmem>>, vector<1x1xf32>
    %get3A_178 = vector.extract %get3A_177[0, 0] : f32 from vector<1x1xf32>
    %mul3A_179 = vector.broadcast %get3A_178 : f32 to vector<64x128xf32>
    %mul3A_180 = arith.mulf %get3A_32, %mul3A_179 : vector<64x128xf32>
    %get3A_181 = arith.constant 1 : index
    %get3A_182 = arith.constant 7 : index
    %get3A_183 = vector.load %arg3[%get3A_181, %get3A_182] : memref<2x64xf32, #tpu.memory_space<vmem>>, vector<1x1xf32>
    %get3A_184 = vector.extract %get3A_183[0, 0] : f32 from vector<1x1xf32>
    %add3A_185 = vector.broadcast %get3A_184 : f32 to vector<64x128xf32>
    %add3A_186 = arith.addf %mul3A_180, %add3A_185 : vector<64x128xf32>
    %sin3A_187 = math.sin %add3A_186 : vector<64x128xf32>
    %mul3A_188 = arith.mulf %convert_element_type3A_39, %sin3A_187 : vector<64x128xf32>
    %reduce_sum3A_189 = arith.constant dense<0.000000e+00> : vector<128xf32>
    %reduce_sum3A_190 = vector.multi_reduction <add>, %mul3A_188, %reduce_sum3A_189 [0] : vector<64x128xf32> to vector<128xf32>
    %broadcast_in_dim3A_191 = vector.shape_cast %reduce_sum3A_190 : vector<128xf32> to vector<1x128xf32>
    %eq3A_192 = arith.constant 7 : i32
    %eq3A_193 = vector.broadcast %eq3A_192 : i32 to vector<64x128xi32>
    %eq3A_194 = arith.cmpi eq, %iota3A, %eq3A_193 : vector<64x128xi32>
    %broadcast_in_dim3A_195 = vector.shape_cast %broadcast_in_dim3A_191 : vector<1x128xf32> to vector<1x128xf32>
    %broadcast_in_dim3A_196 = vector.broadcast %broadcast_in_dim3A_195 : vector<1x128xf32> to vector<64x128xf32>
    %select_n3A_197 = arith.select %eq3A_194, %broadcast_in_dim3A_196, %select_n3A_174 : vector<64x128xi1>, vector<64x128xf32>
    %get3A_198 = arith.constant 0 : index
    %get3A_199 = arith.constant 8 : index
    %get3A_200 = vector.load %arg3[%get3A_198, %get3A_199] : memref<2x64xf32, #tpu.memory_space<vmem>>, vector<1x1xf32>
    %get3A_201 = vector.extract %get3A_200[0, 0] : f32 from vector<1x1xf32>
    %mul3A_202 = vector.broadcast %get3A_201 : f32 to vector<64x128xf32>
    %mul3A_203 = arith.mulf %get3A_32, %mul3A_202 : vector<64x128xf32>
    %get3A_204 = arith.constant 1 : index
    %get3A_205 = arith.constant 8 : index
    %get3A_206 = vector.load %arg3[%get3A_204, %get3A_205] : memref<2x64xf32, #tpu.memory_space<vmem>>, vector<1x1xf32>
    %get3A_207 = vector.extract %get3A_206[0, 0] : f32 from vector<1x1xf32>
    %add3A_208 = vector.broadcast %get3A_207 : f32 to vector<64x128xf32>
    %add3A_209 = arith.addf %mul3A_203, %add3A_208 : vector<64x128xf32>
    %sin3A_210 = math.sin %add3A_209 : vector<64x128xf32>
    %mul3A_211 = arith.mulf %convert_element_type3A_39, %sin3A_210 : vector<64x128xf32>
    %reduce_sum3A_212 = arith.constant dense<0.000000e+00> : vector<128xf32>
    %reduce_sum3A_213 = vector.multi_reduction <add>, %mul3A_211, %reduce_sum3A_212 [0] : vector<64x128xf32> to vector<128xf32>
    %broadcast_in_dim3A_214 = vector.shape_cast %reduce_sum3A_213 : vector<128xf32> to vector<1x128xf32>
    %eq3A_215 = arith.constant 8 : i32
    %eq3A_216 = vector.broadcast %eq3A_215 : i32 to vector<64x128xi32>
    %eq3A_217 = arith.cmpi eq, %iota3A, %eq3A_216 : vector<64x128xi32>
    %broadcast_in_dim3A_218 = vector.shape_cast %broadcast_in_dim3A_214 : vector<1x128xf32> to vector<1x128xf32>
    %broadcast_in_dim3A_219 = vector.broadcast %broadcast_in_dim3A_218 : vector<1x128xf32> to vector<64x128xf32>
    %select_n3A_220 = arith.select %eq3A_217, %broadcast_in_dim3A_219, %select_n3A_197 : vector<64x128xi1>, vector<64x128xf32>
    %get3A_221 = arith.constant 0 : index
    %get3A_222 = arith.constant 9 : index
    %get3A_223 = vector.load %arg3[%get3A_221, %get3A_222] : memref<2x64xf32, #tpu.memory_space<vmem>>, vector<1x1xf32>
    %get3A_224 = vector.extract %get3A_223[0, 0] : f32 from vector<1x1xf32>
    %mul3A_225 = vector.broadcast %get3A_224 : f32 to vector<64x128xf32>
    %mul3A_226 = arith.mulf %get3A_32, %mul3A_225 : vector<64x128xf32>
    %get3A_227 = arith.constant 1 : index
    %get3A_228 = arith.constant 9 : index
    %get3A_229 = vector.load %arg3[%get3A_227, %get3A_228] : memref<2x64xf32, #tpu.memory_space<vmem>>, vector<1x1xf32>
    %get3A_230 = vector.extract %get3A_229[0, 0] : f32 from vector<1x1xf32>
    %add3A_231 = vector.broadcast %get3A_230 : f32 to vector<64x128xf32>
    %add3A_232 = arith.addf %mul3A_226, %add3A_231 : vector<64x128xf32>
    %sin3A_233 = math.sin %add3A_232 : vector<64x128xf32>
    %mul3A_234 = arith.mulf %convert_element_type3A_39, %sin3A_233 : vector<64x128xf32>
    %reduce_sum3A_235 = arith.constant dense<0.000000e+00> : vector<128xf32>
    %reduce_sum3A_236 = vector.multi_reduction <add>, %mul3A_234, %reduce_sum3A_235 [0] : vector<64x128xf32> to vector<128xf32>
    %broadcast_in_dim3A_237 = vector.shape_cast %reduce_sum3A_236 : vector<128xf32> to vector<1x128xf32>
    %eq3A_238 = arith.constant 9 : i32
    %eq3A_239 = vector.broadcast %eq3A_238 : i32 to vector<64x128xi32>
    %eq3A_240 = arith.cmpi eq, %iota3A, %eq3A_239 : vector<64x128xi32>
    %broadcast_in_dim3A_241 = vector.shape_cast %broadcast_in_dim3A_237 : vector<1x128xf32> to vector<1x128xf32>
    %broadcast_in_dim3A_242 = vector.broadcast %broadcast_in_dim3A_241 : vector<1x128xf32> to vector<64x128xf32>
    %select_n3A_243 = arith.select %eq3A_240, %broadcast_in_dim3A_242, %select_n3A_220 : vector<64x128xi1>, vector<64x128xf32>
    %get3A_244 = arith.constant 0 : index
    %get3A_245 = arith.constant 10 : index
    %get3A_246 = vector.load %arg3[%get3A_244, %get3A_245] : memref<2x64xf32, #tpu.memory_space<vmem>>, vector<1x1xf32>
    %get3A_247 = vector.extract %get3A_246[0, 0] : f32 from vector<1x1xf32>
    %mul3A_248 = vector.broadcast %get3A_247 : f32 to vector<64x128xf32>
    %mul3A_249 = arith.mulf %get3A_32, %mul3A_248 : vector<64x128xf32>
    %get3A_250 = arith.constant 1 : index
    %get3A_251 = arith.constant 10 : index
    %get3A_252 = vector.load %arg3[%get3A_250, %get3A_251] : memref<2x64xf32, #tpu.memory_space<vmem>>, vector<1x1xf32>
    %get3A_253 = vector.extract %get3A_252[0, 0] : f32 from vector<1x1xf32>
    %add3A_254 = vector.broadcast %get3A_253 : f32 to vector<64x128xf32>
    %add3A_255 = arith.addf %mul3A_249, %add3A_254 : vector<64x128xf32>
    %sin3A_256 = math.sin %add3A_255 : vector<64x128xf32>
    %mul3A_257 = arith.mulf %convert_element_type3A_39, %sin3A_256 : vector<64x128xf32>
    %reduce_sum3A_258 = arith.constant dense<0.000000e+00> : vector<128xf32>
    %reduce_sum3A_259 = vector.multi_reduction <add>, %mul3A_257, %reduce_sum3A_258 [0] : vector<64x128xf32> to vector<128xf32>
    %broadcast_in_dim3A_260 = vector.shape_cast %reduce_sum3A_259 : vector<128xf32> to vector<1x128xf32>
    %eq3A_261 = arith.constant 10 : i32
    %eq3A_262 = vector.broadcast %eq3A_261 : i32 to vector<64x128xi32>
    %eq3A_263 = arith.cmpi eq, %iota3A, %eq3A_262 : vector<64x128xi32>
    %broadcast_in_dim3A_264 = vector.shape_cast %broadcast_in_dim3A_260 : vector<1x128xf32> to vector<1x128xf32>
    %broadcast_in_dim3A_265 = vector.broadcast %broadcast_in_dim3A_264 : vector<1x128xf32> to vector<64x128xf32>
    %select_n3A_266 = arith.select %eq3A_263, %broadcast_in_dim3A_265, %select_n3A_243 : vector<64x128xi1>, vector<64x128xf32>
    %get3A_267 = arith.constant 0 : index
    %get3A_268 = arith.constant 11 : index
    %get3A_269 = vector.load %arg3[%get3A_267, %get3A_268] : memref<2x64xf32, #tpu.memory_space<vmem>>, vector<1x1xf32>
    %get3A_270 = vector.extract %get3A_269[0, 0] : f32 from vector<1x1xf32>
    %mul3A_271 = vector.broadcast %get3A_270 : f32 to vector<64x128xf32>
    %mul3A_272 = arith.mulf %get3A_32, %mul3A_271 : vector<64x128xf32>
    %get3A_273 = arith.constant 1 : index
    %get3A_274 = arith.constant 11 : index
    %get3A_275 = vector.load %arg3[%get3A_273, %get3A_274] : memref<2x64xf32, #tpu.memory_space<vmem>>, vector<1x1xf32>
    %get3A_276 = vector.extract %get3A_275[0, 0] : f32 from vector<1x1xf32>
    %add3A_277 = vector.broadcast %get3A_276 : f32 to vector<64x128xf32>
    %add3A_278 = arith.addf %mul3A_272, %add3A_277 : vector<64x128xf32>
    %sin3A_279 = math.sin %add3A_278 : vector<64x128xf32>
    %mul3A_280 = arith.mulf %convert_element_type3A_39, %sin3A_279 : vector<64x128xf32>
    %reduce_sum3A_281 = arith.constant dense<0.000000e+00> : vector<128xf32>
    %reduce_sum3A_282 = vector.multi_reduction <add>, %mul3A_280, %reduce_sum3A_281 [0] : vector<64x128xf32> to vector<128xf32>
    %broadcast_in_dim3A_283 = vector.shape_cast %reduce_sum3A_282 : vector<128xf32> to vector<1x128xf32>
    %eq3A_284 = arith.constant 11 : i32
    %eq3A_285 = vector.broadcast %eq3A_284 : i32 to vector<64x128xi32>
    %eq3A_286 = arith.cmpi eq, %iota3A, %eq3A_285 : vector<64x128xi32>
    %broadcast_in_dim3A_287 = vector.shape_cast %broadcast_in_dim3A_283 : vector<1x128xf32> to vector<1x128xf32>
    %broadcast_in_dim3A_288 = vector.broadcast %broadcast_in_dim3A_287 : vector<1x128xf32> to vector<64x128xf32>
    %select_n3A_289 = arith.select %eq3A_286, %broadcast_in_dim3A_288, %select_n3A_266 : vector<64x128xi1>, vector<64x128xf32>
    %get3A_290 = arith.constant 0 : index
    %get3A_291 = arith.constant 12 : index
    %get3A_292 = vector.load %arg3[%get3A_290, %get3A_291] : memref<2x64xf32, #tpu.memory_space<vmem>>, vector<1x1xf32>
    %get3A_293 = vector.extract %get3A_292[0, 0] : f32 from vector<1x1xf32>
    %mul3A_294 = vector.broadcast %get3A_293 : f32 to vector<64x128xf32>
    %mul3A_295 = arith.mulf %get3A_32, %mul3A_294 : vector<64x128xf32>
    %get3A_296 = arith.constant 1 : index
    %get3A_297 = arith.constant 12 : index
    %get3A_298 = vector.load %arg3[%get3A_296, %get3A_297] : memref<2x64xf32, #tpu.memory_space<vmem>>, vector<1x1xf32>
    %get3A_299 = vector.extract %get3A_298[0, 0] : f32 from vector<1x1xf32>
    %add3A_300 = vector.broadcast %get3A_299 : f32 to vector<64x128xf32>
    %add3A_301 = arith.addf %mul3A_295, %add3A_300 : vector<64x128xf32>
    %sin3A_302 = math.sin %add3A_301 : vector<64x128xf32>
    %mul3A_303 = arith.mulf %convert_element_type3A_39, %sin3A_302 : vector<64x128xf32>
    %reduce_sum3A_304 = arith.constant dense<0.000000e+00> : vector<128xf32>
    %reduce_sum3A_305 = vector.multi_reduction <add>, %mul3A_303, %reduce_sum3A_304 [0] : vector<64x128xf32> to vector<128xf32>
    %broadcast_in_dim3A_306 = vector.shape_cast %reduce_sum3A_305 : vector<128xf32> to vector<1x128xf32>
    %eq3A_307 = arith.constant 12 : i32
    %eq3A_308 = vector.broadcast %eq3A_307 : i32 to vector<64x128xi32>
    %eq3A_309 = arith.cmpi eq, %iota3A, %eq3A_308 : vector<64x128xi32>
    %broadcast_in_dim3A_310 = vector.shape_cast %broadcast_in_dim3A_306 : vector<1x128xf32> to vector<1x128xf32>
    %broadcast_in_dim3A_311 = vector.broadcast %broadcast_in_dim3A_310 : vector<1x128xf32> to vector<64x128xf32>
    %select_n3A_312 = arith.select %eq3A_309, %broadcast_in_dim3A_311, %select_n3A_289 : vector<64x128xi1>, vector<64x128xf32>
    %get3A_313 = arith.constant 0 : index
    %get3A_314 = arith.constant 13 : index
    %get3A_315 = vector.load %arg3[%get3A_313, %get3A_314] : memref<2x64xf32, #tpu.memory_space<vmem>>, vector<1x1xf32>
    %get3A_316 = vector.extract %get3A_315[0, 0] : f32 from vector<1x1xf32>
    %mul3A_317 = vector.broadcast %get3A_316 : f32 to vector<64x128xf32>
    %mul3A_318 = arith.mulf %get3A_32, %mul3A_317 : vector<64x128xf32>
    %get3A_319 = arith.constant 1 : index
    %get3A_320 = arith.constant 13 : index
    %get3A_321 = vector.load %arg3[%get3A_319, %get3A_320] : memref<2x64xf32, #tpu.memory_space<vmem>>, vector<1x1xf32>
    %get3A_322 = vector.extract %get3A_321[0, 0] : f32 from vector<1x1xf32>
    %add3A_323 = vector.broadcast %get3A_322 : f32 to vector<64x128xf32>
    %add3A_324 = arith.addf %mul3A_318, %add3A_323 : vector<64x128xf32>
    %sin3A_325 = math.sin %add3A_324 : vector<64x128xf32>
    %mul3A_326 = arith.mulf %convert_element_type3A_39, %sin3A_325 : vector<64x128xf32>
    %reduce_sum3A_327 = arith.constant dense<0.000000e+00> : vector<128xf32>
    %reduce_sum3A_328 = vector.multi_reduction <add>, %mul3A_326, %reduce_sum3A_327 [0] : vector<64x128xf32> to vector<128xf32>
    %broadcast_in_dim3A_329 = vector.shape_cast %reduce_sum3A_328 : vector<128xf32> to vector<1x128xf32>
    %eq3A_330 = arith.constant 13 : i32
    %eq3A_331 = vector.broadcast %eq3A_330 : i32 to vector<64x128xi32>
    %eq3A_332 = arith.cmpi eq, %iota3A, %eq3A_331 : vector<64x128xi32>
    %broadcast_in_dim3A_333 = vector.shape_cast %broadcast_in_dim3A_329 : vector<1x128xf32> to vector<1x128xf32>
    %broadcast_in_dim3A_334 = vector.broadcast %broadcast_in_dim3A_333 : vector<1x128xf32> to vector<64x128xf32>
    %select_n3A_335 = arith.select %eq3A_332, %broadcast_in_dim3A_334, %select_n3A_312 : vector<64x128xi1>, vector<64x128xf32>
    %get3A_336 = arith.constant 0 : index
    %get3A_337 = arith.constant 14 : index
    %get3A_338 = vector.load %arg3[%get3A_336, %get3A_337] : memref<2x64xf32, #tpu.memory_space<vmem>>, vector<1x1xf32>
    %get3A_339 = vector.extract %get3A_338[0, 0] : f32 from vector<1x1xf32>
    %mul3A_340 = vector.broadcast %get3A_339 : f32 to vector<64x128xf32>
    %mul3A_341 = arith.mulf %get3A_32, %mul3A_340 : vector<64x128xf32>
    %get3A_342 = arith.constant 1 : index
    %get3A_343 = arith.constant 14 : index
    %get3A_344 = vector.load %arg3[%get3A_342, %get3A_343] : memref<2x64xf32, #tpu.memory_space<vmem>>, vector<1x1xf32>
    %get3A_345 = vector.extract %get3A_344[0, 0] : f32 from vector<1x1xf32>
    %add3A_346 = vector.broadcast %get3A_345 : f32 to vector<64x128xf32>
    %add3A_347 = arith.addf %mul3A_341, %add3A_346 : vector<64x128xf32>
    %sin3A_348 = math.sin %add3A_347 : vector<64x128xf32>
    %mul3A_349 = arith.mulf %convert_element_type3A_39, %sin3A_348 : vector<64x128xf32>
    %reduce_sum3A_350 = arith.constant dense<0.000000e+00> : vector<128xf32>
    %reduce_sum3A_351 = vector.multi_reduction <add>, %mul3A_349, %reduce_sum3A_350 [0] : vector<64x128xf32> to vector<128xf32>
    %broadcast_in_dim3A_352 = vector.shape_cast %reduce_sum3A_351 : vector<128xf32> to vector<1x128xf32>
    %eq3A_353 = arith.constant 14 : i32
    %eq3A_354 = vector.broadcast %eq3A_353 : i32 to vector<64x128xi32>
    %eq3A_355 = arith.cmpi eq, %iota3A, %eq3A_354 : vector<64x128xi32>
    %broadcast_in_dim3A_356 = vector.shape_cast %broadcast_in_dim3A_352 : vector<1x128xf32> to vector<1x128xf32>
    %broadcast_in_dim3A_357 = vector.broadcast %broadcast_in_dim3A_356 : vector<1x128xf32> to vector<64x128xf32>
    %select_n3A_358 = arith.select %eq3A_355, %broadcast_in_dim3A_357, %select_n3A_335 : vector<64x128xi1>, vector<64x128xf32>
    %get3A_359 = arith.constant 0 : index
    %get3A_360 = arith.constant 15 : index
    %get3A_361 = vector.load %arg3[%get3A_359, %get3A_360] : memref<2x64xf32, #tpu.memory_space<vmem>>, vector<1x1xf32>
    %get3A_362 = vector.extract %get3A_361[0, 0] : f32 from vector<1x1xf32>
    %mul3A_363 = vector.broadcast %get3A_362 : f32 to vector<64x128xf32>
    %mul3A_364 = arith.mulf %get3A_32, %mul3A_363 : vector<64x128xf32>
    %get3A_365 = arith.constant 1 : index
    %get3A_366 = arith.constant 15 : index
    %get3A_367 = vector.load %arg3[%get3A_365, %get3A_366] : memref<2x64xf32, #tpu.memory_space<vmem>>, vector<1x1xf32>
    %get3A_368 = vector.extract %get3A_367[0, 0] : f32 from vector<1x1xf32>
    %add3A_369 = vector.broadcast %get3A_368 : f32 to vector<64x128xf32>
    %add3A_370 = arith.addf %mul3A_364, %add3A_369 : vector<64x128xf32>
    %sin3A_371 = math.sin %add3A_370 : vector<64x128xf32>
    %mul3A_372 = arith.mulf %convert_element_type3A_39, %sin3A_371 : vector<64x128xf32>
    %reduce_sum3A_373 = arith.constant dense<0.000000e+00> : vector<128xf32>
    %reduce_sum3A_374 = vector.multi_reduction <add>, %mul3A_372, %reduce_sum3A_373 [0] : vector<64x128xf32> to vector<128xf32>
    %broadcast_in_dim3A_375 = vector.shape_cast %reduce_sum3A_374 : vector<128xf32> to vector<1x128xf32>
    %eq3A_376 = arith.constant 15 : i32
    %eq3A_377 = vector.broadcast %eq3A_376 : i32 to vector<64x128xi32>
    %eq3A_378 = arith.cmpi eq, %iota3A, %eq3A_377 : vector<64x128xi32>
    %broadcast_in_dim3A_379 = vector.shape_cast %broadcast_in_dim3A_375 : vector<1x128xf32> to vector<1x128xf32>
    %broadcast_in_dim3A_380 = vector.broadcast %broadcast_in_dim3A_379 : vector<1x128xf32> to vector<64x128xf32>
    %select_n3A_381 = arith.select %eq3A_378, %broadcast_in_dim3A_380, %select_n3A_358 : vector<64x128xi1>, vector<64x128xf32>
    %get3A_382 = arith.constant 0 : index
    %get3A_383 = arith.constant 16 : index
    %get3A_384 = vector.load %arg3[%get3A_382, %get3A_383] : memref<2x64xf32, #tpu.memory_space<vmem>>, vector<1x1xf32>
    %get3A_385 = vector.extract %get3A_384[0, 0] : f32 from vector<1x1xf32>
    %mul3A_386 = vector.broadcast %get3A_385 : f32 to vector<64x128xf32>
    %mul3A_387 = arith.mulf %get3A_32, %mul3A_386 : vector<64x128xf32>
    %get3A_388 = arith.constant 1 : index
    %get3A_389 = arith.constant 16 : index
    %get3A_390 = vector.load %arg3[%get3A_388, %get3A_389] : memref<2x64xf32, #tpu.memory_space<vmem>>, vector<1x1xf32>
    %get3A_391 = vector.extract %get3A_390[0, 0] : f32 from vector<1x1xf32>
    %add3A_392 = vector.broadcast %get3A_391 : f32 to vector<64x128xf32>
    %add3A_393 = arith.addf %mul3A_387, %add3A_392 : vector<64x128xf32>
    %sin3A_394 = math.sin %add3A_393 : vector<64x128xf32>
    %mul3A_395 = arith.mulf %convert_element_type3A_39, %sin3A_394 : vector<64x128xf32>
    %reduce_sum3A_396 = arith.constant dense<0.000000e+00> : vector<128xf32>
    %reduce_sum3A_397 = vector.multi_reduction <add>, %mul3A_395, %reduce_sum3A_396 [0] : vector<64x128xf32> to vector<128xf32>
    %broadcast_in_dim3A_398 = vector.shape_cast %reduce_sum3A_397 : vector<128xf32> to vector<1x128xf32>
    %eq3A_399 = arith.constant 16 : i32
    %eq3A_400 = vector.broadcast %eq3A_399 : i32 to vector<64x128xi32>
    %eq3A_401 = arith.cmpi eq, %iota3A, %eq3A_400 : vector<64x128xi32>
    %broadcast_in_dim3A_402 = vector.shape_cast %broadcast_in_dim3A_398 : vector<1x128xf32> to vector<1x128xf32>
    %broadcast_in_dim3A_403 = vector.broadcast %broadcast_in_dim3A_402 : vector<1x128xf32> to vector<64x128xf32>
    %select_n3A_404 = arith.select %eq3A_401, %broadcast_in_dim3A_403, %select_n3A_381 : vector<64x128xi1>, vector<64x128xf32>
    %get3A_405 = arith.constant 0 : index
    %get3A_406 = arith.constant 17 : index
    %get3A_407 = vector.load %arg3[%get3A_405, %get3A_406] : memref<2x64xf32, #tpu.memory_space<vmem>>, vector<1x1xf32>
    %get3A_408 = vector.extract %get3A_407[0, 0] : f32 from vector<1x1xf32>
    %mul3A_409 = vector.broadcast %get3A_408 : f32 to vector<64x128xf32>
    %mul3A_410 = arith.mulf %get3A_32, %mul3A_409 : vector<64x128xf32>
    %get3A_411 = arith.constant 1 : index
    %get3A_412 = arith.constant 17 : index
    %get3A_413 = vector.load %arg3[%get3A_411, %get3A_412] : memref<2x64xf32, #tpu.memory_space<vmem>>, vector<1x1xf32>
    %get3A_414 = vector.extract %get3A_413[0, 0] : f32 from vector<1x1xf32>
    %add3A_415 = vector.broadcast %get3A_414 : f32 to vector<64x128xf32>
    %add3A_416 = arith.addf %mul3A_410, %add3A_415 : vector<64x128xf32>
    %sin3A_417 = math.sin %add3A_416 : vector<64x128xf32>
    %mul3A_418 = arith.mulf %convert_element_type3A_39, %sin3A_417 : vector<64x128xf32>
    %reduce_sum3A_419 = arith.constant dense<0.000000e+00> : vector<128xf32>
    %reduce_sum3A_420 = vector.multi_reduction <add>, %mul3A_418, %reduce_sum3A_419 [0] : vector<64x128xf32> to vector<128xf32>
    %broadcast_in_dim3A_421 = vector.shape_cast %reduce_sum3A_420 : vector<128xf32> to vector<1x128xf32>
    %eq3A_422 = arith.constant 17 : i32
    %eq3A_423 = vector.broadcast %eq3A_422 : i32 to vector<64x128xi32>
    %eq3A_424 = arith.cmpi eq, %iota3A, %eq3A_423 : vector<64x128xi32>
    %broadcast_in_dim3A_425 = vector.shape_cast %broadcast_in_dim3A_421 : vector<1x128xf32> to vector<1x128xf32>
    %broadcast_in_dim3A_426 = vector.broadcast %broadcast_in_dim3A_425 : vector<1x128xf32> to vector<64x128xf32>
    %select_n3A_427 = arith.select %eq3A_424, %broadcast_in_dim3A_426, %select_n3A_404 : vector<64x128xi1>, vector<64x128xf32>
    %get3A_428 = arith.constant 0 : index
    %get3A_429 = arith.constant 18 : index
    %get3A_430 = vector.load %arg3[%get3A_428, %get3A_429] : memref<2x64xf32, #tpu.memory_space<vmem>>, vector<1x1xf32>
    %get3A_431 = vector.extract %get3A_430[0, 0] : f32 from vector<1x1xf32>
    %mul3A_432 = vector.broadcast %get3A_431 : f32 to vector<64x128xf32>
    %mul3A_433 = arith.mulf %get3A_32, %mul3A_432 : vector<64x128xf32>
    %get3A_434 = arith.constant 1 : index
    %get3A_435 = arith.constant 18 : index
    %get3A_436 = vector.load %arg3[%get3A_434, %get3A_435] : memref<2x64xf32, #tpu.memory_space<vmem>>, vector<1x1xf32>
    %get3A_437 = vector.extract %get3A_436[0, 0] : f32 from vector<1x1xf32>
    %add3A_438 = vector.broadcast %get3A_437 : f32 to vector<64x128xf32>
    %add3A_439 = arith.addf %mul3A_433, %add3A_438 : vector<64x128xf32>
    %sin3A_440 = math.sin %add3A_439 : vector<64x128xf32>
    %mul3A_441 = arith.mulf %convert_element_type3A_39, %sin3A_440 : vector<64x128xf32>
    %reduce_sum3A_442 = arith.constant dense<0.000000e+00> : vector<128xf32>
    %reduce_sum3A_443 = vector.multi_reduction <add>, %mul3A_441, %reduce_sum3A_442 [0] : vector<64x128xf32> to vector<128xf32>
    %broadcast_in_dim3A_444 = vector.shape_cast %reduce_sum3A_443 : vector<128xf32> to vector<1x128xf32>
    %eq3A_445 = arith.constant 18 : i32
    %eq3A_446 = vector.broadcast %eq3A_445 : i32 to vector<64x128xi32>
    %eq3A_447 = arith.cmpi eq, %iota3A, %eq3A_446 : vector<64x128xi32>
    %broadcast_in_dim3A_448 = vector.shape_cast %broadcast_in_dim3A_444 : vector<1x128xf32> to vector<1x128xf32>
    %broadcast_in_dim3A_449 = vector.broadcast %broadcast_in_dim3A_448 : vector<1x128xf32> to vector<64x128xf32>
    %select_n3A_450 = arith.select %eq3A_447, %broadcast_in_dim3A_449, %select_n3A_427 : vector<64x128xi1>, vector<64x128xf32>
    %get3A_451 = arith.constant 0 : index
    %get3A_452 = arith.constant 19 : index
    %get3A_453 = vector.load %arg3[%get3A_451, %get3A_452] : memref<2x64xf32, #tpu.memory_space<vmem>>, vector<1x1xf32>
    %get3A_454 = vector.extract %get3A_453[0, 0] : f32 from vector<1x1xf32>
    %mul3A_455 = vector.broadcast %get3A_454 : f32 to vector<64x128xf32>
    %mul3A_456 = arith.mulf %get3A_32, %mul3A_455 : vector<64x128xf32>
    %get3A_457 = arith.constant 1 : index
    %get3A_458 = arith.constant 19 : index
    %get3A_459 = vector.load %arg3[%get3A_457, %get3A_458] : memref<2x64xf32, #tpu.memory_space<vmem>>, vector<1x1xf32>
    %get3A_460 = vector.extract %get3A_459[0, 0] : f32 from vector<1x1xf32>
    %add3A_461 = vector.broadcast %get3A_460 : f32 to vector<64x128xf32>
    %add3A_462 = arith.addf %mul3A_456, %add3A_461 : vector<64x128xf32>
    %sin3A_463 = math.sin %add3A_462 : vector<64x128xf32>
    %mul3A_464 = arith.mulf %convert_element_type3A_39, %sin3A_463 : vector<64x128xf32>
    %reduce_sum3A_465 = arith.constant dense<0.000000e+00> : vector<128xf32>
    %reduce_sum3A_466 = vector.multi_reduction <add>, %mul3A_464, %reduce_sum3A_465 [0] : vector<64x128xf32> to vector<128xf32>
    %broadcast_in_dim3A_467 = vector.shape_cast %reduce_sum3A_466 : vector<128xf32> to vector<1x128xf32>
    %eq3A_468 = arith.constant 19 : i32
    %eq3A_469 = vector.broadcast %eq3A_468 : i32 to vector<64x128xi32>
    %eq3A_470 = arith.cmpi eq, %iota3A, %eq3A_469 : vector<64x128xi32>
    %broadcast_in_dim3A_471 = vector.shape_cast %broadcast_in_dim3A_467 : vector<1x128xf32> to vector<1x128xf32>
    %broadcast_in_dim3A_472 = vector.broadcast %broadcast_in_dim3A_471 : vector<1x128xf32> to vector<64x128xf32>
    %select_n3A_473 = arith.select %eq3A_470, %broadcast_in_dim3A_472, %select_n3A_450 : vector<64x128xi1>, vector<64x128xf32>
    %get3A_474 = arith.constant 0 : index
    %get3A_475 = arith.constant 20 : index
    %get3A_476 = vector.load %arg3[%get3A_474, %get3A_475] : memref<2x64xf32, #tpu.memory_space<vmem>>, vector<1x1xf32>
    %get3A_477 = vector.extract %get3A_476[0, 0] : f32 from vector<1x1xf32>
    %mul3A_478 = vector.broadcast %get3A_477 : f32 to vector<64x128xf32>
    %mul3A_479 = arith.mulf %get3A_32, %mul3A_478 : vector<64x128xf32>
    %get3A_480 = arith.constant 1 : index
    %get3A_481 = arith.constant 20 : index
    %get3A_482 = vector.load %arg3[%get3A_480, %get3A_481] : memref<2x64xf32, #tpu.memory_space<vmem>>, vector<1x1xf32>
    %get3A_483 = vector.extract %get3A_482[0, 0] : f32 from vector<1x1xf32>
    %add3A_484 = vector.broadcast %get3A_483 : f32 to vector<64x128xf32>
    %add3A_485 = arith.addf %mul3A_479, %add3A_484 : vector<64x128xf32>
    %sin3A_486 = math.sin %add3A_485 : vector<64x128xf32>
    %mul3A_487 = arith.mulf %convert_element_type3A_39, %sin3A_486 : vector<64x128xf32>
    %reduce_sum3A_488 = arith.constant dense<0.000000e+00> : vector<128xf32>
    %reduce_sum3A_489 = vector.multi_reduction <add>, %mul3A_487, %reduce_sum3A_488 [0] : vector<64x128xf32> to vector<128xf32>
    %broadcast_in_dim3A_490 = vector.shape_cast %reduce_sum3A_489 : vector<128xf32> to vector<1x128xf32>
    %eq3A_491 = arith.constant 20 : i32
    %eq3A_492 = vector.broadcast %eq3A_491 : i32 to vector<64x128xi32>
    %eq3A_493 = arith.cmpi eq, %iota3A, %eq3A_492 : vector<64x128xi32>
    %broadcast_in_dim3A_494 = vector.shape_cast %broadcast_in_dim3A_490 : vector<1x128xf32> to vector<1x128xf32>
    %broadcast_in_dim3A_495 = vector.broadcast %broadcast_in_dim3A_494 : vector<1x128xf32> to vector<64x128xf32>
    %select_n3A_496 = arith.select %eq3A_493, %broadcast_in_dim3A_495, %select_n3A_473 : vector<64x128xi1>, vector<64x128xf32>
    %get3A_497 = arith.constant 0 : index
    %get3A_498 = arith.constant 21 : index
    %get3A_499 = vector.load %arg3[%get3A_497, %get3A_498] : memref<2x64xf32, #tpu.memory_space<vmem>>, vector<1x1xf32>
    %get3A_500 = vector.extract %get3A_499[0, 0] : f32 from vector<1x1xf32>
    %mul3A_501 = vector.broadcast %get3A_500 : f32 to vector<64x128xf32>
    %mul3A_502 = arith.mulf %get3A_32, %mul3A_501 : vector<64x128xf32>
    %get3A_503 = arith.constant 1 : index
    %get3A_504 = arith.constant 21 : index
    %get3A_505 = vector.load %arg3[%get3A_503, %get3A_504] : memref<2x64xf32, #tpu.memory_space<vmem>>, vector<1x1xf32>
    %get3A_506 = vector.extract %get3A_505[0, 0] : f32 from vector<1x1xf32>
    %add3A_507 = vector.broadcast %get3A_506 : f32 to vector<64x128xf32>
    %add3A_508 = arith.addf %mul3A_502, %add3A_507 : vector<64x128xf32>
    %sin3A_509 = math.sin %add3A_508 : vector<64x128xf32>
    %mul3A_510 = arith.mulf %convert_element_type3A_39, %sin3A_509 : vector<64x128xf32>
    %reduce_sum3A_511 = arith.constant dense<0.000000e+00> : vector<128xf32>
    %reduce_sum3A_512 = vector.multi_reduction <add>, %mul3A_510, %reduce_sum3A_511 [0] : vector<64x128xf32> to vector<128xf32>
    %broadcast_in_dim3A_513 = vector.shape_cast %reduce_sum3A_512 : vector<128xf32> to vector<1x128xf32>
    %eq3A_514 = arith.constant 21 : i32
    %eq3A_515 = vector.broadcast %eq3A_514 : i32 to vector<64x128xi32>
    %eq3A_516 = arith.cmpi eq, %iota3A, %eq3A_515 : vector<64x128xi32>
    %broadcast_in_dim3A_517 = vector.shape_cast %broadcast_in_dim3A_513 : vector<1x128xf32> to vector<1x128xf32>
    %broadcast_in_dim3A_518 = vector.broadcast %broadcast_in_dim3A_517 : vector<1x128xf32> to vector<64x128xf32>
    %select_n3A_519 = arith.select %eq3A_516, %broadcast_in_dim3A_518, %select_n3A_496 : vector<64x128xi1>, vector<64x128xf32>
    %get3A_520 = arith.constant 0 : index
    %get3A_521 = arith.constant 22 : index
    %get3A_522 = vector.load %arg3[%get3A_520, %get3A_521] : memref<2x64xf32, #tpu.memory_space<vmem>>, vector<1x1xf32>
    %get3A_523 = vector.extract %get3A_522[0, 0] : f32 from vector<1x1xf32>
    %mul3A_524 = vector.broadcast %get3A_523 : f32 to vector<64x128xf32>
    %mul3A_525 = arith.mulf %get3A_32, %mul3A_524 : vector<64x128xf32>
    %get3A_526 = arith.constant 1 : index
    %get3A_527 = arith.constant 22 : index
    %get3A_528 = vector.load %arg3[%get3A_526, %get3A_527] : memref<2x64xf32, #tpu.memory_space<vmem>>, vector<1x1xf32>
    %get3A_529 = vector.extract %get3A_528[0, 0] : f32 from vector<1x1xf32>
    %add3A_530 = vector.broadcast %get3A_529 : f32 to vector<64x128xf32>
    %add3A_531 = arith.addf %mul3A_525, %add3A_530 : vector<64x128xf32>
    %sin3A_532 = math.sin %add3A_531 : vector<64x128xf32>
    %mul3A_533 = arith.mulf %convert_element_type3A_39, %sin3A_532 : vector<64x128xf32>
    %reduce_sum3A_534 = arith.constant dense<0.000000e+00> : vector<128xf32>
    %reduce_sum3A_535 = vector.multi_reduction <add>, %mul3A_533, %reduce_sum3A_534 [0] : vector<64x128xf32> to vector<128xf32>
    %broadcast_in_dim3A_536 = vector.shape_cast %reduce_sum3A_535 : vector<128xf32> to vector<1x128xf32>
    %eq3A_537 = arith.constant 22 : i32
    %eq3A_538 = vector.broadcast %eq3A_537 : i32 to vector<64x128xi32>
    %eq3A_539 = arith.cmpi eq, %iota3A, %eq3A_538 : vector<64x128xi32>
    %broadcast_in_dim3A_540 = vector.shape_cast %broadcast_in_dim3A_536 : vector<1x128xf32> to vector<1x128xf32>
    %broadcast_in_dim3A_541 = vector.broadcast %broadcast_in_dim3A_540 : vector<1x128xf32> to vector<64x128xf32>
    %select_n3A_542 = arith.select %eq3A_539, %broadcast_in_dim3A_541, %select_n3A_519 : vector<64x128xi1>, vector<64x128xf32>
    %get3A_543 = arith.constant 0 : index
    %get3A_544 = arith.constant 23 : index
    %get3A_545 = vector.load %arg3[%get3A_543, %get3A_544] : memref<2x64xf32, #tpu.memory_space<vmem>>, vector<1x1xf32>
    %get3A_546 = vector.extract %get3A_545[0, 0] : f32 from vector<1x1xf32>
    %mul3A_547 = vector.broadcast %get3A_546 : f32 to vector<64x128xf32>
    %mul3A_548 = arith.mulf %get3A_32, %mul3A_547 : vector<64x128xf32>
    %get3A_549 = arith.constant 1 : index
    %get3A_550 = arith.constant 23 : index
    %get3A_551 = vector.load %arg3[%get3A_549, %get3A_550] : memref<2x64xf32, #tpu.memory_space<vmem>>, vector<1x1xf32>
    %get3A_552 = vector.extract %get3A_551[0, 0] : f32 from vector<1x1xf32>
    %add3A_553 = vector.broadcast %get3A_552 : f32 to vector<64x128xf32>
    %add3A_554 = arith.addf %mul3A_548, %add3A_553 : vector<64x128xf32>
    %sin3A_555 = math.sin %add3A_554 : vector<64x128xf32>
    %mul3A_556 = arith.mulf %convert_element_type3A_39, %sin3A_555 : vector<64x128xf32>
    %reduce_sum3A_557 = arith.constant dense<0.000000e+00> : vector<128xf32>
    %reduce_sum3A_558 = vector.multi_reduction <add>, %mul3A_556, %reduce_sum3A_557 [0] : vector<64x128xf32> to vector<128xf32>
    %broadcast_in_dim3A_559 = vector.shape_cast %reduce_sum3A_558 : vector<128xf32> to vector<1x128xf32>
    %eq3A_560 = arith.constant 23 : i32
    %eq3A_561 = vector.broadcast %eq3A_560 : i32 to vector<64x128xi32>
    %eq3A_562 = arith.cmpi eq, %iota3A, %eq3A_561 : vector<64x128xi32>
    %broadcast_in_dim3A_563 = vector.shape_cast %broadcast_in_dim3A_559 : vector<1x128xf32> to vector<1x128xf32>
    %broadcast_in_dim3A_564 = vector.broadcast %broadcast_in_dim3A_563 : vector<1x128xf32> to vector<64x128xf32>
    %select_n3A_565 = arith.select %eq3A_562, %broadcast_in_dim3A_564, %select_n3A_542 : vector<64x128xi1>, vector<64x128xf32>
    %get3A_566 = arith.constant 0 : index
    %get3A_567 = arith.constant 24 : index
    %get3A_568 = vector.load %arg3[%get3A_566, %get3A_567] : memref<2x64xf32, #tpu.memory_space<vmem>>, vector<1x1xf32>
    %get3A_569 = vector.extract %get3A_568[0, 0] : f32 from vector<1x1xf32>
    %mul3A_570 = vector.broadcast %get3A_569 : f32 to vector<64x128xf32>
    %mul3A_571 = arith.mulf %get3A_32, %mul3A_570 : vector<64x128xf32>
    %get3A_572 = arith.constant 1 : index
    %get3A_573 = arith.constant 24 : index
    %get3A_574 = vector.load %arg3[%get3A_572, %get3A_573] : memref<2x64xf32, #tpu.memory_space<vmem>>, vector<1x1xf32>
    %get3A_575 = vector.extract %get3A_574[0, 0] : f32 from vector<1x1xf32>
    %add3A_576 = vector.broadcast %get3A_575 : f32 to vector<64x128xf32>
    %add3A_577 = arith.addf %mul3A_571, %add3A_576 : vector<64x128xf32>
    %sin3A_578 = math.sin %add3A_577 : vector<64x128xf32>
    %mul3A_579 = arith.mulf %convert_element_type3A_39, %sin3A_578 : vector<64x128xf32>
    %reduce_sum3A_580 = arith.constant dense<0.000000e+00> : vector<128xf32>
    %reduce_sum3A_581 = vector.multi_reduction <add>, %mul3A_579, %reduce_sum3A_580 [0] : vector<64x128xf32> to vector<128xf32>
    %broadcast_in_dim3A_582 = vector.shape_cast %reduce_sum3A_581 : vector<128xf32> to vector<1x128xf32>
    %eq3A_583 = arith.constant 24 : i32
    %eq3A_584 = vector.broadcast %eq3A_583 : i32 to vector<64x128xi32>
    %eq3A_585 = arith.cmpi eq, %iota3A, %eq3A_584 : vector<64x128xi32>
    %broadcast_in_dim3A_586 = vector.shape_cast %broadcast_in_dim3A_582 : vector<1x128xf32> to vector<1x128xf32>
    %broadcast_in_dim3A_587 = vector.broadcast %broadcast_in_dim3A_586 : vector<1x128xf32> to vector<64x128xf32>
    %select_n3A_588 = arith.select %eq3A_585, %broadcast_in_dim3A_587, %select_n3A_565 : vector<64x128xi1>, vector<64x128xf32>
    %get3A_589 = arith.constant 0 : index
    %get3A_590 = arith.constant 25 : index
    %get3A_591 = vector.load %arg3[%get3A_589, %get3A_590] : memref<2x64xf32, #tpu.memory_space<vmem>>, vector<1x1xf32>
    %get3A_592 = vector.extract %get3A_591[0, 0] : f32 from vector<1x1xf32>
    %mul3A_593 = vector.broadcast %get3A_592 : f32 to vector<64x128xf32>
    %mul3A_594 = arith.mulf %get3A_32, %mul3A_593 : vector<64x128xf32>
    %get3A_595 = arith.constant 1 : index
    %get3A_596 = arith.constant 25 : index
    %get3A_597 = vector.load %arg3[%get3A_595, %get3A_596] : memref<2x64xf32, #tpu.memory_space<vmem>>, vector<1x1xf32>
    %get3A_598 = vector.extract %get3A_597[0, 0] : f32 from vector<1x1xf32>
    %add3A_599 = vector.broadcast %get3A_598 : f32 to vector<64x128xf32>
    %add3A_600 = arith.addf %mul3A_594, %add3A_599 : vector<64x128xf32>
    %sin3A_601 = math.sin %add3A_600 : vector<64x128xf32>
    %mul3A_602 = arith.mulf %convert_element_type3A_39, %sin3A_601 : vector<64x128xf32>
    %reduce_sum3A_603 = arith.constant dense<0.000000e+00> : vector<128xf32>
    %reduce_sum3A_604 = vector.multi_reduction <add>, %mul3A_602, %reduce_sum3A_603 [0] : vector<64x128xf32> to vector<128xf32>
    %broadcast_in_dim3A_605 = vector.shape_cast %reduce_sum3A_604 : vector<128xf32> to vector<1x128xf32>
    %eq3A_606 = arith.constant 25 : i32
    %eq3A_607 = vector.broadcast %eq3A_606 : i32 to vector<64x128xi32>
    %eq3A_608 = arith.cmpi eq, %iota3A, %eq3A_607 : vector<64x128xi32>
    %broadcast_in_dim3A_609 = vector.shape_cast %broadcast_in_dim3A_605 : vector<1x128xf32> to vector<1x128xf32>
    %broadcast_in_dim3A_610 = vector.broadcast %broadcast_in_dim3A_609 : vector<1x128xf32> to vector<64x128xf32>
    %select_n3A_611 = arith.select %eq3A_608, %broadcast_in_dim3A_610, %select_n3A_588 : vector<64x128xi1>, vector<64x128xf32>
    %get3A_612 = arith.constant 0 : index
    %get3A_613 = arith.constant 26 : index
    %get3A_614 = vector.load %arg3[%get3A_612, %get3A_613] : memref<2x64xf32, #tpu.memory_space<vmem>>, vector<1x1xf32>
    %get3A_615 = vector.extract %get3A_614[0, 0] : f32 from vector<1x1xf32>
    %mul3A_616 = vector.broadcast %get3A_615 : f32 to vector<64x128xf32>
    %mul3A_617 = arith.mulf %get3A_32, %mul3A_616 : vector<64x128xf32>
    %get3A_618 = arith.constant 1 : index
    %get3A_619 = arith.constant 26 : index
    %get3A_620 = vector.load %arg3[%get3A_618, %get3A_619] : memref<2x64xf32, #tpu.memory_space<vmem>>, vector<1x1xf32>
    %get3A_621 = vector.extract %get3A_620[0, 0] : f32 from vector<1x1xf32>
    %add3A_622 = vector.broadcast %get3A_621 : f32 to vector<64x128xf32>
    %add3A_623 = arith.addf %mul3A_617, %add3A_622 : vector<64x128xf32>
    %sin3A_624 = math.sin %add3A_623 : vector<64x128xf32>
    %mul3A_625 = arith.mulf %convert_element_type3A_39, %sin3A_624 : vector<64x128xf32>
    %reduce_sum3A_626 = arith.constant dense<0.000000e+00> : vector<128xf32>
    %reduce_sum3A_627 = vector.multi_reduction <add>, %mul3A_625, %reduce_sum3A_626 [0] : vector<64x128xf32> to vector<128xf32>
    %broadcast_in_dim3A_628 = vector.shape_cast %reduce_sum3A_627 : vector<128xf32> to vector<1x128xf32>
    %eq3A_629 = arith.constant 26 : i32
    %eq3A_630 = vector.broadcast %eq3A_629 : i32 to vector<64x128xi32>
    %eq3A_631 = arith.cmpi eq, %iota3A, %eq3A_630 : vector<64x128xi32>
    %broadcast_in_dim3A_632 = vector.shape_cast %broadcast_in_dim3A_628 : vector<1x128xf32> to vector<1x128xf32>
    %broadcast_in_dim3A_633 = vector.broadcast %broadcast_in_dim3A_632 : vector<1x128xf32> to vector<64x128xf32>
    %select_n3A_634 = arith.select %eq3A_631, %broadcast_in_dim3A_633, %select_n3A_611 : vector<64x128xi1>, vector<64x128xf32>
    %get3A_635 = arith.constant 0 : index
    %get3A_636 = arith.constant 27 : index
    %get3A_637 = vector.load %arg3[%get3A_635, %get3A_636] : memref<2x64xf32, #tpu.memory_space<vmem>>, vector<1x1xf32>
    %get3A_638 = vector.extract %get3A_637[0, 0] : f32 from vector<1x1xf32>
    %mul3A_639 = vector.broadcast %get3A_638 : f32 to vector<64x128xf32>
    %mul3A_640 = arith.mulf %get3A_32, %mul3A_639 : vector<64x128xf32>
    %get3A_641 = arith.constant 1 : index
    %get3A_642 = arith.constant 27 : index
    %get3A_643 = vector.load %arg3[%get3A_641, %get3A_642] : memref<2x64xf32, #tpu.memory_space<vmem>>, vector<1x1xf32>
    %get3A_644 = vector.extract %get3A_643[0, 0] : f32 from vector<1x1xf32>
    %add3A_645 = vector.broadcast %get3A_644 : f32 to vector<64x128xf32>
    %add3A_646 = arith.addf %mul3A_640, %add3A_645 : vector<64x128xf32>
    %sin3A_647 = math.sin %add3A_646 : vector<64x128xf32>
    %mul3A_648 = arith.mulf %convert_element_type3A_39, %sin3A_647 : vector<64x128xf32>
    %reduce_sum3A_649 = arith.constant dense<0.000000e+00> : vector<128xf32>
    %reduce_sum3A_650 = vector.multi_reduction <add>, %mul3A_648, %reduce_sum3A_649 [0] : vector<64x128xf32> to vector<128xf32>
    %broadcast_in_dim3A_651 = vector.shape_cast %reduce_sum3A_650 : vector<128xf32> to vector<1x128xf32>
    %eq3A_652 = arith.constant 27 : i32
    %eq3A_653 = vector.broadcast %eq3A_652 : i32 to vector<64x128xi32>
    %eq3A_654 = arith.cmpi eq, %iota3A, %eq3A_653 : vector<64x128xi32>
    %broadcast_in_dim3A_655 = vector.shape_cast %broadcast_in_dim3A_651 : vector<1x128xf32> to vector<1x128xf32>
    %broadcast_in_dim3A_656 = vector.broadcast %broadcast_in_dim3A_655 : vector<1x128xf32> to vector<64x128xf32>
    %select_n3A_657 = arith.select %eq3A_654, %broadcast_in_dim3A_656, %select_n3A_634 : vector<64x128xi1>, vector<64x128xf32>
    %get3A_658 = arith.constant 0 : index
    %get3A_659 = arith.constant 28 : index
    %get3A_660 = vector.load %arg3[%get3A_658, %get3A_659] : memref<2x64xf32, #tpu.memory_space<vmem>>, vector<1x1xf32>
    %get3A_661 = vector.extract %get3A_660[0, 0] : f32 from vector<1x1xf32>
    %mul3A_662 = vector.broadcast %get3A_661 : f32 to vector<64x128xf32>
    %mul3A_663 = arith.mulf %get3A_32, %mul3A_662 : vector<64x128xf32>
    %get3A_664 = arith.constant 1 : index
    %get3A_665 = arith.constant 28 : index
    %get3A_666 = vector.load %arg3[%get3A_664, %get3A_665] : memref<2x64xf32, #tpu.memory_space<vmem>>, vector<1x1xf32>
    %get3A_667 = vector.extract %get3A_666[0, 0] : f32 from vector<1x1xf32>
    %add3A_668 = vector.broadcast %get3A_667 : f32 to vector<64x128xf32>
    %add3A_669 = arith.addf %mul3A_663, %add3A_668 : vector<64x128xf32>
    %sin3A_670 = math.sin %add3A_669 : vector<64x128xf32>
    %mul3A_671 = arith.mulf %convert_element_type3A_39, %sin3A_670 : vector<64x128xf32>
    %reduce_sum3A_672 = arith.constant dense<0.000000e+00> : vector<128xf32>
    %reduce_sum3A_673 = vector.multi_reduction <add>, %mul3A_671, %reduce_sum3A_672 [0] : vector<64x128xf32> to vector<128xf32>
    %broadcast_in_dim3A_674 = vector.shape_cast %reduce_sum3A_673 : vector<128xf32> to vector<1x128xf32>
    %eq3A_675 = arith.constant 28 : i32
    %eq3A_676 = vector.broadcast %eq3A_675 : i32 to vector<64x128xi32>
    %eq3A_677 = arith.cmpi eq, %iota3A, %eq3A_676 : vector<64x128xi32>
    %broadcast_in_dim3A_678 = vector.shape_cast %broadcast_in_dim3A_674 : vector<1x128xf32> to vector<1x128xf32>
    %broadcast_in_dim3A_679 = vector.broadcast %broadcast_in_dim3A_678 : vector<1x128xf32> to vector<64x128xf32>
    %select_n3A_680 = arith.select %eq3A_677, %broadcast_in_dim3A_679, %select_n3A_657 : vector<64x128xi1>, vector<64x128xf32>
    %get3A_681 = arith.constant 0 : index
    %get3A_682 = arith.constant 29 : index
    %get3A_683 = vector.load %arg3[%get3A_681, %get3A_682] : memref<2x64xf32, #tpu.memory_space<vmem>>, vector<1x1xf32>
    %get3A_684 = vector.extract %get3A_683[0, 0] : f32 from vector<1x1xf32>
    %mul3A_685 = vector.broadcast %get3A_684 : f32 to vector<64x128xf32>
    %mul3A_686 = arith.mulf %get3A_32, %mul3A_685 : vector<64x128xf32>
    %get3A_687 = arith.constant 1 : index
    %get3A_688 = arith.constant 29 : index
    %get3A_689 = vector.load %arg3[%get3A_687, %get3A_688] : memref<2x64xf32, #tpu.memory_space<vmem>>, vector<1x1xf32>
    %get3A_690 = vector.extract %get3A_689[0, 0] : f32 from vector<1x1xf32>
    %add3A_691 = vector.broadcast %get3A_690 : f32 to vector<64x128xf32>
    %add3A_692 = arith.addf %mul3A_686, %add3A_691 : vector<64x128xf32>
    %sin3A_693 = math.sin %add3A_692 : vector<64x128xf32>
    %mul3A_694 = arith.mulf %convert_element_type3A_39, %sin3A_693 : vector<64x128xf32>
    %reduce_sum3A_695 = arith.constant dense<0.000000e+00> : vector<128xf32>
    %reduce_sum3A_696 = vector.multi_reduction <add>, %mul3A_694, %reduce_sum3A_695 [0] : vector<64x128xf32> to vector<128xf32>
    %broadcast_in_dim3A_697 = vector.shape_cast %reduce_sum3A_696 : vector<128xf32> to vector<1x128xf32>
    %eq3A_698 = arith.constant 29 : i32
    %eq3A_699 = vector.broadcast %eq3A_698 : i32 to vector<64x128xi32>
    %eq3A_700 = arith.cmpi eq, %iota3A, %eq3A_699 : vector<64x128xi32>
    %broadcast_in_dim3A_701 = vector.shape_cast %broadcast_in_dim3A_697 : vector<1x128xf32> to vector<1x128xf32>
    %broadcast_in_dim3A_702 = vector.broadcast %broadcast_in_dim3A_701 : vector<1x128xf32> to vector<64x128xf32>
    %select_n3A_703 = arith.select %eq3A_700, %broadcast_in_dim3A_702, %select_n3A_680 : vector<64x128xi1>, vector<64x128xf32>
    %get3A_704 = arith.constant 0 : index
    %get3A_705 = arith.constant 30 : index
    %get3A_706 = vector.load %arg3[%get3A_704, %get3A_705] : memref<2x64xf32, #tpu.memory_space<vmem>>, vector<1x1xf32>
    %get3A_707 = vector.extract %get3A_706[0, 0] : f32 from vector<1x1xf32>
    %mul3A_708 = vector.broadcast %get3A_707 : f32 to vector<64x128xf32>
    %mul3A_709 = arith.mulf %get3A_32, %mul3A_708 : vector<64x128xf32>
    %get3A_710 = arith.constant 1 : index
    %get3A_711 = arith.constant 30 : index
    %get3A_712 = vector.load %arg3[%get3A_710, %get3A_711] : memref<2x64xf32, #tpu.memory_space<vmem>>, vector<1x1xf32>
    %get3A_713 = vector.extract %get3A_712[0, 0] : f32 from vector<1x1xf32>
    %add3A_714 = vector.broadcast %get3A_713 : f32 to vector<64x128xf32>
    %add3A_715 = arith.addf %mul3A_709, %add3A_714 : vector<64x128xf32>
    %sin3A_716 = math.sin %add3A_715 : vector<64x128xf32>
    %mul3A_717 = arith.mulf %convert_element_type3A_39, %sin3A_716 : vector<64x128xf32>
    %reduce_sum3A_718 = arith.constant dense<0.000000e+00> : vector<128xf32>
    %reduce_sum3A_719 = vector.multi_reduction <add>, %mul3A_717, %reduce_sum3A_718 [0] : vector<64x128xf32> to vector<128xf32>
    %broadcast_in_dim3A_720 = vector.shape_cast %reduce_sum3A_719 : vector<128xf32> to vector<1x128xf32>
    %eq3A_721 = arith.constant 30 : i32
    %eq3A_722 = vector.broadcast %eq3A_721 : i32 to vector<64x128xi32>
    %eq3A_723 = arith.cmpi eq, %iota3A, %eq3A_722 : vector<64x128xi32>
    %broadcast_in_dim3A_724 = vector.shape_cast %broadcast_in_dim3A_720 : vector<1x128xf32> to vector<1x128xf32>
    %broadcast_in_dim3A_725 = vector.broadcast %broadcast_in_dim3A_724 : vector<1x128xf32> to vector<64x128xf32>
    %select_n3A_726 = arith.select %eq3A_723, %broadcast_in_dim3A_725, %select_n3A_703 : vector<64x128xi1>, vector<64x128xf32>
    %get3A_727 = arith.constant 0 : index
    %get3A_728 = arith.constant 31 : index
    %get3A_729 = vector.load %arg3[%get3A_727, %get3A_728] : memref<2x64xf32, #tpu.memory_space<vmem>>, vector<1x1xf32>
    %get3A_730 = vector.extract %get3A_729[0, 0] : f32 from vector<1x1xf32>
    %mul3A_731 = vector.broadcast %get3A_730 : f32 to vector<64x128xf32>
    %mul3A_732 = arith.mulf %get3A_32, %mul3A_731 : vector<64x128xf32>
    %get3A_733 = arith.constant 1 : index
    %get3A_734 = arith.constant 31 : index
    %get3A_735 = vector.load %arg3[%get3A_733, %get3A_734] : memref<2x64xf32, #tpu.memory_space<vmem>>, vector<1x1xf32>
    %get3A_736 = vector.extract %get3A_735[0, 0] : f32 from vector<1x1xf32>
    %add3A_737 = vector.broadcast %get3A_736 : f32 to vector<64x128xf32>
    %add3A_738 = arith.addf %mul3A_732, %add3A_737 : vector<64x128xf32>
    %sin3A_739 = math.sin %add3A_738 : vector<64x128xf32>
    %mul3A_740 = arith.mulf %convert_element_type3A_39, %sin3A_739 : vector<64x128xf32>
    %reduce_sum3A_741 = arith.constant dense<0.000000e+00> : vector<128xf32>
    %reduce_sum3A_742 = vector.multi_reduction <add>, %mul3A_740, %reduce_sum3A_741 [0] : vector<64x128xf32> to vector<128xf32>
    %broadcast_in_dim3A_743 = vector.shape_cast %reduce_sum3A_742 : vector<128xf32> to vector<1x128xf32>
    %eq3A_744 = arith.constant 31 : i32
    %eq3A_745 = vector.broadcast %eq3A_744 : i32 to vector<64x128xi32>
    %eq3A_746 = arith.cmpi eq, %iota3A, %eq3A_745 : vector<64x128xi32>
    %broadcast_in_dim3A_747 = vector.shape_cast %broadcast_in_dim3A_743 : vector<1x128xf32> to vector<1x128xf32>
    %broadcast_in_dim3A_748 = vector.broadcast %broadcast_in_dim3A_747 : vector<1x128xf32> to vector<64x128xf32>
    %select_n3A_749 = arith.select %eq3A_746, %broadcast_in_dim3A_748, %select_n3A_726 : vector<64x128xi1>, vector<64x128xf32>
    %get3A_750 = arith.constant 0 : index
    %get3A_751 = arith.constant 32 : index
    %get3A_752 = vector.load %arg3[%get3A_750, %get3A_751] : memref<2x64xf32, #tpu.memory_space<vmem>>, vector<1x1xf32>
    %get3A_753 = vector.extract %get3A_752[0, 0] : f32 from vector<1x1xf32>
    %mul3A_754 = vector.broadcast %get3A_753 : f32 to vector<64x128xf32>
    %mul3A_755 = arith.mulf %get3A_32, %mul3A_754 : vector<64x128xf32>
    %get3A_756 = arith.constant 1 : index
    %get3A_757 = arith.constant 32 : index
    %get3A_758 = vector.load %arg3[%get3A_756, %get3A_757] : memref<2x64xf32, #tpu.memory_space<vmem>>, vector<1x1xf32>
    %get3A_759 = vector.extract %get3A_758[0, 0] : f32 from vector<1x1xf32>
    %add3A_760 = vector.broadcast %get3A_759 : f32 to vector<64x128xf32>
    %add3A_761 = arith.addf %mul3A_755, %add3A_760 : vector<64x128xf32>
    %sin3A_762 = math.sin %add3A_761 : vector<64x128xf32>
    %mul3A_763 = arith.mulf %convert_element_type3A_39, %sin3A_762 : vector<64x128xf32>
    %reduce_sum3A_764 = arith.constant dense<0.000000e+00> : vector<128xf32>
    %reduce_sum3A_765 = vector.multi_reduction <add>, %mul3A_763, %reduce_sum3A_764 [0] : vector<64x128xf32> to vector<128xf32>
    %broadcast_in_dim3A_766 = vector.shape_cast %reduce_sum3A_765 : vector<128xf32> to vector<1x128xf32>
    %eq3A_767 = arith.constant 32 : i32
    %eq3A_768 = vector.broadcast %eq3A_767 : i32 to vector<64x128xi32>
    %eq3A_769 = arith.cmpi eq, %iota3A, %eq3A_768 : vector<64x128xi32>
    %broadcast_in_dim3A_770 = vector.shape_cast %broadcast_in_dim3A_766 : vector<1x128xf32> to vector<1x128xf32>
    %broadcast_in_dim3A_771 = vector.broadcast %broadcast_in_dim3A_770 : vector<1x128xf32> to vector<64x128xf32>
    %select_n3A_772 = arith.select %eq3A_769, %broadcast_in_dim3A_771, %select_n3A_749 : vector<64x128xi1>, vector<64x128xf32>
    %get3A_773 = arith.constant 0 : index
    %get3A_774 = arith.constant 33 : index
    %get3A_775 = vector.load %arg3[%get3A_773, %get3A_774] : memref<2x64xf32, #tpu.memory_space<vmem>>, vector<1x1xf32>
    %get3A_776 = vector.extract %get3A_775[0, 0] : f32 from vector<1x1xf32>
    %mul3A_777 = vector.broadcast %get3A_776 : f32 to vector<64x128xf32>
    %mul3A_778 = arith.mulf %get3A_32, %mul3A_777 : vector<64x128xf32>
    %get3A_779 = arith.constant 1 : index
    %get3A_780 = arith.constant 33 : index
    %get3A_781 = vector.load %arg3[%get3A_779, %get3A_780] : memref<2x64xf32, #tpu.memory_space<vmem>>, vector<1x1xf32>
    %get3A_782 = vector.extract %get3A_781[0, 0] : f32 from vector<1x1xf32>
    %add3A_783 = vector.broadcast %get3A_782 : f32 to vector<64x128xf32>
    %add3A_784 = arith.addf %mul3A_778, %add3A_783 : vector<64x128xf32>
    %sin3A_785 = math.sin %add3A_784 : vector<64x128xf32>
    %mul3A_786 = arith.mulf %convert_element_type3A_39, %sin3A_785 : vector<64x128xf32>
    %reduce_sum3A_787 = arith.constant dense<0.000000e+00> : vector<128xf32>
    %reduce_sum3A_788 = vector.multi_reduction <add>, %mul3A_786, %reduce_sum3A_787 [0] : vector<64x128xf32> to vector<128xf32>
    %broadcast_in_dim3A_789 = vector.shape_cast %reduce_sum3A_788 : vector<128xf32> to vector<1x128xf32>
    %eq3A_790 = arith.constant 33 : i32
    %eq3A_791 = vector.broadcast %eq3A_790 : i32 to vector<64x128xi32>
    %eq3A_792 = arith.cmpi eq, %iota3A, %eq3A_791 : vector<64x128xi32>
    %broadcast_in_dim3A_793 = vector.shape_cast %broadcast_in_dim3A_789 : vector<1x128xf32> to vector<1x128xf32>
    %broadcast_in_dim3A_794 = vector.broadcast %broadcast_in_dim3A_793 : vector<1x128xf32> to vector<64x128xf32>
    %select_n3A_795 = arith.select %eq3A_792, %broadcast_in_dim3A_794, %select_n3A_772 : vector<64x128xi1>, vector<64x128xf32>
    %get3A_796 = arith.constant 0 : index
    %get3A_797 = arith.constant 34 : index
    %get3A_798 = vector.load %arg3[%get3A_796, %get3A_797] : memref<2x64xf32, #tpu.memory_space<vmem>>, vector<1x1xf32>
    %get3A_799 = vector.extract %get3A_798[0, 0] : f32 from vector<1x1xf32>
    %mul3A_800 = vector.broadcast %get3A_799 : f32 to vector<64x128xf32>
    %mul3A_801 = arith.mulf %get3A_32, %mul3A_800 : vector<64x128xf32>
    %get3A_802 = arith.constant 1 : index
    %get3A_803 = arith.constant 34 : index
    %get3A_804 = vector.load %arg3[%get3A_802, %get3A_803] : memref<2x64xf32, #tpu.memory_space<vmem>>, vector<1x1xf32>
    %get3A_805 = vector.extract %get3A_804[0, 0] : f32 from vector<1x1xf32>
    %add3A_806 = vector.broadcast %get3A_805 : f32 to vector<64x128xf32>
    %add3A_807 = arith.addf %mul3A_801, %add3A_806 : vector<64x128xf32>
    %sin3A_808 = math.sin %add3A_807 : vector<64x128xf32>
    %mul3A_809 = arith.mulf %convert_element_type3A_39, %sin3A_808 : vector<64x128xf32>
    %reduce_sum3A_810 = arith.constant dense<0.000000e+00> : vector<128xf32>
    %reduce_sum3A_811 = vector.multi_reduction <add>, %mul3A_809, %reduce_sum3A_810 [0] : vector<64x128xf32> to vector<128xf32>
    %broadcast_in_dim3A_812 = vector.shape_cast %reduce_sum3A_811 : vector<128xf32> to vector<1x128xf32>
    %eq3A_813 = arith.constant 34 : i32
    %eq3A_814 = vector.broadcast %eq3A_813 : i32 to vector<64x128xi32>
    %eq3A_815 = arith.cmpi eq, %iota3A, %eq3A_814 : vector<64x128xi32>
    %broadcast_in_dim3A_816 = vector.shape_cast %broadcast_in_dim3A_812 : vector<1x128xf32> to vector<1x128xf32>
    %broadcast_in_dim3A_817 = vector.broadcast %broadcast_in_dim3A_816 : vector<1x128xf32> to vector<64x128xf32>
    %select_n3A_818 = arith.select %eq3A_815, %broadcast_in_dim3A_817, %select_n3A_795 : vector<64x128xi1>, vector<64x128xf32>
    %get3A_819 = arith.constant 0 : index
    %get3A_820 = arith.constant 35 : index
    %get3A_821 = vector.load %arg3[%get3A_819, %get3A_820] : memref<2x64xf32, #tpu.memory_space<vmem>>, vector<1x1xf32>
    %get3A_822 = vector.extract %get3A_821[0, 0] : f32 from vector<1x1xf32>
    %mul3A_823 = vector.broadcast %get3A_822 : f32 to vector<64x128xf32>
    %mul3A_824 = arith.mulf %get3A_32, %mul3A_823 : vector<64x128xf32>
    %get3A_825 = arith.constant 1 : index
    %get3A_826 = arith.constant 35 : index
    %get3A_827 = vector.load %arg3[%get3A_825, %get3A_826] : memref<2x64xf32, #tpu.memory_space<vmem>>, vector<1x1xf32>
    %get3A_828 = vector.extract %get3A_827[0, 0] : f32 from vector<1x1xf32>
    %add3A_829 = vector.broadcast %get3A_828 : f32 to vector<64x128xf32>
    %add3A_830 = arith.addf %mul3A_824, %add3A_829 : vector<64x128xf32>
    %sin3A_831 = math.sin %add3A_830 : vector<64x128xf32>
    %mul3A_832 = arith.mulf %convert_element_type3A_39, %sin3A_831 : vector<64x128xf32>
    %reduce_sum3A_833 = arith.constant dense<0.000000e+00> : vector<128xf32>
    %reduce_sum3A_834 = vector.multi_reduction <add>, %mul3A_832, %reduce_sum3A_833 [0] : vector<64x128xf32> to vector<128xf32>
    %broadcast_in_dim3A_835 = vector.shape_cast %reduce_sum3A_834 : vector<128xf32> to vector<1x128xf32>
    %eq3A_836 = arith.constant 35 : i32
    %eq3A_837 = vector.broadcast %eq3A_836 : i32 to vector<64x128xi32>
    %eq3A_838 = arith.cmpi eq, %iota3A, %eq3A_837 : vector<64x128xi32>
    %broadcast_in_dim3A_839 = vector.shape_cast %broadcast_in_dim3A_835 : vector<1x128xf32> to vector<1x128xf32>
    %broadcast_in_dim3A_840 = vector.broadcast %broadcast_in_dim3A_839 : vector<1x128xf32> to vector<64x128xf32>
    %select_n3A_841 = arith.select %eq3A_838, %broadcast_in_dim3A_840, %select_n3A_818 : vector<64x128xi1>, vector<64x128xf32>
    %get3A_842 = arith.constant 0 : index
    %get3A_843 = arith.constant 36 : index
    %get3A_844 = vector.load %arg3[%get3A_842, %get3A_843] : memref<2x64xf32, #tpu.memory_space<vmem>>, vector<1x1xf32>
    %get3A_845 = vector.extract %get3A_844[0, 0] : f32 from vector<1x1xf32>
    %mul3A_846 = vector.broadcast %get3A_845 : f32 to vector<64x128xf32>
    %mul3A_847 = arith.mulf %get3A_32, %mul3A_846 : vector<64x128xf32>
    %get3A_848 = arith.constant 1 : index
    %get3A_849 = arith.constant 36 : index
    %get3A_850 = vector.load %arg3[%get3A_848, %get3A_849] : memref<2x64xf32, #tpu.memory_space<vmem>>, vector<1x1xf32>
    %get3A_851 = vector.extract %get3A_850[0, 0] : f32 from vector<1x1xf32>
    %add3A_852 = vector.broadcast %get3A_851 : f32 to vector<64x128xf32>
    %add3A_853 = arith.addf %mul3A_847, %add3A_852 : vector<64x128xf32>
    %sin3A_854 = math.sin %add3A_853 : vector<64x128xf32>
    %mul3A_855 = arith.mulf %convert_element_type3A_39, %sin3A_854 : vector<64x128xf32>
    %reduce_sum3A_856 = arith.constant dense<0.000000e+00> : vector<128xf32>
    %reduce_sum3A_857 = vector.multi_reduction <add>, %mul3A_855, %reduce_sum3A_856 [0] : vector<64x128xf32> to vector<128xf32>
    %broadcast_in_dim3A_858 = vector.shape_cast %reduce_sum3A_857 : vector<128xf32> to vector<1x128xf32>
    %eq3A_859 = arith.constant 36 : i32
    %eq3A_860 = vector.broadcast %eq3A_859 : i32 to vector<64x128xi32>
    %eq3A_861 = arith.cmpi eq, %iota3A, %eq3A_860 : vector<64x128xi32>
    %broadcast_in_dim3A_862 = vector.shape_cast %broadcast_in_dim3A_858 : vector<1x128xf32> to vector<1x128xf32>
    %broadcast_in_dim3A_863 = vector.broadcast %broadcast_in_dim3A_862 : vector<1x128xf32> to vector<64x128xf32>
    %select_n3A_864 = arith.select %eq3A_861, %broadcast_in_dim3A_863, %select_n3A_841 : vector<64x128xi1>, vector<64x128xf32>
    %get3A_865 = arith.constant 0 : index
    %get3A_866 = arith.constant 37 : index
    %get3A_867 = vector.load %arg3[%get3A_865, %get3A_866] : memref<2x64xf32, #tpu.memory_space<vmem>>, vector<1x1xf32>
    %get3A_868 = vector.extract %get3A_867[0, 0] : f32 from vector<1x1xf32>
    %mul3A_869 = vector.broadcast %get3A_868 : f32 to vector<64x128xf32>
    %mul3A_870 = arith.mulf %get3A_32, %mul3A_869 : vector<64x128xf32>
    %get3A_871 = arith.constant 1 : index
    %get3A_872 = arith.constant 37 : index
    %get3A_873 = vector.load %arg3[%get3A_871, %get3A_872] : memref<2x64xf32, #tpu.memory_space<vmem>>, vector<1x1xf32>
    %get3A_874 = vector.extract %get3A_873[0, 0] : f32 from vector<1x1xf32>
    %add3A_875 = vector.broadcast %get3A_874 : f32 to vector<64x128xf32>
    %add3A_876 = arith.addf %mul3A_870, %add3A_875 : vector<64x128xf32>
    %sin3A_877 = math.sin %add3A_876 : vector<64x128xf32>
    %mul3A_878 = arith.mulf %convert_element_type3A_39, %sin3A_877 : vector<64x128xf32>
    %reduce_sum3A_879 = arith.constant dense<0.000000e+00> : vector<128xf32>
    %reduce_sum3A_880 = vector.multi_reduction <add>, %mul3A_878, %reduce_sum3A_879 [0] : vector<64x128xf32> to vector<128xf32>
    %broadcast_in_dim3A_881 = vector.shape_cast %reduce_sum3A_880 : vector<128xf32> to vector<1x128xf32>
    %eq3A_882 = arith.constant 37 : i32
    %eq3A_883 = vector.broadcast %eq3A_882 : i32 to vector<64x128xi32>
    %eq3A_884 = arith.cmpi eq, %iota3A, %eq3A_883 : vector<64x128xi32>
    %broadcast_in_dim3A_885 = vector.shape_cast %broadcast_in_dim3A_881 : vector<1x128xf32> to vector<1x128xf32>
    %broadcast_in_dim3A_886 = vector.broadcast %broadcast_in_dim3A_885 : vector<1x128xf32> to vector<64x128xf32>
    %select_n3A_887 = arith.select %eq3A_884, %broadcast_in_dim3A_886, %select_n3A_864 : vector<64x128xi1>, vector<64x128xf32>
    %get3A_888 = arith.constant 0 : index
    %get3A_889 = arith.constant 38 : index
    %get3A_890 = vector.load %arg3[%get3A_888, %get3A_889] : memref<2x64xf32, #tpu.memory_space<vmem>>, vector<1x1xf32>
    %get3A_891 = vector.extract %get3A_890[0, 0] : f32 from vector<1x1xf32>
    %mul3A_892 = vector.broadcast %get3A_891 : f32 to vector<64x128xf32>
    %mul3A_893 = arith.mulf %get3A_32, %mul3A_892 : vector<64x128xf32>
    %get3A_894 = arith.constant 1 : index
    %get3A_895 = arith.constant 38 : index
    %get3A_896 = vector.load %arg3[%get3A_894, %get3A_895] : memref<2x64xf32, #tpu.memory_space<vmem>>, vector<1x1xf32>
    %get3A_897 = vector.extract %get3A_896[0, 0] : f32 from vector<1x1xf32>
    %add3A_898 = vector.broadcast %get3A_897 : f32 to vector<64x128xf32>
    %add3A_899 = arith.addf %mul3A_893, %add3A_898 : vector<64x128xf32>
    %sin3A_900 = math.sin %add3A_899 : vector<64x128xf32>
    %mul3A_901 = arith.mulf %convert_element_type3A_39, %sin3A_900 : vector<64x128xf32>
    %reduce_sum3A_902 = arith.constant dense<0.000000e+00> : vector<128xf32>
    %reduce_sum3A_903 = vector.multi_reduction <add>, %mul3A_901, %reduce_sum3A_902 [0] : vector<64x128xf32> to vector<128xf32>
    %broadcast_in_dim3A_904 = vector.shape_cast %reduce_sum3A_903 : vector<128xf32> to vector<1x128xf32>
    %eq3A_905 = arith.constant 38 : i32
    %eq3A_906 = vector.broadcast %eq3A_905 : i32 to vector<64x128xi32>
    %eq3A_907 = arith.cmpi eq, %iota3A, %eq3A_906 : vector<64x128xi32>
    %broadcast_in_dim3A_908 = vector.shape_cast %broadcast_in_dim3A_904 : vector<1x128xf32> to vector<1x128xf32>
    %broadcast_in_dim3A_909 = vector.broadcast %broadcast_in_dim3A_908 : vector<1x128xf32> to vector<64x128xf32>
    %select_n3A_910 = arith.select %eq3A_907, %broadcast_in_dim3A_909, %select_n3A_887 : vector<64x128xi1>, vector<64x128xf32>
    %get3A_911 = arith.constant 0 : index
    %get3A_912 = arith.constant 39 : index
    %get3A_913 = vector.load %arg3[%get3A_911, %get3A_912] : memref<2x64xf32, #tpu.memory_space<vmem>>, vector<1x1xf32>
    %get3A_914 = vector.extract %get3A_913[0, 0] : f32 from vector<1x1xf32>
    %mul3A_915 = vector.broadcast %get3A_914 : f32 to vector<64x128xf32>
    %mul3A_916 = arith.mulf %get3A_32, %mul3A_915 : vector<64x128xf32>
    %get3A_917 = arith.constant 1 : index
    %get3A_918 = arith.constant 39 : index
    %get3A_919 = vector.load %arg3[%get3A_917, %get3A_918] : memref<2x64xf32, #tpu.memory_space<vmem>>, vector<1x1xf32>
    %get3A_920 = vector.extract %get3A_919[0, 0] : f32 from vector<1x1xf32>
    %add3A_921 = vector.broadcast %get3A_920 : f32 to vector<64x128xf32>
    %add3A_922 = arith.addf %mul3A_916, %add3A_921 : vector<64x128xf32>
    %sin3A_923 = math.sin %add3A_922 : vector<64x128xf32>
    %mul3A_924 = arith.mulf %convert_element_type3A_39, %sin3A_923 : vector<64x128xf32>
    %reduce_sum3A_925 = arith.constant dense<0.000000e+00> : vector<128xf32>
    %reduce_sum3A_926 = vector.multi_reduction <add>, %mul3A_924, %reduce_sum3A_925 [0] : vector<64x128xf32> to vector<128xf32>
    %broadcast_in_dim3A_927 = vector.shape_cast %reduce_sum3A_926 : vector<128xf32> to vector<1x128xf32>
    %eq3A_928 = arith.constant 39 : i32
    %eq3A_929 = vector.broadcast %eq3A_928 : i32 to vector<64x128xi32>
    %eq3A_930 = arith.cmpi eq, %iota3A, %eq3A_929 : vector<64x128xi32>
    %broadcast_in_dim3A_931 = vector.shape_cast %broadcast_in_dim3A_927 : vector<1x128xf32> to vector<1x128xf32>
    %broadcast_in_dim3A_932 = vector.broadcast %broadcast_in_dim3A_931 : vector<1x128xf32> to vector<64x128xf32>
    %select_n3A_933 = arith.select %eq3A_930, %broadcast_in_dim3A_932, %select_n3A_910 : vector<64x128xi1>, vector<64x128xf32>
    %get3A_934 = arith.constant 0 : index
    %get3A_935 = arith.constant 40 : index
    %get3A_936 = vector.load %arg3[%get3A_934, %get3A_935] : memref<2x64xf32, #tpu.memory_space<vmem>>, vector<1x1xf32>
    %get3A_937 = vector.extract %get3A_936[0, 0] : f32 from vector<1x1xf32>
    %mul3A_938 = vector.broadcast %get3A_937 : f32 to vector<64x128xf32>
    %mul3A_939 = arith.mulf %get3A_32, %mul3A_938 : vector<64x128xf32>
    %get3A_940 = arith.constant 1 : index
    %get3A_941 = arith.constant 40 : index
    %get3A_942 = vector.load %arg3[%get3A_940, %get3A_941] : memref<2x64xf32, #tpu.memory_space<vmem>>, vector<1x1xf32>
    %get3A_943 = vector.extract %get3A_942[0, 0] : f32 from vector<1x1xf32>
    %add3A_944 = vector.broadcast %get3A_943 : f32 to vector<64x128xf32>
    %add3A_945 = arith.addf %mul3A_939, %add3A_944 : vector<64x128xf32>
    %sin3A_946 = math.sin %add3A_945 : vector<64x128xf32>
    %mul3A_947 = arith.mulf %convert_element_type3A_39, %sin3A_946 : vector<64x128xf32>
    %reduce_sum3A_948 = arith.constant dense<0.000000e+00> : vector<128xf32>
    %reduce_sum3A_949 = vector.multi_reduction <add>, %mul3A_947, %reduce_sum3A_948 [0] : vector<64x128xf32> to vector<128xf32>
    %broadcast_in_dim3A_950 = vector.shape_cast %reduce_sum3A_949 : vector<128xf32> to vector<1x128xf32>
    %eq3A_951 = arith.constant 40 : i32
    %eq3A_952 = vector.broadcast %eq3A_951 : i32 to vector<64x128xi32>
    %eq3A_953 = arith.cmpi eq, %iota3A, %eq3A_952 : vector<64x128xi32>
    %broadcast_in_dim3A_954 = vector.shape_cast %broadcast_in_dim3A_950 : vector<1x128xf32> to vector<1x128xf32>
    %broadcast_in_dim3A_955 = vector.broadcast %broadcast_in_dim3A_954 : vector<1x128xf32> to vector<64x128xf32>
    %select_n3A_956 = arith.select %eq3A_953, %broadcast_in_dim3A_955, %select_n3A_933 : vector<64x128xi1>, vector<64x128xf32>
    %get3A_957 = arith.constant 0 : index
    %get3A_958 = arith.constant 41 : index
    %get3A_959 = vector.load %arg3[%get3A_957, %get3A_958] : memref<2x64xf32, #tpu.memory_space<vmem>>, vector<1x1xf32>
    %get3A_960 = vector.extract %get3A_959[0, 0] : f32 from vector<1x1xf32>
    %mul3A_961 = vector.broadcast %get3A_960 : f32 to vector<64x128xf32>
    %mul3A_962 = arith.mulf %get3A_32, %mul3A_961 : vector<64x128xf32>
    %get3A_963 = arith.constant 1 : index
    %get3A_964 = arith.constant 41 : index
    %get3A_965 = vector.load %arg3[%get3A_963, %get3A_964] : memref<2x64xf32, #tpu.memory_space<vmem>>, vector<1x1xf32>
    %get3A_966 = vector.extract %get3A_965[0, 0] : f32 from vector<1x1xf32>
    %add3A_967 = vector.broadcast %get3A_966 : f32 to vector<64x128xf32>
    %add3A_968 = arith.addf %mul3A_962, %add3A_967 : vector<64x128xf32>
    %sin3A_969 = math.sin %add3A_968 : vector<64x128xf32>
    %mul3A_970 = arith.mulf %convert_element_type3A_39, %sin3A_969 : vector<64x128xf32>
    %reduce_sum3A_971 = arith.constant dense<0.000000e+00> : vector<128xf32>
    %reduce_sum3A_972 = vector.multi_reduction <add>, %mul3A_970, %reduce_sum3A_971 [0] : vector<64x128xf32> to vector<128xf32>
    %broadcast_in_dim3A_973 = vector.shape_cast %reduce_sum3A_972 : vector<128xf32> to vector<1x128xf32>
    %eq3A_974 = arith.constant 41 : i32
    %eq3A_975 = vector.broadcast %eq3A_974 : i32 to vector<64x128xi32>
    %eq3A_976 = arith.cmpi eq, %iota3A, %eq3A_975 : vector<64x128xi32>
    %broadcast_in_dim3A_977 = vector.shape_cast %broadcast_in_dim3A_973 : vector<1x128xf32> to vector<1x128xf32>
    %broadcast_in_dim3A_978 = vector.broadcast %broadcast_in_dim3A_977 : vector<1x128xf32> to vector<64x128xf32>
    %select_n3A_979 = arith.select %eq3A_976, %broadcast_in_dim3A_978, %select_n3A_956 : vector<64x128xi1>, vector<64x128xf32>
    %get3A_980 = arith.constant 0 : index
    %get3A_981 = arith.constant 42 : index
    %get3A_982 = vector.load %arg3[%get3A_980, %get3A_981] : memref<2x64xf32, #tpu.memory_space<vmem>>, vector<1x1xf32>
    %get3A_983 = vector.extract %get3A_982[0, 0] : f32 from vector<1x1xf32>
    %mul3A_984 = vector.broadcast %get3A_983 : f32 to vector<64x128xf32>
    %mul3A_985 = arith.mulf %get3A_32, %mul3A_984 : vector<64x128xf32>
    %get3A_986 = arith.constant 1 : index
    %get3A_987 = arith.constant 42 : index
    %get3A_988 = vector.load %arg3[%get3A_986, %get3A_987] : memref<2x64xf32, #tpu.memory_space<vmem>>, vector<1x1xf32>
    %get3A_989 = vector.extract %get3A_988[0, 0] : f32 from vector<1x1xf32>
    %add3A_990 = vector.broadcast %get3A_989 : f32 to vector<64x128xf32>
    %add3A_991 = arith.addf %mul3A_985, %add3A_990 : vector<64x128xf32>
    %sin3A_992 = math.sin %add3A_991 : vector<64x128xf32>
    %mul3A_993 = arith.mulf %convert_element_type3A_39, %sin3A_992 : vector<64x128xf32>
    %reduce_sum3A_994 = arith.constant dense<0.000000e+00> : vector<128xf32>
    %reduce_sum3A_995 = vector.multi_reduction <add>, %mul3A_993, %reduce_sum3A_994 [0] : vector<64x128xf32> to vector<128xf32>
    %broadcast_in_dim3A_996 = vector.shape_cast %reduce_sum3A_995 : vector<128xf32> to vector<1x128xf32>
    %eq3A_997 = arith.constant 42 : i32
    %eq3A_998 = vector.broadcast %eq3A_997 : i32 to vector<64x128xi32>
    %eq3A_999 = arith.cmpi eq, %iota3A, %eq3A_998 : vector<64x128xi32>
    %broadcast_in_dim3A_1000 = vector.shape_cast %broadcast_in_dim3A_996 : vector<1x128xf32> to vector<1x128xf32>
    %broadcast_in_dim3A_1001 = vector.broadcast %broadcast_in_dim3A_1000 : vector<1x128xf32> to vector<64x128xf32>
    %select_n3A_1002 = arith.select %eq3A_999, %broadcast_in_dim3A_1001, %select_n3A_979 : vector<64x128xi1>, vector<64x128xf32>
    %get3A_1003 = arith.constant 0 : index
    %get3A_1004 = arith.constant 43 : index
    %get3A_1005 = vector.load %arg3[%get3A_1003, %get3A_1004] : memref<2x64xf32, #tpu.memory_space<vmem>>, vector<1x1xf32>
    %get3A_1006 = vector.extract %get3A_1005[0, 0] : f32 from vector<1x1xf32>
    %mul3A_1007 = vector.broadcast %get3A_1006 : f32 to vector<64x128xf32>
    %mul3A_1008 = arith.mulf %get3A_32, %mul3A_1007 : vector<64x128xf32>
    %get3A_1009 = arith.constant 1 : index
    %get3A_1010 = arith.constant 43 : index
    %get3A_1011 = vector.load %arg3[%get3A_1009, %get3A_1010] : memref<2x64xf32, #tpu.memory_space<vmem>>, vector<1x1xf32>
    %get3A_1012 = vector.extract %get3A_1011[0, 0] : f32 from vector<1x1xf32>
    %add3A_1013 = vector.broadcast %get3A_1012 : f32 to vector<64x128xf32>
    %add3A_1014 = arith.addf %mul3A_1008, %add3A_1013 : vector<64x128xf32>
    %sin3A_1015 = math.sin %add3A_1014 : vector<64x128xf32>
    %mul3A_1016 = arith.mulf %convert_element_type3A_39, %sin3A_1015 : vector<64x128xf32>
    %reduce_sum3A_1017 = arith.constant dense<0.000000e+00> : vector<128xf32>
    %reduce_sum3A_1018 = vector.multi_reduction <add>, %mul3A_1016, %reduce_sum3A_1017 [0] : vector<64x128xf32> to vector<128xf32>
    %broadcast_in_dim3A_1019 = vector.shape_cast %reduce_sum3A_1018 : vector<128xf32> to vector<1x128xf32>
    %eq3A_1020 = arith.constant 43 : i32
    %eq3A_1021 = vector.broadcast %eq3A_1020 : i32 to vector<64x128xi32>
    %eq3A_1022 = arith.cmpi eq, %iota3A, %eq3A_1021 : vector<64x128xi32>
    %broadcast_in_dim3A_1023 = vector.shape_cast %broadcast_in_dim3A_1019 : vector<1x128xf32> to vector<1x128xf32>
    %broadcast_in_dim3A_1024 = vector.broadcast %broadcast_in_dim3A_1023 : vector<1x128xf32> to vector<64x128xf32>
    %select_n3A_1025 = arith.select %eq3A_1022, %broadcast_in_dim3A_1024, %select_n3A_1002 : vector<64x128xi1>, vector<64x128xf32>
    %get3A_1026 = arith.constant 0 : index
    %get3A_1027 = arith.constant 44 : index
    %get3A_1028 = vector.load %arg3[%get3A_1026, %get3A_1027] : memref<2x64xf32, #tpu.memory_space<vmem>>, vector<1x1xf32>
    %get3A_1029 = vector.extract %get3A_1028[0, 0] : f32 from vector<1x1xf32>
    %mul3A_1030 = vector.broadcast %get3A_1029 : f32 to vector<64x128xf32>
    %mul3A_1031 = arith.mulf %get3A_32, %mul3A_1030 : vector<64x128xf32>
    %get3A_1032 = arith.constant 1 : index
    %get3A_1033 = arith.constant 44 : index
    %get3A_1034 = vector.load %arg3[%get3A_1032, %get3A_1033] : memref<2x64xf32, #tpu.memory_space<vmem>>, vector<1x1xf32>
    %get3A_1035 = vector.extract %get3A_1034[0, 0] : f32 from vector<1x1xf32>
    %add3A_1036 = vector.broadcast %get3A_1035 : f32 to vector<64x128xf32>
    %add3A_1037 = arith.addf %mul3A_1031, %add3A_1036 : vector<64x128xf32>
    %sin3A_1038 = math.sin %add3A_1037 : vector<64x128xf32>
    %mul3A_1039 = arith.mulf %convert_element_type3A_39, %sin3A_1038 : vector<64x128xf32>
    %reduce_sum3A_1040 = arith.constant dense<0.000000e+00> : vector<128xf32>
    %reduce_sum3A_1041 = vector.multi_reduction <add>, %mul3A_1039, %reduce_sum3A_1040 [0] : vector<64x128xf32> to vector<128xf32>
    %broadcast_in_dim3A_1042 = vector.shape_cast %reduce_sum3A_1041 : vector<128xf32> to vector<1x128xf32>
    %eq3A_1043 = arith.constant 44 : i32
    %eq3A_1044 = vector.broadcast %eq3A_1043 : i32 to vector<64x128xi32>
    %eq3A_1045 = arith.cmpi eq, %iota3A, %eq3A_1044 : vector<64x128xi32>
    %broadcast_in_dim3A_1046 = vector.shape_cast %broadcast_in_dim3A_1042 : vector<1x128xf32> to vector<1x128xf32>
    %broadcast_in_dim3A_1047 = vector.broadcast %broadcast_in_dim3A_1046 : vector<1x128xf32> to vector<64x128xf32>
    %select_n3A_1048 = arith.select %eq3A_1045, %broadcast_in_dim3A_1047, %select_n3A_1025 : vector<64x128xi1>, vector<64x128xf32>
    %get3A_1049 = arith.constant 0 : index
    %get3A_1050 = arith.constant 45 : index
    %get3A_1051 = vector.load %arg3[%get3A_1049, %get3A_1050] : memref<2x64xf32, #tpu.memory_space<vmem>>, vector<1x1xf32>
    %get3A_1052 = vector.extract %get3A_1051[0, 0] : f32 from vector<1x1xf32>
    %mul3A_1053 = vector.broadcast %get3A_1052 : f32 to vector<64x128xf32>
    %mul3A_1054 = arith.mulf %get3A_32, %mul3A_1053 : vector<64x128xf32>
    %get3A_1055 = arith.constant 1 : index
    %get3A_1056 = arith.constant 45 : index
    %get3A_1057 = vector.load %arg3[%get3A_1055, %get3A_1056] : memref<2x64xf32, #tpu.memory_space<vmem>>, vector<1x1xf32>
    %get3A_1058 = vector.extract %get3A_1057[0, 0] : f32 from vector<1x1xf32>
    %add3A_1059 = vector.broadcast %get3A_1058 : f32 to vector<64x128xf32>
    %add3A_1060 = arith.addf %mul3A_1054, %add3A_1059 : vector<64x128xf32>
    %sin3A_1061 = math.sin %add3A_1060 : vector<64x128xf32>
    %mul3A_1062 = arith.mulf %convert_element_type3A_39, %sin3A_1061 : vector<64x128xf32>
    %reduce_sum3A_1063 = arith.constant dense<0.000000e+00> : vector<128xf32>
    %reduce_sum3A_1064 = vector.multi_reduction <add>, %mul3A_1062, %reduce_sum3A_1063 [0] : vector<64x128xf32> to vector<128xf32>
    %broadcast_in_dim3A_1065 = vector.shape_cast %reduce_sum3A_1064 : vector<128xf32> to vector<1x128xf32>
    %eq3A_1066 = arith.constant 45 : i32
    %eq3A_1067 = vector.broadcast %eq3A_1066 : i32 to vector<64x128xi32>
    %eq3A_1068 = arith.cmpi eq, %iota3A, %eq3A_1067 : vector<64x128xi32>
    %broadcast_in_dim3A_1069 = vector.shape_cast %broadcast_in_dim3A_1065 : vector<1x128xf32> to vector<1x128xf32>
    %broadcast_in_dim3A_1070 = vector.broadcast %broadcast_in_dim3A_1069 : vector<1x128xf32> to vector<64x128xf32>
    %select_n3A_1071 = arith.select %eq3A_1068, %broadcast_in_dim3A_1070, %select_n3A_1048 : vector<64x128xi1>, vector<64x128xf32>
    %get3A_1072 = arith.constant 0 : index
    %get3A_1073 = arith.constant 46 : index
    %get3A_1074 = vector.load %arg3[%get3A_1072, %get3A_1073] : memref<2x64xf32, #tpu.memory_space<vmem>>, vector<1x1xf32>
    %get3A_1075 = vector.extract %get3A_1074[0, 0] : f32 from vector<1x1xf32>
    %mul3A_1076 = vector.broadcast %get3A_1075 : f32 to vector<64x128xf32>
    %mul3A_1077 = arith.mulf %get3A_32, %mul3A_1076 : vector<64x128xf32>
    %get3A_1078 = arith.constant 1 : index
    %get3A_1079 = arith.constant 46 : index
    %get3A_1080 = vector.load %arg3[%get3A_1078, %get3A_1079] : memref<2x64xf32, #tpu.memory_space<vmem>>, vector<1x1xf32>
    %get3A_1081 = vector.extract %get3A_1080[0, 0] : f32 from vector<1x1xf32>
    %add3A_1082 = vector.broadcast %get3A_1081 : f32 to vector<64x128xf32>
    %add3A_1083 = arith.addf %mul3A_1077, %add3A_1082 : vector<64x128xf32>
    %sin3A_1084 = math.sin %add3A_1083 : vector<64x128xf32>
    %mul3A_1085 = arith.mulf %convert_element_type3A_39, %sin3A_1084 : vector<64x128xf32>
    %reduce_sum3A_1086 = arith.constant dense<0.000000e+00> : vector<128xf32>
    %reduce_sum3A_1087 = vector.multi_reduction <add>, %mul3A_1085, %reduce_sum3A_1086 [0] : vector<64x128xf32> to vector<128xf32>
    %broadcast_in_dim3A_1088 = vector.shape_cast %reduce_sum3A_1087 : vector<128xf32> to vector<1x128xf32>
    %eq3A_1089 = arith.constant 46 : i32
    %eq3A_1090 = vector.broadcast %eq3A_1089 : i32 to vector<64x128xi32>
    %eq3A_1091 = arith.cmpi eq, %iota3A, %eq3A_1090 : vector<64x128xi32>
    %broadcast_in_dim3A_1092 = vector.shape_cast %broadcast_in_dim3A_1088 : vector<1x128xf32> to vector<1x128xf32>
    %broadcast_in_dim3A_1093 = vector.broadcast %broadcast_in_dim3A_1092 : vector<1x128xf32> to vector<64x128xf32>
    %select_n3A_1094 = arith.select %eq3A_1091, %broadcast_in_dim3A_1093, %select_n3A_1071 : vector<64x128xi1>, vector<64x128xf32>
    %get3A_1095 = arith.constant 0 : index
    %get3A_1096 = arith.constant 47 : index
    %get3A_1097 = vector.load %arg3[%get3A_1095, %get3A_1096] : memref<2x64xf32, #tpu.memory_space<vmem>>, vector<1x1xf32>
    %get3A_1098 = vector.extract %get3A_1097[0, 0] : f32 from vector<1x1xf32>
    %mul3A_1099 = vector.broadcast %get3A_1098 : f32 to vector<64x128xf32>
    %mul3A_1100 = arith.mulf %get3A_32, %mul3A_1099 : vector<64x128xf32>
    %get3A_1101 = arith.constant 1 : index
    %get3A_1102 = arith.constant 47 : index
    %get3A_1103 = vector.load %arg3[%get3A_1101, %get3A_1102] : memref<2x64xf32, #tpu.memory_space<vmem>>, vector<1x1xf32>
    %get3A_1104 = vector.extract %get3A_1103[0, 0] : f32 from vector<1x1xf32>
    %add3A_1105 = vector.broadcast %get3A_1104 : f32 to vector<64x128xf32>
    %add3A_1106 = arith.addf %mul3A_1100, %add3A_1105 : vector<64x128xf32>
    %sin3A_1107 = math.sin %add3A_1106 : vector<64x128xf32>
    %mul3A_1108 = arith.mulf %convert_element_type3A_39, %sin3A_1107 : vector<64x128xf32>
    %reduce_sum3A_1109 = arith.constant dense<0.000000e+00> : vector<128xf32>
    %reduce_sum3A_1110 = vector.multi_reduction <add>, %mul3A_1108, %reduce_sum3A_1109 [0] : vector<64x128xf32> to vector<128xf32>
    %broadcast_in_dim3A_1111 = vector.shape_cast %reduce_sum3A_1110 : vector<128xf32> to vector<1x128xf32>
    %eq3A_1112 = arith.constant 47 : i32
    %eq3A_1113 = vector.broadcast %eq3A_1112 : i32 to vector<64x128xi32>
    %eq3A_1114 = arith.cmpi eq, %iota3A, %eq3A_1113 : vector<64x128xi32>
    %broadcast_in_dim3A_1115 = vector.shape_cast %broadcast_in_dim3A_1111 : vector<1x128xf32> to vector<1x128xf32>
    %broadcast_in_dim3A_1116 = vector.broadcast %broadcast_in_dim3A_1115 : vector<1x128xf32> to vector<64x128xf32>
    %select_n3A_1117 = arith.select %eq3A_1114, %broadcast_in_dim3A_1116, %select_n3A_1094 : vector<64x128xi1>, vector<64x128xf32>
    %get3A_1118 = arith.constant 0 : index
    %get3A_1119 = arith.constant 48 : index
    %get3A_1120 = vector.load %arg3[%get3A_1118, %get3A_1119] : memref<2x64xf32, #tpu.memory_space<vmem>>, vector<1x1xf32>
    %get3A_1121 = vector.extract %get3A_1120[0, 0] : f32 from vector<1x1xf32>
    %mul3A_1122 = vector.broadcast %get3A_1121 : f32 to vector<64x128xf32>
    %mul3A_1123 = arith.mulf %get3A_32, %mul3A_1122 : vector<64x128xf32>
    %get3A_1124 = arith.constant 1 : index
    %get3A_1125 = arith.constant 48 : index
    %get3A_1126 = vector.load %arg3[%get3A_1124, %get3A_1125] : memref<2x64xf32, #tpu.memory_space<vmem>>, vector<1x1xf32>
    %get3A_1127 = vector.extract %get3A_1126[0, 0] : f32 from vector<1x1xf32>
    %add3A_1128 = vector.broadcast %get3A_1127 : f32 to vector<64x128xf32>
    %add3A_1129 = arith.addf %mul3A_1123, %add3A_1128 : vector<64x128xf32>
    %sin3A_1130 = math.sin %add3A_1129 : vector<64x128xf32>
    %mul3A_1131 = arith.mulf %convert_element_type3A_39, %sin3A_1130 : vector<64x128xf32>
    %reduce_sum3A_1132 = arith.constant dense<0.000000e+00> : vector<128xf32>
    %reduce_sum3A_1133 = vector.multi_reduction <add>, %mul3A_1131, %reduce_sum3A_1132 [0] : vector<64x128xf32> to vector<128xf32>
    %broadcast_in_dim3A_1134 = vector.shape_cast %reduce_sum3A_1133 : vector<128xf32> to vector<1x128xf32>
    %eq3A_1135 = arith.constant 48 : i32
    %eq3A_1136 = vector.broadcast %eq3A_1135 : i32 to vector<64x128xi32>
    %eq3A_1137 = arith.cmpi eq, %iota3A, %eq3A_1136 : vector<64x128xi32>
    %broadcast_in_dim3A_1138 = vector.shape_cast %broadcast_in_dim3A_1134 : vector<1x128xf32> to vector<1x128xf32>
    %broadcast_in_dim3A_1139 = vector.broadcast %broadcast_in_dim3A_1138 : vector<1x128xf32> to vector<64x128xf32>
    %select_n3A_1140 = arith.select %eq3A_1137, %broadcast_in_dim3A_1139, %select_n3A_1117 : vector<64x128xi1>, vector<64x128xf32>
    %get3A_1141 = arith.constant 0 : index
    %get3A_1142 = arith.constant 49 : index
    %get3A_1143 = vector.load %arg3[%get3A_1141, %get3A_1142] : memref<2x64xf32, #tpu.memory_space<vmem>>, vector<1x1xf32>
    %get3A_1144 = vector.extract %get3A_1143[0, 0] : f32 from vector<1x1xf32>
    %mul3A_1145 = vector.broadcast %get3A_1144 : f32 to vector<64x128xf32>
    %mul3A_1146 = arith.mulf %get3A_32, %mul3A_1145 : vector<64x128xf32>
    %get3A_1147 = arith.constant 1 : index
    %get3A_1148 = arith.constant 49 : index
    %get3A_1149 = vector.load %arg3[%get3A_1147, %get3A_1148] : memref<2x64xf32, #tpu.memory_space<vmem>>, vector<1x1xf32>
    %get3A_1150 = vector.extract %get3A_1149[0, 0] : f32 from vector<1x1xf32>
    %add3A_1151 = vector.broadcast %get3A_1150 : f32 to vector<64x128xf32>
    %add3A_1152 = arith.addf %mul3A_1146, %add3A_1151 : vector<64x128xf32>
    %sin3A_1153 = math.sin %add3A_1152 : vector<64x128xf32>
    %mul3A_1154 = arith.mulf %convert_element_type3A_39, %sin3A_1153 : vector<64x128xf32>
    %reduce_sum3A_1155 = arith.constant dense<0.000000e+00> : vector<128xf32>
    %reduce_sum3A_1156 = vector.multi_reduction <add>, %mul3A_1154, %reduce_sum3A_1155 [0] : vector<64x128xf32> to vector<128xf32>
    %broadcast_in_dim3A_1157 = vector.shape_cast %reduce_sum3A_1156 : vector<128xf32> to vector<1x128xf32>
    %eq3A_1158 = arith.constant 49 : i32
    %eq3A_1159 = vector.broadcast %eq3A_1158 : i32 to vector<64x128xi32>
    %eq3A_1160 = arith.cmpi eq, %iota3A, %eq3A_1159 : vector<64x128xi32>
    %broadcast_in_dim3A_1161 = vector.shape_cast %broadcast_in_dim3A_1157 : vector<1x128xf32> to vector<1x128xf32>
    %broadcast_in_dim3A_1162 = vector.broadcast %broadcast_in_dim3A_1161 : vector<1x128xf32> to vector<64x128xf32>
    %select_n3A_1163 = arith.select %eq3A_1160, %broadcast_in_dim3A_1162, %select_n3A_1140 : vector<64x128xi1>, vector<64x128xf32>
    %get3A_1164 = arith.constant 0 : index
    %get3A_1165 = arith.constant 50 : index
    %get3A_1166 = vector.load %arg3[%get3A_1164, %get3A_1165] : memref<2x64xf32, #tpu.memory_space<vmem>>, vector<1x1xf32>
    %get3A_1167 = vector.extract %get3A_1166[0, 0] : f32 from vector<1x1xf32>
    %mul3A_1168 = vector.broadcast %get3A_1167 : f32 to vector<64x128xf32>
    %mul3A_1169 = arith.mulf %get3A_32, %mul3A_1168 : vector<64x128xf32>
    %get3A_1170 = arith.constant 1 : index
    %get3A_1171 = arith.constant 50 : index
    %get3A_1172 = vector.load %arg3[%get3A_1170, %get3A_1171] : memref<2x64xf32, #tpu.memory_space<vmem>>, vector<1x1xf32>
    %get3A_1173 = vector.extract %get3A_1172[0, 0] : f32 from vector<1x1xf32>
    %add3A_1174 = vector.broadcast %get3A_1173 : f32 to vector<64x128xf32>
    %add3A_1175 = arith.addf %mul3A_1169, %add3A_1174 : vector<64x128xf32>
    %sin3A_1176 = math.sin %add3A_1175 : vector<64x128xf32>
    %mul3A_1177 = arith.mulf %convert_element_type3A_39, %sin3A_1176 : vector<64x128xf32>
    %reduce_sum3A_1178 = arith.constant dense<0.000000e+00> : vector<128xf32>
    %reduce_sum3A_1179 = vector.multi_reduction <add>, %mul3A_1177, %reduce_sum3A_1178 [0] : vector<64x128xf32> to vector<128xf32>
    %broadcast_in_dim3A_1180 = vector.shape_cast %reduce_sum3A_1179 : vector<128xf32> to vector<1x128xf32>
    %eq3A_1181 = arith.constant 50 : i32
    %eq3A_1182 = vector.broadcast %eq3A_1181 : i32 to vector<64x128xi32>
    %eq3A_1183 = arith.cmpi eq, %iota3A, %eq3A_1182 : vector<64x128xi32>
    %broadcast_in_dim3A_1184 = vector.shape_cast %broadcast_in_dim3A_1180 : vector<1x128xf32> to vector<1x128xf32>
    %broadcast_in_dim3A_1185 = vector.broadcast %broadcast_in_dim3A_1184 : vector<1x128xf32> to vector<64x128xf32>
    %select_n3A_1186 = arith.select %eq3A_1183, %broadcast_in_dim3A_1185, %select_n3A_1163 : vector<64x128xi1>, vector<64x128xf32>
    %get3A_1187 = arith.constant 0 : index
    %get3A_1188 = arith.constant 51 : index
    %get3A_1189 = vector.load %arg3[%get3A_1187, %get3A_1188] : memref<2x64xf32, #tpu.memory_space<vmem>>, vector<1x1xf32>
    %get3A_1190 = vector.extract %get3A_1189[0, 0] : f32 from vector<1x1xf32>
    %mul3A_1191 = vector.broadcast %get3A_1190 : f32 to vector<64x128xf32>
    %mul3A_1192 = arith.mulf %get3A_32, %mul3A_1191 : vector<64x128xf32>
    %get3A_1193 = arith.constant 1 : index
    %get3A_1194 = arith.constant 51 : index
    %get3A_1195 = vector.load %arg3[%get3A_1193, %get3A_1194] : memref<2x64xf32, #tpu.memory_space<vmem>>, vector<1x1xf32>
    %get3A_1196 = vector.extract %get3A_1195[0, 0] : f32 from vector<1x1xf32>
    %add3A_1197 = vector.broadcast %get3A_1196 : f32 to vector<64x128xf32>
    %add3A_1198 = arith.addf %mul3A_1192, %add3A_1197 : vector<64x128xf32>
    %sin3A_1199 = math.sin %add3A_1198 : vector<64x128xf32>
    %mul3A_1200 = arith.mulf %convert_element_type3A_39, %sin3A_1199 : vector<64x128xf32>
    %reduce_sum3A_1201 = arith.constant dense<0.000000e+00> : vector<128xf32>
    %reduce_sum3A_1202 = vector.multi_reduction <add>, %mul3A_1200, %reduce_sum3A_1201 [0] : vector<64x128xf32> to vector<128xf32>
    %broadcast_in_dim3A_1203 = vector.shape_cast %reduce_sum3A_1202 : vector<128xf32> to vector<1x128xf32>
    %eq3A_1204 = arith.constant 51 : i32
    %eq3A_1205 = vector.broadcast %eq3A_1204 : i32 to vector<64x128xi32>
    %eq3A_1206 = arith.cmpi eq, %iota3A, %eq3A_1205 : vector<64x128xi32>
    %broadcast_in_dim3A_1207 = vector.shape_cast %broadcast_in_dim3A_1203 : vector<1x128xf32> to vector<1x128xf32>
    %broadcast_in_dim3A_1208 = vector.broadcast %broadcast_in_dim3A_1207 : vector<1x128xf32> to vector<64x128xf32>
    %select_n3A_1209 = arith.select %eq3A_1206, %broadcast_in_dim3A_1208, %select_n3A_1186 : vector<64x128xi1>, vector<64x128xf32>
    %get3A_1210 = arith.constant 0 : index
    %get3A_1211 = arith.constant 52 : index
    %get3A_1212 = vector.load %arg3[%get3A_1210, %get3A_1211] : memref<2x64xf32, #tpu.memory_space<vmem>>, vector<1x1xf32>
    %get3A_1213 = vector.extract %get3A_1212[0, 0] : f32 from vector<1x1xf32>
    %mul3A_1214 = vector.broadcast %get3A_1213 : f32 to vector<64x128xf32>
    %mul3A_1215 = arith.mulf %get3A_32, %mul3A_1214 : vector<64x128xf32>
    %get3A_1216 = arith.constant 1 : index
    %get3A_1217 = arith.constant 52 : index
    %get3A_1218 = vector.load %arg3[%get3A_1216, %get3A_1217] : memref<2x64xf32, #tpu.memory_space<vmem>>, vector<1x1xf32>
    %get3A_1219 = vector.extract %get3A_1218[0, 0] : f32 from vector<1x1xf32>
    %add3A_1220 = vector.broadcast %get3A_1219 : f32 to vector<64x128xf32>
    %add3A_1221 = arith.addf %mul3A_1215, %add3A_1220 : vector<64x128xf32>
    %sin3A_1222 = math.sin %add3A_1221 : vector<64x128xf32>
    %mul3A_1223 = arith.mulf %convert_element_type3A_39, %sin3A_1222 : vector<64x128xf32>
    %reduce_sum3A_1224 = arith.constant dense<0.000000e+00> : vector<128xf32>
    %reduce_sum3A_1225 = vector.multi_reduction <add>, %mul3A_1223, %reduce_sum3A_1224 [0] : vector<64x128xf32> to vector<128xf32>
    %broadcast_in_dim3A_1226 = vector.shape_cast %reduce_sum3A_1225 : vector<128xf32> to vector<1x128xf32>
    %eq3A_1227 = arith.constant 52 : i32
    %eq3A_1228 = vector.broadcast %eq3A_1227 : i32 to vector<64x128xi32>
    %eq3A_1229 = arith.cmpi eq, %iota3A, %eq3A_1228 : vector<64x128xi32>
    %broadcast_in_dim3A_1230 = vector.shape_cast %broadcast_in_dim3A_1226 : vector<1x128xf32> to vector<1x128xf32>
    %broadcast_in_dim3A_1231 = vector.broadcast %broadcast_in_dim3A_1230 : vector<1x128xf32> to vector<64x128xf32>
    %select_n3A_1232 = arith.select %eq3A_1229, %broadcast_in_dim3A_1231, %select_n3A_1209 : vector<64x128xi1>, vector<64x128xf32>
    %get3A_1233 = arith.constant 0 : index
    %get3A_1234 = arith.constant 53 : index
    %get3A_1235 = vector.load %arg3[%get3A_1233, %get3A_1234] : memref<2x64xf32, #tpu.memory_space<vmem>>, vector<1x1xf32>
    %get3A_1236 = vector.extract %get3A_1235[0, 0] : f32 from vector<1x1xf32>
    %mul3A_1237 = vector.broadcast %get3A_1236 : f32 to vector<64x128xf32>
    %mul3A_1238 = arith.mulf %get3A_32, %mul3A_1237 : vector<64x128xf32>
    %get3A_1239 = arith.constant 1 : index
    %get3A_1240 = arith.constant 53 : index
    %get3A_1241 = vector.load %arg3[%get3A_1239, %get3A_1240] : memref<2x64xf32, #tpu.memory_space<vmem>>, vector<1x1xf32>
    %get3A_1242 = vector.extract %get3A_1241[0, 0] : f32 from vector<1x1xf32>
    %add3A_1243 = vector.broadcast %get3A_1242 : f32 to vector<64x128xf32>
    %add3A_1244 = arith.addf %mul3A_1238, %add3A_1243 : vector<64x128xf32>
    %sin3A_1245 = math.sin %add3A_1244 : vector<64x128xf32>
    %mul3A_1246 = arith.mulf %convert_element_type3A_39, %sin3A_1245 : vector<64x128xf32>
    %reduce_sum3A_1247 = arith.constant dense<0.000000e+00> : vector<128xf32>
    %reduce_sum3A_1248 = vector.multi_reduction <add>, %mul3A_1246, %reduce_sum3A_1247 [0] : vector<64x128xf32> to vector<128xf32>
    %broadcast_in_dim3A_1249 = vector.shape_cast %reduce_sum3A_1248 : vector<128xf32> to vector<1x128xf32>
    %eq3A_1250 = arith.constant 53 : i32
    %eq3A_1251 = vector.broadcast %eq3A_1250 : i32 to vector<64x128xi32>
    %eq3A_1252 = arith.cmpi eq, %iota3A, %eq3A_1251 : vector<64x128xi32>
    %broadcast_in_dim3A_1253 = vector.shape_cast %broadcast_in_dim3A_1249 : vector<1x128xf32> to vector<1x128xf32>
    %broadcast_in_dim3A_1254 = vector.broadcast %broadcast_in_dim3A_1253 : vector<1x128xf32> to vector<64x128xf32>
    %select_n3A_1255 = arith.select %eq3A_1252, %broadcast_in_dim3A_1254, %select_n3A_1232 : vector<64x128xi1>, vector<64x128xf32>
    %get3A_1256 = arith.constant 0 : index
    %get3A_1257 = arith.constant 54 : index
    %get3A_1258 = vector.load %arg3[%get3A_1256, %get3A_1257] : memref<2x64xf32, #tpu.memory_space<vmem>>, vector<1x1xf32>
    %get3A_1259 = vector.extract %get3A_1258[0, 0] : f32 from vector<1x1xf32>
    %mul3A_1260 = vector.broadcast %get3A_1259 : f32 to vector<64x128xf32>
    %mul3A_1261 = arith.mulf %get3A_32, %mul3A_1260 : vector<64x128xf32>
    %get3A_1262 = arith.constant 1 : index
    %get3A_1263 = arith.constant 54 : index
    %get3A_1264 = vector.load %arg3[%get3A_1262, %get3A_1263] : memref<2x64xf32, #tpu.memory_space<vmem>>, vector<1x1xf32>
    %get3A_1265 = vector.extract %get3A_1264[0, 0] : f32 from vector<1x1xf32>
    %add3A_1266 = vector.broadcast %get3A_1265 : f32 to vector<64x128xf32>
    %add3A_1267 = arith.addf %mul3A_1261, %add3A_1266 : vector<64x128xf32>
    %sin3A_1268 = math.sin %add3A_1267 : vector<64x128xf32>
    %mul3A_1269 = arith.mulf %convert_element_type3A_39, %sin3A_1268 : vector<64x128xf32>
    %reduce_sum3A_1270 = arith.constant dense<0.000000e+00> : vector<128xf32>
    %reduce_sum3A_1271 = vector.multi_reduction <add>, %mul3A_1269, %reduce_sum3A_1270 [0] : vector<64x128xf32> to vector<128xf32>
    %broadcast_in_dim3A_1272 = vector.shape_cast %reduce_sum3A_1271 : vector<128xf32> to vector<1x128xf32>
    %eq3A_1273 = arith.constant 54 : i32
    %eq3A_1274 = vector.broadcast %eq3A_1273 : i32 to vector<64x128xi32>
    %eq3A_1275 = arith.cmpi eq, %iota3A, %eq3A_1274 : vector<64x128xi32>
    %broadcast_in_dim3A_1276 = vector.shape_cast %broadcast_in_dim3A_1272 : vector<1x128xf32> to vector<1x128xf32>
    %broadcast_in_dim3A_1277 = vector.broadcast %broadcast_in_dim3A_1276 : vector<1x128xf32> to vector<64x128xf32>
    %select_n3A_1278 = arith.select %eq3A_1275, %broadcast_in_dim3A_1277, %select_n3A_1255 : vector<64x128xi1>, vector<64x128xf32>
    %get3A_1279 = arith.constant 0 : index
    %get3A_1280 = arith.constant 55 : index
    %get3A_1281 = vector.load %arg3[%get3A_1279, %get3A_1280] : memref<2x64xf32, #tpu.memory_space<vmem>>, vector<1x1xf32>
    %get3A_1282 = vector.extract %get3A_1281[0, 0] : f32 from vector<1x1xf32>
    %mul3A_1283 = vector.broadcast %get3A_1282 : f32 to vector<64x128xf32>
    %mul3A_1284 = arith.mulf %get3A_32, %mul3A_1283 : vector<64x128xf32>
    %get3A_1285 = arith.constant 1 : index
    %get3A_1286 = arith.constant 55 : index
    %get3A_1287 = vector.load %arg3[%get3A_1285, %get3A_1286] : memref<2x64xf32, #tpu.memory_space<vmem>>, vector<1x1xf32>
    %get3A_1288 = vector.extract %get3A_1287[0, 0] : f32 from vector<1x1xf32>
    %add3A_1289 = vector.broadcast %get3A_1288 : f32 to vector<64x128xf32>
    %add3A_1290 = arith.addf %mul3A_1284, %add3A_1289 : vector<64x128xf32>
    %sin3A_1291 = math.sin %add3A_1290 : vector<64x128xf32>
    %mul3A_1292 = arith.mulf %convert_element_type3A_39, %sin3A_1291 : vector<64x128xf32>
    %reduce_sum3A_1293 = arith.constant dense<0.000000e+00> : vector<128xf32>
    %reduce_sum3A_1294 = vector.multi_reduction <add>, %mul3A_1292, %reduce_sum3A_1293 [0] : vector<64x128xf32> to vector<128xf32>
    %broadcast_in_dim3A_1295 = vector.shape_cast %reduce_sum3A_1294 : vector<128xf32> to vector<1x128xf32>
    %eq3A_1296 = arith.constant 55 : i32
    %eq3A_1297 = vector.broadcast %eq3A_1296 : i32 to vector<64x128xi32>
    %eq3A_1298 = arith.cmpi eq, %iota3A, %eq3A_1297 : vector<64x128xi32>
    %broadcast_in_dim3A_1299 = vector.shape_cast %broadcast_in_dim3A_1295 : vector<1x128xf32> to vector<1x128xf32>
    %broadcast_in_dim3A_1300 = vector.broadcast %broadcast_in_dim3A_1299 : vector<1x128xf32> to vector<64x128xf32>
    %select_n3A_1301 = arith.select %eq3A_1298, %broadcast_in_dim3A_1300, %select_n3A_1278 : vector<64x128xi1>, vector<64x128xf32>
    %get3A_1302 = arith.constant 0 : index
    %get3A_1303 = arith.constant 56 : index
    %get3A_1304 = vector.load %arg3[%get3A_1302, %get3A_1303] : memref<2x64xf32, #tpu.memory_space<vmem>>, vector<1x1xf32>
    %get3A_1305 = vector.extract %get3A_1304[0, 0] : f32 from vector<1x1xf32>
    %mul3A_1306 = vector.broadcast %get3A_1305 : f32 to vector<64x128xf32>
    %mul3A_1307 = arith.mulf %get3A_32, %mul3A_1306 : vector<64x128xf32>
    %get3A_1308 = arith.constant 1 : index
    %get3A_1309 = arith.constant 56 : index
    %get3A_1310 = vector.load %arg3[%get3A_1308, %get3A_1309] : memref<2x64xf32, #tpu.memory_space<vmem>>, vector<1x1xf32>
    %get3A_1311 = vector.extract %get3A_1310[0, 0] : f32 from vector<1x1xf32>
    %add3A_1312 = vector.broadcast %get3A_1311 : f32 to vector<64x128xf32>
    %add3A_1313 = arith.addf %mul3A_1307, %add3A_1312 : vector<64x128xf32>
    %sin3A_1314 = math.sin %add3A_1313 : vector<64x128xf32>
    %mul3A_1315 = arith.mulf %convert_element_type3A_39, %sin3A_1314 : vector<64x128xf32>
    %reduce_sum3A_1316 = arith.constant dense<0.000000e+00> : vector<128xf32>
    %reduce_sum3A_1317 = vector.multi_reduction <add>, %mul3A_1315, %reduce_sum3A_1316 [0] : vector<64x128xf32> to vector<128xf32>
    %broadcast_in_dim3A_1318 = vector.shape_cast %reduce_sum3A_1317 : vector<128xf32> to vector<1x128xf32>
    %eq3A_1319 = arith.constant 56 : i32
    %eq3A_1320 = vector.broadcast %eq3A_1319 : i32 to vector<64x128xi32>
    %eq3A_1321 = arith.cmpi eq, %iota3A, %eq3A_1320 : vector<64x128xi32>
    %broadcast_in_dim3A_1322 = vector.shape_cast %broadcast_in_dim3A_1318 : vector<1x128xf32> to vector<1x128xf32>
    %broadcast_in_dim3A_1323 = vector.broadcast %broadcast_in_dim3A_1322 : vector<1x128xf32> to vector<64x128xf32>
    %select_n3A_1324 = arith.select %eq3A_1321, %broadcast_in_dim3A_1323, %select_n3A_1301 : vector<64x128xi1>, vector<64x128xf32>
    %get3A_1325 = arith.constant 0 : index
    %get3A_1326 = arith.constant 57 : index
    %get3A_1327 = vector.load %arg3[%get3A_1325, %get3A_1326] : memref<2x64xf32, #tpu.memory_space<vmem>>, vector<1x1xf32>
    %get3A_1328 = vector.extract %get3A_1327[0, 0] : f32 from vector<1x1xf32>
    %mul3A_1329 = vector.broadcast %get3A_1328 : f32 to vector<64x128xf32>
    %mul3A_1330 = arith.mulf %get3A_32, %mul3A_1329 : vector<64x128xf32>
    %get3A_1331 = arith.constant 1 : index
    %get3A_1332 = arith.constant 57 : index
    %get3A_1333 = vector.load %arg3[%get3A_1331, %get3A_1332] : memref<2x64xf32, #tpu.memory_space<vmem>>, vector<1x1xf32>
    %get3A_1334 = vector.extract %get3A_1333[0, 0] : f32 from vector<1x1xf32>
    %add3A_1335 = vector.broadcast %get3A_1334 : f32 to vector<64x128xf32>
    %add3A_1336 = arith.addf %mul3A_1330, %add3A_1335 : vector<64x128xf32>
    %sin3A_1337 = math.sin %add3A_1336 : vector<64x128xf32>
    %mul3A_1338 = arith.mulf %convert_element_type3A_39, %sin3A_1337 : vector<64x128xf32>
    %reduce_sum3A_1339 = arith.constant dense<0.000000e+00> : vector<128xf32>
    %reduce_sum3A_1340 = vector.multi_reduction <add>, %mul3A_1338, %reduce_sum3A_1339 [0] : vector<64x128xf32> to vector<128xf32>
    %broadcast_in_dim3A_1341 = vector.shape_cast %reduce_sum3A_1340 : vector<128xf32> to vector<1x128xf32>
    %eq3A_1342 = arith.constant 57 : i32
    %eq3A_1343 = vector.broadcast %eq3A_1342 : i32 to vector<64x128xi32>
    %eq3A_1344 = arith.cmpi eq, %iota3A, %eq3A_1343 : vector<64x128xi32>
    %broadcast_in_dim3A_1345 = vector.shape_cast %broadcast_in_dim3A_1341 : vector<1x128xf32> to vector<1x128xf32>
    %broadcast_in_dim3A_1346 = vector.broadcast %broadcast_in_dim3A_1345 : vector<1x128xf32> to vector<64x128xf32>
    %select_n3A_1347 = arith.select %eq3A_1344, %broadcast_in_dim3A_1346, %select_n3A_1324 : vector<64x128xi1>, vector<64x128xf32>
    %get3A_1348 = arith.constant 0 : index
    %get3A_1349 = arith.constant 58 : index
    %get3A_1350 = vector.load %arg3[%get3A_1348, %get3A_1349] : memref<2x64xf32, #tpu.memory_space<vmem>>, vector<1x1xf32>
    %get3A_1351 = vector.extract %get3A_1350[0, 0] : f32 from vector<1x1xf32>
    %mul3A_1352 = vector.broadcast %get3A_1351 : f32 to vector<64x128xf32>
    %mul3A_1353 = arith.mulf %get3A_32, %mul3A_1352 : vector<64x128xf32>
    %get3A_1354 = arith.constant 1 : index
    %get3A_1355 = arith.constant 58 : index
    %get3A_1356 = vector.load %arg3[%get3A_1354, %get3A_1355] : memref<2x64xf32, #tpu.memory_space<vmem>>, vector<1x1xf32>
    %get3A_1357 = vector.extract %get3A_1356[0, 0] : f32 from vector<1x1xf32>
    %add3A_1358 = vector.broadcast %get3A_1357 : f32 to vector<64x128xf32>
    %add3A_1359 = arith.addf %mul3A_1353, %add3A_1358 : vector<64x128xf32>
    %sin3A_1360 = math.sin %add3A_1359 : vector<64x128xf32>
    %mul3A_1361 = arith.mulf %convert_element_type3A_39, %sin3A_1360 : vector<64x128xf32>
    %reduce_sum3A_1362 = arith.constant dense<0.000000e+00> : vector<128xf32>
    %reduce_sum3A_1363 = vector.multi_reduction <add>, %mul3A_1361, %reduce_sum3A_1362 [0] : vector<64x128xf32> to vector<128xf32>
    %broadcast_in_dim3A_1364 = vector.shape_cast %reduce_sum3A_1363 : vector<128xf32> to vector<1x128xf32>
    %eq3A_1365 = arith.constant 58 : i32
    %eq3A_1366 = vector.broadcast %eq3A_1365 : i32 to vector<64x128xi32>
    %eq3A_1367 = arith.cmpi eq, %iota3A, %eq3A_1366 : vector<64x128xi32>
    %broadcast_in_dim3A_1368 = vector.shape_cast %broadcast_in_dim3A_1364 : vector<1x128xf32> to vector<1x128xf32>
    %broadcast_in_dim3A_1369 = vector.broadcast %broadcast_in_dim3A_1368 : vector<1x128xf32> to vector<64x128xf32>
    %select_n3A_1370 = arith.select %eq3A_1367, %broadcast_in_dim3A_1369, %select_n3A_1347 : vector<64x128xi1>, vector<64x128xf32>
    %get3A_1371 = arith.constant 0 : index
    %get3A_1372 = arith.constant 59 : index
    %get3A_1373 = vector.load %arg3[%get3A_1371, %get3A_1372] : memref<2x64xf32, #tpu.memory_space<vmem>>, vector<1x1xf32>
    %get3A_1374 = vector.extract %get3A_1373[0, 0] : f32 from vector<1x1xf32>
    %mul3A_1375 = vector.broadcast %get3A_1374 : f32 to vector<64x128xf32>
    %mul3A_1376 = arith.mulf %get3A_32, %mul3A_1375 : vector<64x128xf32>
    %get3A_1377 = arith.constant 1 : index
    %get3A_1378 = arith.constant 59 : index
    %get3A_1379 = vector.load %arg3[%get3A_1377, %get3A_1378] : memref<2x64xf32, #tpu.memory_space<vmem>>, vector<1x1xf32>
    %get3A_1380 = vector.extract %get3A_1379[0, 0] : f32 from vector<1x1xf32>
    %add3A_1381 = vector.broadcast %get3A_1380 : f32 to vector<64x128xf32>
    %add3A_1382 = arith.addf %mul3A_1376, %add3A_1381 : vector<64x128xf32>
    %sin3A_1383 = math.sin %add3A_1382 : vector<64x128xf32>
    %mul3A_1384 = arith.mulf %convert_element_type3A_39, %sin3A_1383 : vector<64x128xf32>
    %reduce_sum3A_1385 = arith.constant dense<0.000000e+00> : vector<128xf32>
    %reduce_sum3A_1386 = vector.multi_reduction <add>, %mul3A_1384, %reduce_sum3A_1385 [0] : vector<64x128xf32> to vector<128xf32>
    %broadcast_in_dim3A_1387 = vector.shape_cast %reduce_sum3A_1386 : vector<128xf32> to vector<1x128xf32>
    %eq3A_1388 = arith.constant 59 : i32
    %eq3A_1389 = vector.broadcast %eq3A_1388 : i32 to vector<64x128xi32>
    %eq3A_1390 = arith.cmpi eq, %iota3A, %eq3A_1389 : vector<64x128xi32>
    %broadcast_in_dim3A_1391 = vector.shape_cast %broadcast_in_dim3A_1387 : vector<1x128xf32> to vector<1x128xf32>
    %broadcast_in_dim3A_1392 = vector.broadcast %broadcast_in_dim3A_1391 : vector<1x128xf32> to vector<64x128xf32>
    %select_n3A_1393 = arith.select %eq3A_1390, %broadcast_in_dim3A_1392, %select_n3A_1370 : vector<64x128xi1>, vector<64x128xf32>
    %get3A_1394 = arith.constant 0 : index
    %get3A_1395 = arith.constant 60 : index
    %get3A_1396 = vector.load %arg3[%get3A_1394, %get3A_1395] : memref<2x64xf32, #tpu.memory_space<vmem>>, vector<1x1xf32>
    %get3A_1397 = vector.extract %get3A_1396[0, 0] : f32 from vector<1x1xf32>
    %mul3A_1398 = vector.broadcast %get3A_1397 : f32 to vector<64x128xf32>
    %mul3A_1399 = arith.mulf %get3A_32, %mul3A_1398 : vector<64x128xf32>
    %get3A_1400 = arith.constant 1 : index
    %get3A_1401 = arith.constant 60 : index
    %get3A_1402 = vector.load %arg3[%get3A_1400, %get3A_1401] : memref<2x64xf32, #tpu.memory_space<vmem>>, vector<1x1xf32>
    %get3A_1403 = vector.extract %get3A_1402[0, 0] : f32 from vector<1x1xf32>
    %add3A_1404 = vector.broadcast %get3A_1403 : f32 to vector<64x128xf32>
    %add3A_1405 = arith.addf %mul3A_1399, %add3A_1404 : vector<64x128xf32>
    %sin3A_1406 = math.sin %add3A_1405 : vector<64x128xf32>
    %mul3A_1407 = arith.mulf %convert_element_type3A_39, %sin3A_1406 : vector<64x128xf32>
    %reduce_sum3A_1408 = arith.constant dense<0.000000e+00> : vector<128xf32>
    %reduce_sum3A_1409 = vector.multi_reduction <add>, %mul3A_1407, %reduce_sum3A_1408 [0] : vector<64x128xf32> to vector<128xf32>
    %broadcast_in_dim3A_1410 = vector.shape_cast %reduce_sum3A_1409 : vector<128xf32> to vector<1x128xf32>
    %eq3A_1411 = arith.constant 60 : i32
    %eq3A_1412 = vector.broadcast %eq3A_1411 : i32 to vector<64x128xi32>
    %eq3A_1413 = arith.cmpi eq, %iota3A, %eq3A_1412 : vector<64x128xi32>
    %broadcast_in_dim3A_1414 = vector.shape_cast %broadcast_in_dim3A_1410 : vector<1x128xf32> to vector<1x128xf32>
    %broadcast_in_dim3A_1415 = vector.broadcast %broadcast_in_dim3A_1414 : vector<1x128xf32> to vector<64x128xf32>
    %select_n3A_1416 = arith.select %eq3A_1413, %broadcast_in_dim3A_1415, %select_n3A_1393 : vector<64x128xi1>, vector<64x128xf32>
    %get3A_1417 = arith.constant 0 : index
    %get3A_1418 = arith.constant 61 : index
    %get3A_1419 = vector.load %arg3[%get3A_1417, %get3A_1418] : memref<2x64xf32, #tpu.memory_space<vmem>>, vector<1x1xf32>
    %get3A_1420 = vector.extract %get3A_1419[0, 0] : f32 from vector<1x1xf32>
    %mul3A_1421 = vector.broadcast %get3A_1420 : f32 to vector<64x128xf32>
    %mul3A_1422 = arith.mulf %get3A_32, %mul3A_1421 : vector<64x128xf32>
    %get3A_1423 = arith.constant 1 : index
    %get3A_1424 = arith.constant 61 : index
    %get3A_1425 = vector.load %arg3[%get3A_1423, %get3A_1424] : memref<2x64xf32, #tpu.memory_space<vmem>>, vector<1x1xf32>
    %get3A_1426 = vector.extract %get3A_1425[0, 0] : f32 from vector<1x1xf32>
    %add3A_1427 = vector.broadcast %get3A_1426 : f32 to vector<64x128xf32>
    %add3A_1428 = arith.addf %mul3A_1422, %add3A_1427 : vector<64x128xf32>
    %sin3A_1429 = math.sin %add3A_1428 : vector<64x128xf32>
    %mul3A_1430 = arith.mulf %convert_element_type3A_39, %sin3A_1429 : vector<64x128xf32>
    %reduce_sum3A_1431 = arith.constant dense<0.000000e+00> : vector<128xf32>
    %reduce_sum3A_1432 = vector.multi_reduction <add>, %mul3A_1430, %reduce_sum3A_1431 [0] : vector<64x128xf32> to vector<128xf32>
    %broadcast_in_dim3A_1433 = vector.shape_cast %reduce_sum3A_1432 : vector<128xf32> to vector<1x128xf32>
    %eq3A_1434 = arith.constant 61 : i32
    %eq3A_1435 = vector.broadcast %eq3A_1434 : i32 to vector<64x128xi32>
    %eq3A_1436 = arith.cmpi eq, %iota3A, %eq3A_1435 : vector<64x128xi32>
    %broadcast_in_dim3A_1437 = vector.shape_cast %broadcast_in_dim3A_1433 : vector<1x128xf32> to vector<1x128xf32>
    %broadcast_in_dim3A_1438 = vector.broadcast %broadcast_in_dim3A_1437 : vector<1x128xf32> to vector<64x128xf32>
    %select_n3A_1439 = arith.select %eq3A_1436, %broadcast_in_dim3A_1438, %select_n3A_1416 : vector<64x128xi1>, vector<64x128xf32>
    %get3A_1440 = arith.constant 0 : index
    %get3A_1441 = arith.constant 62 : index
    %get3A_1442 = vector.load %arg3[%get3A_1440, %get3A_1441] : memref<2x64xf32, #tpu.memory_space<vmem>>, vector<1x1xf32>
    %get3A_1443 = vector.extract %get3A_1442[0, 0] : f32 from vector<1x1xf32>
    %mul3A_1444 = vector.broadcast %get3A_1443 : f32 to vector<64x128xf32>
    %mul3A_1445 = arith.mulf %get3A_32, %mul3A_1444 : vector<64x128xf32>
    %get3A_1446 = arith.constant 1 : index
    %get3A_1447 = arith.constant 62 : index
    %get3A_1448 = vector.load %arg3[%get3A_1446, %get3A_1447] : memref<2x64xf32, #tpu.memory_space<vmem>>, vector<1x1xf32>
    %get3A_1449 = vector.extract %get3A_1448[0, 0] : f32 from vector<1x1xf32>
    %add3A_1450 = vector.broadcast %get3A_1449 : f32 to vector<64x128xf32>
    %add3A_1451 = arith.addf %mul3A_1445, %add3A_1450 : vector<64x128xf32>
    %sin3A_1452 = math.sin %add3A_1451 : vector<64x128xf32>
    %mul3A_1453 = arith.mulf %convert_element_type3A_39, %sin3A_1452 : vector<64x128xf32>
    %reduce_sum3A_1454 = arith.constant dense<0.000000e+00> : vector<128xf32>
    %reduce_sum3A_1455 = vector.multi_reduction <add>, %mul3A_1453, %reduce_sum3A_1454 [0] : vector<64x128xf32> to vector<128xf32>
    %broadcast_in_dim3A_1456 = vector.shape_cast %reduce_sum3A_1455 : vector<128xf32> to vector<1x128xf32>
    %eq3A_1457 = arith.constant 62 : i32
    %eq3A_1458 = vector.broadcast %eq3A_1457 : i32 to vector<64x128xi32>
    %eq3A_1459 = arith.cmpi eq, %iota3A, %eq3A_1458 : vector<64x128xi32>
    %broadcast_in_dim3A_1460 = vector.shape_cast %broadcast_in_dim3A_1456 : vector<1x128xf32> to vector<1x128xf32>
    %broadcast_in_dim3A_1461 = vector.broadcast %broadcast_in_dim3A_1460 : vector<1x128xf32> to vector<64x128xf32>
    %select_n3A_1462 = arith.select %eq3A_1459, %broadcast_in_dim3A_1461, %select_n3A_1439 : vector<64x128xi1>, vector<64x128xf32>
    %get3A_1463 = arith.constant 0 : index
    %get3A_1464 = arith.constant 63 : index
    %get3A_1465 = vector.load %arg3[%get3A_1463, %get3A_1464] : memref<2x64xf32, #tpu.memory_space<vmem>>, vector<1x1xf32>
    %get3A_1466 = vector.extract %get3A_1465[0, 0] : f32 from vector<1x1xf32>
    %mul3A_1467 = vector.broadcast %get3A_1466 : f32 to vector<64x128xf32>
    %mul3A_1468 = arith.mulf %get3A_32, %mul3A_1467 : vector<64x128xf32>
    %get3A_1469 = arith.constant 1 : index
    %get3A_1470 = arith.constant 63 : index
    %get3A_1471 = vector.load %arg3[%get3A_1469, %get3A_1470] : memref<2x64xf32, #tpu.memory_space<vmem>>, vector<1x1xf32>
    %get3A_1472 = vector.extract %get3A_1471[0, 0] : f32 from vector<1x1xf32>
    %add3A_1473 = vector.broadcast %get3A_1472 : f32 to vector<64x128xf32>
    %add3A_1474 = arith.addf %mul3A_1468, %add3A_1473 : vector<64x128xf32>
    %sin3A_1475 = math.sin %add3A_1474 : vector<64x128xf32>
    %mul3A_1476 = arith.mulf %convert_element_type3A_39, %sin3A_1475 : vector<64x128xf32>
    %reduce_sum3A_1477 = arith.constant dense<0.000000e+00> : vector<128xf32>
    %reduce_sum3A_1478 = vector.multi_reduction <add>, %mul3A_1476, %reduce_sum3A_1477 [0] : vector<64x128xf32> to vector<128xf32>
    %broadcast_in_dim3A_1479 = vector.shape_cast %reduce_sum3A_1478 : vector<128xf32> to vector<1x128xf32>
    %eq3A_1480 = arith.constant 63 : i32
    %eq3A_1481 = vector.broadcast %eq3A_1480 : i32 to vector<64x128xi32>
    %eq3A_1482 = arith.cmpi eq, %iota3A, %eq3A_1481 : vector<64x128xi32>
    %broadcast_in_dim3A_1483 = vector.shape_cast %broadcast_in_dim3A_1479 : vector<1x128xf32> to vector<1x128xf32>
    %broadcast_in_dim3A_1484 = vector.broadcast %broadcast_in_dim3A_1483 : vector<1x128xf32> to vector<64x128xf32>
    %select_n3A_1485 = arith.select %eq3A_1482, %broadcast_in_dim3A_1484, %select_n3A_1462 : vector<64x128xi1>, vector<64x128xf32>
    %reduce_sum3A_1486 = arith.constant dense<0.000000e+00> : vector<64xf32>
    %reduce_sum3A_1487 = vector.multi_reduction <add>, %select_n3A_1485, %reduce_sum3A_1486 [1] : vector<64x128xf32> to vector<64xf32>
    %broadcast_in_dim3A_1488 = vector.shape_cast %reduce_sum3A_1487 : vector<64xf32> to vector<64x1xf32>
    %iota3A_1489 = tpu.iota {dimensions = array<i32: 0>} : vector<64x1xi32>
    %eq3A_1490 = arith.constant 0 : i32
    %eq3A_1491 = vector.broadcast %eq3A_1490 : i32 to vector<64x1xi32>
    %eq3A_1492 = arith.cmpi eq, %iota3A_1489, %eq3A_1491 : vector<64x1xi32>
    %mul3A_1493 = arith.mulf %get3A_10, %reduce_sum3A_29 : f32
    %mul3A_1494 = arith.mulf %get3A_14, %reduce_sum3A_24 : f32
    %add3A_1495 = arith.addf %mul3A_1493, %mul3A_1494 : f32
    %broadcast_in_dim3A_1496 = vector.broadcast %add3A_1495 : f32 to vector<64x1xf32>
    %select_n3A_1497 = arith.select %eq3A_1492, %broadcast_in_dim3A_1496, %broadcast_in_dim3A_1488 : vector<64x1xi1>, vector<64x1xf32>
    %get3A_1498 = arith.constant 0 : index
    %get3A_1499 = arith.constant 0 : index
    %get3A_1500 = vector.load %arg2[%get3A_1498, %get3A_1499] : memref<16x8192xf32, #tpu.memory_space<vmem>>, vector<16x8192xf32>
    %dot_general3A = arith.constant dense<0.000000e+00> : vector<1x16xf32>
    %dot_general3A_1501 = tpu.matmul %convert_element_type3A_20, %get3A_1500, %dot_general3A {dimension_numbers = #tpu.dot_dimension_numbers<[1], [1], [0], [0], [0, 0, 1, 0], [], []>, transpose_lhs_hint = false} : vector<1x8192xf32>, vector<16x8192xf32>, vector<1x16xf32> -> vector<1x16xf32>
    %get3A_1502 = arith.constant 0 : index
    %get3A_1503 = arith.constant 0 : index
    %get3A_1504 = vector.load %arg4[%get3A_1502, %get3A_1503] : memref<64x512xf32, #tpu.memory_space<vmem>>, vector<64x512xf32>
    %dot_general3A_1505 = arith.constant dense<0.000000e+00> : vector<1x512xf32>
    %dot_general3A_1506 = tpu.matmul %select_n3A_1497, %get3A_1504, %dot_general3A_1505 {dimension_numbers = #tpu.dot_dimension_numbers<[0], [0], [1], [1], [0, 1, 1, 1], [], []>, transpose_lhs_hint = false} : vector<64x1xf32>, vector<64x512xf32>, vector<1x512xf32> -> vector<1x512xf32>
    %get3A_1507 = arith.constant 0 : index
    %get3A_1508 = arith.constant 0 : index
    %get3A_1509 = vector.load %arg5[%get3A_1507, %get3A_1508] : memref<16x512xf32, #tpu.memory_space<vmem>>, vector<16x512xf32>
    %dot_general3A_1510 = arith.constant dense<0.000000e+00> : vector<1x512xf32>
    %dot_general3A_1511 = tpu.matmul %dot_general3A_1501, %get3A_1509, %dot_general3A_1510 {dimension_numbers = #tpu.dot_dimension_numbers<[1], [0], [0], [1], [0, 0, 1, 1], [], []>, transpose_lhs_hint = false} : vector<1x16xf32>, vector<16x512xf32>, vector<1x512xf32> -> vector<1x512xf32>
    %add3A_1512 = arith.addf %dot_general3A_1506, %dot_general3A_1511 : vector<1x512xf32>
    %get3A_1513 = arith.constant 0 : index
    %get3A_1514 = arith.constant 0 : index
    %get3A_1515 = vector.load %arg6[%get3A_1513, %get3A_1514] : memref<1x512xf32, #tpu.memory_space<vmem>>, vector<1x512xf32>
    %get3A_1516 = arith.constant 0 : index
    %get3A_1517 = arith.constant 0 : index
    %get3A_1518 = vector.load %arg7[%get3A_1516, %get3A_1517] : memref<1x512xf32, #tpu.memory_space<vmem>>, vector<1x512xf32>
    %add3A_1519 = arith.addf %get3A_1515, %get3A_1518 : vector<1x512xf32>
    %mul3A_1520 = vector.broadcast %reduce_sum3A_24 : f32 to vector<1x512xf32>
    %mul3A_1521 = arith.mulf %mul3A_1520, %add3A_1519 : vector<1x512xf32>
    %add3A_1522 = arith.addf %add3A_1512, %mul3A_1521 : vector<1x512xf32>
    %swap3A = arith.constant 0 : index
    %swap3A_1523 = arith.constant 0 : index
    %swap3A_1524 = vector.load %arg9[%swap3A, %swap3A_1523] : memref<1x512xf32, #tpu.memory_space<vmem>>, vector<1x512xf32>
    tpu.vector_store %arg9[%swap3A, %swap3A_1523], %add3A_1522 {strides = array<i32>} : memref<1x512xf32, #tpu.memory_space<vmem>>, vector<1x512xf32>,
    return
  }
}

</mosaic_0001>

<sc_bundles>
// kernel: kernel.4.cloned.1.call-start
scs
__scs_entry_jumppad:
0x0: {  	(pc) =	sbr.rel $0x88, $3  }
0x1: {  	(tag) =	ssettag $0x0;
	lr =	simm.s32 $0x1  }
0x2: {  	[smem:$0x3F93] =	sst lr;
	_ =	strace $0xD0000000  }
0x3: {  	_ = 	snop  }
0x4: {  	_ = 	snop  }
0x5: {  	_ = 	snop  }
0x6: {  	_ = 	snop  }
0x7: {  	_ = 	snop  }
__scs_overlays_trampoline_lowered:
0x8: {  	[smem:$0x3FA2] =	sst s0  }
0x9: {  	[smem:$0x3FA3] =	sst s1  }
0xa: {  	[smem:$0x3FA4] =	sst s2  }
0xb: {  	[smem:$0x3FA5] =	sst s3  }
0xc: {  	[smem:$0x3FA6] =	sst s4  }
0xd: {  	[smem:$0x3FA7] =	sst s5  }
0xe: {  	[smem:$0x3FA8] =	sst s6  }
0xf: {  	[smem:$0x3FA9] =	sst s7  }
0x10: {  	[smem:$0x3FAA] =	sst s8  }
0x11: {  	[smem:$0x3FAB] =	sst s9;
	s0 =	simm.s32 @!p0 $0x0  }
0x12: {  	s1 =	sld [smem:$0x3F91];
	s0 =	simm.s32 @p0 $0x1  }
0x13: {  	[smem:$0x3FAC] =	sst s0;
	s0 =	simm.s32 @!p1 $0x0  }
0x14: {  	s2 =	sld [smem:$0x3F90];
	s0 =	simm.s32 @p1 $0x1  }
0x15: {  	[smem:$0x3FAD] =	sst s0;
	s0 =	simm.s32 @!p2 $0x0  }
0x16: {  	s3 =	sld [smem:$0x3FDB];
	s0 =	simm.s32 @p2 $0x1  }
0x17: {  	s4 =	simm.s32 $0x1BF5;
	[smem:$0x3FAF] =	sst s0  }
0x18: {  	s0 =	sld [smem:$0x3F92];
	_ =	swait.ge [sflag:s4], $0x0  }
0x19: {  	s7 =	sld [smem:$0x3F93]  }
0x1a: {  	s8 =	sadd.s32 $0xFFFFE003, lr  }
0x1b: {  	s9 =	sadd.s32 $0xFFFFFEF7, lr;
	s5 =	simm.s32 $0xFFFFFFFF;
	p2 =	slt.u32 s8, $0xFFFFF086  }
0x1c: {  	p1 =	slt.u32 s9, $0xF7A;
	s5 =	simm.s32 @!p2 $0x0  }
0x1d: {  	s5 =	simm.s32 @p1 $0x1;
	p0 =	seq.s32 s7, s2  }
0x1e: {  	s7 =	smul.u32 @!p0 $0xF7A, s2;
	p2 =	seq.s32 @!p0 s5, $0x0  }
0x1f: {  	s9 =	smul.u32 $0xF7A, s1;
	s8 =	simm.s32 @!p0 $0x1BF5;
	p2 =	por !p2, p0  }
0x20: {  	[sflag:s8] =	ssyncset.s32 @!p0 $0xFFFFF086;
	s6 =	sadd.s32 @!p0 s3, s7;
	s7 =	simm.s32 @!p0 $0x108  }
0x21: {  	s3 =	sadd.s32 s3, s9;
	s6 =	sadd.s32 @!p0 $0x88, s6;
	s7 =	simm.s32 @p2 $0x1082  }
0x22: {  	[simem:s7], [sflag:s8] =	dma.local @!p0 [hbm:s6], $0xF7A  }
0x23: {  	s9 =	sor.u32 $0xD0000000, s2;
	s6 =	simm.s32 $0x108;
	_ =	swait.ge @!p0 [sflag:s8], $0x0  }
0x24: {  	s3 =	sadd.s32 $0x88, s3;
	s6 =	simm.s32 @!p1 $0x1082;
	[sflag:s4] =	ssyncset.s32 $0xFFFFF086  }
0x25: {  	[simem:s6], [sflag:s4] =	dma.local [hbm:s3], $0xF7A  }
0x26: {  	[smem:$0x3F93] =	sst s1;
	(tag) =	ssettag s2;
	_ =	strace s9  }
0x27: {  	s1 =	sld [smem:$0x3FA3]  }
0x28: {  	s2 =	sld [smem:$0x3FA4]  }
0x29: {  	s4 =	sld [smem:$0x3FA6]  }
0x2a: {  	p0 =	seq.s32 s5, $0x0;
	s5 =	sld [smem:$0x3FA7]  }
0x2b: {  	s6 =	sld [smem:$0x3FA8]  }
0x2c: {  	s7 =	sld [smem:$0x3FA9]  }
0x2d: {  	s3 =	simm.s32 $0x108;
	s8 =	sld [smem:$0x3FAA]  }
0x2e: {  	s3 =	simm.s32 @!p0 $0x1082;
	s9 =	sld [smem:$0x3FAB]  }
0x2f: {  	lr =	sadd.s32 s0, s3;
	s0 =	sld [smem:$0x3FA2]  }
0x30: {  	s3 =	sld [smem:$0x3FA5]  }
0x31: {  	[smem:$0x3FAE] =	sst s10  }
0x32: {  	s10 =	sld [smem:$0x3FAC];
	_ =	sdelay $0x3  }
0x33: {  	p0 =	seq.s32 s10, $0x1;
	s10 =	sld [smem:$0x3FAE];
	_ =	sdelay $0x3  }
0x34: {  	[smem:$0x3FAE] =	sst s10  }
0x35: {  	s10 =	sld [smem:$0x3FAD];
	_ =	sdelay $0x3  }
0x36: {  	p1 =	seq.s32 s10, $0x1;
	s10 =	sld [smem:$0x3FAE];
	_ =	sdelay $0x3  }
0x37: {  	[smem:$0x3FAE] =	sst s10  }
0x38: {  	s10 =	sld [smem:$0x3FAF]  }
0x39: {  	_ = 	snop;
	(pc) =	sbr.ind lr, $3  }
0x3a: {  	_ = 	snop  }
0x3b: {  	_ = 	snop  }
0x3c: {  	p2 =	seq.s32 s10, $0x1;
	s10 =	sld [smem:$0x3FAE]  }
0x3d: {  	_ =	shalt  }
0x3e: {  	_ =	shalt  }
0x3f: {  	_ =	shalt  }
0x40: {  	_ =	shalt  }
0x41: {  	_ =	shalt  }
0x42: {  	_ =	shalt  }
0x43: {  	_ =	shalt  }
0x44: {  	_ =	shalt  }
0x45: {  	_ =	shalt  }
0x46: {  	_ =	shalt  }
0x47: {  	_ =	shalt  }
0x48: {  	_ =	shalt  }
0x49: {  	_ =	shalt  }
0x4a: {  	_ =	shalt  }
0x4b: {  	_ =	shalt  }
0x4c: {  	_ =	shalt  }
0x4d: {  	_ =	shalt  }
0x4e: {  	_ =	shalt  }
0x4f: {  	_ =	shalt  }
0x50: {  	_ =	shalt  }
0x51: {  	_ =	shalt  }
0x52: {  	_ =	shalt  }
0x53: {  	_ =	shalt  }
0x54: {  	_ =	shalt  }
0x55: {  	_ =	shalt  }
0x56: {  	_ =	shalt  }
0x57: {  	_ =	shalt  }
0x58: {  	_ =	shalt  }
0x59: {  	_ =	shalt  }
0x5a: {  	_ =	shalt  }
0x5b: {  	_ =	shalt  }
0x5c: {  	_ =	shalt  }
0x5d: {  	_ =	shalt  }
0x5e: {  	_ =	shalt  }
0x5f: {  	_ =	shalt  }
0x60: {  	_ =	shalt  }
0x61: {  	_ =	shalt  }
0x62: {  	_ =	shalt  }
0x63: {  	_ =	shalt  }
0x64: {  	_ =	shalt  }
0x65: {  	_ =	shalt  }
0x66: {  	_ =	shalt  }
0x67: {  	_ =	shalt  }
0x68: {  	_ =	shalt  }
0x69: {  	_ =	shalt  }
0x6a: {  	_ =	shalt  }
0x6b: {  	_ =	shalt  }
0x6c: {  	_ =	shalt  }
0x6d: {  	_ =	shalt  }
0x6e: {  	_ =	shalt  }
0x6f: {  	_ =	shalt  }
0x70: {  	_ =	shalt  }
0x71: {  	_ =	shalt  }
0x72: {  	_ =	shalt  }
0x73: {  	_ =	shalt  }
0x74: {  	_ =	shalt  }
0x75: {  	_ =	shalt  }
0x76: {  	_ =	shalt  }
0x77: {  	_ =	shalt  }
0x78: {  	_ =	shalt  }
0x79: {  	_ =	shalt  }
0x7a: {  	_ =	shalt  }
0x7b: {  	_ =	shalt  }
0x7c: {  	_ =	shalt  }
0x7d: {  	_ =	shalt  }
0x7e: {  	_ =	shalt  }
0x7f: {  	_ =	shalt  }
0x80: {  	_ =	shalt  }
0x81: {  	_ =	shalt  }
0x82: {  	_ =	shalt  }
0x83: {  	_ =	shalt  }
0x84: {  	_ =	shalt  }
0x85: {  	_ =	shalt  }
0x86: {  	_ =	shalt  }
0x87: {  	_ =	shalt  }
.Lfunc_end0:
.L_simem_size_0:
called_computation_lowered:
.L_overlay_start_0:
0x88: {  	s2 =	sld [smem:$0x3FD9]  }
0x89: {  	s3 =	sld [smem:$0x3FFE];
	_ =	sdelay $0x1  }
0x8a: {  	s1 =	srdreg.scid  }
0x8b: {  	s0 =	sand.u32 $0x1, s1  }
0x8c: {  	s17 =	sshll.u32 s0, $0xA;
	s2 =	sadd.s32 s3, s2  }
0x8d: {  	s2 =	sadd.s32 s2, s17  }
0x8e: {  	[smem:$0x3FBA] =	sst s2  }
0x8f: {  	_ = 	snop  }
0x90: {  	s2 =	sld [smem:$0x3FC9]  }
0x91: {  	s18 =	sld [smem:$0x3FC6]  }
0x92: {  	s4 =	sld [smem:$0x3FC5]  }
0x93: {  	s5 =	sld [smem:$0x3FD0];
	(tm) =	ssettm $0x1  }
0x94: {  	s6 =	sld [smem:$0x3FFB];
	_ =	sdelay $0x3  }
0x95: {  	_ =	strace s6  }
0x96: {  	s6 =	sld [smem:$0x3FFC];
	_ =	sdelay $0x3  }
0x97: {  	_ =	strace s6  }
0x98: {  	s6 =	sld [smem:$0x3FFD];
	_ =	sdelay $0x3  }
0x99: {  	_ =	strace s6  }
0x9a: {  	_ =	strace $0x8FFFFFFF  }
0x9b: {  	s19 =	sld [smem:$0x3FDB];
	_ =	sdelay $0x1  }
0x9c: {  	s7 =	simm.s32 $_scs_section_size  }
0x9d: {  	s8 =	simm.s32 $_size__tile_overlayer_lowered;
	s9 =	simm.s32 $_tile_overlayer_lowered  }
0x9e: {  	s22 =	simm.s32 $0x1BFF;
	s21 =	sshll.u32 s9, $0x1;
	s6 =	sadd.s32 s7, s19  }
0x9f: {  	s10 =	simm.s32 $0x0;
	s20 =	sshll.u32 s8, $0x1;
	s8 =	sadd.s32 s21, s6  }
0xa0: {  	[timem:s10], [sflag:s22] =	dma.local [hbm:s8], s20  }
0xa1: {  	_ =	swait.ge [sflag:s22], s20  }
0xa2: {  	s7 =	ssub.s32 $0x0, s20;
	[sflag:s22] =	ssyncset.done $0x0  }
0xa3: {  	[sflag:s22] =	ssyncadd.s32 s7;
	_ =	sdelay $0x1  }
0xa4: {  	s23 =	simm.s32 $0x1B8B  }
0xa5: {  	_ =	swait.ge [sflag:s23], $0x1  }
0xa6: {  	[sflag:s23] =	ssyncset.done $0x0  }
0xa7: {  	s25 =	simm.s32 $0x1B8E;
	s24 =	sld [smem:$0x3FFE];
	[sflag:s23] =	ssyncadd.s32 $0xFFFFFFFF  }
0xa8: {  	s26 =	simm.s32 $execute0_lowered;
	[smem:$0x3FD2] =	sst s25  }
0xa9: {  	s8 =	sshll.u32 s26, $0x1;
	_ =	strace $0x80000046;
	[dreg:$0x1] =	wrdreg $0xFFFFFFFF  }
0xaa: {  	s28 =	simm.s32 $_size_execute0_lowered;
	s6 =	sadd.s32 s6, s8;
	[dreg:$0x0] =	wrdreg $0x0  }
0xab: {  	s8 =	sshll.u32 s28, $0x1;
	[dreg:$0x2] =	wrdreg s6  }
0xac: {  	[dreg:$0x3] =	wrdreg s8  }
0xad: {  	[dreg:$0x4] =	wrdreg $0xC0  }
0xae: {  	_ =	task [dreg:s10], $0x5FFFF  }
0xaf: {  	[dreg:$0x1] =	wrdreg $0xFFFFFFFF  }
0xb0: {  	[dreg:$0x0] =	wrdreg $0x60  }
0xb1: {  	[dreg:$0x2] =	wrdreg s2  }
0xb2: {  	[dreg:$0x3] =	wrdreg s18  }
0xb3: {  	[dreg:$0x4] =	wrdreg s4  }
0xb4: {  	[dreg:$0x5] =	wrdreg s5  }
0xb5: {  	[dreg:$0x6] =	wrdreg s24  }
0xb6: {  	[dreg:$0x7] =	wrdreg $0x9  }
0xb7: {  	_ =	task.clear_ibuf [dreg:s10], $0x8FFFF;
	_ =	strace $0x90000046  }
0xb8: {  	s29 =	simm.s32 $0x9;
	_ =	strace $0x80000048  }
0xb9: {  	_ =	swait.ge [sflag:s29], $0x1  }
0xba: {  	[sflag:s29] =	ssyncadd.s32 $0xFFFFFFFF  }
0xbb: {  	_ =	strace $0x90000048  }
0xbc: {  	_ =	sfence  }
0xbd: {  	s30 =	sld [smem:$0x0];
	_ =	sdelay $0x2  }
0xbe: {  	s31 =	sshll.u32 s1, $0xD;
	s1 =	sshrl.u32 s1, $0x2  }
0xbf: {  	s3 =	sand.u32 $0x4000, s31;
	s1 =	sadd.s32 s1, s30  }
0xc0: {  	s0 =	sor.u32 s3, s0;
	s1 =	sshll.u32 s1, $0x11  }
0xc1: {  	s0 =	sor.u32 s1, s0  }
0xc2: {  	s0 =	sadd.s32 $0x8F2B, s0  }
0xc3: {  	[sflag:s0] =	ssyncadd.remote.s32 $0x1  }
0xc4: {  	_ =	sfence.sel $0xFFFF  }
0xc5: {  	[dreg:$0x0] =	wrdreg $0xFFFFFFFF;
	(pc) =	sbr.abs _section_cstart, $3  }
0xc6: {  	[dreg:$0x1] =	wrdreg $0xFFFFFFFF  }
0xc7: {  	_ =	task.clear_ibuf [dreg:s10], $0x2FFFF;
	_ =	strace $0x9FFFFFFF  }
0xc8: {  	(tm) =	ssettm $0x7FFFFFFF  }
0xc9: {  	_ =	shalt  }
tec
execute0_lowered:
.L_overlay_start_1:
0x0: {  	(tag) =	ssettag $0x1  }
0x1: {  	s1 =	rddreg [dreg:$0x0]  }
0x2: {  	s0 =	rddreg [dreg:$0x1]  }
0x3: {  	s2 =	rddreg [dreg:$0x2]  }
0x4: {  	s3 =	rddreg [dreg:$0x4]  }
0x5: {  	s4 =	simm.s32 $0x0;
	s7 =	stileid.u32;
	s5 =	srdreg.scid  }
0x6: {  	s12 =	simm.s32 $0x80;
	s21 =	simm.s32 $0x400;
	s18 =	simm.s32 $0x3  }
0x7: {  	s28 =	simm.s32 $0x4280;
	s29 =	simm.s32 $0x4A80;
	s30 =	simm.s32 $0x5280  }
0x8: {  	s31 =	simm.s32 $0x5A80;
	s13 =	simm.s32 $0x7A80;
	s17 =	simm.s32 $0x1  }
0x9: {  	s14 =	simm.s32 $0x2;
	s15 =	simm.s32 $0x4;
	s16 =	simm.s32 $0x0  }
0xa: {  	[smem:$0x7FF] =	sst s4;
	s6 =	sshll.u32 s7, $0x7;
	s5 =	sand.u32 $0x1, s5  }
0xb: {  	s7 =	sshll.u32 s7, $0x1;
	_ =	strace $0x80000047;
	s6 =	sand.u32 $0x600, s6  }
0xc: {  	s7 =	sor.u32 s5, s7;
	s25 =	ssub.s32 $0x2, s5;
	s3 =	sadd.s32 s6, s3  }
0xd: {  	s8 =	sshll.u32 s7, $0x5;
	s9 =	sshrl.u32 s25, $0x1;
	s26 =	sshll.u32 s7, $0x4  }
0xe: {  	s5 =	sadd.s32 s0, s8;
	s11 =	ssub.s32 s25, s9;
	s0 =	sand.u32 $0x70, s26  }
0xf: {  	s8 =	sadd.s32 s2, s8;
	s9 =	sadd.s32 $0x100, s1;
	s25 =	simm.s32 $0x280  }
0x10: {  	v2 =	vlaneseq.u32;
	s26 =	simm.s32 $0xA80;
	s2 =	simm.s32 $0x7280;
	s6 =	sadd.s32 $0xC, s5  }
0x11: {  	vm0 =	vmmov $0xffff;
	v1 =	vshrl.u32 v2, $0x3;
	s7 =	sadd.s32 $0x18, s5;
	s0 =	sadd.s32 s0, s3;
	s11 =	smax.u32 s11, $0x1  }
0x12: {  	v0 =	vand.u32 $0x7, v2;
	v2 =	vor.u32 $0x8, v2;
	v1 =	vmul.u32 $0x8, v1;
	s3 =	simm.s32 $0x6A80;
	s10 =	sadd.s32 $0x1400, s0;
	s0 =	simm.s32 $0x6280  }
.LBB2_1:
0x13: {  	[tilespmem:s4], [sflag:$0x3] =	stream.linear.gather [hbm4b:s5+s4], $0x60, $0x38;
	[tilespmem:$0x18780] =	vst v63  }
0x14: {  	_ = 	snop  }
0x15: {  	[tilespmem:s12], [sflag:$0x3] =	stream.linear.gather [hbm4b:s6+s4], $0x60, $0x38;
	[tilespmem:$0x18780] =	vst v63  }
0x16: {  	s19 =	simm.s32 $0x100  }
0x17: {  	[tilespmem:s19], [sflag:$0x3] =	stream.linear.gather [hbm4b:s7+s4], $0x40, $0x38;
	[tilespmem:$0x18780] =	vst v63  }
0x18: {  	s22 =	simm.s32 $0x180  }
0x19: {  	[tilespmem:s22], [sflag:$0x3] =	stream.linear.gather [hbm4b:s8+s4], $0x100, $0x38;
	[tilespmem:$0x18780] =	vst v63  }
0x1a: {  	s23 =	rddreg [dreg:$0x3];
	s20 =	simm.s32 $0x18480  }
0x1b: {  	[tilespmem:s20], [sflag:$0x3] =	stream.linear.gather [hbm4b:s23+s4], $0x100, $0x38;
	[tilespmem:$0x18780] =	vst v63  }
0x1c: {  	s24 =	simm.s32 $0x18580  }
0x1d: {  	[tilespmem:s24], [sflag:$0x3] =	stream.strided.gather [hbm4b:s1+s12], $0x200, s21, s12, $0x38;
	[tilespmem:$0x18780] =	vst v63  }
0x1e: {  	_ =	swait.ge [sflag:s18], $0x60  }
0x1f: {  	[sflag:s18] =	ssyncset.done $0x0  }
0x20: {  	[sflag:s18] =	ssyncadd.s32 $0xFFFFFFA0  }
0x21: {  	_ =	swait.ge [sflag:s18], $0x60  }
0x22: {  	[sflag:s18] =	ssyncset.done $0x0  }
0x23: {  	[sflag:s18] =	ssyncadd.s32 $0xFFFFFFA0  }
0x24: {  	_ =	swait.ge [sflag:s18], $0x40  }
0x25: {  	[sflag:s18] =	ssyncset.done $0x0  }
0x26: {  	[sflag:s18] =	ssyncadd.s32 $0xFFFFFFC0  }
0x27: {  	_ =	swait.ge [sflag:s18], $0x100  }
0x28: {  	[sflag:s18] =	ssyncset.done $0x0  }
0x29: {  	[sflag:s18] =	ssyncadd.s32 $0xFFFFFF00  }
0x2a: {  	_ =	swait.ge [sflag:s18], $0x100  }
0x2b: {  	[sflag:s18] =	ssyncset.done $0x0  }
0x2c: {  	[sflag:s18] =	ssyncadd.s32 $0xFFFFFF00  }
0x2d: {  	v16 =	vld [tilespmem:$0x18480]  }
0x2e: {  	v15 =	vld [tilespmem:$0x18500]  }
0x2f: {  	v3 =	vld [tilespmem:$0x180]  }
0x30: {  	v4 =	vld [tilespmem:$0x190]  }
0x31: {  	v6 =	vld [tilespmem:$0x1A0]  }
0x32: {  	v7 =	vld [tilespmem:$0x1B0];
	_ =	sdelay $0x3  }
0x33: {  	v5 =	vld [tilespmem:$0x0];
	vm1 =	vge.f32 v3, v16;
	vm2 =	vlt.f32 v3, v15;
	vm3 =	vlt.f32 v4, v15  }
0x34: {  	vm4 =	vge.f32 v6, v16;
	vm5 =	vlt.f32 v6, v15;
	vm8 =	vge.f32 v7, v16  }
0x35: {  	v3 =	vld [tilespmem:$0x10];
	vm9 =	vlt.f32 v7, v15;
	vm1 =	vmneg vm1;
	vm2 =	vmneg vm2  }
0x36: {  	v6 =	vld [tilespmem:$0x1C0];
	vm3 =	vmneg vm3;
	vm1 =	vmor vm1, vm2;
	vm2 =	vge.f32 v4, v16  }
0x37: {  	v7 =	vld [tilespmem:$0x1D0];
	vm15 =	vmneg vm5;
	vm5 =	vmneg vm9;
	vm2 =	vmneg vm2  }
0x38: {  	v8 =	vld [tilespmem:$0x30];
	v5 =	vsel vm1, $0x0, v5;
	vm2 =	vmor vm2, vm3;
	vm3 =	vmneg vm4  }
0x39: {  	vm4 =	vmneg vm8;
	v9 =	vshll.u32 v5, $0x2;
	v10 =	vand.u32 $0x7, v5  }
0x3a: {  	v4 =	vld [tilespmem:$0x20];
	v3 =	vsel vm2, $0x0, v3;
	vm3 =	vmor vm3, vm15;
	v9 =	vand.u32 $0xFFFFFFE0, v9  }
0x3b: {  	v11 =	vld [tilespmem:$0x40];
	vm4 =	vmor vm4, vm5;
	vm10 =	vge.f32 v6, v16;
	v9 =	vor.u32 v10, v9  }
0x3c: {  	vm6 =	vlt.f32 v6, v15;
	v6 =	vld [tilespmem:$0x50];
	vm7 =	vge.f32 v7, v16;
	v10 =	vperm.xlane v9, v0  }
0x3d: {  	[tilespmem:$0x0] =	vst v5;
	vm8 =	vlt.f32 v7, v15;
	v5 =	vsel vm4, $0x0, v8;
	vm5 =	vmneg vm10  }
0x3e: {  	vm6 =	vmneg vm6;
	[tilespmem:$0x10] =	vst v3;
	vm11 =	vmneg vm7;
	v3 =	vadd.s32 v1, v10  }
0x3f: {  	vm12 =	vmneg vm8;
	v4 =	vsel vm3, $0x0, v4;
	vm5 =	vmor vm5, vm6;
	[tilespmem:$0x30] =	vst v5  }
0x40: {  	vm6 =	vmor vm11, vm12;
	v5 =	vperm.xlane v9, v2;
	[tilespmem:$0x20] =	vst v4;
	v4 =	vsel vm5, $0x0, v11  }
0x41: {  	[tilespmem:$0x40] =	vst v4;
	v4 =	vsel vm6, $0x0, v6  }
0x42: {  	[tilespmem:$0x50] =	vst v4;
	v4 =	vadd.s32 v1, v5  }
0x43: {  	[tilespmem:s25], [sflag:$0x1] =	stream.indirect_vreg.gather [hbm4b:s1+s4], $0x80, v3, vm0, $0xb8;
	[tilespmem:$0x18780] =	vst v63  }
0x44: {  	_ = 	snop  }
0x45: {  	[tilespmem:s26], [sflag:$0x1] =	stream.indirect_vreg.gather [hbm4b:s9+s4], $0x80, v3, vm0, $0xb8;
	[tilespmem:$0x18780] =	vst v63  }
0x46: {  	s20 =	simm.s32 $0x1280  }
0x47: {  	[tilespmem:s20], [sflag:$0x1] =	stream.indirect_vreg.gather [hbm4b:s1+s4], $0x80, v4, vm0, $0xb8;
	[tilespmem:$0x18780] =	vst v63  }
0x48: {  	s21 =	simm.s32 $0x1A80  }
0x49: {  	[tilespmem:s21], [sflag:$0x1] =	stream.indirect_vreg.gather [hbm4b:s9+s4], $0x80, v4, vm0, $0xb8;
	[tilespmem:$0x18780] =	vst v63  }
0x4a: {  	v3 =	vld [tilespmem:$0x10];
	_ =	sdelay $0x4  }
0x4b: {  	v4 =	vshll.u32 v3, $0x2  }
0x4c: {  	v3 =	vand.u32 $0x7, v3;
	v4 =	vand.u32 $0xFFFFFFE0, v4  }
0x4d: {  	v3 =	vor.u32 v3, v4  }
0x4e: {  	v4 =	vperm.xlane v3, v0;
	_ =	sdelay $0x1  }
0x4f: {  	v4 =	vadd.s32 v1, v4;
	_ =	sdelay $0x1  }
0x50: {  	v3 =	vperm.xlane v3, v2;
	_ =	sdelay $0x1  }
0x51: {  	s22 =	simm.s32 $0x2280;
	v3 =	vadd.s32 v1, v3  }
0x52: {  	[tilespmem:s22], [sflag:$0x1] =	stream.indirect_vreg.gather [hbm4b:s1+s4], $0x80, v4, vm0, $0xb8;
	[tilespmem:$0x18780] =	vst v63  }
0x53: {  	s23 =	simm.s32 $0x2A80  }
0x54: {  	[tilespmem:s23], [sflag:$0x1] =	stream.indirect_vreg.gather [hbm4b:s9+s4], $0x80, v4, vm0, $0xb8;
	[tilespmem:$0x18780] =	vst v63  }
0x55: {  	s24 =	simm.s32 $0x3280  }
0x56: {  	[tilespmem:s24], [sflag:$0x1] =	stream.indirect_vreg.gather [hbm4b:s1+s4], $0x80, v3, vm0, $0xb8;
	[tilespmem:$0x18780] =	vst v63  }
0x57: {  	s20 =	simm.s32 $0x3A80  }
0x58: {  	[tilespmem:s20], [sflag:$0x1] =	stream.indirect_vreg.gather [hbm4b:s9+s4], $0x80, v3, vm0, $0xb8;
	[tilespmem:$0x18780] =	vst v63  }
0x59: {  	v3 =	vld [tilespmem:$0x20];
	_ =	sdelay $0x4  }
0x5a: {  	v4 =	vshll.u32 v3, $0x2  }
0x5b: {  	v3 =	vand.u32 $0x7, v3;
	v4 =	vand.u32 $0xFFFFFFE0, v4  }
0x5c: {  	v3 =	vor.u32 v3, v4  }
0x5d: {  	v4 =	vperm.xlane v3, v0;
	_ =	sdelay $0x1  }
0x5e: {  	v4 =	vadd.s32 v1, v4;
	_ =	sdelay $0x1  }
0x5f: {  	v3 =	vperm.xlane v3, v2;
	_ =	sdelay $0x1  }
0x60: {  	v3 =	vadd.s32 v1, v3  }
0x61: {  	[tilespmem:s28], [sflag:$0x1] =	stream.indirect_vreg.gather [hbm4b:s1+s4], $0x80, v4, vm0, $0xb8;
	[tilespmem:$0x18780] =	vst v63  }
0x62: {  	_ = 	snop  }
0x63: {  	[tilespmem:s29], [sflag:$0x1] =	stream.indirect_vreg.gather [hbm4b:s9+s4], $0x80, v4, vm0, $0xb8;
	[tilespmem:$0x18780] =	vst v63  }
0x64: {  	_ = 	snop  }
0x65: {  	[tilespmem:s30], [sflag:$0x1] =	stream.indirect_vreg.gather [hbm4b:s1+s4], $0x80, v3, vm0, $0xb8;
	[tilespmem:$0x18780] =	vst v63  }
0x66: {  	_ = 	snop  }
0x67: {  	[tilespmem:s31], [sflag:$0x1] =	stream.indirect_vreg.gather [hbm4b:s9+s4], $0x80, v3, vm0, $0xb8;
	[tilespmem:$0x18780] =	vst v63  }
0x68: {  	v3 =	vld [tilespmem:$0x30];
	_ =	sdelay $0x4  }
0x69: {  	v4 =	vshll.u32 v3, $0x2  }
0x6a: {  	v3 =	vand.u32 $0x7, v3;
	v4 =	vand.u32 $0xFFFFFFE0, v4  }
0x6b: {  	v3 =	vor.u32 v3, v4  }
0x6c: {  	v4 =	vperm.xlane v3, v0;
	_ =	sdelay $0x1  }
0x6d: {  	v4 =	vadd.s32 v1, v4;
	_ =	sdelay $0x1  }
0x6e: {  	v3 =	vperm.xlane v3, v2;
	_ =	sdelay $0x1  }
0x6f: {  	v3 =	vadd.s32 v1, v3  }
0x70: {  	[tilespmem:s0], [sflag:$0x1] =	stream.indirect_vreg.gather [hbm4b:s1+s4], $0x80, v4, vm0, $0xb8;
	[tilespmem:$0x18780] =	vst v63  }
0x71: {  	_ = 	snop  }
0x72: {  	[tilespmem:s3], [sflag:$0x1] =	stream.indirect_vreg.gather [hbm4b:s9+s4], $0x80, v4, vm0, $0xb8;
	[tilespmem:$0x18780] =	vst v63  }
0x73: {  	_ = 	snop  }
0x74: {  	[tilespmem:s2], [sflag:$0x1] =	stream.indirect_vreg.gather [hbm4b:s1+s4], $0x80, v3, vm0, $0xb8;
	[tilespmem:$0x18780] =	vst v63  }
0x75: {  	_ = 	snop  }
0x76: {  	[tilespmem:s13], [sflag:$0x1] =	stream.indirect_vreg.gather [hbm4b:s9+s4], $0x80, v3, vm0, $0xb8;
	[tilespmem:$0x18780] =	vst v63  }
0x77: {  	v3 =	vld [tilespmem:$0x40];
	_ =	sdelay $0x4  }
0x78: {  	v4 =	vshll.u32 v3, $0x2  }
0x79: {  	v3 =	vand.u32 $0x7, v3;
	v4 =	vand.u32 $0xFFFFFFE0, v4  }
0x7a: {  	v3 =	vor.u32 v3, v4  }
0x7b: {  	v4 =	vperm.xlane v3, v0;
	_ =	sdelay $0x1  }
0x7c: {  	v4 =	vadd.s32 v1, v4;
	_ =	sdelay $0x1  }
0x7d: {  	v3 =	vperm.xlane v3, v2;
	_ =	sdelay $0x1  }
0x7e: {  	s21 =	simm.s32 $0x8280;
	v3 =	vadd.s32 v1, v3  }
0x7f: {  	[tilespmem:s21], [sflag:$0x1] =	stream.indirect_vreg.gather [hbm4b:s1+s4], $0x80, v4, vm0, $0xb8;
	[tilespmem:$0x18780] =	vst v63  }
0x80: {  	s22 =	simm.s32 $0x8A80  }
0x81: {  	[tilespmem:s22], [sflag:$0x1] =	stream.indirect_vreg.gather [hbm4b:s9+s4], $0x80, v4, vm0, $0xb8;
	[tilespmem:$0x18780] =	vst v63  }
0x82: {  	s23 =	simm.s32 $0x9280  }
0x83: {  	[tilespmem:s23], [sflag:$0x1] =	stream.indirect_vreg.gather [hbm4b:s1+s4], $0x80, v3, vm0, $0xb8;
	[tilespmem:$0x18780] =	vst v63  }
0x84: {  	s24 =	simm.s32 $0x9A80  }
0x85: {  	[tilespmem:s24], [sflag:$0x1] =	stream.indirect_vreg.gather [hbm4b:s9+s4], $0x80, v3, vm0, $0xb8;
	[tilespmem:$0x18780] =	vst v63  }
0x86: {  	v3 =	vld [tilespmem:$0x50];
	_ =	sdelay $0x4  }
0x87: {  	v4 =	vshll.u32 v3, $0x2  }
0x88: {  	v3 =	vand.u32 $0x7, v3;
	v4 =	vand.u32 $0xFFFFFFE0, v4  }
0x89: {  	v3 =	vor.u32 v3, v4  }
0x8a: {  	v4 =	vperm.xlane v3, v0;
	_ =	sdelay $0x1  }
0x8b: {  	v4 =	vadd.s32 v1, v4;
	_ =	sdelay $0x1  }
0x8c: {  	v3 =	vperm.xlane v3, v2;
	_ =	sdelay $0x1  }
0x8d: {  	s20 =	simm.s32 $0xA280;
	v3 =	vadd.s32 v1, v3  }
0x8e: {  	[tilespmem:s20], [sflag:$0x1] =	stream.indirect_vreg.gather [hbm4b:s1+s4], $0x80, v4, vm0, $0xb8;
	[tilespmem:$0x18780] =	vst v63  }
0x8f: {  	s21 =	simm.s32 $0xAA80  }
0x90: {  	[tilespmem:s21], [sflag:$0x1] =	stream.indirect_vreg.gather [hbm4b:s9+s4], $0x80, v4, vm0, $0xb8;
	[tilespmem:$0x18780] =	vst v63  }
0x91: {  	s22 =	simm.s32 $0xB280  }
0x92: {  	[tilespmem:s22], [sflag:$0x1] =	stream.indirect_vreg.gather [hbm4b:s1+s4], $0x80, v3, vm0, $0xb8;
	[tilespmem:$0x18780] =	vst v63  }
0x93: {  	s23 =	simm.s32 $0xBA80  }
0x94: {  	[tilespmem:s23], [sflag:$0x1] =	stream.indirect_vreg.gather [hbm4b:s9+s4], $0x80, v3, vm0, $0xb8;
	[tilespmem:$0x18780] =	vst v63  }
0x95: {  	v3 =	vld [tilespmem:$0x1E0]  }
0x96: {  	v4 =	vld [tilespmem:$0x1F0]  }
0x97: {  	v6 =	vld [tilespmem:$0x200];
	_ =	sdelay $0x1  }
0x98: {  	v7 =	vld [tilespmem:$0x210];
	_ =	sdelay $0x1  }
0x99: {  	v5 =	vld [tilespmem:$0x80];
	vm13 =	vge.f32 v3, v16;
	vm14 =	vlt.f32 v3, v15;
	vm15 =	vge.f32 v4, v16  }
0x9a: {  	vm9 =	vlt.f32 v4, v15;
	vm10 =	vge.f32 v6, v16;
	vm11 =	vlt.f32 v6, v15  }
0x9b: {  	vm7 =	vmneg vm13;
	vm8 =	vmneg vm14;
	vm9 =	vmneg vm9  }
0x9c: {  	v4 =	vld [tilespmem:$0x220];
	vm12 =	vmneg vm10;
	vm13 =	vmneg vm11;
	vm14 =	vge.f32 v7, v16  }
0x9d: {  	v3 =	vld [tilespmem:$0x90];
	vm7 =	vmor vm7, vm8;
	vm8 =	vmneg vm15;
	vm10 =	vmneg vm14  }
0x9e: {  	v6 =	vld [tilespmem:$0xA0];
	vm15 =	vlt.f32 v7, v15;
	v5 =	vsel vm7, $0x0, v5;
	vm8 =	vmor vm8, vm9  }
0x9f: {  	v7 =	vld [tilespmem:$0x230];
	vm9 =	vmor vm12, vm13;
	vm11 =	vmneg vm15;
	v8 =	vshll.u32 v5, $0x2  }
0xa0: {  	v9 =	vld [tilespmem:$0xB0];
	v10 =	vand.u32 $0x7, v5;
	vm11 =	vmor vm10, vm11;
	v8 =	vand.u32 $0xFFFFFFE0, v8  }
0xa1: {  	vm12 =	vge.f32 v4, v16;
	vm13 =	vlt.f32 v4, v15;
	v4 =	vld [tilespmem:$0xC0];
	v8 =	vor.u32 v10, v8  }
0xa2: {  	vm12 =	vmneg vm12;
	vm13 =	vmneg vm13;
	v10 =	vld [tilespmem:$0xD0];
	v11 =	vperm.xlane v8, v0  }
0xa3: {  	[tilespmem:$0x80] =	vst v5;
	v3 =	vsel vm8, $0x0, v3;
	v5 =	vsel vm9, $0x0, v6;
	vm10 =	vmor vm12, vm13  }
0xa4: {  	[tilespmem:$0x90] =	vst v3;
	vm12 =	vge.f32 v7, v16;
	vm13 =	vlt.f32 v7, v15;
	v3 =	vadd.s32 v1, v11  }
0xa5: {  	[tilespmem:$0xA0] =	vst v5;
	v5 =	vsel vm11, $0x0, v9;
	vm12 =	vmneg vm12;
	vm13 =	vmneg vm13  }
0xa6: {  	[tilespmem:$0xB0] =	vst v5;
	v5 =	vperm.xlane v8, v2;
	vm12 =	vmor vm12, vm13;
	v4 =	vsel vm10, $0x0, v4  }
0xa7: {  	[tilespmem:$0xC0] =	vst v4;
	v4 =	vsel vm12, $0x0, v10  }
0xa8: {  	s24 =	simm.s32 $0xC280;
	[tilespmem:$0xD0] =	vst v4;
	v4 =	vadd.s32 v1, v5  }
0xa9: {  	[tilespmem:s24], [sflag:$0x2] =	stream.indirect_vreg.gather [hbm4b:s1+s4], $0x80, v3, vm0, $0xb8;
	[tilespmem:$0x18780] =	vst v63  }
0xaa: {  	s20 =	simm.s32 $0xCA80  }
0xab: {  	[tilespmem:s20], [sflag:$0x2] =	stream.indirect_vreg.gather [hbm4b:s9+s4], $0x80, v3, vm0, $0xb8;
	[tilespmem:$0x18780] =	vst v63  }
0xac: {  	s21 =	simm.s32 $0xD280  }
0xad: {  	[tilespmem:s21], [sflag:$0x2] =	stream.indirect_vreg.gather [hbm4b:s1+s4], $0x80, v4, vm0, $0xb8;
	[tilespmem:$0x18780] =	vst v63  }
0xae: {  	s22 =	simm.s32 $0xDA80  }
0xaf: {  	[tilespmem:s22], [sflag:$0x2] =	stream.indirect_vreg.gather [hbm4b:s9+s4], $0x80, v4, vm0, $0xb8;
	[tilespmem:$0x18780] =	vst v63  }
0xb0: {  	v3 =	vld [tilespmem:$0x90];
	_ =	sdelay $0x4  }
0xb1: {  	v4 =	vshll.u32 v3, $0x2  }
0xb2: {  	v3 =	vand.u32 $0x7, v3;
	v4 =	vand.u32 $0xFFFFFFE0, v4  }
0xb3: {  	v3 =	vor.u32 v3, v4  }
0xb4: {  	v4 =	vperm.xlane v3, v0;
	_ =	sdelay $0x1  }
0xb5: {  	v4 =	vadd.s32 v1, v4;
	_ =	sdelay $0x1  }
0xb6: {  	v3 =	vperm.xlane v3, v2;
	_ =	sdelay $0x1  }
0xb7: {  	s23 =	simm.s32 $0xE280;
	v3 =	vadd.s32 v1, v3  }
0xb8: {  	[tilespmem:s23], [sflag:$0x2] =	stream.indirect_vreg.gather [hbm4b:s1+s4], $0x80, v4, vm0, $0xb8;
	[tilespmem:$0x18780] =	vst v63  }
0xb9: {  	s24 =	simm.s32 $0xEA80  }
0xba: {  	[tilespmem:s24], [sflag:$0x2] =	stream.indirect_vreg.gather [hbm4b:s9+s4], $0x80, v4, vm0, $0xb8;
	[tilespmem:$0x18780] =	vst v63  }
0xbb: {  	s20 =	simm.s32 $0xF280  }
0xbc: {  	[tilespmem:s20], [sflag:$0x2] =	stream.indirect_vreg.gather [hbm4b:s1+s4], $0x80, v3, vm0, $0xb8;
	[tilespmem:$0x18780] =	vst v63  }
0xbd: {  	s21 =	simm.s32 $0xFA80  }
0xbe: {  	[tilespmem:s21], [sflag:$0x2] =	stream.indirect_vreg.gather [hbm4b:s9+s4], $0x80, v3, vm0, $0xb8;
	[tilespmem:$0x18780] =	vst v63  }
0xbf: {  	v3 =	vld [tilespmem:$0xA0];
	_ =	sdelay $0x4  }
0xc0: {  	v4 =	vshll.u32 v3, $0x2  }
0xc1: {  	v3 =	vand.u32 $0x7, v3;
	v4 =	vand.u32 $0xFFFFFFE0, v4  }
0xc2: {  	v3 =	vor.u32 v3, v4  }
0xc3: {  	v4 =	vperm.xlane v3, v0;
	_ =	sdelay $0x1  }
0xc4: {  	v4 =	vadd.s32 v1, v4;
	_ =	sdelay $0x1  }
0xc5: {  	v3 =	vperm.xlane v3, v2;
	_ =	sdelay $0x1  }
0xc6: {  	s22 =	simm.s32 $0x10280;
	v3 =	vadd.s32 v1, v3  }
0xc7: {  	[tilespmem:s22], [sflag:$0x2] =	stream.indirect_vreg.gather [hbm4b:s1+s4], $0x80, v4, vm0, $0xb8;
	[tilespmem:$0x18780] =	vst v63  }
0xc8: {  	s23 =	simm.s32 $0x10A80  }
0xc9: {  	[tilespmem:s23], [sflag:$0x2] =	stream.indirect_vreg.gather [hbm4b:s9+s4], $0x80, v4, vm0, $0xb8;
	[tilespmem:$0x18780] =	vst v63  }
0xca: {  	s24 =	simm.s32 $0x11280  }
0xcb: {  	[tilespmem:s24], [sflag:$0x2] =	stream.indirect_vreg.gather [hbm4b:s1+s4], $0x80, v3, vm0, $0xb8;
	[tilespmem:$0x18780] =	vst v63  }
0xcc: {  	s20 =	simm.s32 $0x11A80  }
0xcd: {  	[tilespmem:s20], [sflag:$0x2] =	stream.indirect_vreg.gather [hbm4b:s9+s4], $0x80, v3, vm0, $0xb8;
	[tilespmem:$0x18780] =	vst v63  }
0xce: {  	v3 =	vld [tilespmem:$0xB0];
	_ =	sdelay $0x4  }
0xcf: {  	v4 =	vshll.u32 v3, $0x2  }
0xd0: {  	v3 =	vand.u32 $0x7, v3;
	v4 =	vand.u32 $0xFFFFFFE0, v4  }
0xd1: {  	v3 =	vor.u32 v3, v4  }
0xd2: {  	v4 =	vperm.xlane v3, v0;
	_ =	sdelay $0x1  }
0xd3: {  	v4 =	vadd.s32 v1, v4;
	_ =	sdelay $0x1  }
0xd4: {  	v3 =	vperm.xlane v3, v2;
	_ =	sdelay $0x1  }
0xd5: {  	s21 =	simm.s32 $0x12280;
	v3 =	vadd.s32 v1, v3  }
0xd6: {  	[tilespmem:s21], [sflag:$0x2] =	stream.indirect_vreg.gather [hbm4b:s1+s4], $0x80, v4, vm0, $0xb8;
	[tilespmem:$0x18780] =	vst v63  }
0xd7: {  	s22 =	simm.s32 $0x12A80  }
0xd8: {  	[tilespmem:s22], [sflag:$0x2] =	stream.indirect_vreg.gather [hbm4b:s9+s4], $0x80, v4, vm0, $0xb8;
	[tilespmem:$0x18780] =	vst v63  }
0xd9: {  	s23 =	simm.s32 $0x13280  }
0xda: {  	[tilespmem:s23], [sflag:$0x2] =	stream.indirect_vreg.gather [hbm4b:s1+s4], $0x80, v3, vm0, $0xb8;
	[tilespmem:$0x18780] =	vst v63  }
0xdb: {  	s24 =	simm.s32 $0x13A80  }
0xdc: {  	[tilespmem:s24], [sflag:$0x2] =	stream.indirect_vreg.gather [hbm4b:s9+s4], $0x80, v3, vm0, $0xb8;
	[tilespmem:$0x18780] =	vst v63  }
0xdd: {  	v3 =	vld [tilespmem:$0xC0];
	_ =	sdelay $0x4  }
0xde: {  	v4 =	vshll.u32 v3, $0x2  }
0xdf: {  	v3 =	vand.u32 $0x7, v3;
	v4 =	vand.u32 $0xFFFFFFE0, v4  }
0xe0: {  	v3 =	vor.u32 v3, v4  }
0xe1: {  	v4 =	vperm.xlane v3, v0;
	_ =	sdelay $0x1  }
0xe2: {  	v4 =	vadd.s32 v1, v4;
	_ =	sdelay $0x1  }
0xe3: {  	v3 =	vperm.xlane v3, v2;
	_ =	sdelay $0x1  }
0xe4: {  	s20 =	simm.s32 $0x14280;
	v3 =	vadd.s32 v1, v3  }
0xe5: {  	[tilespmem:s20], [sflag:$0x2] =	stream.indirect_vreg.gather [hbm4b:s1+s4], $0x80, v4, vm0, $0xb8;
	[tilespmem:$0x18780] =	vst v63  }
0xe6: {  	s21 =	simm.s32 $0x14A80  }
0xe7: {  	[tilespmem:s21], [sflag:$0x2] =	stream.indirect_vreg.gather [hbm4b:s9+s4], $0x80, v4, vm0, $0xb8;
	[tilespmem:$0x18780] =	vst v63  }
0xe8: {  	s22 =	simm.s32 $0x15280  }
0xe9: {  	[tilespmem:s22], [sflag:$0x2] =	stream.indirect_vreg.gather [hbm4b:s1+s4], $0x80, v3, vm0, $0xb8;
	[tilespmem:$0x18780] =	vst v63  }
0xea: {  	s23 =	simm.s32 $0x15A80  }
0xeb: {  	[tilespmem:s23], [sflag:$0x2] =	stream.indirect_vreg.gather [hbm4b:s9+s4], $0x80, v3, vm0, $0xb8;
	[tilespmem:$0x18780] =	vst v63  }
0xec: {  	v3 =	vld [tilespmem:$0xD0];
	_ =	sdelay $0x4  }
0xed: {  	v4 =	vshll.u32 v3, $0x2  }
0xee: {  	v3 =	vand.u32 $0x7, v3;
	v4 =	vand.u32 $0xFFFFFFE0, v4  }
0xef: {  	v3 =	vor.u32 v3, v4  }
0xf0: {  	v4 =	vperm.xlane v3, v0;
	_ =	sdelay $0x1  }
0xf1: {  	v4 =	vadd.s32 v1, v4;
	_ =	sdelay $0x1  }
0xf2: {  	v3 =	vperm.xlane v3, v2;
	_ =	sdelay $0x1  }
0xf3: {  	s24 =	simm.s32 $0x16280;
	v3 =	vadd.s32 v1, v3  }
0xf4: {  	[tilespmem:s24], [sflag:$0x2] =	stream.indirect_vreg.gather [hbm4b:s1+s4], $0x80, v4, vm0, $0xb8;
	[tilespmem:$0x18780] =	vst v63  }
0xf5: {  	s20 =	simm.s32 $0x16A80  }
0xf6: {  	[tilespmem:s20], [sflag:$0x2] =	stream.indirect_vreg.gather [hbm4b:s9+s4], $0x80, v4, vm0, $0xb8;
	[tilespmem:$0x18780] =	vst v63  }
0xf7: {  	s21 =	simm.s32 $0x17280  }
0xf8: {  	[tilespmem:s21], [sflag:$0x2] =	stream.indirect_vreg.gather [hbm4b:s1+s4], $0x80, v3, vm0, $0xb8;
	[tilespmem:$0x18780] =	vst v63  }
0xf9: {  	s22 =	simm.s32 $0x17A80  }
0xfa: {  	[tilespmem:s22], [sflag:$0x2] =	stream.indirect_vreg.gather [hbm4b:s9+s4], $0x80, v3, vm0, $0xb8;
	[tilespmem:$0x18780] =	vst v63  }
0xfb: {  	_ =	swait.ge [sflag:s17], $0xC000  }
0xfc: {  	s23 =	sand.u32 $0xF000, s4;
	s24 =	sand.u32 $0x200, s4;
	[sflag:s17] =	ssyncset.done $0x0  }
0xfd: {  	s20 =	sor.u32 s24, s23;
	[sflag:s17] =	ssyncadd.s32 $0xFFFF4000  }
0xfe: {  	v6 =	vld [tilespmem:s20+$0x400]  }
0xff: {  	v11 =	vld [tilespmem:s20+$0x410]  }
0x100: {  	v12 =	vld [tilespmem:s20+$0x420]  }
0x101: {  	v19 =	vld [tilespmem:s20+$0x430]  }
0x102: {  	v4 =	vld [tilespmem:s20+$0x440]  }
0x103: {  	v5 =	vld [tilespmem:s20+$0x450]  }
0x104: {  	v14 =	vld [tilespmem:s20+$0x380]  }
0x105: {  	v17 =	vmpcnt.ones.xlane vm3;
	v25 =	vld [tilespmem:s20+$0x390]  }
0x106: {  	v18 =	vld [tilespmem:s20+$0x3A0]  }
0x107: {  	[tilespmem:$0x1FF60] =	vst v17;
	v17 =	vmpcnt.ones.xlane vm4;
	v22 =	vld [tilespmem:s20+$0x3B0]  }
0x108: {  	v13 =	vmpcnt.ones.xlane vm1;
	v9 =	vld [tilespmem:s20+$0x3C0]  }
0x109: {  	v10 =	vld [tilespmem:s20+$0x3D0];
	[tilespmem:$0x1FF70] =	vst v17;
	v17 =	vmpcnt.ones.xlane vm5  }
0x10a: {  	[tilespmem:$0x1FF40] =	vst v13;
	v13 =	vmpcnt.ones.xlane vm2;
	v3 =	vld [tilespmem:s20+$0x300]  }
0x10b: {  	v7 =	vld [tilespmem:s20+$0x280];
	[tilespmem:$0x1FF80] =	vst v17;
	v17 =	vmpcnt.ones.xlane vm6  }
0x10c: {  	v8 =	vld [tilespmem:s20+$0x290];
	[tilespmem:$0x1FF50] =	vst v13  }
0x10d: {  	v13 =	vld [tilespmem:s20+$0x2A0];
	[tilespmem:$0x1FF90] =	vst v17;
	v17 =	vmpcnt.ones.xlane vm7  }
0x10e: {  	v23 =	vmpcnt.ones.xlane vm9;
	v20 =	vld [tilespmem:s20+$0x2B0]  }
0x10f: {  	v21 =	vld [tilespmem:s20+$0x310];
	[tilespmem:$0x1FFA0] =	vst v17;
	v17 =	vmpcnt.ones.xlane vm8  }
0x110: {  	[tilespmem:$0x1FFC0] =	vst v23;
	v23 =	vmpcnt.ones.xlane vm11;
	v33 =	vld [tilespmem:s20+$0x330]  }
0x111: {  	v24 =	vmpcnt.ones.xlane vm10;
	[tilespmem:$0x1FFB0] =	vst v17;
	v17 =	vld [tilespmem:s20+$0x320]  }
0x112: {  	v27 =	vimm.f32 $0.0e+00;
	v28 =	vimm.f32 $0.0e+00;
	[tilespmem:$0x1FFD0] =	vst v23;
	v23 =	vimm.f32 $0.0e+00;
	v29 =	vld [tilespmem:s20+$0x340]  }
0x113: {  	[tilespmem:$0x1FFE0] =	vst v24;
	v24 =	vmpcnt.ones.xlane vm12;
	v30 =	vld [tilespmem:s20+$0x350];
	v7 =	vadd.f32 v7, v23;
	v8 =	vadd.f32 v8, v23  }
0x114: {  	v31 =	vld [tilespmem:s20+$0x2C0];
	v34 =	vadd.f32 v13, v23;
	v36 =	vadd.f32 v20, v23;
	v20 =	vimm.f32 $0.0e+00  }
0x115: {  	s19 =	simm.s32 $0x200;
	s21 =	simm.s32 $0x0;
	[tilespmem:$0x1FFF0] =	vst v24;
	v32 =	vld [tilespmem:s20+$0x2D0];
	v37 =	vadd.f32 v3, v7;
	v38 =	vadd.f32 v21, v8;
	v21 =	vimm.f32 $0.0e+00  }
.LBB2_2:
0x116: {  	p0 =	sne.s32 s19, $0x2E00;
	v3 =	vld [tilespmem:s20+$0x2E0];
	v7 =	vadd.f32 v17, v34;
	v8 =	vadd.f32 v33, v36  }
0x117: {  	v13 =	vld [tilespmem:s20+$0x2F0];
	v14 =	vadd.f32 v14, v37;
	v17 =	vadd.f32 v25, v38  }
0x118: {  	v24 =	vld [tilespmem:s20+$0x360];
	v7 =	vadd.f32 v18, v7;
	v8 =	vadd.f32 v22, v8  }
0x119: {  	v18 =	vld [tilespmem:s20+$0x370];
	v26 =	vadd.f32 v6, v14;
	v34 =	vadd.f32 v11, v17  }
0x11a: {  	v14 =	vld [tilespmem:s20+$0x3E0];
	v7 =	vadd.f32 v12, v7;
	v8 =	vadd.f32 v19, v8  }
0x11b: {  	s21 =	sadd.s32 $0x800, s21;
	v6 =	vadd.f32 v31, v27;
	v11 =	vadd.f32 v32, v28;
	v17 =	vld [tilespmem:s20+$0x3F0]  }
0x11c: {  	s23 =	sand.u32 $0x200, s19;
	s22 =	sand.u32 $0xF000, s21;
	v3 =	vadd.f32 v3, v20;
	v12 =	vadd.f32 v13, v21;
	v13 =	vld [tilespmem:s20+$0x460]  }
0x11d: {  	v19 =	vadd.f32 v29, v6;
	v20 =	vadd.f32 v30, v11;
	v21 =	vld [tilespmem:s20+$0x470];
	s20 =	sor.u32 s23, s22  }
0x11e: {  	v3 =	vadd.f32 v24, v3;
	v6 =	vld [tilespmem:s20+$0x400];
	v18 =	vadd.f32 v18, v12  }
0x11f: {  	v9 =	vadd.f32 v9, v19;
	v10 =	vadd.f32 v10, v20;
	v11 =	vld [tilespmem:s20+$0x410]  }
0x120: {  	v3 =	vadd.f32 v14, v3;
	v12 =	vld [tilespmem:s20+$0x420];
	v14 =	vadd.f32 v17, v18  }
0x121: {  	v27 =	vadd.f32 v4, v9;
	v28 =	vadd.f32 v5, v10;
	v19 =	vld [tilespmem:s20+$0x430]  }
0x122: {  	v20 =	vadd.f32 v13, v3;
	v4 =	vld [tilespmem:s20+$0x440];
	v21 =	vadd.f32 v21, v14  }
0x123: {  	v5 =	vld [tilespmem:s20+$0x450]  }
0x124: {  	v14 =	vld [tilespmem:s20+$0x380]  }
0x125: {  	v25 =	vld [tilespmem:s20+$0x390]  }
0x126: {  	v18 =	vld [tilespmem:s20+$0x3A0]  }
0x127: {  	v22 =	vld [tilespmem:s20+$0x3B0]  }
0x128: {  	v9 =	vld [tilespmem:s20+$0x3C0]  }
0x129: {  	v10 =	vld [tilespmem:s20+$0x3D0]  }
0x12a: {  	v3 =	vld [tilespmem:s20+$0x300]  }
0x12b: {  	v13 =	vld [tilespmem:s20+$0x310]  }
0x12c: {  	v24 =	vld [tilespmem:s20+$0x280]  }
0x12d: {  	v30 =	vld [tilespmem:s20+$0x290]  }
0x12e: {  	v31 =	vld [tilespmem:s20+$0x2A0]  }
0x12f: {  	v32 =	vld [tilespmem:s20+$0x2B0]  }
0x130: {  	v17 =	vld [tilespmem:s20+$0x320]  }
.Ltmp0:
0x131: {  	v33 =	vld [tilespmem:s20+$0x330];
	(pc) =	sbr.rel @p0 .LBB2_2-.Ltmp0, $4  }
0x132: {  	v29 =	vld [tilespmem:s20+$0x340]  }
0x133: {  	v24 =	vadd.f32 v24, v26;
	v26 =	vadd.f32 v30, v34;
	v30 =	vld [tilespmem:s20+$0x350]  }
0x134: {  	v34 =	vadd.f32 v31, v7;
	v36 =	vadd.f32 v32, v8;
	v31 =	vld [tilespmem:s20+$0x2C0]  }
0x135: {  	s19 =	sadd.s32 $0x200, s19;
	v37 =	vadd.f32 v3, v24;
	v38 =	vadd.f32 v13, v26;
	v32 =	vld [tilespmem:s20+$0x2D0]  }
0x136: {  	v39 =	vld [tilespmem:s20+$0x2E0]  }
0x137: {  	v40 =	vld [tilespmem:s20+$0x2F0]  }
0x138: {  	v41 =	vld [tilespmem:s20+$0x360]  }
0x139: {  	v42 =	vld [tilespmem:s20+$0x370]  }
0x13a: {  	v43 =	vld [tilespmem:s20+$0x3E0]  }
0x13b: {  	v44 =	vld [tilespmem:s20+$0x3F0];
	s19 =	simm.s32 $0x0  }
0x13c: {  	v45 =	vld [tilespmem:s20+$0x460];
	s21 =	sand.u32 $0xF000, s19;
	s22 =	sand.u32 $0x200, s19  }
0x13d: {  	v46 =	vld [tilespmem:s20+$0x470];
	s22 =	sor.u32 s22, s21  }
0x13e: {  	v7 =	vld [tilespmem:s22+$0x800]  }
0x13f: {  	v35 =	vld [tilespmem:s22+$0x810]  }
0x140: {  	v26 =	vld [tilespmem:s22+$0x820]  }
0x141: {  	v8 =	vld [tilespmem:s22+$0x830]  }
0x142: {  	v24 =	vld [tilespmem:s22+$0x840]  }
0x143: {  	v34 =	vadd.f32 v17, v34;
	v59 =	vadd.f32 v14, v37;
	v3 =	vld [tilespmem:s22+$0x850]  }
0x144: {  	v33 =	vadd.f32 v33, v36;
	v25 =	vadd.f32 v25, v38;
	v13 =	vld [tilespmem:s22+$0x780]  }
0x145: {  	v34 =	vadd.f32 v18, v34;
	v17 =	vld [tilespmem:s22+$0x790];
	v6 =	vadd.f32 v6, v59  }
0x146: {  	v22 =	vadd.f32 v22, v33;
	v14 =	vld [tilespmem:s22+$0x7A0]  }
0x147: {  	v18 =	vld [tilespmem:s22+$0x7B0];
	[tilespmem:$0x1FF00] =	vst v6;
	v6 =	vadd.f32 v11, v25;
	v11 =	vadd.f32 v12, v34  }
0x148: {  	v60 =	vld [tilespmem:s22+$0x680]  }
0x149: {  	v61 =	vld [tilespmem:s22+$0x690];
	[tilespmem:$0x1FF20] =	vst v11;
	v11 =	vadd.f32 v19, v22  }
0x14a: {  	v62 =	vld [tilespmem:s22+$0x6A0];
	v12 =	vadd.f32 v32, v28  }
0x14b: {  	v63 =	vld [tilespmem:s22+$0x710];
	v19 =	vadd.f32 v39, v20;
	[tilespmem:$0x1FF30] =	vst v11;
	v11 =	vadd.f32 v31, v27  }
0x14c: {  	v33 =	vld [tilespmem:s22+$0x740];
	v20 =	vadd.f32 v40, v21;
	v12 =	vadd.f32 v30, v12  }
0x14d: {  	v36 =	vld [tilespmem:s22+$0x6C0];
	v19 =	vadd.f32 v41, v19;
	v11 =	vadd.f32 v29, v11  }
0x14e: {  	v27 =	vld [tilespmem:s22+$0x700];
	v20 =	vadd.f32 v42, v20;
	v10 =	vadd.f32 v10, v12  }
0x14f: {  	v12 =	vadd.f32 v43, v19;
	v9 =	vadd.f32 v9, v11;
	v11 =	vld [tilespmem:s22+$0x6B0]  }
0x150: {  	v20 =	vadd.f32 v44, v20;
	v22 =	vadd.f32 v5, v10;
	v5 =	vld [tilespmem:s22+$0x720]  }
0x151: {  	v10 =	vadd.f32 v62, v23;
	v21 =	vadd.f32 v4, v9;
	v9 =	vld [tilespmem:s22+$0x730]  }
0x152: {  	v37 =	vld [tilespmem:s22+$0x6D0];
	v19 =	vadd.f32 v45, v12;
	v12 =	vadd.f32 v61, v23  }
0x153: {  	v25 =	vld [tilespmem:s22+$0x7D0];
	v20 =	vadd.f32 v46, v20;
	v4 =	vadd.f32 v60, v23  }
0x154: {  	v34 =	vld [tilespmem:s22+$0x750];
	v40 =	vadd.f32 v63, v12;
	v12 =	vimm.f32 $0.0e+00;
	v38 =	vadd.f32 v11, v23  }
0x155: {  	s20 =	simm.s32 $0x200;
	s21 =	simm.s32 $0x0;
	[tilespmem:$0x1FF10] =	vst v6;
	v6 =	vld [tilespmem:s22+$0x7C0];
	v39 =	vadd.f32 v27, v4;
	v4 =	vimm.f32 $0.0e+00;
	v11 =	vimm.f32 $0.0e+00  }
.LBB2_4:
0x156: {  	p1 =	sne.s32 s20, $0x2E00;
	v27 =	vld [tilespmem:s22+$0x6E0];
	v5 =	vadd.f32 v5, v10;
	v9 =	vadd.f32 v9, v38  }
0x157: {  	v10 =	vld [tilespmem:s22+$0x6F0];
	v13 =	vadd.f32 v13, v39;
	v17 =	vadd.f32 v17, v40  }
0x158: {  	v28 =	vld [tilespmem:s22+$0x760];
	v5 =	vadd.f32 v14, v5;
	v9 =	vadd.f32 v18, v9  }
0x159: {  	v14 =	vld [tilespmem:s22+$0x770];
	v29 =	vadd.f32 v7, v13;
	v30 =	vadd.f32 v35, v17  }
0x15a: {  	v13 =	vld [tilespmem:s22+$0x7E0];
	v31 =	vadd.f32 v26, v5;
	v32 =	vadd.f32 v8, v9  }
0x15b: {  	s21 =	sadd.s32 $0x800, s21;
	v5 =	vadd.f32 v36, v23;
	v4 =	vadd.f32 v37, v4;
	v8 =	vld [tilespmem:s22+$0x7F0]  }
0x15c: {  	s24 =	sand.u32 $0x200, s20;
	s23 =	sand.u32 $0xF000, s21;
	v9 =	vadd.f32 v27, v11;
	v10 =	vadd.f32 v10, v12;
	v11 =	vld [tilespmem:s22+$0x860]  }
0x15d: {  	v5 =	vadd.f32 v33, v5;
	v4 =	vadd.f32 v34, v4;
	v12 =	vld [tilespmem:s22+$0x870];
	s22 =	sor.u32 s24, s23  }
0x15e: {  	v9 =	vadd.f32 v28, v9;
	v7 =	vld [tilespmem:s22+$0x800];
	v10 =	vadd.f32 v14, v10  }
0x15f: {  	v5 =	vadd.f32 v6, v5;
	v4 =	vadd.f32 v25, v4;
	v35 =	vld [tilespmem:s22+$0x810]  }
0x160: {  	v6 =	vadd.f32 v13, v9;
	v26 =	vld [tilespmem:s22+$0x820];
	v9 =	vadd.f32 v8, v10  }
0x161: {  	v23 =	vadd.f32 v24, v5;
	v4 =	vadd.f32 v3, v4;
	v8 =	vld [tilespmem:s22+$0x830]  }
0x162: {  	p0 =	por $0x0, $0x0;
	v11 =	vadd.f32 v11, v6;
	v24 =	vld [tilespmem:s22+$0x840];
	v12 =	vadd.f32 v12, v9  }
0x163: {  	v3 =	vld [tilespmem:s22+$0x850]  }
0x164: {  	v13 =	vld [tilespmem:s22+$0x780]  }
0x165: {  	v17 =	vld [tilespmem:s22+$0x790]  }
0x166: {  	v14 =	vld [tilespmem:s22+$0x7A0]  }
0x167: {  	v18 =	vld [tilespmem:s22+$0x7B0]  }
0x168: {  	v6 =	vld [tilespmem:s22+$0x7C0]  }
0x169: {  	v25 =	vld [tilespmem:s22+$0x7D0]  }
0x16a: {  	v27 =	vld [tilespmem:s22+$0x700]  }
0x16b: {  	v28 =	vld [tilespmem:s22+$0x710]  }
0x16c: {  	v10 =	vld [tilespmem:s22+$0x680]  }
0x16d: {  	v34 =	vld [tilespmem:s22+$0x690]  }
0x16e: {  	v36 =	vld [tilespmem:s22+$0x6A0]  }
0x16f: {  	v37 =	vld [tilespmem:s22+$0x6B0]  }
0x170: {  	v5 =	vld [tilespmem:s22+$0x720]  }
.Ltmp1:
0x171: {  	v9 =	vld [tilespmem:s22+$0x730];
	(pc) =	sbr.rel @p1 .LBB2_4-.Ltmp1, $4  }
0x172: {  	v33 =	vld [tilespmem:s22+$0x740]  }
0x173: {  	v29 =	vadd.f32 v10, v29;
	v30 =	vadd.f32 v34, v30;
	v34 =	vld [tilespmem:s22+$0x750]  }
0x174: {  	v10 =	vadd.f32 v36, v31;
	v38 =	vadd.f32 v37, v32;
	v36 =	vld [tilespmem:s22+$0x6C0]  }
0x175: {  	s20 =	sadd.s32 $0x200, s20;
	v39 =	vadd.f32 v27, v29;
	v40 =	vadd.f32 v28, v30;
	v37 =	vld [tilespmem:s22+$0x6D0]  }
0x176: {  	v41 =	vld [tilespmem:s22+$0x6E0]  }
0x177: {  	v42 =	vld [tilespmem:s22+$0x6F0]  }
0x178: {  	v43 =	vld [tilespmem:s22+$0x760]  }
0x179: {  	v44 =	vld [tilespmem:s22+$0x770];
	s20 =	simm.s32 $0x1  }
0x17a: {  	v45 =	vld [tilespmem:s22+$0x7E0];
	s20 =	simm.s32 @!p0 $0x0  }
0x17b: {  	v47 =	vld [tilespmem:s22+$0x7F0];
	s20 =	sshll.u32 s20, $0x9  }
0x17c: {  	v48 =	vld [tilespmem:s22+$0x860];
	s21 =	sadd.s32 $0x0, s20  }
0x17d: {  	v49 =	vld [tilespmem:s22+$0x870];
	s23 =	sor.u32 $0x980, s21  }
0x17e: {  	s24 =	sor.u32 $0x990, s21;
	v28 =	vld [tilespmem:s23+$0x280]  }
0x17f: {  	v31 =	vld [tilespmem:s24+$0x280];
	s23 =	sor.u32 $0x9A0, s21  }
0x180: {  	s24 =	sor.u32 $0x9B0, s21;
	v29 =	vld [tilespmem:s23+$0x280]  }
0x181: {  	v32 =	vld [tilespmem:s24+$0x280];
	s23 =	sor.u32 $0x9C0, s21  }
0x182: {  	v13 =	vadd.f32 v13, v39;
	s24 =	sor.u32 $0x9D0, s21;
	v27 =	vld [tilespmem:s23+$0x280]  }
0x183: {  	v10 =	vadd.f32 v5, v10;
	v38 =	vadd.f32 v9, v38;
	s23 =	sor.u32 $0x900, s21;
	v30 =	vld [tilespmem:s24+$0x280]  }
0x184: {  	v17 =	vadd.f32 v17, v40;
	v7 =	vadd.f32 v7, v13;
	s24 =	sor.u32 $0x920, s21;
	v5 =	vld [tilespmem:s23+$0x280]  }
0x185: {  	v14 =	vadd.f32 v14, v10;
	s23 =	sor.u32 $0x910, s21;
	v10 =	vld [tilespmem:s24+$0x280]  }
0x186: {  	v18 =	vadd.f32 v18, v38;
	[tilespmem:$0x1FEC0] =	vst v7;
	v7 =	vadd.f32 v35, v17;
	s24 =	sor.u32 $0x940, s21;
	v9 =	vld [tilespmem:s23+$0x280]  }
0x187: {  	v13 =	vadd.f32 v26, v14;
	s23 =	sor.u32 $0x930, s21;
	v54 =	vld [tilespmem:s24+$0x280]  }
0x188: {  	v8 =	vadd.f32 v8, v18;
	[tilespmem:$0x1FED0] =	vst v7;
	s24 =	sor.u32 $0x880, s21;
	v7 =	vld [tilespmem:s23+$0x280]  }
0x189: {  	v11 =	vadd.f32 v41, v11;
	[tilespmem:$0x1FEE0] =	vst v13;
	s23 =	sor.u32 $0x950, s21;
	v17 =	vld [tilespmem:s24+$0x280]  }
0x18a: {  	[tilespmem:$0x1FEF0] =	vst v8;
	v8 =	vadd.f32 v36, v23;
	v13 =	vadd.f32 v37, v4;
	s24 =	sor.u32 $0x800, s21;
	v4 =	vld [tilespmem:s23+$0x280]  }
0x18b: {  	v12 =	vadd.f32 v42, v12;
	v14 =	vld [tilespmem:s24+$0x280];
	s23 =	sor.u32 $0x810, s21  }
0x18c: {  	v11 =	vadd.f32 v43, v11;
	v8 =	vadd.f32 v33, v8;
	s24 =	sor.u32 $0x890, s21;
	v63 =	vld [tilespmem:s23+$0x280]  }
0x18d: {  	v12 =	vadd.f32 v44, v12;
	v13 =	vadd.f32 v34, v13;
	v18 =	vld [tilespmem:s24+$0x280];
	s23 =	sor.u32 $0x820, s21  }
0x18e: {  	v11 =	vadd.f32 v45, v11;
	v6 =	vadd.f32 v6, v8;
	s24 =	sor.u32 $0x830, s21;
	v36 =	vld [tilespmem:s23+$0x280]  }
0x18f: {  	v35 =	vimm.f32 $0.0e+00;
	v12 =	vadd.f32 v47, v12;
	v8 =	vadd.f32 v25, v13;
	v38 =	vld [tilespmem:s24+$0x280];
	s23 =	sor.u32 $0x8A0, s21  }
0x190: {  	v13 =	vimm.f32 $0.0e+00;
	v23 =	vadd.f32 v48, v11;
	v25 =	vadd.f32 v24, v6;
	s24 =	sor.u32 $0x8B0, s21;
	v33 =	vld [tilespmem:s23+$0x280]  }
0x191: {  	v11 =	vimm.f32 $0.0e+00;
	v26 =	vadd.f32 v3, v8;
	v24 =	vadd.f32 v49, v12;
	v34 =	vld [tilespmem:s24+$0x280];
	s23 =	sor.u32 $0x8C0, s21  }
0x192: {  	v12 =	vimm.f32 $0.0e+00;
	v6 =	vimm.f32 $0.0e+00;
	v8 =	vimm.f32 $0.0e+00;
	s24 =	sor.u32 $0x8D0, s21;
	v55 =	vld [tilespmem:s23+$0x280]  }
0x193: {  	s22 =	simm.s32 $0x200;
	p1 =	por $0x0, $0x0;
	v3 =	vimm.f32 $0.0e+00;
	s23 =	sor.u32 $0x840, s21;
	v43 =	vadd.f32 v14, v35;
	v14 =	vld [tilespmem:s24+$0x280];
	v41 =	vadd.f32 v63, v35  }
.LBB2_6:
0x194: {  	p2 =	sne.s32 s22, $0x2E00;
	v13 =	vadd.f32 v36, v13;
	v12 =	vadd.f32 v38, v12;
	v36 =	vld [tilespmem:s23+$0x280];
	s23 =	sor.u32 $0x850, s21  }
0x195: {  	v37 =	vld [tilespmem:s23+$0x280];
	s23 =	sor.u32 $0x860, s21;
	v17 =	vadd.f32 v17, v43;
	v18 =	vadd.f32 v18, v41  }
0x196: {  	v38 =	vld [tilespmem:s23+$0x280];
	s23 =	sor.u32 $0x870, s21;
	v13 =	vadd.f32 v33, v13;
	v12 =	vadd.f32 v34, v12  }
0x197: {  	v33 =	vld [tilespmem:s23+$0x280];
	s23 =	sor.u32 $0x8E0, s21;
	v5 =	vadd.f32 v5, v17;
	v9 =	vadd.f32 v9, v18  }
0x198: {  	v17 =	vld [tilespmem:s23+$0x280];
	s23 =	sor.u32 $0x8F0, s21;
	v10 =	vadd.f32 v10, v13;
	v7 =	vadd.f32 v7, v12  }
0x199: {  	p1 =	por !p1, !p1;
	s24 =	simm.s32 $0x1;
	v18 =	vld [tilespmem:s23+$0x280];
	s23 =	sor.u32 $0x960, s21;
	v39 =	vadd.f32 v28, v5;
	v40 =	vadd.f32 v31, v9  }
0x19a: {  	s24 =	simm.s32 @!p1 $0x0;
	v5 =	vld [tilespmem:s23+$0x280];
	s23 =	sor.u32 $0x970, s21;
	v13 =	vadd.f32 v29, v10;
	v12 =	vadd.f32 v32, v7  }
0x19b: {  	s19 =	sadd.s32 $0x800, s19;
	s24 =	sshll.u32 s24, $0x9;
	v6 =	vadd.f32 v36, v6;
	v7 =	vadd.f32 v37, v11;
	v9 =	vld [tilespmem:s23+$0x280];
	s23 =	sor.u32 $0x9E0, s21  }
0x19c: {  	v8 =	vadd.f32 v38, v8;
	v3 =	vadd.f32 v33, v3;
	v10 =	vld [tilespmem:s23+$0x280];
	s23 =	sor.u32 $0x9F0, s21;
	s21 =	sadd.s32 s24, s19  }
0x19d: {  	v6 =	vadd.f32 v55, v6;
	v7 =	vadd.f32 v14, v7;
	s24 =	sor.u32 $0x980, s21;
	v14 =	vld [tilespmem:s23+$0x280]  }
0x19e: {  	s23 =	sor.u32 $0x990, s21;
	v8 =	vadd.f32 v17, v8;
	v28 =	vld [tilespmem:s24+$0x280];
	v3 =	vadd.f32 v18, v3  }
0x19f: {  	v6 =	vadd.f32 v54, v6;
	v4 =	vadd.f32 v4, v7;
	v31 =	vld [tilespmem:s23+$0x280];
	s23 =	sor.u32 $0x9A0, s21  }
0x1a0: {  	v5 =	vadd.f32 v5, v8;
	v29 =	vld [tilespmem:s23+$0x280];
	s23 =	sor.u32 $0x9B0, s21;
	v3 =	vadd.f32 v9, v3  }
0x1a1: {  	v6 =	vadd.f32 v27, v6;
	v11 =	vadd.f32 v30, v4;
	v32 =	vld [tilespmem:s23+$0x280];
	s23 =	sor.u32 $0x9C0, s21  }
0x1a2: {  	v8 =	vadd.f32 v10, v5;
	v27 =	vld [tilespmem:s23+$0x280];
	s23 =	sor.u32 $0x9D0, s21;
	v3 =	vadd.f32 v14, v3  }
0x1a3: {  	s24 =	sor.u32 $0x900, s21;
	v30 =	vld [tilespmem:s23+$0x280]  }
0x1a4: {  	s23 =	sor.u32 $0x910, s21;
	v5 =	vld [tilespmem:s24+$0x280]  }
0x1a5: {  	v9 =	vld [tilespmem:s23+$0x280];
	s23 =	sor.u32 $0x920, s21  }
0x1a6: {  	v10 =	vld [tilespmem:s23+$0x280];
	s23 =	sor.u32 $0x930, s21  }
0x1a7: {  	v7 =	vld [tilespmem:s23+$0x280];
	s23 =	sor.u32 $0x940, s21  }
0x1a8: {  	v54 =	vld [tilespmem:s23+$0x280];
	s23 =	sor.u32 $0x950, s21  }
0x1a9: {  	s24 =	sor.u32 $0x880, s21;
	v4 =	vld [tilespmem:s23+$0x280]  }
0x1aa: {  	s23 =	sor.u32 $0x890, s21;
	v17 =	vld [tilespmem:s24+$0x280]  }
0x1ab: {  	s24 =	sor.u32 $0x800, s21;
	v18 =	vld [tilespmem:s23+$0x280]  }
0x1ac: {  	s23 =	sor.u32 $0x810, s21;
	v14 =	vld [tilespmem:s24+$0x280]  }
0x1ad: {  	v37 =	vld [tilespmem:s23+$0x280];
	s23 =	sor.u32 $0x820, s21  }
0x1ae: {  	v36 =	vld [tilespmem:s23+$0x280];
	s23 =	sor.u32 $0x830, s21  }
.Ltmp2:
0x1af: {  	v38 =	vld [tilespmem:s23+$0x280];
	s23 =	sor.u32 $0x8A0, s21;
	(pc) =	sbr.rel @p2 .LBB2_6-.Ltmp2, $4  }
0x1b0: {  	v33 =	vld [tilespmem:s23+$0x280];
	s23 =	sor.u32 $0x8B0, s21  }
0x1b1: {  	v34 =	vld [tilespmem:s23+$0x280];
	s23 =	sor.u32 $0x8C0, s21  }
0x1b2: {  	s24 =	sor.u32 $0x8D0, s21;
	v55 =	vld [tilespmem:s23+$0x280]  }
0x1b3: {  	s22 =	sadd.s32 $0x200, s22;
	v43 =	vadd.f32 v14, v39;
	v41 =	vadd.f32 v37, v40;
	s23 =	sor.u32 $0x840, s21;
	v14 =	vld [tilespmem:s24+$0x280]  }
0x1b4: {  	v44 =	vld [tilespmem:s23+$0x280];
	s19 =	sor.u32 $0x850, s21  }
0x1b5: {  	s24 =	sor.u32 $0x860, s21;
	v45 =	vld [tilespmem:s19+$0x280]  }
0x1b6: {  	s22 =	sor.u32 $0x870, s21;
	v56 =	vld [tilespmem:s24+$0x280]  }
0x1b7: {  	s23 =	sor.u32 $0x8E0, s21;
	v57 =	vld [tilespmem:s22+$0x280]  }
0x1b8: {  	v58 =	vld [tilespmem:s23+$0x280];
	s24 =	sor.u32 $0x8F0, s21  }
0x1b9: {  	s22 =	sor.u32 $0x960, s21;
	v59 =	vld [tilespmem:s24+$0x280]  }
0x1ba: {  	s23 =	sor.u32 $0x970, s21;
	v60 =	vld [tilespmem:s22+$0x280]  }
0x1bb: {  	v61 =	vld [tilespmem:s23+$0x280];
	s24 =	sor.u32 $0x9E0, s21  }
0x1bc: {  	s19 =	sadd.s32 $0x0, s20;
	s22 =	sor.u32 $0x9F0, s21;
	v62 =	vld [tilespmem:s24+$0x280]  }
0x1bd: {  	s20 =	sor.u32 $0xD80, s19;
	v63 =	vld [tilespmem:s22+$0x280]  }
0x1be: {  	s23 =	sor.u32 $0xD90, s19;
	v37 =	vld [tilespmem:s20+$0x280]  }
0x1bf: {  	s21 =	sor.u32 $0xDB0, s19;
	v40 =	vld [tilespmem:s23+$0x280]  }
0x1c0: {  	s24 =	sor.u32 $0xDA0, s19;
	v42 =	vld [tilespmem:s21+$0x280]  }
0x1c1: {  	s22 =	sor.u32 $0xDC0, s19;
	v39 =	vld [tilespmem:s24+$0x280]  }
0x1c2: {  	v13 =	vadd.f32 v36, v13;
	s23 =	sor.u32 $0xDD0, s19;
	v36 =	vld [tilespmem:s22+$0x280]  }
0x1c3: {  	v12 =	vadd.f32 v38, v12;
	s21 =	sor.u32 $0xD10, s19;
	v38 =	vld [tilespmem:s23+$0x280]  }
0x1c4: {  	v17 =	vadd.f32 v17, v43;
	s24 =	sor.u32 $0xD00, s19;
	v51 =	vld [tilespmem:s21+$0x280]  }
0x1c5: {  	v18 =	vadd.f32 v18, v41;
	v12 =	vadd.f32 v34, v12;
	s22 =	sor.u32 $0xD20, s19;
	v41 =	vld [tilespmem:s24+$0x280]  }
0x1c6: {  	v13 =	vadd.f32 v33, v13;
	v5 =	vadd.f32 v5, v17;
	s23 =	sor.u32 $0xD30, s19;
	v52 =	vld [tilespmem:s22+$0x280]  }
0x1c7: {  	v9 =	vadd.f32 v9, v18;
	v7 =	vadd.f32 v7, v12;
	s21 =	sor.u32 $0xD50, s19;
	v53 =	vld [tilespmem:s23+$0x280]  }
0x1c8: {  	v5 =	vadd.f32 v28, v5;
	s24 =	sor.u32 $0xD40, s19;
	v6 =	vadd.f32 v44, v6;
	v50 =	vld [tilespmem:s21+$0x280]  }
0x1c9: {  	v10 =	vadd.f32 v10, v13;
	s23 =	sor.u32 $0xC90, s19;
	v49 =	vld [tilespmem:s24+$0x280];
	v32 =	vadd.f32 v32, v7  }
0x1ca: {  	s24 =	sor.u32 $0xC00, s19;
	[tilespmem:$0x1FEA0] =	vst v5;
	v5 =	vadd.f32 v31, v9;
	v9 =	vadd.f32 v55, v6;
	v6 =	vld [tilespmem:s23+$0x280]  }
0x1cb: {  	v7 =	vadd.f32 v45, v11;
	v8 =	vadd.f32 v56, v8;
	v11 =	vld [tilespmem:s24+$0x280];
	s23 =	sor.u32 $0xC20, s19  }
0x1cc: {  	s22 =	sor.u32 $0xC80, s19;
	v29 =	vadd.f32 v29, v10;
	v3 =	vadd.f32 v57, v3;
	v10 =	vld [tilespmem:s23+$0x280]  }
0x1cd: {  	v7 =	vadd.f32 v14, v7;
	v8 =	vadd.f32 v58, v8;
	[tilespmem:$0x1FEB0] =	vst v5;
	v5 =	vld [tilespmem:s22+$0x280];
	s22 =	sor.u32 $0xC10, s19  }
0x1ce: {  	s24 =	sor.u32 $0xC30, s19;
	v3 =	vadd.f32 v59, v3;
	v9 =	vadd.f32 v54, v9;
	v13 =	vld [tilespmem:s22+$0x280]  }
0x1cf: {  	v12 =	vld [tilespmem:s24+$0x280];
	v4 =	vadd.f32 v4, v7;
	v7 =	vadd.f32 v60, v8;
	s22 =	sor.u32 $0xCB0, s19  }
0x1d0: {  	s21 =	sor.u32 $0xCA0, s19;
	v56 =	vimm.f32 $0.0e+00;
	v55 =	vimm.f32 $0.0e+00;
	v3 =	vadd.f32 v61, v3;
	v57 =	vld [tilespmem:s22+$0x280]  }
0x1d1: {  	s24 =	sor.u32 $0xCD0, s19;
	v59 =	vimm.f32 $0.0e+00;
	v28 =	vadd.f32 v27, v9;
	v27 =	vadd.f32 v62, v7;
	v7 =	vld [tilespmem:s21+$0x280]  }
0x1d2: {  	s23 =	sor.u32 $0xCC0, s19;
	v58 =	vimm.f32 $0.0e+00;
	v60 =	vld [tilespmem:s24+$0x280];
	v31 =	vadd.f32 v30, v4;
	v30 =	vadd.f32 v63, v3  }
0x1d3: {  	s20 =	simm.s32 $0x0;
	v54 =	vimm.f32 $0.0e+00;
	s22 =	sor.u32 $0xC40, s19;
	v62 =	vadd.f32 v11, v35;
	v3 =	vld [tilespmem:s23+$0x280];
	s21 =	simm.s32 $0x200;
	v13 =	vadd.f32 v13, v35  }
.LBB2_8:
0x1d4: {  	p1 =	sne.s32 s21, $0x2E00;
	v4 =	vadd.f32 v10, v35;
	v8 =	vadd.f32 v12, v56;
	v9 =	vld [tilespmem:s22+$0x280];
	s22 =	sor.u32 $0xC50, s19  }
0x1d5: {  	v10 =	vld [tilespmem:s22+$0x280];
	s22 =	sor.u32 $0xC60, s19;
	v5 =	vadd.f32 v5, v62;
	v6 =	vadd.f32 v6, v13  }
0x1d6: {  	v11 =	vld [tilespmem:s22+$0x280];
	s22 =	sor.u32 $0xC70, s19;
	v4 =	vadd.f32 v7, v4;
	v7 =	vadd.f32 v57, v8  }
0x1d7: {  	v8 =	vld [tilespmem:s22+$0x280];
	s22 =	sor.u32 $0xCE0, s19;
	v5 =	vadd.f32 v41, v5;
	v6 =	vadd.f32 v51, v6  }
0x1d8: {  	v12 =	vld [tilespmem:s22+$0x280];
	s22 =	sor.u32 $0xCF0, s19;
	v4 =	vadd.f32 v52, v4;
	v7 =	vadd.f32 v53, v7  }
0x1d9: {  	p0 =	por !p0, !p0;
	s23 =	simm.s32 $0x1;
	v13 =	vld [tilespmem:s22+$0x280];
	s22 =	sor.u32 $0xD60, s19;
	v14 =	vadd.f32 v37, v5;
	v17 =	vadd.f32 v40, v6  }
0x1da: {  	s23 =	simm.s32 @!p0 $0x0;
	v5 =	vld [tilespmem:s22+$0x280];
	s22 =	sor.u32 $0xD70, s19;
	v35 =	vadd.f32 v39, v4;
	v56 =	vadd.f32 v42, v7  }
0x1db: {  	s20 =	sadd.s32 $0x800, s20;
	s23 =	sshll.u32 s23, $0x9;
	v4 =	vadd.f32 v9, v54;
	v6 =	vadd.f32 v10, v59;
	v7 =	vld [tilespmem:s22+$0x280];
	s22 =	sor.u32 $0xDE0, s19  }
0x1dc: {  	v9 =	vadd.f32 v11, v55;
	v8 =	vadd.f32 v8, v58;
	v10 =	vld [tilespmem:s22+$0x280];
	s22 =	sor.u32 $0xDF0, s19;
	s19 =	sadd.s32 s23, s20  }
0x1dd: {  	v3 =	vadd.f32 v3, v4;
	v4 =	vadd.f32 v60, v6;
	s23 =	sor.u32 $0xD80, s19;
	v6 =	vld [tilespmem:s22+$0x280]  }
0x1de: {  	s22 =	sor.u32 $0xD90, s19;
	v9 =	vadd.f32 v12, v9;
	v37 =	vld [tilespmem:s23+$0x280];
	v8 =	vadd.f32 v13, v8  }
0x1df: {  	v3 =	vadd.f32 v49, v3;
	v4 =	vadd.f32 v50, v4;
	v40 =	vld [tilespmem:s22+$0x280];
	s22 =	sor.u32 $0xDA0, s19  }
0x1e0: {  	v5 =	vadd.f32 v5, v9;
	v39 =	vld [tilespmem:s22+$0x280];
	s22 =	sor.u32 $0xDB0, s19;
	v7 =	vadd.f32 v7, v8  }
0x1e1: {  	v54 =	vadd.f32 v36, v3;
	v59 =	vadd.f32 v38, v4;
	v42 =	vld [tilespmem:s22+$0x280];
	s22 =	sor.u32 $0xDC0, s19  }
0x1e2: {  	v55 =	vadd.f32 v10, v5;
	v36 =	vld [tilespmem:s22+$0x280];
	s22 =	sor.u32 $0xDD0, s19;
	v58 =	vadd.f32 v6, v7  }
0x1e3: {  	s23 =	sor.u32 $0xD00, s19;
	v38 =	vld [tilespmem:s22+$0x280]  }
0x1e4: {  	s22 =	sor.u32 $0xD10, s19;
	v41 =	vld [tilespmem:s23+$0x280]  }
0x1e5: {  	v51 =	vld [tilespmem:s22+$0x280];
	s22 =	sor.u32 $0xD20, s19  }
0x1e6: {  	v52 =	vld [tilespmem:s22+$0x280];
	s22 =	sor.u32 $0xD30, s19  }
0x1e7: {  	v53 =	vld [tilespmem:s22+$0x280];
	s22 =	sor.u32 $0xD40, s19  }
0x1e8: {  	v49 =	vld [tilespmem:s22+$0x280];
	s22 =	sor.u32 $0xD50, s19  }
0x1e9: {  	s23 =	sor.u32 $0xC80, s19;
	v50 =	vld [tilespmem:s22+$0x280]  }
0x1ea: {  	s22 =	sor.u32 $0xC90, s19;
	v5 =	vld [tilespmem:s23+$0x280]  }
0x1eb: {  	s23 =	sor.u32 $0xC00, s19;
	v6 =	vld [tilespmem:s22+$0x280]  }
0x1ec: {  	s22 =	sor.u32 $0xC10, s19;
	v4 =	vld [tilespmem:s23+$0x280]  }
0x1ed: {  	v8 =	vld [tilespmem:s22+$0x280];
	s22 =	sor.u32 $0xC20, s19  }
0x1ee: {  	v10 =	vld [tilespmem:s22+$0x280];
	s22 =	sor.u32 $0xC30, s19  }
.Ltmp3:
0x1ef: {  	v12 =	vld [tilespmem:s22+$0x280];
	s22 =	sor.u32 $0xCA0, s19;
	(pc) =	sbr.rel @p1 .LBB2_8-.Ltmp3, $4  }
0x1f0: {  	v7 =	vld [tilespmem:s22+$0x280];
	s22 =	sor.u32 $0xCB0, s19  }
0x1f1: {  	v57 =	vld [tilespmem:s22+$0x280];
	s22 =	sor.u32 $0xCC0, s19  }
0x1f2: {  	s23 =	sor.u32 $0xCD0, s19;
	v3 =	vld [tilespmem:s22+$0x280]  }
0x1f3: {  	s21 =	sadd.s32 $0x200, s21;
	v62 =	vadd.f32 v4, v14;
	v13 =	vadd.f32 v8, v17;
	s22 =	sor.u32 $0xC40, s19;
	v60 =	vld [tilespmem:s23+$0x280]  }
0x1f4: {  	v14 =	vld [tilespmem:s22+$0x280]  }
0x1f5: {  	v4 =	vld [tilespmem:$0x240]  }
0x1f6: {  	v8 =	vld [tilespmem:$0x100]  }
0x1f7: {  	v9 =	vld [tilespmem:$0x250]  }
0x1f8: {  	v11 =	vld [tilespmem:$0x270]  }
0x1f9: {  	v61 =	vld [tilespmem:$0x110]  }
0x1fa: {  	s20 =	sor.u32 $0xC50, s19;
	v46 =	vld [tilespmem:$0x120]  }
0x1fb: {  	s22 =	sor.u32 $0xC60, s19;
	v18 =	vld [tilespmem:s20+$0x280];
	vm1 =	vge.f32 v4, v16;
	vm2 =	vlt.f32 v4, v15  }
0x1fc: {  	v33 =	vld [tilespmem:s22+$0x280];
	vm1 =	vmneg vm1;
	vm2 =	vmneg vm2  }
0x1fd: {  	s23 =	sor.u32 $0xC70, s19;
	v4 =	vld [tilespmem:$0x260];
	vm1 =	vmor vm1, vm2  }
0x1fe: {  	s24 =	sor.u32 $0xCE0, s19;
	v43 =	vld [tilespmem:s23+$0x280];
	vm3 =	vlt.f32 v9, v15;
	v8 =	vsel vm1, $0x0, v8  }
0x1ff: {  	s21 =	sor.u32 $0xCF0, s19;
	v17 =	vld [tilespmem:s24+$0x280];
	vm3 =	vmneg vm3;
	vm2 =	vge.f32 v9, v16;
	v9 =	vshll.u32 v8, $0x2  }
0x200: {  	v44 =	vld [tilespmem:s21+$0x280];
	s22 =	sor.u32 $0xD60, s19;
	vm2 =	vmneg vm2;
	v63 =	vand.u32 $0x7, v8;
	v9 =	vand.u32 $0xFFFFFFE0, v9  }
0x201: {  	v34 =	vld [tilespmem:s22+$0x280];
	vm5 =	vge.f32 v11, v16;
	vm2 =	vmor vm2, vm3;
	v9 =	vor.u32 v63, v9  }
0x202: {  	s23 =	sor.u32 $0xD70, s19;
	vm3 =	vge.f32 v4, v16;
	vm4 =	vlt.f32 v4, v15;
	v4 =	vld [tilespmem:$0x130];
	v63 =	vperm.xlane v9, v0  }
0x203: {  	s24 =	sor.u32 $0xDE0, s19;
	v45 =	vld [tilespmem:s23+$0x280];
	vm15 =	vlt.f32 v11, v15;
	vm5 =	vmneg vm5  }
0x204: {  	s20 =	sor.u32 $0xDF0, s19;
	v47 =	vld [tilespmem:s24+$0x280];
	vm3 =	vmneg vm3;
	vm4 =	vmneg vm4;
	v11 =	vadd.s32 v1, v63  }
0x205: {  	v48 =	vld [tilespmem:s20+$0x280];
	[tilespmem:$0x100] =	vst v8;
	v8 =	vsel vm2, $0x0, v61;
	vm3 =	vmor vm3, vm4;
	vm4 =	vmneg vm15  }
0x206: {  	[tilespmem:$0x110] =	vst v8;
	v9 =	vperm.xlane v9, v2;
	vm4 =	vmor vm5, vm4;
	v8 =	vsel vm3, $0x0, v46  }
0x207: {  	[tilespmem:$0x120] =	vst v8;
	v4 =	vsel vm4, $0x0, v4  }
0x208: {  	s19 =	simm.s32 $0x0;
	[tilespmem:$0x130] =	vst v4;
	v4 =	vadd.s32 v1, v9  }
0x209: {  	[tilespmem:s25], [sflag:$0x1] =	stream.indirect_vreg.gather [hbm4b:s1+s19], $0x80, v11, vm0, $0xb8;
	[tilespmem:$0x18780] =	vst v63  }
0x20a: {  	_ = 	snop  }
0x20b: {  	[tilespmem:s26], [sflag:$0x1] =	stream.indirect_vreg.gather [hbm4b:s9+s19], $0x80, v11, vm0, $0xb8;
	[tilespmem:$0x18780] =	vst v63  }
0x20c: {  	s21 =	simm.s32 $0x1280  }
0x20d: {  	[tilespmem:s21], [sflag:$0x1] =	stream.indirect_vreg.gather [hbm4b:s1+s19], $0x80, v4, vm0, $0xb8;
	[tilespmem:$0x18780] =	vst v63  }
0x20e: {  	s22 =	simm.s32 $0x1A80  }
0x20f: {  	[tilespmem:s22], [sflag:$0x1] =	stream.indirect_vreg.gather [hbm4b:s9+s19], $0x80, v4, vm0, $0xb8;
	[tilespmem:$0x18780] =	vst v63  }
0x210: {  	v4 =	vld [tilespmem:$0x110];
	_ =	sdelay $0x4  }
0x211: {  	v8 =	vshll.u32 v4, $0x2  }
0x212: {  	v4 =	vand.u32 $0x7, v4;
	v8 =	vand.u32 $0xFFFFFFE0, v8  }
0x213: {  	v4 =	vor.u32 v4, v8  }
0x214: {  	v8 =	vperm.xlane v4, v0;
	_ =	sdelay $0x1  }
0x215: {  	v8 =	vadd.s32 v1, v8;
	_ =	sdelay $0x1  }
0x216: {  	v4 =	vperm.xlane v4, v2;
	_ =	sdelay $0x1  }
0x217: {  	s23 =	simm.s32 $0x2280;
	v4 =	vadd.s32 v1, v4  }
0x218: {  	[tilespmem:s23], [sflag:$0x1] =	stream.indirect_vreg.gather [hbm4b:s1+s19], $0x80, v8, vm0, $0xb8;
	[tilespmem:$0x18780] =	vst v63  }
0x219: {  	s24 =	simm.s32 $0x2A80  }
0x21a: {  	[tilespmem:s24], [sflag:$0x1] =	stream.indirect_vreg.gather [hbm4b:s9+s19], $0x80, v8, vm0, $0xb8;
	[tilespmem:$0x18780] =	vst v63  }
0x21b: {  	s25 =	simm.s32 $0x3280  }
0x21c: {  	[tilespmem:s25], [sflag:$0x1] =	stream.indirect_vreg.gather [hbm4b:s1+s19], $0x80, v4, vm0, $0xb8;
	[tilespmem:$0x18780] =	vst v63  }
0x21d: {  	s26 =	simm.s32 $0x3A80  }
0x21e: {  	[tilespmem:s26], [sflag:$0x1] =	stream.indirect_vreg.gather [hbm4b:s9+s19], $0x80, v4, vm0, $0xb8;
	[tilespmem:$0x18780] =	vst v63  }
0x21f: {  	v4 =	vld [tilespmem:$0x120];
	_ =	sdelay $0x4  }
0x220: {  	v8 =	vshll.u32 v4, $0x2  }
0x221: {  	v4 =	vand.u32 $0x7, v4;
	v8 =	vand.u32 $0xFFFFFFE0, v8  }
0x222: {  	v4 =	vor.u32 v4, v8  }
0x223: {  	v8 =	vperm.xlane v4, v0;
	_ =	sdelay $0x1  }
0x224: {  	v8 =	vadd.s32 v1, v8;
	_ =	sdelay $0x1  }
0x225: {  	v4 =	vperm.xlane v4, v2;
	_ =	sdelay $0x1  }
0x226: {  	v4 =	vadd.s32 v1, v4  }
0x227: {  	[tilespmem:s28], [sflag:$0x1] =	stream.indirect_vreg.gather [hbm4b:s1+s19], $0x80, v8, vm0, $0xb8;
	[tilespmem:$0x18780] =	vst v63  }
0x228: {  	_ = 	snop  }
0x229: {  	[tilespmem:s29], [sflag:$0x1] =	stream.indirect_vreg.gather [hbm4b:s9+s19], $0x80, v8, vm0, $0xb8;
	[tilespmem:$0x18780] =	vst v63  }
0x22a: {  	_ = 	snop  }
0x22b: {  	[tilespmem:s30], [sflag:$0x1] =	stream.indirect_vreg.gather [hbm4b:s1+s19], $0x80, v4, vm0, $0xb8;
	[tilespmem:$0x18780] =	vst v63  }
0x22c: {  	_ = 	snop  }
0x22d: {  	[tilespmem:s31], [sflag:$0x1] =	stream.indirect_vreg.gather [hbm4b:s9+s19], $0x80, v4, vm0, $0xb8;
	[tilespmem:$0x18780] =	vst v63  }
0x22e: {  	v4 =	vld [tilespmem:$0x130];
	_ =	sdelay $0x4  }
0x22f: {  	v8 =	vshll.u32 v4, $0x2  }
0x230: {  	v4 =	vand.u32 $0x7, v4;
	v8 =	vand.u32 $0xFFFFFFE0, v8  }
0x231: {  	v4 =	vor.u32 v4, v8  }
0x232: {  	v8 =	vperm.xlane v4, v0;
	_ =	sdelay $0x1  }
0x233: {  	v10 =	vadd.f32 v10, v35;
	v12 =	vadd.f32 v12, v56;
	v8 =	vadd.s32 v1, v8;
	_ =	sdelay $0x1  }
0x234: {  	v7 =	vadd.f32 v7, v10;
	v10 =	vadd.f32 v57, v12;
	v4 =	vperm.xlane v4, v2  }
0x235: {  	v56 =	vadd.f32 v5, v62  }
0x236: {  	v7 =	vadd.f32 v52, v7;
	v10 =	vadd.f32 v53, v10;
	v4 =	vadd.s32 v1, v4  }
0x237: {  	v12 =	vadd.f32 v41, v56;
	[tilespmem:s0], [sflag:$0x1] =	stream.indirect_vreg.gather [hbm4b:s1+s19], $0x80, v8, vm0, $0xb8;
	[tilespmem:$0x18780] =	vst v63  }
0x238: {  	v41 =	vadd.f32 v39, v7;
	v42 =	vadd.f32 v42, v10  }
0x239: {  	v7 =	vadd.f32 v14, v54;
	v10 =	vadd.f32 v18, v59;
	[tilespmem:s3], [sflag:$0x1] =	stream.indirect_vreg.gather [hbm4b:s9+s19], $0x80, v8, vm0, $0xb8;
	[tilespmem:$0x18780] =	vst v63  }
0x23a: {  	v14 =	vadd.f32 v33, v55;
	v18 =	vadd.f32 v43, v58  }
0x23b: {  	v6 =	vadd.f32 v6, v13;
	[tilespmem:s2], [sflag:$0x1] =	stream.indirect_vreg.gather [hbm4b:s1+s19], $0x80, v4, vm0, $0xb8;
	[tilespmem:$0x18780] =	vst v63  }
0x23c: {  	v14 =	vadd.f32 v17, v14;
	v17 =	vadd.f32 v44, v18  }
0x23d: {  	[tilespmem:s13], [sflag:$0x1] =	stream.indirect_vreg.gather [hbm4b:s9+s19], $0x80, v4, vm0, $0xb8;
	[tilespmem:$0x18780] =	vst v63  }
0x23e: {  	v6 =	vadd.f32 v51, v6;
	v17 =	vadd.f32 v45, v17;
	_ =	swait.ge [sflag:s14], $0xC000  }
0x23f: {  	s20 =	sand.u32 $0xF000, s19;
	s21 =	sand.u32 $0x200, s19;
	[sflag:s14] =	ssyncset.done $0x0  }
0x240: {  	v57 =	vadd.f32 v40, v6;
	v40 =	vadd.f32 v48, v17;
	s22 =	sor.u32 s21, s20;
	v17 =	vld [tilespmem:$0x1FF10];
	[sflag:s14] =	ssyncadd.s32 $0xFFFF4000  }
0x241: {  	v8 =	vld [tilespmem:s22+$0xC400]  }
0x242: {  	v9 =	vld [tilespmem:s22+$0xC410]  }
0x243: {  	v11 =	vld [tilespmem:s22+$0xC420]  }
0x244: {  	v63 =	vld [tilespmem:s22+$0xC430]  }
0x245: {  	v4 =	vld [tilespmem:s22+$0xC440]  }
0x246: {  	v61 =	vld [tilespmem:s22+$0xC450]  }
0x247: {  	v15 =	vld [tilespmem:s22+$0xC380]  }
0x248: {  	v3 =	vadd.f32 v3, v7;
	v7 =	vadd.f32 v60, v10;
	v10 =	vld [tilespmem:s22+$0xC290]  }
0x249: {  	v5 =	vld [tilespmem:s22+$0xC390]  }
0x24a: {  	v16 =	vld [tilespmem:s22+$0xC3A0]  }
0x24b: {  	v51 =	vld [tilespmem:s22+$0xC3B0]  }
0x24c: {  	v56 =	vadd.f32 v37, v12;
	v35 =	vld [tilespmem:s22+$0xC3C0]  }
0x24d: {  	v7 =	vadd.f32 v50, v7;
	v12 =	vld [tilespmem:s22+$0xC3D0];
	v10 =	vadd.f32 v10, v17;
	v17 =	vmpcnt.ones.xlane vm3  }
0x24e: {  	v18 =	vld [tilespmem:s22+$0xC2A0]  }
0x24f: {  	v38 =	vadd.f32 v38, v7;
	v7 =	vmpcnt.ones.xlane vm1;
	[tilespmem:$0x1FE80] =	vst v17;
	v17 =	vld [tilespmem:$0x1FF20]  }
0x250: {  	v6 =	vld [tilespmem:s22+$0xC300]  }
0x251: {  	[tilespmem:$0x1FE60] =	vst v7;
	v7 =	vmpcnt.ones.xlane vm2;
	v59 =	vld [tilespmem:s22+$0xC280]  }
0x252: {  	v62 =	vld [tilespmem:s22+$0xC2B0]  }
0x253: {  	[tilespmem:$0x1FE70] =	vst v7;
	v7 =	vld [tilespmem:$0x1FF00]  }
0x254: {  	v44 =	vadd.f32 v18, v17;
	v17 =	vld [tilespmem:$0x1FF30]  }
0x255: {  	v13 =	vld [tilespmem:s22+$0xC310]  }
0x256: {  	v60 =	vadd.f32 v49, v3;
	v34 =	vadd.f32 v34, v14;
	v3 =	vld [tilespmem:s22+$0xC320]  }
0x257: {  	v14 =	vld [tilespmem:s22+$0xC330]  }
0x258: {  	v39 =	vadd.f32 v47, v34;
	v33 =	vld [tilespmem:s22+$0xC340]  }
0x259: {  	v34 =	vld [tilespmem:s22+$0xC350];
	v7 =	vadd.f32 v59, v7;
	v49 =	vadd.f32 v62, v17;
	v17 =	vmpcnt.ones.xlane vm4  }
0x25a: {  	v37 =	vadd.f32 v36, v60;
	v36 =	vld [tilespmem:s22+$0xC2C0]  }
0x25b: {  	s23 =	simm.s32 $0x200;
	s24 =	simm.s32 $0x0;
	v45 =	vld [tilespmem:s22+$0xC2D0];
	v50 =	vadd.f32 v6, v7;
	v52 =	vadd.f32 v13, v10;
	[tilespmem:$0x1FE90] =	vst v17  }
.LBB2_10:
0x25c: {  	p0 =	sne.s32 s23, $0x2E00;
	v6 =	vld [tilespmem:s22+$0xC2E0];
	v3 =	vadd.f32 v3, v44;
	v7 =	vadd.f32 v14, v49  }
0x25d: {  	v10 =	vld [tilespmem:s22+$0xC2F0];
	v13 =	vadd.f32 v15, v50;
	v5 =	vadd.f32 v5, v52  }
0x25e: {  	v14 =	vld [tilespmem:s22+$0xC360];
	v3 =	vadd.f32 v16, v3;
	v7 =	vadd.f32 v51, v7  }
0x25f: {  	v15 =	vld [tilespmem:s22+$0xC370];
	v13 =	vadd.f32 v8, v13;
	v43 =	vadd.f32 v9, v5  }
0x260: {  	v5 =	vld [tilespmem:s22+$0xC3E0];
	v44 =	vadd.f32 v11, v3;
	v7 =	vadd.f32 v63, v7  }
0x261: {  	s24 =	sadd.s32 $0x800, s24;
	v3 =	vadd.f32 v36, v21;
	v8 =	vadd.f32 v45, v22;
	v16 =	vld [tilespmem:s22+$0xC3F0]  }
0x262: {  	s26 =	sand.u32 $0x200, s23;
	s25 =	sand.u32 $0xF000, s24;
	v6 =	vadd.f32 v6, v19;
	v9 =	vadd.f32 v10, v20;
	v10 =	vld [tilespmem:s22+$0xC460]  }
0x263: {  	v3 =	vadd.f32 v33, v3;
	v11 =	vadd.f32 v34, v8;
	v20 =	vld [tilespmem:s22+$0xC470];
	s22 =	sor.u32 s26, s25  }
0x264: {  	v6 =	vadd.f32 v14, v6;
	v8 =	vld [tilespmem:s22+$0xC400];
	v14 =	vadd.f32 v15, v9  }
0x265: {  	v3 =	vadd.f32 v35, v3;
	v12 =	vadd.f32 v12, v11;
	v9 =	vld [tilespmem:s22+$0xC410]  }
0x266: {  	v5 =	vadd.f32 v5, v6;
	v11 =	vld [tilespmem:s22+$0xC420];
	v6 =	vadd.f32 v16, v14  }
0x267: {  	v21 =	vadd.f32 v4, v3;
	v22 =	vadd.f32 v61, v12;
	v63 =	vld [tilespmem:s22+$0xC430]  }
0x268: {  	v19 =	vadd.f32 v10, v5;
	v4 =	vld [tilespmem:s22+$0xC440];
	v20 =	vadd.f32 v20, v6  }
0x269: {  	v61 =	vld [tilespmem:s22+$0xC450]  }
0x26a: {  	v15 =	vld [tilespmem:s22+$0xC380]  }
0x26b: {  	v5 =	vld [tilespmem:s22+$0xC390]  }
0x26c: {  	v16 =	vld [tilespmem:s22+$0xC3A0]  }
0x26d: {  	v51 =	vld [tilespmem:s22+$0xC3B0]  }
0x26e: {  	v35 =	vld [tilespmem:s22+$0xC3C0]  }
0x26f: {  	v12 =	vld [tilespmem:s22+$0xC3D0]  }
0x270: {  	v6 =	vld [tilespmem:s22+$0xC300]  }
0x271: {  	v10 =	vld [tilespmem:s22+$0xC310]  }
0x272: {  	v34 =	vld [tilespmem:s22+$0xC280]  }
0x273: {  	v36 =	vld [tilespmem:s22+$0xC290]  }
0x274: {  	v45 =	vld [tilespmem:s22+$0xC2A0]  }
0x275: {  	v46 =	vld [tilespmem:s22+$0xC2B0]  }
0x276: {  	v3 =	vld [tilespmem:s22+$0xC320]  }
.Ltmp4:
0x277: {  	v14 =	vld [tilespmem:s22+$0xC330];
	(pc) =	sbr.rel @p0 .LBB2_10-.Ltmp4, $4  }
0x278: {  	v33 =	vld [tilespmem:s22+$0xC340]  }
0x279: {  	v13 =	vadd.f32 v34, v13;
	v43 =	vadd.f32 v36, v43;
	v34 =	vld [tilespmem:s22+$0xC350]  }
0x27a: {  	v44 =	vadd.f32 v45, v44;
	v49 =	vadd.f32 v46, v7;
	v36 =	vld [tilespmem:s22+$0xC2C0]  }
0x27b: {  	s23 =	sadd.s32 $0x200, s23;
	v50 =	vadd.f32 v6, v13;
	v52 =	vadd.f32 v10, v43;
	v45 =	vld [tilespmem:s22+$0xC2D0]  }
0x27c: {  	v46 =	vld [tilespmem:s22+$0xC2E0]  }
0x27d: {  	v47 =	vld [tilespmem:s22+$0xC2F0]  }
0x27e: {  	v48 =	vld [tilespmem:s22+$0xC360]  }
0x27f: {  	v54 =	vld [tilespmem:s22+$0xC370]  }
0x280: {  	v55 =	vld [tilespmem:s22+$0xC3E0]  }
0x281: {  	v59 =	vld [tilespmem:s22+$0xC3F0]  }
0x282: {  	v60 =	vld [tilespmem:s22+$0xC460]  }
0x283: {  	v17 =	vld [tilespmem:s22+$0xC470];
	s22 =	sor.u32 s21, s20  }
0x284: {  	v6 =	vld [tilespmem:s22+$0xC800]  }
0x285: {  	v53 =	vld [tilespmem:s22+$0xC810]  }
0x286: {  	v7 =	vld [tilespmem:s22+$0xC820]  }
0x287: {  	v10 =	vld [tilespmem:s22+$0xC830]  }
0x288: {  	v58 =	vld [tilespmem:s22+$0xC840]  }
0x289: {  	v62 =	vld [tilespmem:s22+$0xC850]  }
0x28a: {  	v13 =	vld [tilespmem:s22+$0xC780]  }
0x28b: {  	v3 =	vadd.f32 v3, v44;
	v43 =	vld [tilespmem:s22+$0xC790];
	v15 =	vadd.f32 v15, v50  }
0x28c: {  	v49 =	vadd.f32 v14, v49;
	v14 =	vld [tilespmem:s22+$0xC7A0];
	v5 =	vadd.f32 v5, v52  }
0x28d: {  	v44 =	vld [tilespmem:s22+$0xC7B0];
	v16 =	vadd.f32 v16, v3;
	v8 =	vadd.f32 v8, v15  }
0x28e: {  	v3 =	vld [tilespmem:s22+$0xC7C0];
	v5 =	vadd.f32 v9, v5;
	v9 =	vadd.f32 v36, v21  }
0x28f: {  	v21 =	vld [tilespmem:s22+$0xC6A0];
	[tilespmem:$0x1FE20] =	vst v8;
	v8 =	vadd.f32 v11, v16;
	v11 =	vadd.f32 v45, v22  }
0x290: {  	[tilespmem:$0x1FE30] =	vst v5;
	v5 =	vld [tilespmem:s22+$0xC7D0];
	v15 =	vadd.f32 v46, v19;
	v16 =	vadd.f32 v47, v20  }
0x291: {  	v50 =	vadd.f32 v51, v49;
	v22 =	vld [tilespmem:s22+$0xC710];
	v11 =	vadd.f32 v34, v11  }
0x292: {  	v19 =	vld [tilespmem:s22+$0xC680];
	v15 =	vadd.f32 v48, v15;
	v16 =	vadd.f32 v54, v16  }
0x293: {  	v9 =	vadd.f32 v33, v9;
	v20 =	vld [tilespmem:s22+$0xC690];
	v11 =	vadd.f32 v12, v11  }
0x294: {  	v12 =	vadd.f32 v55, v15;
	v15 =	vadd.f32 v59, v16;
	v16 =	vld [tilespmem:$0x1FEE0]  }
0x295: {  	[tilespmem:$0x1FE40] =	vst v8;
	v8 =	vadd.f32 v63, v50;
	v33 =	vadd.f32 v35, v9;
	v63 =	vld [tilespmem:s22+$0xC6B0]  }
0x296: {  	v9 =	vld [tilespmem:s22+$0xC720]  }
0x297: {  	v35 =	vadd.f32 v4, v33;
	v4 =	vld [tilespmem:$0x1FEC0]  }
0x298: {  	v34 =	vadd.f32 v17, v15;
	v15 =	vld [tilespmem:$0x1FED0]  }
0x299: {  	v54 =	vadd.f32 v21, v16;
	v16 =	vld [tilespmem:$0x1FEF0]  }
0x29a: {  	[tilespmem:$0x1FE50] =	vst v8;
	v8 =	vld [tilespmem:s22+$0xC700]  }
0x29b: {  	v36 =	vadd.f32 v61, v11;
	v11 =	vld [tilespmem:s22+$0xC730]  }
0x29c: {  	v33 =	vadd.f32 v60, v12;
	v12 =	vld [tilespmem:s22+$0xC740]  }
0x29d: {  	v4 =	vadd.f32 v19, v4;
	v21 =	vld [tilespmem:s22+$0xC6D0];
	v17 =	vadd.f32 v20, v15  }
0x29e: {  	v15 =	vld [tilespmem:s22+$0xC750];
	v46 =	vadd.f32 v63, v16  }
0x29f: {  	s20 =	simm.s32 $0x200;
	v55 =	vadd.f32 v8, v4;
	v60 =	vadd.f32 v22, v17;
	v16 =	vld [tilespmem:s22+$0xC6C0]  }
.LBB2_12:
0x2a0: {  	p0 =	sne.s32 s20, $0x2E00;
	v4 =	vld [tilespmem:s22+$0xC6E0];
	v8 =	vadd.f32 v9, v54;
	v9 =	vadd.f32 v11, v46  }
0x2a1: {  	v11 =	vld [tilespmem:s22+$0xC6F0];
	v13 =	vadd.f32 v13, v55;
	v17 =	vadd.f32 v43, v60  }
0x2a2: {  	v19 =	vld [tilespmem:s22+$0xC760];
	v8 =	vadd.f32 v14, v8;
	v9 =	vadd.f32 v44, v9  }
0x2a3: {  	v14 =	vld [tilespmem:s22+$0xC770];
	v20 =	vadd.f32 v6, v13;
	v17 =	vadd.f32 v53, v17  }
0x2a4: {  	v13 =	vld [tilespmem:s22+$0xC7E0];
	v8 =	vadd.f32 v7, v8;
	v22 =	vadd.f32 v10, v9  }
0x2a5: {  	s19 =	sadd.s32 $0x800, s19;
	v6 =	vadd.f32 v16, v25;
	v7 =	vadd.f32 v21, v26;
	v9 =	vld [tilespmem:s22+$0xC7F0]  }
0x2a6: {  	s23 =	sand.u32 $0x200, s20;
	s21 =	sand.u32 $0xF000, s19;
	v4 =	vadd.f32 v4, v23;
	v10 =	vadd.f32 v11, v24;
	v11 =	vld [tilespmem:s22+$0xC860]  }
0x2a7: {  	v12 =	vadd.f32 v12, v6;
	v7 =	vadd.f32 v15, v7;
	v15 =	vld [tilespmem:s22+$0xC870];
	s22 =	sor.u32 s23, s21  }
0x2a8: {  	v4 =	vadd.f32 v19, v4;
	v6 =	vld [tilespmem:s22+$0xC800];
	v10 =	vadd.f32 v14, v10  }
0x2a9: {  	v3 =	vadd.f32 v3, v12;
	v5 =	vadd.f32 v5, v7;
	v53 =	vld [tilespmem:s22+$0xC810]  }
0x2aa: {  	v4 =	vadd.f32 v13, v4;
	v7 =	vld [tilespmem:s22+$0xC820];
	v9 =	vadd.f32 v9, v10  }
0x2ab: {  	v25 =	vadd.f32 v58, v3;
	v26 =	vadd.f32 v62, v5;
	v10 =	vld [tilespmem:s22+$0xC830]  }
0x2ac: {  	v23 =	vadd.f32 v11, v4;
	v58 =	vld [tilespmem:s22+$0xC840];
	v24 =	vadd.f32 v15, v9  }
0x2ad: {  	v62 =	vld [tilespmem:s22+$0xC850]  }
0x2ae: {  	v13 =	vld [tilespmem:s22+$0xC780]  }
0x2af: {  	v43 =	vld [tilespmem:s22+$0xC790]  }
0x2b0: {  	v14 =	vld [tilespmem:s22+$0xC7A0]  }
0x2b1: {  	v44 =	vld [tilespmem:s22+$0xC7B0]  }
0x2b2: {  	v3 =	vld [tilespmem:s22+$0xC7C0]  }
0x2b3: {  	v5 =	vld [tilespmem:s22+$0xC7D0]  }
0x2b4: {  	v4 =	vld [tilespmem:s22+$0xC700]  }
0x2b5: {  	v19 =	vld [tilespmem:s22+$0xC710]  }
0x2b6: {  	v15 =	vld [tilespmem:s22+$0xC680]  }
0x2b7: {  	v16 =	vld [tilespmem:s22+$0xC690]  }
0x2b8: {  	v21 =	vld [tilespmem:s22+$0xC6A0]  }
0x2b9: {  	v45 =	vld [tilespmem:s22+$0xC6B0]  }
0x2ba: {  	v9 =	vld [tilespmem:s22+$0xC720]  }
.Ltmp5:
0x2bb: {  	v11 =	vld [tilespmem:s22+$0xC730];
	(pc) =	sbr.rel @p0 .LBB2_12-.Ltmp5, $4  }
0x2bc: {  	v12 =	vld [tilespmem:s22+$0xC740]  }
0x2bd: {  	v20 =	vadd.f32 v15, v20;
	v17 =	vadd.f32 v16, v17;
	v15 =	vld [tilespmem:s22+$0xC750]  }
0x2be: {  	v54 =	vadd.f32 v21, v8;
	v46 =	vadd.f32 v45, v22;
	v16 =	vld [tilespmem:s22+$0xC6C0]  }
0x2bf: {  	s20 =	sadd.s32 $0x200, s20;
	v55 =	vadd.f32 v4, v20;
	v60 =	vadd.f32 v19, v17;
	v21 =	vld [tilespmem:s22+$0xC6D0]  }
0x2c0: {  	v17 =	vld [tilespmem:s22+$0xC6E0]  }
0x2c1: {  	v47 =	vld [tilespmem:s22+$0xC6F0]  }
0x2c2: {  	v48 =	vld [tilespmem:s22+$0xC760]  }
0x2c3: {  	v18 =	vld [tilespmem:s22+$0xC770];
	p0 =	por $0x0, $0x0;
	s19 =	simm.s32 $0x1  }
0x2c4: {  	v49 =	vld [tilespmem:s22+$0xC7E0];
	s19 =	simm.s32 @!p0 $0x0  }
0x2c5: {  	v50 =	vld [tilespmem:s22+$0xC7F0];
	v13 =	vadd.f32 v13, v55;
	s20 =	sshll.u32 s19, $0x9  }
0x2c6: {  	v51 =	vld [tilespmem:s22+$0xC860];
	v54 =	vadd.f32 v9, v54;
	s21 =	sadd.s32 $0x0, s20  }
0x2c7: {  	v52 =	vld [tilespmem:s22+$0xC870];
	v43 =	vadd.f32 v43, v60;
	v6 =	vadd.f32 v6, v13;
	s24 =	sor.u32 $0x980, s21  }
0x2c8: {  	v46 =	vadd.f32 v11, v46;
	s25 =	sor.u32 $0x990, s21;
	v22 =	vld [tilespmem:s24+$0xC280]  }
0x2c9: {  	v14 =	vadd.f32 v14, v54;
	s26 =	sor.u32 $0x9A0, s21;
	v59 =	vld [tilespmem:s25+$0xC280];
	[tilespmem:$0x1FDE0] =	vst v6;
	v6 =	vadd.f32 v53, v43  }
0x2ca: {  	s22 =	sor.u32 $0x9B0, s21;
	v45 =	vld [tilespmem:s26+$0xC280]  }
0x2cb: {  	v44 =	vadd.f32 v44, v46;
	s23 =	sor.u32 $0x9C0, s21;
	v61 =	vld [tilespmem:s22+$0xC280];
	[tilespmem:$0x1FDF0] =	vst v6;
	v6 =	vadd.f32 v7, v14  }
0x2cc: {  	v19 =	vld [tilespmem:s23+$0xC280];
	s24 =	sor.u32 $0x9D0, s21  }
0x2cd: {  	s25 =	sor.u32 $0x900, s21;
	v20 =	vld [tilespmem:s24+$0xC280];
	[tilespmem:$0x1FE00] =	vst v6;
	v6 =	vadd.f32 v10, v44  }
0x2ce: {  	s26 =	sor.u32 $0x910, s21;
	v4 =	vld [tilespmem:s25+$0xC280]  }
0x2cf: {  	s22 =	sor.u32 $0x920, s21;
	v8 =	vld [tilespmem:s26+$0xC280];
	[tilespmem:$0x1FE10] =	vst v6;
	v6 =	vadd.f32 v16, v25  }
0x2d0: {  	s23 =	sor.u32 $0x930, s21;
	v9 =	vld [tilespmem:s22+$0xC280]  }
0x2d1: {  	v11 =	vld [tilespmem:s23+$0xC280];
	s24 =	sor.u32 $0x940, s21;
	v12 =	vadd.f32 v12, v6  }
0x2d2: {  	s25 =	sor.u32 $0x950, s21;
	v60 =	vld [tilespmem:s24+$0xC280]  }
0x2d3: {  	v63 =	vld [tilespmem:s25+$0xC280];
	s24 =	sor.u32 $0x800, s21;
	v3 =	vadd.f32 v3, v12  }
0x2d4: {  	v14 =	vadd.f32 v17, v23;
	v17 =	vld [tilespmem:s24+$0xC280];
	v16 =	vadd.f32 v47, v24  }
0x2d5: {  	v13 =	vadd.f32 v21, v26;
	s26 =	sor.u32 $0x880, s21;
	v43 =	vadd.f32 v58, v3;
	v3 =	vld [tilespmem:$0x1FEA0]  }
0x2d6: {  	s22 =	sor.u32 $0x830, s21;
	v7 =	vld [tilespmem:s26+$0xC280];
	v16 =	vadd.f32 v18, v16  }
0x2d7: {  	v13 =	vadd.f32 v15, v13;
	s25 =	sor.u32 $0x810, s21;
	v15 =	vld [tilespmem:s22+$0xC280]  }
0x2d8: {  	s23 =	sor.u32 $0x890, s21;
	v21 =	vld [tilespmem:s25+$0xC280];
	v16 =	vadd.f32 v50, v16  }
0x2d9: {  	v10 =	vld [tilespmem:s23+$0xC280]  }
0x2da: {  	s26 =	sor.u32 $0x820, s21;
	v26 =	vadd.f32 v52, v16;
	v16 =	vadd.f32 v17, v3;
	v3 =	vld [tilespmem:$0x1FEB0]  }
0x2db: {  	v14 =	vadd.f32 v48, v14;
	s23 =	sor.u32 $0x8A0, s21;
	v6 =	vld [tilespmem:s26+$0xC280]  }
0x2dc: {  	v5 =	vadd.f32 v5, v13;
	s24 =	sor.u32 $0x8B0, s21;
	v13 =	vld [tilespmem:s23+$0xC280]  }
0x2dd: {  	s25 =	sor.u32 $0x8C0, s21;
	v12 =	vadd.f32 v49, v14;
	v14 =	vld [tilespmem:s24+$0xC280]  }
0x2de: {  	p1 =	por $0x0, $0x0;
	s19 =	simm.s32 $0x0;
	v44 =	vadd.f32 v62, v5;
	v5 =	vld [tilespmem:s25+$0xC280];
	s26 =	sor.u32 $0x8D0, s21  }
0x2df: {  	s22 =	simm.s32 $0x200;
	s23 =	simm.s32 $0x0;
	s24 =	sor.u32 $0x840, s21;
	v25 =	vadd.f32 v51, v12;
	v12 =	vld [tilespmem:s26+$0xC280];
	v47 =	vadd.f32 v21, v3  }
.LBB2_14:
0x2e0: {  	p2 =	sne.s32 s22, $0x2E00;
	v3 =	vadd.f32 v6, v29;
	v6 =	vadd.f32 v15, v32;
	v15 =	vld [tilespmem:s24+$0xC280];
	s24 =	sor.u32 $0x850, s21  }
0x2e1: {  	v17 =	vld [tilespmem:s24+$0xC280];
	s24 =	sor.u32 $0x860, s21;
	v7 =	vadd.f32 v7, v16;
	v10 =	vadd.f32 v10, v47  }
0x2e2: {  	v16 =	vld [tilespmem:s24+$0xC280];
	s24 =	sor.u32 $0x870, s21;
	v3 =	vadd.f32 v13, v3;
	v6 =	vadd.f32 v14, v6  }
0x2e3: {  	v13 =	vld [tilespmem:s24+$0xC280];
	s24 =	sor.u32 $0x8E0, s21;
	v4 =	vadd.f32 v4, v7;
	v7 =	vadd.f32 v8, v10  }
0x2e4: {  	v8 =	vld [tilespmem:s24+$0xC280];
	s24 =	sor.u32 $0x8F0, s21;
	v3 =	vadd.f32 v9, v3;
	v6 =	vadd.f32 v11, v6  }
0x2e5: {  	p1 =	por !p1, !p1;
	s25 =	simm.s32 $0x1;
	v9 =	vld [tilespmem:s24+$0xC280];
	s24 =	sor.u32 $0x960, s21;
	v18 =	vadd.f32 v22, v4;
	v21 =	vadd.f32 v59, v7  }
0x2e6: {  	s25 =	simm.s32 @!p1 $0x0;
	v4 =	vld [tilespmem:s24+$0xC280];
	s24 =	sor.u32 $0x970, s21;
	v29 =	vadd.f32 v45, v3;
	v32 =	vadd.f32 v61, v6  }
0x2e7: {  	s23 =	sadd.s32 $0x800, s23;
	s25 =	sshll.u32 s25, $0x9;
	v3 =	vadd.f32 v15, v28;
	v6 =	vadd.f32 v17, v31;
	v7 =	vld [tilespmem:s24+$0xC280];
	s24 =	sor.u32 $0x9E0, s21  }
0x2e8: {  	v10 =	vadd.f32 v16, v27;
	v11 =	vadd.f32 v13, v30;
	v13 =	vld [tilespmem:s24+$0xC280];
	s24 =	sor.u32 $0x9F0, s21;
	s21 =	sadd.s32 s25, s23  }
0x2e9: {  	v3 =	vadd.f32 v5, v3;
	v5 =	vadd.f32 v12, v6;
	s25 =	sor.u32 $0x980, s21;
	v6 =	vld [tilespmem:s24+$0xC280]  }
0x2ea: {  	s24 =	sor.u32 $0x990, s21;
	v8 =	vadd.f32 v8, v10;
	v22 =	vld [tilespmem:s25+$0xC280];
	v9 =	vadd.f32 v9, v11  }
0x2eb: {  	v3 =	vadd.f32 v60, v3;
	v5 =	vadd.f32 v63, v5;
	v59 =	vld [tilespmem:s24+$0xC280];
	s24 =	sor.u32 $0x9A0, s21  }
0x2ec: {  	v4 =	vadd.f32 v4, v8;
	v45 =	vld [tilespmem:s24+$0xC280];
	s24 =	sor.u32 $0x9B0, s21;
	v7 =	vadd.f32 v7, v9  }
0x2ed: {  	v28 =	vadd.f32 v19, v3;
	v31 =	vadd.f32 v20, v5;
	v61 =	vld [tilespmem:s24+$0xC280];
	s24 =	sor.u32 $0x9C0, s21  }
0x2ee: {  	v27 =	vadd.f32 v13, v4;
	v19 =	vld [tilespmem:s24+$0xC280];
	s24 =	sor.u32 $0x9D0, s21;
	v30 =	vadd.f32 v6, v7  }
0x2ef: {  	s25 =	sor.u32 $0x900, s21;
	v20 =	vld [tilespmem:s24+$0xC280]  }
0x2f0: {  	s24 =	sor.u32 $0x910, s21;
	v4 =	vld [tilespmem:s25+$0xC280]  }
0x2f1: {  	v8 =	vld [tilespmem:s24+$0xC280];
	s24 =	sor.u32 $0x920, s21  }
0x2f2: {  	v9 =	vld [tilespmem:s24+$0xC280];
	s24 =	sor.u32 $0x930, s21  }
0x2f3: {  	v11 =	vld [tilespmem:s24+$0xC280];
	s24 =	sor.u32 $0x940, s21  }
0x2f4: {  	v60 =	vld [tilespmem:s24+$0xC280];
	s24 =	sor.u32 $0x950, s21  }
0x2f5: {  	s25 =	sor.u32 $0x880, s21;
	v63 =	vld [tilespmem:s24+$0xC280]  }
0x2f6: {  	s24 =	sor.u32 $0x890, s21;
	v7 =	vld [tilespmem:s25+$0xC280]  }
0x2f7: {  	s25 =	sor.u32 $0x800, s21;
	v10 =	vld [tilespmem:s24+$0xC280]  }
0x2f8: {  	s24 =	sor.u32 $0x810, s21;
	v3 =	vld [tilespmem:s25+$0xC280]  }
0x2f9: {  	v12 =	vld [tilespmem:s24+$0xC280];
	s24 =	sor.u32 $0x820, s21  }
0x2fa: {  	v6 =	vld [tilespmem:s24+$0xC280];
	s24 =	sor.u32 $0x830, s21  }
.Ltmp6:
0x2fb: {  	v15 =	vld [tilespmem:s24+$0xC280];
	s24 =	sor.u32 $0x8A0, s21;
	(pc) =	sbr.rel @p2 .LBB2_14-.Ltmp6, $4  }
0x2fc: {  	v13 =	vld [tilespmem:s24+$0xC280];
	s24 =	sor.u32 $0x8B0, s21  }
0x2fd: {  	v14 =	vld [tilespmem:s24+$0xC280];
	s24 =	sor.u32 $0x8C0, s21  }
0x2fe: {  	s25 =	sor.u32 $0x8D0, s21;
	v5 =	vld [tilespmem:s24+$0xC280]  }
0x2ff: {  	s22 =	sadd.s32 $0x200, s22;
	v16 =	vadd.f32 v3, v18;
	v47 =	vadd.f32 v12, v21;
	s24 =	sor.u32 $0x840, s21;
	v12 =	vld [tilespmem:s25+$0xC280]  }
0x300: {  	v17 =	vld [tilespmem:s24+$0xC280];
	s22 =	sor.u32 $0x850, s21  }
0x301: {  	s24 =	sor.u32 $0x860, s21;
	v18 =	vld [tilespmem:s22+$0xC280]  }
0x302: {  	s25 =	sor.u32 $0x870, s21;
	v49 =	vld [tilespmem:s24+$0xC280]  }
0x303: {  	s26 =	sor.u32 $0x8E0, s21;
	v50 =	vld [tilespmem:s25+$0xC280]  }
0x304: {  	s23 =	sor.u32 $0x8F0, s21;
	v51 =	vld [tilespmem:s26+$0xC280]  }
0x305: {  	v52 =	vld [tilespmem:s23+$0xC280];
	s24 =	sor.u32 $0x960, s21  }
0x306: {  	s25 =	sor.u32 $0x970, s21;
	v46 =	vld [tilespmem:s24+$0xC280]  }
0x307: {  	s26 =	sor.u32 $0x9E0, s21;
	v53 =	vld [tilespmem:s25+$0xC280]  }
0x308: {  	s20 =	sadd.s32 $0x0, s20;
	s23 =	sor.u32 $0x9F0, s21;
	v54 =	vld [tilespmem:s26+$0xC280]  }
0x309: {  	s22 =	sor.u32 $0xDB0, s20;
	v55 =	vld [tilespmem:s23+$0xC280]  }
0x30a: {  	s24 =	sor.u32 $0xD80, s20;
	v3 =	vld [tilespmem:s22+$0xC280]  }
0x30b: {  	s25 =	sor.u32 $0xD90, s20;
	v23 =	vld [tilespmem:s24+$0xC280]  }
0x30c: {  	s26 =	sor.u32 $0xDA0, s20;
	v62 =	vld [tilespmem:s25+$0xC280]  }
0x30d: {  	s23 =	sor.u32 $0xDC0, s20;
	v24 =	vld [tilespmem:s26+$0xC280]  }
0x30e: {  	s22 =	sor.u32 $0xD20, s20;
	v21 =	vld [tilespmem:s23+$0xC280]  }
0x30f: {  	v48 =	vadd.f32 v10, v47;
	s24 =	sor.u32 $0xDD0, s20;
	v10 =	vld [tilespmem:s22+$0xC280]  }
0x310: {  	v29 =	vadd.f32 v6, v29;
	v15 =	vadd.f32 v15, v32;
	s25 =	sor.u32 $0xD00, s20;
	v58 =	vld [tilespmem:s24+$0xC280]  }
0x311: {  	v16 =	vadd.f32 v7, v16;
	s26 =	sor.u32 $0xD10, s20;
	v6 =	vld [tilespmem:s25+$0xC280]  }
0x312: {  	v13 =	vadd.f32 v13, v29;
	v14 =	vadd.f32 v14, v15;
	s23 =	sor.u32 $0xD30, s20;
	v7 =	vld [tilespmem:s26+$0xC280]  }
0x313: {  	v15 =	vadd.f32 v4, v16;
	v16 =	vadd.f32 v8, v48;
	v8 =	vld [tilespmem:s23+$0xC280];
	s24 =	sor.u32 $0xD40, s20  }
0x314: {  	v9 =	vadd.f32 v9, v13;
	v11 =	vadd.f32 v11, v14;
	s25 =	sor.u32 $0xD50, s20;
	v4 =	vld [tilespmem:s24+$0xC280]  }
0x315: {  	s26 =	sor.u32 $0xC80, s20;
	v47 =	vadd.f32 v22, v15;
	v48 =	vadd.f32 v59, v16;
	v22 =	vld [tilespmem:s25+$0xC280]  }
0x316: {  	s23 =	sor.u32 $0xC90, s20;
	v16 =	vld [tilespmem:s26+$0xC280];
	v32 =	vadd.f32 v45, v9;
	v45 =	vadd.f32 v61, v11  }
0x317: {  	s24 =	sor.u32 $0xC00, s20;
	v59 =	vld [tilespmem:s23+$0xC280];
	v9 =	vadd.f32 v17, v28;
	v11 =	vadd.f32 v18, v31  }
0x318: {  	s26 =	sor.u32 $0xC20, s20;
	v13 =	vadd.f32 v49, v27;
	v14 =	vadd.f32 v50, v30;
	v17 =	vld [tilespmem:s24+$0xC280]  }
0x319: {  	s25 =	sor.u32 $0xC10, s20;
	v15 =	vld [tilespmem:s26+$0xC280];
	v5 =	vadd.f32 v5, v9;
	v9 =	vadd.f32 v12, v11  }
0x31a: {  	s22 =	sor.u32 $0xC30, s20;
	v11 =	vld [tilespmem:s25+$0xC280];
	v12 =	vadd.f32 v51, v13;
	v13 =	vadd.f32 v52, v14  }
0x31b: {  	s23 =	sor.u32 $0xCA0, s20;
	v61 =	vld [tilespmem:s22+$0xC280];
	v5 =	vadd.f32 v60, v5;
	v9 =	vadd.f32 v63, v9  }
0x31c: {  	s24 =	sor.u32 $0xCB0, s20;
	v12 =	vadd.f32 v46, v12;
	v13 =	vadd.f32 v53, v13;
	v60 =	vld [tilespmem:s23+$0xC280]  }
0x31d: {  	s26 =	sor.u32 $0xCD0, s20;
	v29 =	vadd.f32 v19, v5;
	v30 =	vadd.f32 v20, v9;
	v19 =	vld [tilespmem:s24+$0xC280]  }
0x31e: {  	s25 =	sor.u32 $0xCC0, s20;
	v14 =	vld [tilespmem:s26+$0xC280];
	v27 =	vadd.f32 v54, v12;
	v28 =	vadd.f32 v55, v13  }
0x31f: {  	s21 =	simm.s32 $0x200;
	s22 =	sor.u32 $0xC40, s20;
	v13 =	vld [tilespmem:s25+$0xC280];
	v20 =	vadd.f32 v17, v56;
	v57 =	vadd.f32 v11, v57  }
.LBB2_16:
0x320: {  	p1 =	sne.s32 s21, $0x2E00;
	v5 =	vadd.f32 v15, v41;
	v9 =	vadd.f32 v61, v42;
	v11 =	vld [tilespmem:s22+$0xC280];
	s22 =	sor.u32 $0xC50, s20  }
0x321: {  	v12 =	vld [tilespmem:s22+$0xC280];
	s22 =	sor.u32 $0xC60, s20;
	v15 =	vadd.f32 v16, v20;
	v16 =	vadd.f32 v59, v57  }
0x322: {  	v17 =	vld [tilespmem:s22+$0xC280];
	s22 =	sor.u32 $0xC70, s20;
	v5 =	vadd.f32 v60, v5;
	v9 =	vadd.f32 v19, v9  }
0x323: {  	v18 =	vld [tilespmem:s22+$0xC280];
	s22 =	sor.u32 $0xCE0, s20;
	v6 =	vadd.f32 v6, v15;
	v7 =	vadd.f32 v7, v16  }
0x324: {  	v15 =	vld [tilespmem:s22+$0xC280];
	s22 =	sor.u32 $0xCF0, s20;
	v5 =	vadd.f32 v10, v5;
	v8 =	vadd.f32 v8, v9  }
0x325: {  	p0 =	por !p0, !p0;
	s23 =	simm.s32 $0x1;
	v9 =	vld [tilespmem:s22+$0xC280];
	s22 =	sor.u32 $0xD60, s20;
	v20 =	vadd.f32 v23, v6;
	v31 =	vadd.f32 v62, v7  }
0x326: {  	s23 =	simm.s32 @!p0 $0x0;
	v6 =	vld [tilespmem:s22+$0xC280];
	s22 =	sor.u32 $0xD70, s20;
	v41 =	vadd.f32 v24, v5;
	v42 =	vadd.f32 v3, v8  }
0x327: {  	s19 =	sadd.s32 $0x800, s19;
	s23 =	sshll.u32 s23, $0x9;
	v3 =	vadd.f32 v11, v37;
	v5 =	vadd.f32 v12, v38;
	v7 =	vld [tilespmem:s22+$0xC280];
	s22 =	sor.u32 $0xDE0, s20  }
0x328: {  	v8 =	vadd.f32 v17, v39;
	v10 =	vadd.f32 v18, v40;
	v11 =	vld [tilespmem:s22+$0xC280];
	s22 =	sor.u32 $0xDF0, s20;
	s20 =	sadd.s32 s23, s19  }
0x329: {  	v3 =	vadd.f32 v13, v3;
	v5 =	vadd.f32 v14, v5;
	s23 =	sor.u32 $0xD80, s20;
	v12 =	vld [tilespmem:s22+$0xC280]  }
0x32a: {  	s22 =	sor.u32 $0xD90, s20;
	v8 =	vadd.f32 v15, v8;
	v23 =	vld [tilespmem:s23+$0xC280];
	v9 =	vadd.f32 v9, v10  }
0x32b: {  	v4 =	vadd.f32 v4, v3;
	v5 =	vadd.f32 v22, v5;
	v62 =	vld [tilespmem:s22+$0xC280];
	s22 =	sor.u32 $0xDA0, s20  }
0x32c: {  	v6 =	vadd.f32 v6, v8;
	v24 =	vld [tilespmem:s22+$0xC280];
	s22 =	sor.u32 $0xDB0, s20;
	v7 =	vadd.f32 v7, v9  }
0x32d: {  	v37 =	vadd.f32 v21, v4;
	v38 =	vadd.f32 v58, v5;
	v3 =	vld [tilespmem:s22+$0xC280];
	s22 =	sor.u32 $0xDC0, s20  }
0x32e: {  	v39 =	vadd.f32 v11, v6;
	v21 =	vld [tilespmem:s22+$0xC280];
	s22 =	sor.u32 $0xDD0, s20;
	v40 =	vadd.f32 v12, v7  }
0x32f: {  	s23 =	sor.u32 $0xD00, s20;
	v58 =	vld [tilespmem:s22+$0xC280]  }
0x330: {  	s22 =	sor.u32 $0xD10, s20;
	v6 =	vld [tilespmem:s23+$0xC280]  }
0x331: {  	v7 =	vld [tilespmem:s22+$0xC280];
	s22 =	sor.u32 $0xD20, s20  }
0x332: {  	v10 =	vld [tilespmem:s22+$0xC280];
	s22 =	sor.u32 $0xD30, s20  }
0x333: {  	v8 =	vld [tilespmem:s22+$0xC280];
	s22 =	sor.u32 $0xD40, s20  }
0x334: {  	v4 =	vld [tilespmem:s22+$0xC280];
	s22 =	sor.u32 $0xD50, s20  }
0x335: {  	s23 =	sor.u32 $0xC80, s20;
	v22 =	vld [tilespmem:s22+$0xC280]  }
0x336: {  	s22 =	sor.u32 $0xC90, s20;
	v16 =	vld [tilespmem:s23+$0xC280]  }
0x337: {  	s23 =	sor.u32 $0xC00, s20;
	v59 =	vld [tilespmem:s22+$0xC280]  }
0x338: {  	s22 =	sor.u32 $0xC10, s20;
	v5 =	vld [tilespmem:s23+$0xC280]  }
0x339: {  	v9 =	vld [tilespmem:s22+$0xC280];
	s22 =	sor.u32 $0xC20, s20  }
0x33a: {  	v15 =	vld [tilespmem:s22+$0xC280];
	s22 =	sor.u32 $0xC30, s20  }
.Ltmp7:
0x33b: {  	v61 =	vld [tilespmem:s22+$0xC280];
	s22 =	sor.u32 $0xCA0, s20;
	(pc) =	sbr.rel @p1 .LBB2_16-.Ltmp7, $4  }
0x33c: {  	v60 =	vld [tilespmem:s22+$0xC280];
	s22 =	sor.u32 $0xCB0, s20  }
0x33d: {  	v19 =	vld [tilespmem:s22+$0xC280];
	s22 =	sor.u32 $0xCC0, s20  }
0x33e: {  	s23 =	sor.u32 $0xCD0, s20;
	v13 =	vld [tilespmem:s22+$0xC280]  }
0x33f: {  	s21 =	sadd.s32 $0x200, s21;
	v20 =	vadd.f32 v5, v20;
	v57 =	vadd.f32 v9, v31;
	s22 =	sor.u32 $0xC40, s20;
	v14 =	vld [tilespmem:s23+$0xC280]  }
0x340: {  	v17 =	vld [tilespmem:s22+$0xC280];
	s19 =	sor.u32 $0xC50, s20  }
0x341: {  	s25 =	sor.u32 $0xC60, s20;
	v18 =	vld [tilespmem:s19+$0xC280]  }
0x342: {  	s26 =	sor.u32 $0xC70, s20;
	v46 =	vld [tilespmem:s25+$0xC280]  }
0x343: {  	s21 =	sor.u32 $0xCE0, s20;
	v49 =	vld [tilespmem:s26+$0xC280]  }
0x344: {  	s22 =	sor.u32 $0xCF0, s20;
	v50 =	vld [tilespmem:s21+$0xC280]  }
0x345: {  	s23 =	sor.u32 $0xD60, s20;
	v51 =	vld [tilespmem:s22+$0xC280]  }
0x346: {  	s24 =	sor.u32 $0xD70, s20;
	v52 =	vld [tilespmem:s23+$0xC280]  }
0x347: {  	v53 =	vld [tilespmem:s24+$0xC280];
	s25 =	sor.u32 $0xDE0, s20  }
0x348: {  	s26 =	sor.u32 $0xDF0, s20;
	v54 =	vld [tilespmem:s25+$0xC280]  }
0x349: {  	s19 =	simm.s32 $0x0;
	v55 =	vld [tilespmem:s26+$0xC280];
	_ =	swait.ge [sflag:s17], $0x8000  }
0x34a: {  	s20 =	sand.u32 $0x7000, s19;
	s21 =	sand.u32 $0x200, s19;
	[sflag:s17] =	ssyncset.done $0x0  }
0x34b: {  	v42 =	vadd.f32 v61, v42;
	v20 =	vadd.f32 v16, v20;
	s22 =	sor.u32 s21, s20;
	[sflag:s17] =	ssyncadd.s32 $0xFFFF8000  }
0x34c: {  	v57 =	vadd.f32 v59, v57;
	v9 =	vld [tilespmem:s22+$0x400]  }
0x34d: {  	v19 =	vadd.f32 v19, v42;
	v20 =	vadd.f32 v6, v20;
	v11 =	vld [tilespmem:s22+$0x410]  }
0x34e: {  	v7 =	vadd.f32 v7, v57;
	v12 =	vld [tilespmem:s22+$0x420]  }
0x34f: {  	v8 =	vadd.f32 v8, v19;
	v31 =	vld [tilespmem:s22+$0x430];
	v19 =	vadd.f32 v23, v20  }
0x350: {  	v56 =	vld [tilespmem:s22+$0x440];
	v42 =	vadd.f32 v62, v7;
	v7 =	vadd.f32 v17, v37  }
0x351: {  	v5 =	vld [tilespmem:s22+$0x450];
	v23 =	vadd.f32 v3, v8;
	v8 =	vadd.f32 v18, v38  }
0x352: {  	v41 =	vadd.f32 v15, v41;
	v15 =	vld [tilespmem:s22+$0x380]  }
0x353: {  	v16 =	vld [tilespmem:s22+$0x390];
	v7 =	vadd.f32 v13, v7;
	v8 =	vadd.f32 v14, v8  }
0x354: {  	v41 =	vadd.f32 v60, v41;
	v60 =	vld [tilespmem:s22+$0x3A0]  }
0x355: {  	v6 =	vld [tilespmem:s22+$0x3B0];
	v4 =	vadd.f32 v4, v7;
	v8 =	vadd.f32 v22, v8  }
0x356: {  	v13 =	vld [tilespmem:s22+$0x290]  }
0x357: {  	v22 =	vadd.f32 v21, v4;
	v21 =	vadd.f32 v58, v8;
	v8 =	vld [tilespmem:$0x1FE30]  }
0x358: {  	v63 =	vadd.f32 v10, v41;
	v10 =	vld [tilespmem:s22+$0x3C0]  }
0x359: {  	v59 =	vld [tilespmem:s22+$0x3D0];
	v18 =	vadd.f32 v46, v39  }
0x35a: {  	v17 =	vld [tilespmem:s22+$0x310]  }
0x35b: {  	v14 =	vadd.f32 v50, v18;
	v50 =	vld [tilespmem:s22+$0x2A0]  }
0x35c: {  	v8 =	vadd.f32 v13, v8;
	v13 =	vld [tilespmem:$0x1FE40]  }
0x35d: {  	v3 =	vld [tilespmem:s22+$0x300];
	[tilespmem:$0x1FDD0] =	vst v19;
	v19 =	vadd.f32 v49, v40  }
0x35e: {  	v49 =	vld [tilespmem:s22+$0x280]  }
0x35f: {  	v18 =	vadd.f32 v51, v19;
	v51 =	vld [tilespmem:s22+$0x2B0]  }
0x360: {  	v4 =	vld [tilespmem:$0x1FE20]  }
0x361: {  	v37 =	vadd.f32 v50, v13;
	v13 =	vld [tilespmem:$0x1FE50]  }
0x362: {  	v7 =	vld [tilespmem:s22+$0x320]  }
0x363: {  	v19 =	vadd.f32 v52, v14;
	v14 =	vld [tilespmem:s22+$0x330]  }
0x364: {  	v61 =	vld [tilespmem:s22+$0x350];
	v24 =	vadd.f32 v24, v63;
	v18 =	vadd.f32 v53, v18  }
0x365: {  	v62 =	vld [tilespmem:s22+$0x2D0];
	v20 =	vadd.f32 v54, v19;
	v4 =	vadd.f32 v49, v4  }
0x366: {  	v58 =	vld [tilespmem:s22+$0x340];
	v19 =	vadd.f32 v55, v18;
	v38 =	vadd.f32 v51, v13  }
0x367: {  	s23 =	simm.s32 $0x200;
	s24 =	simm.s32 $0x0;
	v39 =	vadd.f32 v3, v4;
	v50 =	vadd.f32 v17, v8;
	v51 =	vld [tilespmem:s22+$0x2C0]  }
.LBB2_18:
0x368: {  	p0 =	sne.s32 s23, $0x1E00;
	v3 =	vld [tilespmem:s22+$0x2E0];
	v4 =	vadd.f32 v7, v37;
	v7 =	vadd.f32 v14, v38  }
0x369: {  	v8 =	vld [tilespmem:s22+$0x2F0];
	v13 =	vadd.f32 v15, v39;
	v14 =	vadd.f32 v16, v50  }
0x36a: {  	v15 =	vld [tilespmem:s22+$0x360];
	v4 =	vadd.f32 v60, v4;
	v6 =	vadd.f32 v6, v7  }
0x36b: {  	v7 =	vld [tilespmem:s22+$0x370];
	v13 =	vadd.f32 v9, v13;
	v17 =	vadd.f32 v11, v14  }
0x36c: {  	v14 =	vld [tilespmem:s22+$0x3E0];
	v4 =	vadd.f32 v12, v4;
	v18 =	vadd.f32 v31, v6  }
0x36d: {  	s24 =	sadd.s32 $0x800, s24;
	v6 =	vadd.f32 v51, v35;
	v9 =	vadd.f32 v62, v36;
	v16 =	vld [tilespmem:s22+$0x3F0]  }
0x36e: {  	s26 =	sand.u32 $0x200, s23;
	s25 =	sand.u32 $0x7000, s24;
	v3 =	vadd.f32 v3, v33;
	v8 =	vadd.f32 v8, v34;
	v33 =	vld [tilespmem:s22+$0x460]  }
0x36f: {  	v6 =	vadd.f32 v58, v6;
	v12 =	vadd.f32 v61, v9;
	v34 =	vld [tilespmem:s22+$0x470];
	s22 =	sor.u32 s26, s25  }
0x370: {  	v3 =	vadd.f32 v15, v3;
	v9 =	vld [tilespmem:s22+$0x400];
	v7 =	vadd.f32 v7, v8  }
0x371: {  	v6 =	vadd.f32 v10, v6;
	v8 =	vadd.f32 v59, v12;
	v11 =	vld [tilespmem:s22+$0x410]  }
0x372: {  	v3 =	vadd.f32 v14, v3;
	v12 =	vld [tilespmem:s22+$0x420];
	v7 =	vadd.f32 v16, v7  }
0x373: {  	v35 =	vadd.f32 v56, v6;
	v36 =	vadd.f32 v5, v8;
	v31 =	vld [tilespmem:s22+$0x430]  }
0x374: {  	v33 =	vadd.f32 v33, v3;
	v56 =	vld [tilespmem:s22+$0x440];
	v34 =	vadd.f32 v34, v7  }
0x375: {  	v5 =	vld [tilespmem:s22+$0x450]  }
0x376: {  	v15 =	vld [tilespmem:s22+$0x380]  }
0x377: {  	v16 =	vld [tilespmem:s22+$0x390]  }
0x378: {  	v60 =	vld [tilespmem:s22+$0x3A0]  }
0x379: {  	v6 =	vld [tilespmem:s22+$0x3B0]  }
0x37a: {  	v10 =	vld [tilespmem:s22+$0x3C0]  }
0x37b: {  	v59 =	vld [tilespmem:s22+$0x3D0]  }
0x37c: {  	v3 =	vld [tilespmem:s22+$0x300]  }
0x37d: {  	v8 =	vld [tilespmem:s22+$0x310]  }
0x37e: {  	v37 =	vld [tilespmem:s22+$0x280]  }
0x37f: {  	v38 =	vld [tilespmem:s22+$0x290]  }
0x380: {  	v39 =	vld [tilespmem:s22+$0x2A0]  }
0x381: {  	v40 =	vld [tilespmem:s22+$0x2B0]  }
0x382: {  	v7 =	vld [tilespmem:s22+$0x320]  }
.Ltmp8:
0x383: {  	v14 =	vld [tilespmem:s22+$0x330];
	(pc) =	sbr.rel @p0 .LBB2_18-.Ltmp8, $4  }
0x384: {  	v58 =	vld [tilespmem:s22+$0x340]  }
0x385: {  	v13 =	vadd.f32 v37, v13;
	v17 =	vadd.f32 v38, v17;
	v61 =	vld [tilespmem:s22+$0x350]  }
0x386: {  	v37 =	vadd.f32 v39, v4;
	v38 =	vadd.f32 v40, v18;
	v51 =	vld [tilespmem:s22+$0x2C0]  }
0x387: {  	s23 =	sadd.s32 $0x200, s23;
	v39 =	vadd.f32 v3, v13;
	v50 =	vadd.f32 v8, v17;
	v62 =	vld [tilespmem:s22+$0x2D0]  }
0x388: {  	v17 =	vld [tilespmem:s22+$0x2E0]  }
0x389: {  	v18 =	vld [tilespmem:s22+$0x2F0]  }
0x38a: {  	v46 =	vld [tilespmem:s22+$0x360]  }
0x38b: {  	v53 =	vld [tilespmem:s22+$0x370]  }
0x38c: {  	v54 =	vld [tilespmem:s22+$0x3E0]  }
0x38d: {  	v55 =	vld [tilespmem:s22+$0x3F0]  }
0x38e: {  	v63 =	vld [tilespmem:s22+$0x460]  }
0x38f: {  	v41 =	vld [tilespmem:s22+$0x470];
	s22 =	sor.u32 s21, s20  }
0x390: {  	v4 =	vld [tilespmem:s22+$0x800]  }
0x391: {  	v8 =	vld [tilespmem:s22+$0x810]  }
0x392: {  	v40 =	vld [tilespmem:s22+$0x820]  }
0x393: {  	v57 =	vld [tilespmem:s22+$0x830]  }
0x394: {  	v7 =	vadd.f32 v7, v37;
	v52 =	vld [tilespmem:s22+$0x840]  }
0x395: {  	v3 =	vld [tilespmem:s22+$0x850];
	v15 =	vadd.f32 v15, v39  }
0x396: {  	v13 =	vld [tilespmem:s22+$0x780];
	v60 =	vadd.f32 v60, v7  }
0x397: {  	v37 =	vadd.f32 v14, v38;
	v49 =	vld [tilespmem:s22+$0x790];
	v7 =	vadd.f32 v9, v15  }
0x398: {  	v14 =	vld [tilespmem:s22+$0x7A0];
	v9 =	vadd.f32 v12, v60;
	v12 =	vadd.f32 v62, v36  }
0x399: {  	v16 =	vadd.f32 v16, v50;
	v50 =	vld [tilespmem:s22+$0x7B0];
	v37 =	vadd.f32 v6, v37  }
0x39a: {  	v6 =	vld [tilespmem:s22+$0x7C0];
	v15 =	vadd.f32 v17, v33;
	v12 =	vadd.f32 v61, v12  }
0x39b: {  	v60 =	vld [tilespmem:s22+$0x710]  }
0x39c: {  	v62 =	vld [tilespmem:s22+$0x6B0];
	v15 =	vadd.f32 v46, v15;
	v12 =	vadd.f32 v59, v12  }
0x39d: {  	[tilespmem:$0x1FD50] =	vst v7;
	v7 =	vadd.f32 v11, v16;
	v11 =	vadd.f32 v51, v35;
	v17 =	vld [tilespmem:s22+$0x680]  }
0x39e: {  	v61 =	vld [tilespmem:s22+$0x6A0];
	v15 =	vadd.f32 v54, v15;
	v5 =	vadd.f32 v5, v12  }
0x39f: {  	v12 =	vld [tilespmem:$0x1FDE0]  }
0x3a0: {  	v11 =	vadd.f32 v58, v11;
	[tilespmem:$0x1FDA0] =	vst v5;
	v5 =	vadd.f32 v63, v15;
	v15 =	vld [tilespmem:$0x1FE00]  }
0x3a1: {  	v16 =	vadd.f32 v18, v34;
	v18 =	vld [tilespmem:s22+$0x690];
	[tilespmem:$0x1FD70] =	vst v9;
	v9 =	vadd.f32 v31, v37  }
0x3a2: {  	[tilespmem:$0x1FD60] =	vst v7;
	v7 =	vld [tilespmem:s22+$0x7D0];
	v11 =	vadd.f32 v10, v11  }
0x3a3: {  	v16 =	vadd.f32 v53, v16;
	[tilespmem:$0x1FD80] =	vst v9;
	v9 =	vld [tilespmem:s22+$0x700]  }
0x3a4: {  	v11 =	vadd.f32 v56, v11;
	v17 =	vadd.f32 v17, v12;
	v12 =	vld [tilespmem:$0x1FDF0]  }
0x3a5: {  	v16 =	vadd.f32 v55, v16;
	v46 =	vadd.f32 v61, v15;
	v15 =	vld [tilespmem:$0x1FE10]  }
0x3a6: {  	v10 =	vld [tilespmem:s22+$0x720];
	[tilespmem:$0x1FD90] =	vst v11  }
0x3a7: {  	v11 =	vld [tilespmem:s22+$0x730];
	[tilespmem:$0x1FDB0] =	vst v5;
	v5 =	vadd.f32 v41, v16  }
0x3a8: {  	v16 =	vld [tilespmem:s22+$0x6D0]  }
0x3a9: {  	[tilespmem:$0x1FDC0] =	vst v5;
	v5 =	vld [tilespmem:s22+$0x740];
	v18 =	vadd.f32 v18, v12  }
0x3aa: {  	v12 =	vld [tilespmem:s22+$0x750];
	v56 =	vadd.f32 v62, v15  }
0x3ab: {  	s20 =	simm.s32 $0x200;
	v59 =	vadd.f32 v9, v17;
	v15 =	vld [tilespmem:s22+$0x6C0];
	v60 =	vadd.f32 v60, v18  }
.LBB2_20:
0x3ac: {  	p0 =	sne.s32 s20, $0x1E00;
	v9 =	vld [tilespmem:s22+$0x6E0];
	v10 =	vadd.f32 v10, v46;
	v11 =	vadd.f32 v11, v56  }
0x3ad: {  	v17 =	vld [tilespmem:s22+$0x6F0];
	v13 =	vadd.f32 v13, v59;
	v18 =	vadd.f32 v49, v60  }
0x3ae: {  	v37 =	vld [tilespmem:s22+$0x760];
	v10 =	vadd.f32 v14, v10;
	v11 =	vadd.f32 v50, v11  }
0x3af: {  	v14 =	vld [tilespmem:s22+$0x770];
	v41 =	vadd.f32 v4, v13;
	v18 =	vadd.f32 v8, v18  }
0x3b0: {  	v13 =	vld [tilespmem:s22+$0x7E0];
	v46 =	vadd.f32 v40, v10;
	v51 =	vadd.f32 v57, v11  }
0x3b1: {  	s19 =	sadd.s32 $0x800, s19;
	v4 =	vadd.f32 v15, v43;
	v8 =	vadd.f32 v16, v44;
	v10 =	vld [tilespmem:s22+$0x7F0]  }
0x3b2: {  	s23 =	sand.u32 $0x200, s20;
	s21 =	sand.u32 $0x7000, s19;
	v9 =	vadd.f32 v9, v25;
	v11 =	vadd.f32 v17, v26;
	v15 =	vld [tilespmem:s22+$0x860]  }
0x3b3: {  	v5 =	vadd.f32 v5, v4;
	v12 =	vadd.f32 v12, v8;
	v16 =	vld [tilespmem:s22+$0x870];
	s22 =	sor.u32 s23, s21  }
0x3b4: {  	v9 =	vadd.f32 v37, v9;
	v4 =	vld [tilespmem:s22+$0x800];
	v11 =	vadd.f32 v14, v11  }
0x3b5: {  	v5 =	vadd.f32 v6, v5;
	v6 =	vadd.f32 v7, v12;
	v8 =	vld [tilespmem:s22+$0x810]  }
0x3b6: {  	v7 =	vadd.f32 v13, v9;
	v40 =	vld [tilespmem:s22+$0x820];
	v9 =	vadd.f32 v10, v11  }
0x3b7: {  	v43 =	vadd.f32 v52, v5;
	v44 =	vadd.f32 v3, v6;
	v57 =	vld [tilespmem:s22+$0x830]  }
0x3b8: {  	v25 =	vadd.f32 v15, v7;
	v52 =	vld [tilespmem:s22+$0x840];
	v26 =	vadd.f32 v16, v9  }
0x3b9: {  	v3 =	vld [tilespmem:s22+$0x850]  }
0x3ba: {  	v13 =	vld [tilespmem:s22+$0x780]  }
0x3bb: {  	v49 =	vld [tilespmem:s22+$0x790]  }
0x3bc: {  	v14 =	vld [tilespmem:s22+$0x7A0]  }
0x3bd: {  	v50 =	vld [tilespmem:s22+$0x7B0]  }
0x3be: {  	v6 =	vld [tilespmem:s22+$0x7C0]  }
0x3bf: {  	v7 =	vld [tilespmem:s22+$0x7D0]  }
0x3c0: {  	v9 =	vld [tilespmem:s22+$0x700]  }
0x3c1: {  	v17 =	vld [tilespmem:s22+$0x710]  }
0x3c2: {  	v12 =	vld [tilespmem:s22+$0x680]  }
0x3c3: {  	v15 =	vld [tilespmem:s22+$0x690]  }
0x3c4: {  	v16 =	vld [tilespmem:s22+$0x6A0]  }
0x3c5: {  	v37 =	vld [tilespmem:s22+$0x6B0]  }
0x3c6: {  	v10 =	vld [tilespmem:s22+$0x720]  }
.Ltmp9:
0x3c7: {  	v11 =	vld [tilespmem:s22+$0x730];
	(pc) =	sbr.rel @p0 .LBB2_20-.Ltmp9, $4  }
0x3c8: {  	v5 =	vld [tilespmem:s22+$0x740]  }
0x3c9: {  	v41 =	vadd.f32 v12, v41;
	v18 =	vadd.f32 v15, v18;
	v12 =	vld [tilespmem:s22+$0x750]  }
0x3ca: {  	v46 =	vadd.f32 v16, v46;
	v56 =	vadd.f32 v37, v51;
	v15 =	vld [tilespmem:s22+$0x6C0]  }
0x3cb: {  	s20 =	sadd.s32 $0x200, s20;
	v59 =	vadd.f32 v9, v41;
	v60 =	vadd.f32 v17, v18;
	v16 =	vld [tilespmem:s22+$0x6D0]  }
0x3cc: {  	v17 =	vld [tilespmem:s22+$0x6E0]  }
0x3cd: {  	v18 =	vld [tilespmem:s22+$0x6F0]  }
0x3ce: {  	v37 =	vld [tilespmem:s22+$0x760]  }
0x3cf: {  	v41 =	vld [tilespmem:s22+$0x770];
	p0 =	por $0x0, $0x0;
	s19 =	simm.s32 $0x1  }
0x3d0: {  	v31 =	vld [tilespmem:s22+$0x7E0];
	s19 =	simm.s32 @!p0 $0x0  }
0x3d1: {  	v33 =	vld [tilespmem:s22+$0x7F0];
	s20 =	sshll.u32 s19, $0x9  }
0x3d2: {  	v38 =	vld [tilespmem:s22+$0x860];
	s21 =	sadd.s32 $0x0, s20  }
0x3d3: {  	v34 =	vld [tilespmem:s22+$0x870];
	s24 =	sor.u32 $0x980, s21  }
0x3d4: {  	s25 =	sor.u32 $0x990, s21;
	v51 =	vld [tilespmem:s24+$0x280]  }
0x3d5: {  	s26 =	sor.u32 $0x9A0, s21;
	v54 =	vld [tilespmem:s25+$0x280]  }
0x3d6: {  	s22 =	sor.u32 $0x9B0, s21;
	v61 =	vld [tilespmem:s26+$0x280]  }
0x3d7: {  	s23 =	sor.u32 $0x9C0, s21;
	v63 =	vld [tilespmem:s22+$0x280]  }
0x3d8: {  	v55 =	vld [tilespmem:s23+$0x280];
	s24 =	sor.u32 $0x9D0, s21  }
0x3d9: {  	s25 =	sor.u32 $0x900, s21;
	v58 =	vld [tilespmem:s24+$0x280]  }
0x3da: {  	s26 =	sor.u32 $0x910, s21;
	v53 =	vld [tilespmem:s25+$0x280]  }
0x3db: {  	v56 =	vadd.f32 v11, v56;
	s22 =	sor.u32 $0x920, s21;
	v9 =	vld [tilespmem:s26+$0x280]  }
0x3dc: {  	v46 =	vadd.f32 v10, v46;
	v13 =	vadd.f32 v13, v59;
	s23 =	sor.u32 $0x930, s21;
	v10 =	vld [tilespmem:s22+$0x280]  }
0x3dd: {  	v49 =	vadd.f32 v49, v60;
	v56 =	vadd.f32 v50, v56;
	v11 =	vld [tilespmem:s23+$0x280];
	s24 =	sor.u32 $0x940, s21  }
0x3de: {  	v14 =	vadd.f32 v14, v46;
	v50 =	vadd.f32 v4, v13;
	s25 =	sor.u32 $0x950, s21;
	v62 =	vld [tilespmem:s24+$0x280]  }
0x3df: {  	v49 =	vadd.f32 v8, v49;
	v8 =	vadd.f32 v57, v56;
	s26 =	sor.u32 $0x880, s21;
	v4 =	vld [tilespmem:s25+$0x280]  }
0x3e0: {  	v46 =	vadd.f32 v40, v14;
	s23 =	sor.u32 $0x890, s21;
	v13 =	vld [tilespmem:s26+$0x280]  }
0x3e1: {  	[tilespmem:$0x1FD40] =	vst v8;
	v8 =	vadd.f32 v15, v43;
	v15 =	vadd.f32 v16, v44;
	s24 =	sor.u32 $0x800, s21;
	v14 =	vld [tilespmem:s23+$0x280]  }
0x3e2: {  	v16 =	vadd.f32 v17, v25;
	v17 =	vadd.f32 v18, v26;
	s25 =	sor.u32 $0x810, s21;
	v18 =	vld [tilespmem:s24+$0x280]  }
0x3e3: {  	s26 =	sor.u32 $0x820, s21;
	v8 =	vadd.f32 v5, v8;
	v12 =	vadd.f32 v12, v15;
	v60 =	vld [tilespmem:s25+$0x280]  }
0x3e4: {  	s22 =	sor.u32 $0x830, s21;
	v15 =	vadd.f32 v37, v16;
	v16 =	vadd.f32 v41, v17;
	v5 =	vld [tilespmem:s26+$0x280]  }
0x3e5: {  	s23 =	sor.u32 $0x8A0, s21;
	v8 =	vadd.f32 v6, v8;
	v12 =	vadd.f32 v7, v12;
	v7 =	vld [tilespmem:s22+$0x280]  }
0x3e6: {  	s24 =	sor.u32 $0x8B0, s21;
	v15 =	vadd.f32 v31, v15;
	v16 =	vadd.f32 v33, v16;
	v6 =	vld [tilespmem:s23+$0x280]  }
0x3e7: {  	p1 =	por $0x0, $0x0;
	s25 =	sor.u32 $0x8C0, s21;
	v44 =	vadd.f32 v52, v8;
	v43 =	vadd.f32 v3, v12;
	v3 =	vld [tilespmem:s24+$0x280]  }
0x3e8: {  	s19 =	simm.s32 $0x0;
	s26 =	sor.u32 $0x8D0, s21;
	s22 =	simm.s32 $0x200;
	v26 =	vadd.f32 v38, v15;
	v25 =	vadd.f32 v34, v16;
	v8 =	vld [tilespmem:s25+$0x280]  }
0x3e9: {  	s23 =	simm.s32 $0x0;
	s24 =	sor.u32 $0x840, s21;
	v12 =	vld [tilespmem:s26+$0x280];
	s26 =	simm.s32 $0xA80;
	v15 =	vadd.f32 v18, v47;
	v16 =	vadd.f32 v60, v48  }
.LBB2_22:
0x3ea: {  	p2 =	sne.s32 s22, $0x1E00;
	v5 =	vadd.f32 v5, v32;
	v7 =	vadd.f32 v7, v45;
	v17 =	vld [tilespmem:s24+$0x280];
	s24 =	sor.u32 $0x850, s21  }
0x3eb: {  	v18 =	vld [tilespmem:s24+$0x280];
	s24 =	sor.u32 $0x860, s21;
	v13 =	vadd.f32 v13, v15;
	v14 =	vadd.f32 v14, v16  }
0x3ec: {  	v15 =	vld [tilespmem:s24+$0x280];
	s24 =	sor.u32 $0x870, s21;
	v5 =	vadd.f32 v6, v5;
	v3 =	vadd.f32 v3, v7  }
0x3ed: {  	v6 =	vld [tilespmem:s24+$0x280];
	s24 =	sor.u32 $0x8E0, s21;
	v7 =	vadd.f32 v53, v13;
	v9 =	vadd.f32 v9, v14  }
0x3ee: {  	v13 =	vld [tilespmem:s24+$0x280];
	s24 =	sor.u32 $0x8F0, s21;
	v5 =	vadd.f32 v10, v5;
	v3 =	vadd.f32 v11, v3  }
0x3ef: {  	p1 =	por !p1, !p1;
	s25 =	simm.s32 $0x1;
	v10 =	vld [tilespmem:s24+$0x280];
	s24 =	sor.u32 $0x960, s21;
	v16 =	vadd.f32 v51, v7;
	v31 =	vadd.f32 v54, v9  }
0x3f0: {  	s25 =	simm.s32 @!p1 $0x0;
	v7 =	vld [tilespmem:s24+$0x280];
	s24 =	sor.u32 $0x970, s21;
	v32 =	vadd.f32 v61, v5;
	v45 =	vadd.f32 v63, v3  }
0x3f1: {  	s23 =	sadd.s32 $0x800, s23;
	s25 =	sshll.u32 s25, $0x9;
	v3 =	vadd.f32 v17, v29;
	v5 =	vadd.f32 v18, v30;
	v9 =	vld [tilespmem:s24+$0x280];
	s24 =	sor.u32 $0x9E0, s21  }
0x3f2: {  	v11 =	vadd.f32 v15, v27;
	v6 =	vadd.f32 v6, v28;
	v14 =	vld [tilespmem:s24+$0x280];
	s24 =	sor.u32 $0x9F0, s21;
	s21 =	sadd.s32 s25, s23  }
0x3f3: {  	v3 =	vadd.f32 v8, v3;
	v5 =	vadd.f32 v12, v5;
	s25 =	sor.u32 $0x980, s21;
	v8 =	vld [tilespmem:s24+$0x280]  }
0x3f4: {  	s24 =	sor.u32 $0x990, s21;
	v11 =	vadd.f32 v13, v11;
	v51 =	vld [tilespmem:s25+$0x280];
	v6 =	vadd.f32 v10, v6  }
0x3f5: {  	v3 =	vadd.f32 v62, v3;
	v4 =	vadd.f32 v4, v5;
	v54 =	vld [tilespmem:s24+$0x280];
	s24 =	sor.u32 $0x9A0, s21  }
0x3f6: {  	v5 =	vadd.f32 v7, v11;
	v61 =	vld [tilespmem:s24+$0x280];
	s24 =	sor.u32 $0x9B0, s21;
	v6 =	vadd.f32 v9, v6  }
0x3f7: {  	v29 =	vadd.f32 v55, v3;
	v30 =	vadd.f32 v58, v4;
	v63 =	vld [tilespmem:s24+$0x280];
	s24 =	sor.u32 $0x9C0, s21  }
0x3f8: {  	v27 =	vadd.f32 v14, v5;
	v55 =	vld [tilespmem:s24+$0x280];
	s24 =	sor.u32 $0x9D0, s21;
	v28 =	vadd.f32 v8, v6  }
0x3f9: {  	s25 =	sor.u32 $0x900, s21;
	v58 =	vld [tilespmem:s24+$0x280]  }
0x3fa: {  	s24 =	sor.u32 $0x910, s21;
	v53 =	vld [tilespmem:s25+$0x280]  }
0x3fb: {  	v9 =	vld [tilespmem:s24+$0x280];
	s24 =	sor.u32 $0x920, s21  }
0x3fc: {  	v10 =	vld [tilespmem:s24+$0x280];
	s24 =	sor.u32 $0x930, s21  }
0x3fd: {  	v11 =	vld [tilespmem:s24+$0x280];
	s24 =	sor.u32 $0x940, s21  }
0x3fe: {  	v62 =	vld [tilespmem:s24+$0x280];
	s24 =	sor.u32 $0x950, s21  }
0x3ff: {  	s25 =	sor.u32 $0x880, s21;
	v4 =	vld [tilespmem:s24+$0x280]  }
0x400: {  	s24 =	sor.u32 $0x890, s21;
	v13 =	vld [tilespmem:s25+$0x280]  }
0x401: {  	s25 =	sor.u32 $0x800, s21;
	v14 =	vld [tilespmem:s24+$0x280]  }
0x402: {  	s24 =	sor.u32 $0x810, s21;
	v12 =	vld [tilespmem:s25+$0x280]  }
0x403: {  	v17 =	vld [tilespmem:s24+$0x280];
	s24 =	sor.u32 $0x820, s21  }
0x404: {  	v5 =	vld [tilespmem:s24+$0x280];
	s24 =	sor.u32 $0x830, s21  }
.Ltmp10:
0x405: {  	v7 =	vld [tilespmem:s24+$0x280];
	s24 =	sor.u32 $0x8A0, s21;
	(pc) =	sbr.rel @p2 .LBB2_22-.Ltmp10, $4  }
0x406: {  	v6 =	vld [tilespmem:s24+$0x280];
	s24 =	sor.u32 $0x8B0, s21  }
0x407: {  	v3 =	vld [tilespmem:s24+$0x280];
	s24 =	sor.u32 $0x8C0, s21  }
0x408: {  	s25 =	sor.u32 $0x8D0, s21;
	v8 =	vld [tilespmem:s24+$0x280]  }
0x409: {  	s22 =	sadd.s32 $0x200, s22;
	v15 =	vadd.f32 v12, v16;
	v16 =	vadd.f32 v17, v31;
	s24 =	sor.u32 $0x840, s21;
	v12 =	vld [tilespmem:s25+$0x280]  }
0x40a: {  	v17 =	vld [tilespmem:s24+$0x280];
	s22 =	sor.u32 $0x850, s21  }
0x40b: {  	s25 =	sor.u32 $0x860, s21;
	v18 =	vld [tilespmem:s22+$0x280]  }
0x40c: {  	s23 =	sor.u32 $0x870, s21;
	v31 =	vld [tilespmem:s25+$0x280]  }
0x40d: {  	s24 =	sor.u32 $0x8E0, s21;
	v33 =	vld [tilespmem:s23+$0x280]  }
0x40e: {  	v34 =	vld [tilespmem:s24+$0x280];
	s25 =	sor.u32 $0x8F0, s21  }
0x40f: {  	s23 =	sor.u32 $0x960, s21;
	v37 =	vld [tilespmem:s25+$0x280]  }
0x410: {  	s24 =	sor.u32 $0x970, s21;
	v38 =	vld [tilespmem:s23+$0x280]  }
0x411: {  	s22 =	sor.u32 $0x9F0, s21;
	v41 =	vld [tilespmem:s24+$0x280]  }
0x412: {  	s20 =	sadd.s32 $0x0, s20;
	s25 =	sor.u32 $0x9E0, s21;
	v35 =	vld [tilespmem:s22+$0x280]  }
0x413: {  	s23 =	sor.u32 $0xD80, s20;
	v39 =	vld [tilespmem:s25+$0x280]  }
0x414: {  	s24 =	sor.u32 $0xD90, s20;
	v59 =	vld [tilespmem:s23+$0x280]  }
0x415: {  	s22 =	sor.u32 $0xDB0, s20;
	v60 =	vld [tilespmem:s24+$0x280]  }
0x416: {  	s25 =	sor.u32 $0xDA0, s20;
	v57 =	vld [tilespmem:s22+$0x280]  }
0x417: {  	s23 =	sor.u32 $0xDC0, s20;
	v56 =	vld [tilespmem:s25+$0x280]  }
0x418: {  	s24 =	sor.u32 $0xDD0, s20;
	v47 =	vld [tilespmem:s23+$0x280]  }
0x419: {  	v32 =	vadd.f32 v5, v32;
	v45 =	vadd.f32 v7, v45;
	s22 =	sor.u32 $0xD10, s20;
	v48 =	vld [tilespmem:s24+$0x280]  }
0x41a: {  	v13 =	vadd.f32 v13, v15;
	v14 =	vadd.f32 v14, v16;
	s25 =	sor.u32 $0xD00, s20;
	v7 =	vld [tilespmem:s22+$0x280]  }
0x41b: {  	v15 =	vadd.f32 v6, v32;
	v16 =	vadd.f32 v3, v45;
	s23 =	sor.u32 $0xD20, s20;
	v5 =	vld [tilespmem:s25+$0x280]  }
0x41c: {  	v13 =	vadd.f32 v53, v13;
	v9 =	vadd.f32 v9, v14;
	s24 =	sor.u32 $0xD30, s20;
	v3 =	vld [tilespmem:s23+$0x280]  }
0x41d: {  	v10 =	vadd.f32 v10, v15;
	s22 =	sor.u32 $0xD50, s20;
	v6 =	vld [tilespmem:s24+$0x280]  }
0x41e: {  	s25 =	sor.u32 $0xD40, s20;
	v52 =	vadd.f32 v51, v13;
	v51 =	vadd.f32 v54, v9;
	v54 =	vld [tilespmem:s22+$0x280]  }
0x41f: {  	v11 =	vadd.f32 v11, v16;
	s23 =	sor.u32 $0xC80, s20;
	v40 =	vadd.f32 v17, v29;
	v53 =	vld [tilespmem:s25+$0x280]  }
0x420: {  	s24 =	sor.u32 $0xC90, s20;
	v45 =	vadd.f32 v61, v10;
	v13 =	vld [tilespmem:s23+$0x280]  }
0x421: {  	v32 =	vadd.f32 v63, v11;
	s25 =	sor.u32 $0xC00, s20;
	v14 =	vld [tilespmem:s24+$0x280];
	v8 =	vadd.f32 v8, v40  }
0x422: {  	v61 =	vadd.f32 v18, v30;
	v63 =	vadd.f32 v31, v27;
	s23 =	sor.u32 $0xC10, s20;
	v17 =	vld [tilespmem:s25+$0x280]  }
0x423: {  	v15 =	vadd.f32 v33, v28;
	s24 =	sor.u32 $0xC20, s20;
	v36 =	vld [tilespmem:s23+$0x280];
	v8 =	vadd.f32 v62, v8  }
0x424: {  	v33 =	vadd.f32 v12, v61;
	v11 =	vadd.f32 v34, v63;
	v61 =	vld [tilespmem:s24+$0x280]  }
0x425: {  	s25 =	sor.u32 $0xC30, s20;
	v12 =	vadd.f32 v37, v15;
	v30 =	vadd.f32 v55, v8;
	v8 =	vld [tilespmem:$0x1FDD0]  }
0x426: {  	s22 =	sor.u32 $0xCA0, s20;
	v62 =	vld [tilespmem:s25+$0x280];
	v4 =	vadd.f32 v4, v33  }
0x427: {  	s23 =	sor.u32 $0xCB0, s20;
	v15 =	vld [tilespmem:s22+$0x280];
	v40 =	vadd.f32 v38, v11;
	v63 =	vadd.f32 v41, v12  }
0x428: {  	v16 =	vld [tilespmem:s23+$0x280];
	s25 =	sor.u32 $0xCD0, s20;
	v29 =	vadd.f32 v58, v4  }
0x429: {  	s24 =	sor.u32 $0xCC0, s20;
	v41 =	vld [tilespmem:s25+$0x280];
	v28 =	vadd.f32 v39, v40;
	v27 =	vadd.f32 v35, v63  }
0x42a: {  	s21 =	simm.s32 $0x200;
	s22 =	sor.u32 $0xC40, s20;
	v4 =	vld [tilespmem:s24+$0x280];
	v58 =	vadd.f32 v36, v42;
	v63 =	vadd.f32 v17, v8  }
.LBB2_24:
0x42b: {  	p1 =	sne.s32 s21, $0x1E00;
	v8 =	vadd.f32 v61, v24;
	v9 =	vadd.f32 v62, v23;
	v10 =	vld [tilespmem:s22+$0x280];
	s22 =	sor.u32 $0xC50, s20  }
0x42c: {  	v11 =	vld [tilespmem:s22+$0x280];
	s22 =	sor.u32 $0xC60, s20;
	v12 =	vadd.f32 v13, v63;
	v13 =	vadd.f32 v14, v58  }
0x42d: {  	v14 =	vld [tilespmem:s22+$0x280];
	s22 =	sor.u32 $0xC70, s20;
	v8 =	vadd.f32 v15, v8;
	v9 =	vadd.f32 v16, v9  }
0x42e: {  	v15 =	vld [tilespmem:s22+$0x280];
	s22 =	sor.u32 $0xCE0, s20;
	v5 =	vadd.f32 v5, v12;
	v7 =	vadd.f32 v7, v13  }
0x42f: {  	v12 =	vld [tilespmem:s22+$0x280];
	s22 =	sor.u32 $0xCF0, s20;
	v3 =	vadd.f32 v3, v8;
	v6 =	vadd.f32 v6, v9  }
0x430: {  	p0 =	por !p0, !p0;
	s23 =	simm.s32 $0x1;
	v8 =	vld [tilespmem:s22+$0x280];
	s22 =	sor.u32 $0xD60, s20;
	v9 =	vadd.f32 v59, v5;
	v17 =	vadd.f32 v60, v7  }
0x431: {  	s23 =	simm.s32 @!p0 $0x0;
	v5 =	vld [tilespmem:s22+$0x280];
	s22 =	sor.u32 $0xD70, s20;
	v24 =	vadd.f32 v56, v3;
	v23 =	vadd.f32 v57, v6  }
0x432: {  	s19 =	sadd.s32 $0x800, s19;
	s23 =	sshll.u32 s23, $0x9;
	v3 =	vadd.f32 v10, v22;
	v6 =	vadd.f32 v11, v21;
	v7 =	vld [tilespmem:s22+$0x280];
	s22 =	sor.u32 $0xDE0, s20  }
0x433: {  	v10 =	vadd.f32 v14, v20;
	v11 =	vadd.f32 v15, v19;
	v13 =	vld [tilespmem:s22+$0x280];
	s22 =	sor.u32 $0xDF0, s20;
	s20 =	sadd.s32 s23, s19  }
0x434: {  	v3 =	vadd.f32 v4, v3;
	v4 =	vadd.f32 v41, v6;
	s23 =	sor.u32 $0xD80, s20;
	v6 =	vld [tilespmem:s22+$0x280]  }
0x435: {  	s22 =	sor.u32 $0xD90, s20;
	v10 =	vadd.f32 v12, v10;
	v59 =	vld [tilespmem:s23+$0x280];
	v8 =	vadd.f32 v8, v11  }
0x436: {  	v3 =	vadd.f32 v53, v3;
	v4 =	vadd.f32 v54, v4;
	v60 =	vld [tilespmem:s22+$0x280];
	s22 =	sor.u32 $0xDA0, s20  }
0x437: {  	v5 =	vadd.f32 v5, v10;
	v56 =	vld [tilespmem:s22+$0x280];
	s22 =	sor.u32 $0xDB0, s20;
	v7 =	vadd.f32 v7, v8  }
0x438: {  	v22 =	vadd.f32 v47, v3;
	v21 =	vadd.f32 v48, v4;
	v57 =	vld [tilespmem:s22+$0x280];
	s22 =	sor.u32 $0xDC0, s20  }
0x439: {  	v20 =	vadd.f32 v13, v5;
	v47 =	vld [tilespmem:s22+$0x280];
	s22 =	sor.u32 $0xDD0, s20;
	v19 =	vadd.f32 v6, v7  }
0x43a: {  	s23 =	sor.u32 $0xD00, s20;
	v48 =	vld [tilespmem:s22+$0x280]  }
0x43b: {  	s22 =	sor.u32 $0xD10, s20;
	v5 =	vld [tilespmem:s23+$0x280]  }
0x43c: {  	v7 =	vld [tilespmem:s22+$0x280];
	s22 =	sor.u32 $0xD20, s20  }
0x43d: {  	v3 =	vld [tilespmem:s22+$0x280];
	s22 =	sor.u32 $0xD30, s20  }
0x43e: {  	v6 =	vld [tilespmem:s22+$0x280];
	s22 =	sor.u32 $0xD40, s20  }
0x43f: {  	v53 =	vld [tilespmem:s22+$0x280];
	s22 =	sor.u32 $0xD50, s20  }
0x440: {  	s23 =	sor.u32 $0xC80, s20;
	v54 =	vld [tilespmem:s22+$0x280]  }
0x441: {  	s22 =	sor.u32 $0xC90, s20;
	v13 =	vld [tilespmem:s23+$0x280]  }
0x442: {  	s23 =	sor.u32 $0xC00, s20;
	v14 =	vld [tilespmem:s22+$0x280]  }
0x443: {  	s22 =	sor.u32 $0xC10, s20;
	v8 =	vld [tilespmem:s23+$0x280]  }
0x444: {  	v10 =	vld [tilespmem:s22+$0x280];
	s22 =	sor.u32 $0xC20, s20  }
0x445: {  	v61 =	vld [tilespmem:s22+$0x280];
	s22 =	sor.u32 $0xC30, s20  }
.Ltmp11:
0x446: {  	v62 =	vld [tilespmem:s22+$0x280];
	s22 =	sor.u32 $0xCA0, s20;
	(pc) =	sbr.rel @p1 .LBB2_24-.Ltmp11, $4  }
0x447: {  	v15 =	vld [tilespmem:s22+$0x280];
	s22 =	sor.u32 $0xCB0, s20  }
0x448: {  	v16 =	vld [tilespmem:s22+$0x280];
	s22 =	sor.u32 $0xCC0, s20  }
0x449: {  	s23 =	sor.u32 $0xCD0, s20;
	v4 =	vld [tilespmem:s22+$0x280]  }
0x44a: {  	s21 =	sadd.s32 $0x200, s21;
	v63 =	vadd.f32 v8, v9;
	v58 =	vadd.f32 v10, v17;
	s22 =	sor.u32 $0xC40, s20;
	v41 =	vld [tilespmem:s23+$0x280]  }
0x44b: {  	v17 =	vld [tilespmem:s22+$0x280]  }
0x44c: {  	v8 =	vld [tilespmem:$0x1FF40]  }
0x44d: {  	v9 =	vld [tilespmem:$0x1FF50]  }
0x44e: {  	v42 =	vld [tilespmem:$0x1FF60]  }
0x44f: {  	v55 =	vld [tilespmem:$0x1FF70]  }
0x450: {  	v12 =	vld [tilespmem:$0x1FF80]  }
0x451: {  	v34 =	vld [tilespmem:$0x1FF90]  }
0x452: {  	v35 =	vld [tilespmem:$0x1FFA0]  }
0x453: {  	v36 =	vld [tilespmem:$0x1FFB0]  }
0x454: {  	v37 =	vld [tilespmem:$0x1FFC0]  }
0x455: {  	s19 =	sor.u32 $0xC50, s20;
	v10 =	vld [tilespmem:$0x1FFD0]  }
0x456: {  	s21 =	sor.u32 $0xC60, s20;
	v18 =	vld [tilespmem:s19+$0x280]  }
0x457: {  	s22 =	sor.u32 $0xC70, s20;
	v31 =	vld [tilespmem:s21+$0x280];
	v8 =	vadd.s32 v8, v9  }
0x458: {  	v33 =	vld [tilespmem:s22+$0x280];
	s22 =	sor.u32 $0xD70, s20;
	v8 =	vadd.s32 v42, v8  }
0x459: {  	s24 =	sor.u32 $0xCF0, s20;
	v11 =	vld [tilespmem:s22+$0x280];
	v8 =	vadd.s32 v55, v8  }
0x45a: {  	s23 =	sor.u32 $0xCE0, s20;
	v42 =	vld [tilespmem:s24+$0x280];
	v8 =	vadd.s32 v12, v8  }
0x45b: {  	s25 =	sor.u32 $0xD60, s20;
	v55 =	vld [tilespmem:s23+$0x280];
	v8 =	vadd.s32 v34, v8  }
0x45c: {  	s23 =	sor.u32 $0xDE0, s20;
	v12 =	vld [tilespmem:s25+$0x280];
	v8 =	vadd.s32 v35, v8  }
0x45d: {  	v9 =	vld [tilespmem:s23+$0x280];
	v8 =	vadd.s32 v36, v8  }
0x45e: {  	s24 =	sor.u32 $0xDF0, s20;
	v34 =	vld [tilespmem:$0x1FFE0];
	v8 =	vadd.s32 v37, v8  }
0x45f: {  	v10 =	vadd.s32 v10, v8;
	v8 =	vld [tilespmem:s24+$0x280];
	_ =	swait.ge [sflag:s18], $0x200  }
0x460: {  	v38 =	vld [tilespmem:$0x1FFF0]  }
0x461: {  	v39 =	vld [tilespmem:$0x1FE60]  }
0x462: {  	v40 =	vld [tilespmem:$0x1FE70]  }
0x463: {  	v35 =	vld [tilespmem:$0x1FE80]  }
0x464: {  	v36 =	vld [tilespmem:$0x1FE90]  }
0x465: {  	v24 =	vadd.f32 v61, v24;
	v10 =	vadd.s32 v34, v10;
	v61 =	vld [tilespmem:$0x1FD50]  }
0x466: {  	v23 =	vadd.f32 v62, v23;
	[sflag:s18] =	ssyncset.done $0x0;
	v62 =	vld [tilespmem:$0x1FD60];
	v10 =	vadd.s32 v38, v10  }
0x467: {  	v13 =	vadd.f32 v13, v63;
	v63 =	vld [tilespmem:$0x1FD70];
	[sflag:s18] =	ssyncadd.s32 $0xFFFFFE00;
	v10 =	vadd.s32 v39, v10  }
0x468: {  	v34 =	vld [tilespmem:$0x18580];
	v10 =	vadd.s32 v40, v10  }
0x469: {  	v14 =	vadd.f32 v14, v58;
	v5 =	vadd.f32 v5, v13;
	v58 =	vld [tilespmem:$0x1FD90];
	v10 =	vadd.s32 v35, v10  }
0x46a: {  	v37 =	vld [tilespmem:$0x185A0];
	v10 =	vadd.s32 v36, v10  }
0x46b: {  	v5 =	vadd.f32 v59, v5;
	v59 =	vld [tilespmem:$0x18690];
	v10 =	vcvt.s32.f32 v10  }
0x46c: {  	v38 =	vld [tilespmem:$0x185B0]  }
0x46d: {  	v35 =	vld [tilespmem:$0x18590];
	v34 =	vmul.f32 v10, v34  }
0x46e: {  	v39 =	vld [tilespmem:$0x185C0]  }
0x46f: {  	v40 =	vld [tilespmem:$0x185E0];
	v37 =	vmul.f32 v10, v37;
	v34 =	vsub.f32 v61, v34  }
0x470: {  	v18 =	vadd.f32 v18, v21;
	v61 =	vld [tilespmem:$0x185F0]  }
0x471: {  	[tilespmem:$0x18280] =	vst v34;
	v34 =	vsub.f32 v63, v37;
	v63 =	vld [tilespmem:$0x1FD80]  }
0x472: {  	v16 =	vadd.f32 v16, v23;
	v18 =	vadd.f32 v41, v18;
	v41 =	vld [tilespmem:$0x18730];
	v35 =	vmul.f32 v10, v35  }
0x473: {  	v15 =	vadd.f32 v15, v24;
	v36 =	vld [tilespmem:$0x185D0];
	v37 =	vmul.f32 v10, v39  }
0x474: {  	v6 =	vadd.f32 v6, v16;
	v38 =	vmul.f32 v10, v38;
	v35 =	vsub.f32 v62, v35;
	v62 =	vld [tilespmem:$0x18600]  }
0x475: {  	v20 =	vadd.f32 v31, v20;
	v24 =	vsub.f32 v58, v37;
	v58 =	vmul.f32 v10, v61;
	v61 =	vld [tilespmem:$0x1FDB0]  }
0x476: {  	[tilespmem:$0x18290] =	vst v35;
	v35 =	vsub.f32 v63, v38;
	v63 =	vmul.f32 v10, v40;
	v40 =	vld [tilespmem:$0x1FDA0]  }
0x477: {  	v6 =	vadd.f32 v57, v6;
	v20 =	vadd.f32 v55, v20;
	v31 =	vld [tilespmem:$0x18700];
	v55 =	vmul.f32 v10, v41  }
0x478: {  	v38 =	vld [tilespmem:$0x18620]  }
0x479: {  	v36 =	vmul.f32 v10, v36;
	v6 =	vsub.f32 v6, v55;
	[tilespmem:$0x182B0] =	vst v35;
	v35 =	vld [tilespmem:$0x18660]  }
0x47a: {  	v39 =	vld [tilespmem:$0x18610];
	v13 =	vsub.f32 v61, v63;
	v63 =	vmul.f32 v10, v62  }
0x47b: {  	[tilespmem:$0x18430] =	vst v6;
	v23 =	vsub.f32 v40, v36;
	v40 =	vld [tilespmem:$0x1FDC0]  }
0x47c: {  	[tilespmem:$0x182A0] =	vst v34;
	v37 =	vld [tilespmem:$0x18630];
	v61 =	vsub.f32 v50, v63  }
0x47d: {  	v34 =	vld [tilespmem:$0x18650];
	[tilespmem:$0x182C0] =	vst v24;
	v62 =	vmul.f32 v10, v38  }
0x47e: {  	[tilespmem:$0x18300] =	vst v61;
	v61 =	vld [tilespmem:$0x1FD40];
	v38 =	vmul.f32 v10, v35  }
0x47f: {  	v7 =	vadd.f32 v7, v14;
	v24 =	vld [tilespmem:$0x18670];
	[tilespmem:$0x182E0] =	vst v13;
	v50 =	vsub.f32 v46, v62  }
0x480: {  	v36 =	vld [tilespmem:$0x18640];
	[tilespmem:$0x182D0] =	vst v23;
	v46 =	vsub.f32 v26, v38;
	v14 =	vsub.f32 v40, v58;
	v58 =	vmul.f32 v10, v39  }
0x481: {  	v35 =	vld [tilespmem:$0x18710];
	[tilespmem:$0x18320] =	vst v50;
	v40 =	vmul.f32 v10, v37  }
0x482: {  	v62 =	vmul.f32 v10, v34;
	v50 =	vld [tilespmem:$0x186D0];
	[tilespmem:$0x18360] =	vst v46;
	v63 =	vsub.f32 v49, v58  }
0x483: {  	v3 =	vadd.f32 v3, v15;
	v57 =	vmul.f32 v10, v59;
	v38 =	vld [tilespmem:$0x18720];
	[tilespmem:$0x182F0] =	vst v14;
	v14 =	vsub.f32 v61, v40  }
0x484: {  	v17 =	vadd.f32 v17, v22;
	v46 =	vmul.f32 v10, v31;
	v49 =	vld [tilespmem:$0x18680];
	v40 =	vsub.f32 v43, v62;
	[tilespmem:$0x18310] =	vst v63  }
0x485: {  	v7 =	vadd.f32 v60, v7;
	v58 =	vmul.f32 v10, v36;
	v61 =	vld [tilespmem:$0x186F0];
	v62 =	vsub.f32 v51, v57;
	[tilespmem:$0x18330] =	vst v14  }
0x486: {  	v4 =	vadd.f32 v4, v17;
	v43 =	vmul.f32 v10, v24;
	v5 =	vsub.f32 v5, v46;
	v63 =	vld [tilespmem:$0x186A0];
	[tilespmem:$0x18350] =	vst v40  }
0x487: {  	v3 =	vadd.f32 v56, v3;
	v51 =	vmul.f32 v10, v35;
	v37 =	vsub.f32 v44, v58;
	v44 =	vld [tilespmem:$0x186C0];
	[tilespmem:$0x18390] =	vst v62  }
0x488: {  	v4 =	vadd.f32 v53, v4;
	v39 =	vld [tilespmem:$0x186B0];
	v56 =	vsub.f32 v25, v43;
	v53 =	vmul.f32 v10, v38;
	[tilespmem:$0x18400] =	vst v5  }
0x489: {  	v19 =	vadd.f32 v33, v19;
	v7 =	vsub.f32 v7, v51;
	[tilespmem:$0x18340] =	vst v37;
	v37 =	vmul.f32 v10, v50  }
0x48a: {  	v18 =	vadd.f32 v54, v18;
	v58 =	vld [tilespmem:$0x186E0];
	[tilespmem:$0x18370] =	vst v56;
	v3 =	vsub.f32 v3, v53;
	v49 =	vmul.f32 v10, v49  }
0x48b: {  	v19 =	vadd.f32 v42, v19;
	v54 =	vld [tilespmem:$0x18770];
	[tilespmem:$0x18410] =	vst v7;
	v43 =	vmul.f32 v10, v61;
	v42 =	vsub.f32 v29, v37  }
0x48c: {  	[tilespmem:$0x18420] =	vst v3;
	v59 =	vsub.f32 v52, v49;
	v60 =	vmul.f32 v10, v63;
	v34 =	vmul.f32 v10, v44;
	v44 =	vld [tilespmem:$0x18740]  }
0x48d: {  	v63 =	vmul.f32 v10, v39;
	v49 =	vld [tilespmem:$0x18750];
	v50 =	vsub.f32 v27, v43;
	[tilespmem:$0x183D0] =	vst v42  }
0x48e: {  	v11 =	vadd.f32 v11, v19;
	v52 =	vld [tilespmem:$0x18760];
	[tilespmem:$0x18380] =	vst v59;
	v33 =	vsub.f32 v45, v60  }
0x48f: {  	v4 =	vadd.f32 v47, v4;
	v40 =	vmul.f32 v10, v58;
	v36 =	vsub.f32 v32, v63;
	[tilespmem:$0x183F0] =	vst v50  }
0x490: {  	v62 =	vmul.f32 v10, v54;
	v39 =	vsub.f32 v30, v34;
	v60 =	vadd.f32 v8, v11;
	[tilespmem:$0x183A0] =	vst v33  }
0x491: {  	v12 =	vadd.f32 v12, v20;
	v45 =	vsub.f32 v28, v40;
	[tilespmem:$0x183B0] =	vst v36;
	v56 =	vmul.f32 v10, v44  }
0x492: {  	v57 =	vadd.f32 v48, v18;
	[tilespmem:$0x183C0] =	vst v39;
	v63 =	vsub.f32 v60, v62;
	v58 =	vmul.f32 v10, v49  }
0x493: {  	v9 =	vadd.f32 v9, v12;
	[tilespmem:$0x183E0] =	vst v45;
	v59 =	vmul.f32 v10, v52;
	v3 =	vsub.f32 v4, v56  }
0x494: {  	[tilespmem:$0x18470] =	vst v63;
	v61 =	vsub.f32 v57, v58  }
0x495: {  	s16 =	sadd.s32 $0x1, s16;
	[tilespmem:$0x18440] =	vst v3;
	v3 =	vsub.f32 v9, v59  }
0x496: {  	p0 =	sne.s32 s16, s11;
	[tilespmem:$0x18450] =	vst v61  }
.Ltmp12:
0x497: {  	s21 =	simm.s32 $0x400;
	s25 =	simm.s32 $0x18280;
	[tilespmem:$0x18460] =	vst v3;
	(pc) =	sbr.rel @p0 .LBB2_1-.Ltmp12, $4  }
0x498: {  	[hbm4b:s10+s12] =	stream.strided.scatter [tilespmem:s25], [sflag:$0x4], $0x200, s21, s12, $0x38;
	[tilespmem:$0x18780] =	vst v63  }
0x499: {  	_ =	swait.ge [sflag:s15], $0x200  }
0x49a: {  	[sflag:s15] =	ssyncset.done $0x0  }
0x49b: {  	s25 =	simm.s32 $0x280;
	[sflag:s15] =	ssyncadd.s32 $0xFFFFFE00  }
0x49c: {  	_ =	sfence.sel $0x180000  }
0x49d: {  	[bflag:$0x0] =	sbarrier.arrive $0xFFFF  }
0x49e: {  	_ =	strace $0x90000047  }
0x49f: {  	s0 =	stileid.u32;
	[bflag:$0x2] =	sbarrier.arrive $0xFFFF  }
0x4a0: {  	p0 =	sne.s32 s0, $0x0;
	s0 =	rddreg [dreg:$0x5]  }
0x4a1: {  	s0 =	sadd.s32 @!p0 $0x100000, s0  }
0x4a2: {  	[sflag:s0] =	ssyncadd.tile.s32 @!p0 $0x1;
	_ =	shalt  }
.Lfunc_end2:
_tile_overlayer_lowered:
.L_overlay_start_2:
0x4a3: {  	(tag) =	ssettag $0x2  }
0x4a4: {  	s0 =	rddreg [dreg:$0x0];
	s2 =	stileid.u32  }
0x4a5: {  	s1 =	rddreg [dreg:$0x1];
	p0 =	sne.s32 s2, $0x0  }
0x4a6: {  	s3 =	rddreg [dreg:$0x2];
	[bflag:$0x3] =	sbarrier.arrive $0xFFFF;
	s2 =	simm.s32 @!p0 $0x1C04  }
0x4a7: {  	[timem:s3], [sflag:s2] =	dma.local @!p0 [hbm:s0], s1  }
0x4a8: {  	s0 =	simm.s32 @!p0 $0x4  }
0x4a9: {  	_ =	swait.ge @!p0 [sflag:s0], s1  }
0x4aa: {  	s1 =	ssub.s32 @!p0 $0x0, s1;
	[sflag:s0] =	ssyncset.done @!p0 $0x0  }
0x4ab: {  	[sflag:s0] =	ssyncadd.s32 @!p0 s1  }
0x4ac: {  	[bflag:$0x3] =	sbarrier.arrive $0xFFFF  }
0x4ad: {  	_ =	shalt  }

</sc_bundles>
